<compile_context>
chip_gen: v7x
topology: tpu7x:2x2x1
jax: 0.10.2.dev20260603
libtpu: 0.0.44.dev20260713+nightly
codegen_flags: <defaults>
</compile_context>

<pallas_src>
import functools

import jax
import jax.numpy as jnp
from jax import lax
from jax.experimental import pallas as pl
from jax.experimental.pallas import tpu as pltpu
from jax.experimental.pallas import tpu_sc as plsc

B, N, C, T, K = 8, 1024, 512, 8192, 20
KPAD = 32
NEG = -3.0e38


_NCHUNK = 8
_CHUNK = T // _NCHUNK


def _topk_body(g_ref, t_ref, idx_ref, lg_ref):
    i = pl.program_id(0)
    g = g_ref[...]
    tb = t_ref[...]
    lg_ref[i] = lax.dot_general(
        g, tb, (((1,), (1,)), ((), ())), preferred_element_type=jnp.float32
    )

    @pl.when(i == _NCHUNK - 1)
    def _():
        lane = lax.broadcasted_iota(jnp.int32, (B, 128), 1)
        kl = lax.broadcasted_iota(jnp.int32, (B, KPAD), 1)
        acc = jnp.zeros((B, KPAD), jnp.int32)
        prev = jnp.full((B, 1), -1, jnp.int32)
        for k in range(K):
            def scan_c(c, carry):
                rmax, rcol = carry
                for s in range(_CHUNK // 128):
                    v = lg_ref[c, :, s * 128:(s + 1) * 128]
                    colj = c * _CHUNK + s * 128 + lane
                    v = jnp.where(colj == prev, NEG, v)
                    lg_ref[c, :, s * 128:(s + 1) * 128] = v
                    upd = v > rmax
                    rmax = jnp.where(upd, v, rmax)
                    rcol = jnp.where(upd, colj, rcol)
                return rmax, rcol

            rmax, rcol = lax.fori_loop(
                0, _NCHUNK, scan_c,
                (jnp.full((B, 128), NEG, jnp.float32),
                 jnp.zeros((B, 128), jnp.int32)),
            )
            m = jnp.max(rmax, axis=1, keepdims=True)
            idx = jnp.min(jnp.where(rmax == m, rcol, T), axis=1)
            prev = idx[:, None]
            acc = jnp.where(kl == k, prev, acc)
        idx_ref[...] = acc


def _topk(g2, table):
    return pl.pallas_call(
        _topk_body,
        grid=(_NCHUNK,),
        in_specs=[
            pl.BlockSpec((B, C), lambda i: (0, 0)),
            pl.BlockSpec((_CHUNK, C), lambda i: (i, 0)),
        ],
        out_specs=pl.BlockSpec((B, KPAD), lambda i: (0, 0)),
        out_shape=jax.ShapeDtypeStruct((B, KPAD), jnp.int32),
        scratch_shapes=[pltpu.VMEM((_NCHUNK, B, _CHUNK), jnp.float32)],
    )(g2, table)


_NC, _NS = 2, 16
_NW = _NC * _NS
_BPW = (B * KPAD) // _NW


def _gather_body(t_hbm, idx_hbm, out_hbm, idx_v, rows_v, sem):
    wid = lax.axis_index("s") * _NC + lax.axis_index("c")
    base = wid * _BPW
    pltpu.sync_copy(idx_hbm.at[pl.ds(base, _BPW)], idx_v)
    pltpu.async_copy(t_hbm.at[idx_v], rows_v, sem).wait()
    pltpu.sync_copy(rows_v, out_hbm.at[pl.ds(base, _BPW)])


def _sc_gather(table, idx_flat):
    mesh = plsc.VectorSubcoreMesh(core_axis_name="c", subcore_axis_name="s")
    return pl.kernel(
        _gather_body,
        out_type=jax.ShapeDtypeStruct((B * KPAD, C), jnp.float32),
        mesh=mesh,
        scratch_types=[
            pltpu.VMEM((_BPW,), jnp.int32),
            pltpu.VMEM((_BPW, C), jnp.float32),
            pltpu.SemaphoreType.DMA,
        ],
    )(table, idx_flat)


def _agg_body(x_ref, a_ref, o_ref):
    x = x_ref[0]
    a = a_ref[0]
    seg = lax.dot_general(
        x, a, (((1,), (1,)), ((), ())), preferred_element_type=jnp.float32
    )
    lane = lax.broadcasted_iota(jnp.int32, (N, KPAD), 1)
    seg = jnp.where(lane < K, seg, NEG)
    m = jnp.max(seg, axis=1, keepdims=True)
    kstar = jnp.min(jnp.where(seg == m, lane, KPAD), axis=1)
    onehot = (lane == kstar[:, None]).astype(jnp.float32)
    counts = jnp.sum(onehot, axis=0)
    scale = 1.0 / (counts + 1.0)
    sa = a * scale[:, None]
    o_ref[0] = lax.dot_general(
        onehot, sa, (((1,), (0,)), ((), ())), preferred_element_type=jnp.float32
    )


def _aggregate(inp, agg):
    return pl.pallas_call(
        _agg_body,
        grid=(B,),
        in_specs=[
            pl.BlockSpec((1, N, C), lambda b: (b, 0, 0)),
            pl.BlockSpec((1, KPAD, C), lambda b: (b, 0, 0)),
        ],
        out_specs=pl.BlockSpec((1, N, C), lambda b: (b, 0, 0)),
        out_shape=jax.ShapeDtypeStruct((B, N, C), jnp.float32),
    )(inp, agg)


@jax.jit
def kernel(g_feat, input, tau, text_embeddings):
    del tau
    idx = _topk(g_feat[:, 0, :], text_embeddings)
    rows = _sc_gather(text_embeddings, idx.reshape(B * KPAD))
    agg = rows.reshape(B, KPAD, C)
    return _aggregate(input, agg)

# --- scband reference (transcript-rebuilt; emitter-appended) ---
"""Pipeline reference for scband-mask-clip-head-83708912599559 (READ-ONLY COPY).

The authoritative reference and input builder live on the scoring server;
editing this copy changes nothing except your own understanding.
"""

import jax, jax.numpy as jnp
import numpy as np

B, N, C, T, K = 8, 1024, 512, 8192, 20


def setup_inputs(seed: int = 0) -> dict:
    key = jax.random.key(seed)
    k1, k2, k3, k4 = jax.random.split(key, 4)
    return {
        "g_feat": jax.random.normal(k1, (B, 1, C), dtype=jnp.float32),
        "input": jax.random.normal(k2, (B, N, C), dtype=jnp.float32),
        "tau": jax.random.uniform(k3, (1,), dtype=jnp.float32),
        # learned parameter: text_embeddings, init normal(0, 0.01) as in __init__
        "text_embeddings": jax.random.normal(k4, (T, C), dtype=jnp.float32) * 0.01,
    }


def _hard_softmax(logits, axis):
    # hard one-hot along `axis` with straight-through estimator, also returns argmax index
    y_soft = jax.nn.softmax(logits, axis=axis)
    index = jnp.argmax(y_soft, axis=axis)
    y_hard = jax.nn.one_hot(index, logits.shape[axis], axis=axis, dtype=logits.dtype)
    attn = y_hard - jax.lax.stop_gradient(y_soft) + y_soft
    return attn, index


def reference(g_feat, input, tau, text_embeddings):
    # g_feat: [B,1,C]; conv2d with 1x1 kernel over [B,C,1,1] == matmul with text_embeddings
    vg_logit = jnp.einsum("bc,tc->bt", g_feat[:, 0, :], text_embeddings)  # [B,T]
    _, indices = jax.lax.top_k(vg_logit, K)  # [B,K]
    # gather top-K text embeddings per batch element
    agg_text_features = jnp.take(text_embeddings, indices, axis=0)  # [B,K,C]
    # seg_logit = agg_text @ feat^T, scaled by exp(tau)
    seg_logit = jnp.einsum("bkc,bnc->bkn", agg_text_features, input)  # [B,K,N]
    seg_logit = jnp.exp(tau) * seg_logit
    # training=False, hard=True -> hard_softmax over category dim (-2)
    attn, local_index = _hard_softmax(seg_logit, axis=-2)  # attn [B,K,N], local_index [B,N]
    index = jnp.take_along_axis(indices, local_index, axis=1)  # [B,N] global category ids
    # sum_assign=False branch
    assign_attn = attn / (attn.sum(axis=-1, keepdims=True) + 1.0)
    text_grids = jnp.einsum("bkn,bkc->bnc", assign_attn, agg_text_features)  # [B,N,C]
    return text_grids

if __name__ == "__main__":
    import jax
    _d = setup_inputs()
    print(jax.jit(kernel)(*tuple(_d.values())))

</pallas_src>

<mosaic_0001>
#map = affine_map<(d0, d1) -> (0, 0)>
#map1 = affine_map<(d0, d1) -> (0)>
module attributes {stable_mosaic.version = 14 : i64} {
  func.func @_gather_body(%arg0: i32, %arg1: i32, %arg2: memref<8192x512xf32, #tpu.memory_space<hbm>>, %arg3: memref<256xi32, #tpu.memory_space<hbm>>, %arg4: memref<256x512xf32, #tpu.memory_space<hbm>>, %arg5: memref<8xi32, #tpu.memory_space<vmem>>, %arg6: memref<8x512xf32, #tpu.memory_space<vmem>>, %arg7: memref<!tpu.dma_semaphore, #tpu.memory_space<semaphore_mem>>) attributes {dimension_semantics = [#tpu.dimension_semantics<core_parallel>, #tpu.dimension_semantics<subcore_parallel>], iteration_bounds = array<i64: 2, 16>, scalar_prefetch = 0 : i64, scratch_operands = 3 : i64, tpu.core_type = #tpu.core_type<sc_vector_subcore>, window_params = [{transform_indices = #map}, {transform_indices = #map1}, {transform_indices = #map}]} {
    %mul3A = arith.constant 2 : i32
    %mul3A_0 = arith.muli %arg1, %mul3A : i32
    %add3A = arith.addi %mul3A_0, %arg0 : i32
    %mul3A_1 = arith.constant 8 : i32
    %mul3A_2 = arith.muli %add3A, %mul3A_1 : i32
    "tpu.region"() ({
      %run_scoped3A = tpu.sem_alloc : memref<!tpu.dma_semaphore, #tpu.memory_space<semaphore_mem>>
      %dma_start3A_7 = tpu.memref_slice %arg3[%mul3A_2] : memref<256xi32, #tpu.memory_space<hbm>> -> memref<8xi32, #tpu.memory_space<hbm>>
      %dma_start3A_8 = tpu.memref_slice %arg3[%mul3A_2] : memref<256xi32, #tpu.memory_space<hbm>> -> memref<8xi32, #tpu.memory_space<hbm>>
      tpu.enqueue_dma source(%dma_start3A_8 : memref<8xi32, #tpu.memory_space<hbm>>) target(%arg5 : memref<8xi32, #tpu.memory_space<vmem>>) target_semaphore(%run_scoped3A : memref<!tpu.dma_semaphore, #tpu.memory_space<semaphore_mem>>)
      %dma_wait3A_9 = tpu.memref_slice %arg3[%mul3A_2] : memref<256xi32, #tpu.memory_space<hbm>> -> memref<8xi32, #tpu.memory_space<hbm>>
      %dma_wait3A_10 = tpu.memref_slice %arg3[%mul3A_2] : memref<256xi32, #tpu.memory_space<hbm>> -> memref<8xi32, #tpu.memory_space<hbm>>
      tpu.wait_dma2 semaphore(%run_scoped3A : memref<!tpu.dma_semaphore, #tpu.memory_space<semaphore_mem>>) src(%dma_wait3A_10 : memref<8xi32, #tpu.memory_space<hbm>>) dst(%arg5 : memref<8xi32, #tpu.memory_space<vmem>>)
      tpu.yield
    }) : () -> ()
    %dma_start3A = arith.constant 0 : i32
    %dma_start3A_3 = arith.constant 0 : i32
    %dma_start3A_4 = tpu.memref_slice %arg2[%dma_start3A, %dma_start3A_3] : memref<8192x512xf32, #tpu.memory_space<hbm>> -> memref<8192x512xf32, #tpu.memory_space<hbm>>
    tpu.enqueue_indirect_dma source(%dma_start3A_4 : memref<8192x512xf32, #tpu.memory_space<hbm>>) target(%arg6 : memref<8x512xf32, #tpu.memory_space<vmem>>) offsets(%arg5 : memref<8xi32, #tpu.memory_space<vmem>>) semaphore(%arg7 : memref<!tpu.dma_semaphore, #tpu.memory_space<semaphore_mem>>)
    %dma_wait3A = arith.constant 0 : i32
    %dma_wait3A_5 = arith.constant 0 : i32
    %dma_wait3A_6 = tpu.memref_slice %arg2[%dma_wait3A, %dma_wait3A_5] : memref<8192x512xf32, #tpu.memory_space<hbm>> -> memref<8192x512xf32, #tpu.memory_space<hbm>>
    tpu.wait_indirect_dma semaphore(%arg7 : memref<!tpu.dma_semaphore, #tpu.memory_space<semaphore_mem>>) src(%dma_wait3A_6 : memref<8192x512xf32, #tpu.memory_space<hbm>>) dst(%arg6 : memref<8x512xf32, #tpu.memory_space<vmem>>)
    "tpu.region"() ({
      %run_scoped3A = tpu.sem_alloc : memref<!tpu.dma_semaphore, #tpu.memory_space<semaphore_mem>>
      %dma_start3A_7 = arith.constant 0 : i32
      %dma_start3A_8 = tpu.memref_slice %arg4[%mul3A_2, %dma_start3A_7] : memref<256x512xf32, #tpu.memory_space<hbm>> -> memref<8x512xf32, #tpu.memory_space<hbm>>
      %dma_start3A_9 = arith.constant 0 : i32
      %dma_start3A_10 = tpu.memref_slice %arg4[%mul3A_2, %dma_start3A_9] : memref<256x512xf32, #tpu.memory_space<hbm>> -> memref<8x512xf32, #tpu.memory_space<hbm>>
      tpu.enqueue_dma source(%arg6 : memref<8x512xf32, #tpu.memory_space<vmem>>) target(%dma_start3A_10 : memref<8x512xf32, #tpu.memory_space<hbm>>) target_semaphore(%run_scoped3A : memref<!tpu.dma_semaphore, #tpu.memory_space<semaphore_mem>>)
      %dma_wait3A_11 = arith.constant 0 : i32
      %dma_wait3A_12 = tpu.memref_slice %arg4[%mul3A_2, %dma_wait3A_11] : memref<256x512xf32, #tpu.memory_space<hbm>> -> memref<8x512xf32, #tpu.memory_space<hbm>>
      %dma_wait3A_13 = arith.constant 0 : i32
      %dma_wait3A_14 = tpu.memref_slice %arg4[%mul3A_2, %dma_wait3A_13] : memref<256x512xf32, #tpu.memory_space<hbm>> -> memref<8x512xf32, #tpu.memory_space<hbm>>
      tpu.wait_dma2 semaphore(%run_scoped3A : memref<!tpu.dma_semaphore, #tpu.memory_space<semaphore_mem>>) src(%arg6 : memref<8x512xf32, #tpu.memory_space<vmem>>) dst(%dma_wait3A_14 : memref<8x512xf32, #tpu.memory_space<hbm>>)
      tpu.yield
    }) : () -> ()
    return
  }
}

module attributes {stable_mosaic.version = 14 : i64} {
  func.func @_agg_body(%arg0: i32, %arg1: memref<1x1024x512xf32, #tpu.memory_space<vmem>>, %arg2: memref<1x32x512xf32, #tpu.memory_space<vmem>>, %arg3: memref<1x1024x512xf32, #tpu.memory_space<vmem>>) attributes {dimension_semantics = [#tpu.dimension_semantics<arbitrary>], iteration_bounds = array<i64: 8>, scalar_prefetch = 0 : i64, scratch_operands = 0 : i64, tpu.core_type = #tpu.core_type<tc>, window_params = [{transform_indices = @transform_0, window_bounds = array<i64: 1, 1024, 512>}, {transform_indices = @transform_1, window_bounds = array<i64: 1, 32, 512>}, {transform_indices = @transform_2, window_bounds = array<i64: 1, 1024, 512>}]} {
    %get3A = arith.constant 0 : index
    %get3A_0 = arith.constant 0 : index
    %get3A_1 = arith.constant 0 : index
    %get3A_2 = vector.load %arg1[%get3A, %get3A_0, %get3A_1] : memref<1x1024x512xf32, #tpu.memory_space<vmem>>, vector<1x1024x512xf32>
    %get3A_3 = vector.shape_cast %get3A_2 : vector<1x1024x512xf32> to vector<1024x512xf32>
    %get3A_4 = arith.constant 0 : index
    %get3A_5 = arith.constant 0 : index
    %get3A_6 = arith.constant 0 : index
    %get3A_7 = vector.load %arg2[%get3A_4, %get3A_5, %get3A_6] : memref<1x32x512xf32, #tpu.memory_space<vmem>>, vector<1x32x512xf32>
    %get3A_8 = vector.shape_cast %get3A_7 : vector<1x32x512xf32> to vector<32x512xf32>
    %dot_general3A = arith.constant dense<0.000000e+00> : vector<1024x32xf32>
    %dot_general3A_9 = tpu.matmul %get3A_3, %get3A_8, %dot_general3A {dimension_numbers = #tpu.dot_dimension_numbers<[1], [1], [0], [0], [0, 0, 1, 0], [], []>, transpose_lhs_hint = false} : vector<1024x512xf32>, vector<32x512xf32>, vector<1024x32xf32> -> vector<1024x32xf32>
    %iota3A = tpu.iota {dimensions = array<i32: 1>} : vector<1024x32xi32>
    %lt3A = arith.constant 20 : i32
    %lt3A_10 = vector.broadcast %lt3A : i32 to vector<1024x32xi32>
    %lt3A_11 = arith.cmpi slt, %iota3A, %lt3A_10 : vector<1024x32xi32>
    %jit3A = arith.constant -3.000000e+38 : f32
    %broadcast_in_dim3A = vector.broadcast %jit3A : f32 to vector<1024x32xf32>
    %select_n3A = arith.select %lt3A_11, %dot_general3A_9, %broadcast_in_dim3A : vector<1024x32xi1>, vector<1024x32xf32>
    %reduce_max3A = arith.constant dense<0xFF800000> : vector<1024xf32>
    %reduce_max3A_12 = vector.multi_reduction <maximumf>, %select_n3A, %reduce_max3A [1] : vector<1024x32xf32> to vector<1024xf32>
    %broadcast_in_dim3A_13 = vector.shape_cast %reduce_max3A_12 : vector<1024xf32> to vector<1024x1xf32>
    %eq3A = vector.broadcast %broadcast_in_dim3A_13 : vector<1024x1xf32> to vector<1024x32xf32>
    %eq3A_14 = arith.cmpf oeq, %select_n3A, %eq3A : vector<1024x32xf32>
    %jit3A_15 = arith.constant 32 : i32
    %broadcast_in_dim3A_16 = vector.broadcast %jit3A_15 : i32 to vector<1024x32xi32>
    %select_n3A_17 = arith.select %eq3A_14, %iota3A, %broadcast_in_dim3A_16 : vector<1024x32xi1>, vector<1024x32xi32>
    %reduce_min3A = arith.constant dense<2147483647> : vector<1024xi32>
    %reduce_min3A_18 = vector.multi_reduction <minsi>, %select_n3A_17, %reduce_min3A [1] : vector<1024x32xi32> to vector<1024xi32>
    %broadcast_in_dim3A_19 = vector.shape_cast %reduce_min3A_18 : vector<1024xi32> to vector<1024x1xi32>
    %eq3A_20 = vector.broadcast %broadcast_in_dim3A_19 : vector<1024x1xi32> to vector<1024x32xi32>
    %eq3A_21 = arith.cmpi eq, %iota3A, %eq3A_20 : vector<1024x32xi32>
    %convert_element_type3A = arith.extui %eq3A_21 : vector<1024x32xi1> to vector<1024x32xi32>
    %convert_element_type3A_22 = arith.sitofp %convert_element_type3A : vector<1024x32xi32> to vector<1024x32xf32>
    %reduce_sum3A = arith.constant dense<0.000000e+00> : vector<32xf32>
    %reduce_sum3A_23 = vector.multi_reduction <add>, %convert_element_type3A_22, %reduce_sum3A [0] : vector<1024x32xf32> to vector<32xf32>
    %add3A = arith.constant 1.000000e+00 : f32
    %add3A_24 = vector.broadcast %add3A : f32 to vector<32xf32>
    %add3A_25 = arith.addf %reduce_sum3A_23, %add3A_24 : vector<32xf32>
    %div3A = arith.constant 1.000000e+00 : f32
    %div3A_26 = vector.broadcast %div3A : f32 to vector<32xf32>
    %div3A_27 = arith.divf %div3A_26, %add3A_25 : vector<32xf32>
    %broadcast_in_dim3A_28 = vector.shape_cast %div3A_27 : vector<32xf32> to vector<32x1xf32>
    %mul3A = vector.broadcast %broadcast_in_dim3A_28 : vector<32x1xf32> to vector<32x512xf32>
    %mul3A_29 = arith.mulf %get3A_8, %mul3A : vector<32x512xf32>
    %dot_general3A_30 = arith.constant dense<0.000000e+00> : vector<1024x512xf32>
    %dot_general3A_31 = tpu.matmul %convert_element_type3A_22, %mul3A_29, %dot_general3A_30 {dimension_numbers = #tpu.dot_dimension_numbers<[1], [0], [0], [1], [0, 0, 1, 1], [], []>, transpose_lhs_hint = false} : vector<1024x32xf32>, vector<32x512xf32>, vector<1024x512xf32> -> vector<1024x512xf32>
    %swap3A = arith.constant 0 : index
    %swap3A_32 = arith.constant 0 : index
    %swap3A_33 = arith.constant 0 : index
    %swap3A_34 = vector.load %arg3[%swap3A, %swap3A_32, %swap3A_33] : memref<1x1024x512xf32, #tpu.memory_space<vmem>>, vector<1x1024x512xf32>
    %swap3A_35 = vector.shape_cast %swap3A_34 : vector<1x1024x512xf32> to vector<1024x512xf32>
    %swap3A_36 = vector.shape_cast %dot_general3A_31 : vector<1024x512xf32> to vector<1x1024x512xf32>
    tpu.vector_store %arg3[%swap3A, %swap3A_32, %swap3A_33], %swap3A_36 {strides = array<i32>} : memref<1x1024x512xf32, #tpu.memory_space<vmem>>, vector<1x1024x512xf32>,
    return
  }
  func.func @transform_0(%arg0: i32) -> (i32, i32, i32) {
    %c0_i32 = arith.constant 0 : i32
    %c0_i32_0 = arith.constant 0 : i32
    %c0_i32_1 = arith.constant 0 : i32
    return %arg0, %c0_i32, %c0_i32_0 : i32, i32, i32
  }
  func.func @transform_1(%arg0: i32) -> (i32, i32, i32) {
    %c0_i32 = arith.constant 0 : i32
    %c0_i32_0 = arith.constant 0 : i32
    %c0_i32_1 = arith.constant 0 : i32
    return %arg0, %c0_i32, %c0_i32_0 : i32, i32, i32
  }
  func.func @transform_2(%arg0: i32) -> (i32, i32, i32) {
    %c0_i32 = arith.constant 0 : i32
    %c0_i32_0 = arith.constant 0 : i32
    %c0_i32_1 = arith.constant 0 : i32
    return %arg0, %c0_i32, %c0_i32_0 : i32, i32, i32
  }
}

module attributes {stable_mosaic.version = 14 : i64} {
  func.func @_topk_body(%arg0: i32, %arg1: memref<8x512xf32, #tpu.memory_space<vmem>>, %arg2: memref<1024x512xf32, #tpu.memory_space<vmem>>, %arg3: memref<8x32xi32, #tpu.memory_space<vmem>>, %arg4: memref<8x8x1024xf32, #tpu.memory_space<vmem>>) attributes {dimension_semantics = [#tpu.dimension_semantics<arbitrary>], iteration_bounds = array<i64: 8>, scalar_prefetch = 0 : i64, scratch_operands = 1 : i64, tpu.core_type = #tpu.core_type<tc>, window_params = [{pipeline_mode = #tpu.pipeline_mode<synchronous>, transform_indices = @transform_0, window_bounds = array<i64: 8, 512>}, {transform_indices = @transform_1, window_bounds = array<i64: 1024, 512>}, {pipeline_mode = #tpu.pipeline_mode<synchronous>, transform_indices = @transform_2, window_bounds = array<i64: 8, 32>}]} {
    %get3A = arith.constant 0 : index
    %get3A_0 = arith.constant 0 : index
    %get3A_1 = vector.load %arg1[%get3A, %get3A_0] : memref<8x512xf32, #tpu.memory_space<vmem>>, vector<8x512xf32>
    %get3A_2 = arith.constant 0 : index
    %get3A_3 = arith.constant 0 : index
    %get3A_4 = vector.load %arg2[%get3A_2, %get3A_3] : memref<1024x512xf32, #tpu.memory_space<vmem>>, vector<1024x512xf32>
    %dot_general3A = arith.constant dense<0.000000e+00> : vector<8x1024xf32>
    %dot_general3A_5 = tpu.matmul %get3A_1, %get3A_4, %dot_general3A {dimension_numbers = #tpu.dot_dimension_numbers<[1], [1], [0], [0], [0, 0, 1, 0], [], []>, transpose_lhs_hint = false} : vector<8x512xf32>, vector<1024x512xf32>, vector<8x1024xf32> -> vector<8x1024xf32>
    %swap3A = arith.index_cast %arg0 : i32 to index
    %swap3A_6 = arith.constant 0 : index
    %swap3A_7 = arith.constant 0 : index
    %swap3A_8 = vector.load %arg4[%swap3A, %swap3A_6, %swap3A_7] : memref<8x8x1024xf32, #tpu.memory_space<vmem>>, vector<1x8x1024xf32>
    %swap3A_9 = vector.shape_cast %swap3A_8 : vector<1x8x1024xf32> to vector<8x1024xf32>
    %swap3A_10 = vector.shape_cast %dot_general3A_5 : vector<8x1024xf32> to vector<1x8x1024xf32>
    tpu.vector_store %arg4[%swap3A, %swap3A_6, %swap3A_7], %swap3A_10 {strides = array<i32>} : memref<8x8x1024xf32, #tpu.memory_space<vmem>>, vector<1x8x1024xf32>,
    %eq3A = arith.constant 7 : i32
    %eq3A_11 = arith.cmpi eq, %arg0, %eq3A : i32
    %convert_element_type3A = arith.extui %eq3A_11 : i1 to i32
    %cond3A = arith.constant 0 : i32
    %cond3A_12 = arith.cmpi ne, %convert_element_type3A, %cond3A : i32
    scf.if %cond3A_12 {
      %iota3A = tpu.iota {dimensions = array<i32: 1>} : vector<8x128xi32>
      %iota3A_13 = tpu.iota {dimensions = array<i32: 1>} : vector<8x32xi32>
      %broadcast_in_dim3A = arith.constant 0 : i32
      %broadcast_in_dim3A_14 = vector.broadcast %broadcast_in_dim3A : i32 to vector<8x32xi32>
      %broadcast_in_dim3A_15 = arith.constant -1 : i32
      %broadcast_in_dim3A_16 = vector.broadcast %broadcast_in_dim3A_15 : i32 to vector<8x1xi32>
      %broadcast_in_dim3A_17 = arith.constant -3.000000e+38 : f32
      %broadcast_in_dim3A_18 = vector.broadcast %broadcast_in_dim3A_17 : f32 to vector<8x128xf32>
      %broadcast_in_dim3A_19 = arith.constant 0 : i32
      %broadcast_in_dim3A_20 = vector.broadcast %broadcast_in_dim3A_19 : i32 to vector<8x128xi32>
      %scan3A = arith.constant 0 : i32
      %scan3A_21 = arith.constant 8 : i32
      %scan3A_22 = arith.addi %scan3A, %scan3A_21 : i32
      %scan3A_23 = arith.constant 1 : i32
      %scan3A_24:2 = scf.for %scan3A_555 = %scan3A to %scan3A_22 step %scan3A_23 iter_args(%scan3A_556 = %broadcast_in_dim3A_18, %scan3A_557 = %broadcast_in_dim3A_20) -> (vector<8x128xf32>, vector<8x128xi32>)  : i32 {
        %get3A_558 = arith.index_cast %scan3A_555 : i32 to index
        %get3A_559 = arith.constant 0 : index
        %get3A_560 = arith.constant 0 : index
        %get3A_561 = vector.load %arg4[%get3A_558, %get3A_559, %get3A_560] : memref<8x8x1024xf32, #tpu.memory_space<vmem>>, vector<1x8x128xf32>
        %get3A_562 = vector.shape_cast %get3A_561 : vector<1x8x128xf32> to vector<8x128xf32>
        %mul3A = arith.constant 1024 : i32
        %mul3A_563 = arith.muli %scan3A_555, %mul3A : i32
        %add3A = arith.constant 0 : i32
        %add3A_564 = arith.addi %mul3A_563, %add3A : i32
        %add3A_565 = vector.broadcast %add3A_564 : i32 to vector<8x128xi32>
        %add3A_566 = arith.addi %add3A_565, %iota3A : vector<8x128xi32>
        %eq3A_567 = vector.broadcast %broadcast_in_dim3A_16 : vector<8x1xi32> to vector<8x128xi32>
        %eq3A_568 = arith.cmpi eq, %add3A_566, %eq3A_567 : vector<8x128xi32>
        %jit3A_569 = arith.constant -3.000000e+38 : f32
        %broadcast_in_dim3A_570 = vector.broadcast %jit3A_569 : f32 to vector<8x128xf32>
        %select_n3A_571 = arith.select %eq3A_568, %broadcast_in_dim3A_570, %get3A_562 : vector<8x128xi1>, vector<8x128xf32>
        %swap3A_572 = arith.index_cast %scan3A_555 : i32 to index
        %swap3A_573 = arith.constant 0 : index
        %swap3A_574 = arith.constant 0 : index
        %swap3A_575 = vector.load %arg4[%swap3A_572, %swap3A_573, %swap3A_574] : memref<8x8x1024xf32, #tpu.memory_space<vmem>>, vector<1x8x128xf32>
        %swap3A_576 = vector.shape_cast %swap3A_575 : vector<1x8x128xf32> to vector<8x128xf32>
        %swap3A_577 = vector.shape_cast %select_n3A_571 : vector<8x128xf32> to vector<1x8x128xf32>
        tpu.vector_store %arg4[%swap3A_572, %swap3A_573, %swap3A_574], %swap3A_577 {strides = array<i32>} : memref<8x8x1024xf32, #tpu.memory_space<vmem>>, vector<1x8x128xf32>,
        %gt3A = arith.cmpf ogt, %select_n3A_571, %scan3A_556 : vector<8x128xf32>
        %select_n3A_578 = arith.select %gt3A, %select_n3A_571, %scan3A_556 : vector<8x128xi1>, vector<8x128xf32>
        %select_n3A_579 = arith.select %gt3A, %add3A_566, %scan3A_557 : vector<8x128xi1>, vector<8x128xi32>
        %get3A_580 = arith.index_cast %scan3A_555 : i32 to index
        %get3A_581 = arith.constant 0 : index
        %get3A_582 = arith.constant 128 : index
        %get3A_583 = vector.load %arg4[%get3A_580, %get3A_581, %get3A_582] : memref<8x8x1024xf32, #tpu.memory_space<vmem>>, vector<1x8x128xf32>
        %get3A_584 = vector.shape_cast %get3A_583 : vector<1x8x128xf32> to vector<8x128xf32>
        %mul3A_585 = arith.constant 1024 : i32
        %mul3A_586 = arith.muli %scan3A_555, %mul3A_585 : i32
        %add3A_587 = arith.constant 128 : i32
        %add3A_588 = arith.addi %mul3A_586, %add3A_587 : i32
        %add3A_589 = vector.broadcast %add3A_588 : i32 to vector<8x128xi32>
        %add3A_590 = arith.addi %add3A_589, %iota3A : vector<8x128xi32>
        %eq3A_591 = vector.broadcast %broadcast_in_dim3A_16 : vector<8x1xi32> to vector<8x128xi32>
        %eq3A_592 = arith.cmpi eq, %add3A_590, %eq3A_591 : vector<8x128xi32>
        %jit3A_593 = arith.constant -3.000000e+38 : f32
        %broadcast_in_dim3A_594 = vector.broadcast %jit3A_593 : f32 to vector<8x128xf32>
        %select_n3A_595 = arith.select %eq3A_592, %broadcast_in_dim3A_594, %get3A_584 : vector<8x128xi1>, vector<8x128xf32>
        %swap3A_596 = arith.index_cast %scan3A_555 : i32 to index
        %swap3A_597 = arith.constant 0 : index
        %swap3A_598 = arith.constant 128 : index
        %swap3A_599 = vector.load %arg4[%swap3A_596, %swap3A_597, %swap3A_598] : memref<8x8x1024xf32, #tpu.memory_space<vmem>>, vector<1x8x128xf32>
        %swap3A_600 = vector.shape_cast %swap3A_599 : vector<1x8x128xf32> to vector<8x128xf32>
        %swap3A_601 = vector.shape_cast %select_n3A_595 : vector<8x128xf32> to vector<1x8x128xf32>
        tpu.vector_store %arg4[%swap3A_596, %swap3A_597, %swap3A_598], %swap3A_601 {strides = array<i32>} : memref<8x8x1024xf32, #tpu.memory_space<vmem>>, vector<1x8x128xf32>,
        %gt3A_602 = arith.cmpf ogt, %select_n3A_595, %select_n3A_578 : vector<8x128xf32>
        %select_n3A_603 = arith.select %gt3A_602, %select_n3A_595, %select_n3A_578 : vector<8x128xi1>, vector<8x128xf32>
        %select_n3A_604 = arith.select %gt3A_602, %add3A_590, %select_n3A_579 : vector<8x128xi1>, vector<8x128xi32>
        %get3A_605 = arith.index_cast %scan3A_555 : i32 to index
        %get3A_606 = arith.constant 0 : index
        %get3A_607 = arith.constant 256 : index
        %get3A_608 = vector.load %arg4[%get3A_605, %get3A_606, %get3A_607] : memref<8x8x1024xf32, #tpu.memory_space<vmem>>, vector<1x8x128xf32>
        %get3A_609 = vector.shape_cast %get3A_608 : vector<1x8x128xf32> to vector<8x128xf32>
        %mul3A_610 = arith.constant 1024 : i32
        %mul3A_611 = arith.muli %scan3A_555, %mul3A_610 : i32
        %add3A_612 = arith.constant 256 : i32
        %add3A_613 = arith.addi %mul3A_611, %add3A_612 : i32
        %add3A_614 = vector.broadcast %add3A_613 : i32 to vector<8x128xi32>
        %add3A_615 = arith.addi %add3A_614, %iota3A : vector<8x128xi32>
        %eq3A_616 = vector.broadcast %broadcast_in_dim3A_16 : vector<8x1xi32> to vector<8x128xi32>
        %eq3A_617 = arith.cmpi eq, %add3A_615, %eq3A_616 : vector<8x128xi32>
        %jit3A_618 = arith.constant -3.000000e+38 : f32
        %broadcast_in_dim3A_619 = vector.broadcast %jit3A_618 : f32 to vector<8x128xf32>
        %select_n3A_620 = arith.select %eq3A_617, %broadcast_in_dim3A_619, %get3A_609 : vector<8x128xi1>, vector<8x128xf32>
        %swap3A_621 = arith.index_cast %scan3A_555 : i32 to index
        %swap3A_622 = arith.constant 0 : index
        %swap3A_623 = arith.constant 256 : index
        %swap3A_624 = vector.load %arg4[%swap3A_621, %swap3A_622, %swap3A_623] : memref<8x8x1024xf32, #tpu.memory_space<vmem>>, vector<1x8x128xf32>
        %swap3A_625 = vector.shape_cast %swap3A_624 : vector<1x8x128xf32> to vector<8x128xf32>
        %swap3A_626 = vector.shape_cast %select_n3A_620 : vector<8x128xf32> to vector<1x8x128xf32>
        tpu.vector_store %arg4[%swap3A_621, %swap3A_622, %swap3A_623], %swap3A_626 {strides = array<i32>} : memref<8x8x1024xf32, #tpu.memory_space<vmem>>, vector<1x8x128xf32>,
        %gt3A_627 = arith.cmpf ogt, %select_n3A_620, %select_n3A_603 : vector<8x128xf32>
        %select_n3A_628 = arith.select %gt3A_627, %select_n3A_620, %select_n3A_603 : vector<8x128xi1>, vector<8x128xf32>
        %select_n3A_629 = arith.select %gt3A_627, %add3A_615, %select_n3A_604 : vector<8x128xi1>, vector<8x128xi32>
        %get3A_630 = arith.index_cast %scan3A_555 : i32 to index
        %get3A_631 = arith.constant 0 : index
        %get3A_632 = arith.constant 384 : index
        %get3A_633 = vector.load %arg4[%get3A_630, %get3A_631, %get3A_632] : memref<8x8x1024xf32, #tpu.memory_space<vmem>>, vector<1x8x128xf32>
        %get3A_634 = vector.shape_cast %get3A_633 : vector<1x8x128xf32> to vector<8x128xf32>
        %mul3A_635 = arith.constant 1024 : i32
        %mul3A_636 = arith.muli %scan3A_555, %mul3A_635 : i32
        %add3A_637 = arith.constant 384 : i32
        %add3A_638 = arith.addi %mul3A_636, %add3A_637 : i32
        %add3A_639 = vector.broadcast %add3A_638 : i32 to vector<8x128xi32>
        %add3A_640 = arith.addi %add3A_639, %iota3A : vector<8x128xi32>
        %eq3A_641 = vector.broadcast %broadcast_in_dim3A_16 : vector<8x1xi32> to vector<8x128xi32>
        %eq3A_642 = arith.cmpi eq, %add3A_640, %eq3A_641 : vector<8x128xi32>
        %jit3A_643 = arith.constant -3.000000e+38 : f32
        %broadcast_in_dim3A_644 = vector.broadcast %jit3A_643 : f32 to vector<8x128xf32>
        %select_n3A_645 = arith.select %eq3A_642, %broadcast_in_dim3A_644, %get3A_634 : vector<8x128xi1>, vector<8x128xf32>
        %swap3A_646 = arith.index_cast %scan3A_555 : i32 to index
        %swap3A_647 = arith.constant 0 : index
        %swap3A_648 = arith.constant 384 : index
        %swap3A_649 = vector.load %arg4[%swap3A_646, %swap3A_647, %swap3A_648] : memref<8x8x1024xf32, #tpu.memory_space<vmem>>, vector<1x8x128xf32>
        %swap3A_650 = vector.shape_cast %swap3A_649 : vector<1x8x128xf32> to vector<8x128xf32>
        %swap3A_651 = vector.shape_cast %select_n3A_645 : vector<8x128xf32> to vector<1x8x128xf32>
        tpu.vector_store %arg4[%swap3A_646, %swap3A_647, %swap3A_648], %swap3A_651 {strides = array<i32>} : memref<8x8x1024xf32, #tpu.memory_space<vmem>>, vector<1x8x128xf32>,
        %gt3A_652 = arith.cmpf ogt, %select_n3A_645, %select_n3A_628 : vector<8x128xf32>
        %select_n3A_653 = arith.select %gt3A_652, %select_n3A_645, %select_n3A_628 : vector<8x128xi1>, vector<8x128xf32>
        %select_n3A_654 = arith.select %gt3A_652, %add3A_640, %select_n3A_629 : vector<8x128xi1>, vector<8x128xi32>
        %get3A_655 = arith.index_cast %scan3A_555 : i32 to index
        %get3A_656 = arith.constant 0 : index
        %get3A_657 = arith.constant 512 : index
        %get3A_658 = vector.load %arg4[%get3A_655, %get3A_656, %get3A_657] : memref<8x8x1024xf32, #tpu.memory_space<vmem>>, vector<1x8x128xf32>
        %get3A_659 = vector.shape_cast %get3A_658 : vector<1x8x128xf32> to vector<8x128xf32>
        %mul3A_660 = arith.constant 1024 : i32
        %mul3A_661 = arith.muli %scan3A_555, %mul3A_660 : i32
        %add3A_662 = arith.constant 512 : i32
        %add3A_663 = arith.addi %mul3A_661, %add3A_662 : i32
        %add3A_664 = vector.broadcast %add3A_663 : i32 to vector<8x128xi32>
        %add3A_665 = arith.addi %add3A_664, %iota3A : vector<8x128xi32>
        %eq3A_666 = vector.broadcast %broadcast_in_dim3A_16 : vector<8x1xi32> to vector<8x128xi32>
        %eq3A_667 = arith.cmpi eq, %add3A_665, %eq3A_666 : vector<8x128xi32>
        %jit3A_668 = arith.constant -3.000000e+38 : f32
        %broadcast_in_dim3A_669 = vector.broadcast %jit3A_668 : f32 to vector<8x128xf32>
        %select_n3A_670 = arith.select %eq3A_667, %broadcast_in_dim3A_669, %get3A_659 : vector<8x128xi1>, vector<8x128xf32>
        %swap3A_671 = arith.index_cast %scan3A_555 : i32 to index
        %swap3A_672 = arith.constant 0 : index
        %swap3A_673 = arith.constant 512 : index
        %swap3A_674 = vector.load %arg4[%swap3A_671, %swap3A_672, %swap3A_673] : memref<8x8x1024xf32, #tpu.memory_space<vmem>>, vector<1x8x128xf32>
        %swap3A_675 = vector.shape_cast %swap3A_674 : vector<1x8x128xf32> to vector<8x128xf32>
        %swap3A_676 = vector.shape_cast %select_n3A_670 : vector<8x128xf32> to vector<1x8x128xf32>
        tpu.vector_store %arg4[%swap3A_671, %swap3A_672, %swap3A_673], %swap3A_676 {strides = array<i32>} : memref<8x8x1024xf32, #tpu.memory_space<vmem>>, vector<1x8x128xf32>,
        %gt3A_677 = arith.cmpf ogt, %select_n3A_670, %select_n3A_653 : vector<8x128xf32>
        %select_n3A_678 = arith.select %gt3A_677, %select_n3A_670, %select_n3A_653 : vector<8x128xi1>, vector<8x128xf32>
        %select_n3A_679 = arith.select %gt3A_677, %add3A_665, %select_n3A_654 : vector<8x128xi1>, vector<8x128xi32>
        %get3A_680 = arith.index_cast %scan3A_555 : i32 to index
        %get3A_681 = arith.constant 0 : index
        %get3A_682 = arith.constant 640 : index
        %get3A_683 = vector.load %arg4[%get3A_680, %get3A_681, %get3A_682] : memref<8x8x1024xf32, #tpu.memory_space<vmem>>, vector<1x8x128xf32>
        %get3A_684 = vector.shape_cast %get3A_683 : vector<1x8x128xf32> to vector<8x128xf32>
        %mul3A_685 = arith.constant 1024 : i32
        %mul3A_686 = arith.muli %scan3A_555, %mul3A_685 : i32
        %add3A_687 = arith.constant 640 : i32
        %add3A_688 = arith.addi %mul3A_686, %add3A_687 : i32
        %add3A_689 = vector.broadcast %add3A_688 : i32 to vector<8x128xi32>
        %add3A_690 = arith.addi %add3A_689, %iota3A : vector<8x128xi32>
        %eq3A_691 = vector.broadcast %broadcast_in_dim3A_16 : vector<8x1xi32> to vector<8x128xi32>
        %eq3A_692 = arith.cmpi eq, %add3A_690, %eq3A_691 : vector<8x128xi32>
        %jit3A_693 = arith.constant -3.000000e+38 : f32
        %broadcast_in_dim3A_694 = vector.broadcast %jit3A_693 : f32 to vector<8x128xf32>
        %select_n3A_695 = arith.select %eq3A_692, %broadcast_in_dim3A_694, %get3A_684 : vector<8x128xi1>, vector<8x128xf32>
        %swap3A_696 = arith.index_cast %scan3A_555 : i32 to index
        %swap3A_697 = arith.constant 0 : index
        %swap3A_698 = arith.constant 640 : index
        %swap3A_699 = vector.load %arg4[%swap3A_696, %swap3A_697, %swap3A_698] : memref<8x8x1024xf32, #tpu.memory_space<vmem>>, vector<1x8x128xf32>
        %swap3A_700 = vector.shape_cast %swap3A_699 : vector<1x8x128xf32> to vector<8x128xf32>
        %swap3A_701 = vector.shape_cast %select_n3A_695 : vector<8x128xf32> to vector<1x8x128xf32>
        tpu.vector_store %arg4[%swap3A_696, %swap3A_697, %swap3A_698], %swap3A_701 {strides = array<i32>} : memref<8x8x1024xf32, #tpu.memory_space<vmem>>, vector<1x8x128xf32>,
        %gt3A_702 = arith.cmpf ogt, %select_n3A_695, %select_n3A_678 : vector<8x128xf32>
        %select_n3A_703 = arith.select %gt3A_702, %select_n3A_695, %select_n3A_678 : vector<8x128xi1>, vector<8x128xf32>
        %select_n3A_704 = arith.select %gt3A_702, %add3A_690, %select_n3A_679 : vector<8x128xi1>, vector<8x128xi32>
        %get3A_705 = arith.index_cast %scan3A_555 : i32 to index
        %get3A_706 = arith.constant 0 : index
        %get3A_707 = arith.constant 768 : index
        %get3A_708 = vector.load %arg4[%get3A_705, %get3A_706, %get3A_707] : memref<8x8x1024xf32, #tpu.memory_space<vmem>>, vector<1x8x128xf32>
        %get3A_709 = vector.shape_cast %get3A_708 : vector<1x8x128xf32> to vector<8x128xf32>
        %mul3A_710 = arith.constant 1024 : i32
        %mul3A_711 = arith.muli %scan3A_555, %mul3A_710 : i32
        %add3A_712 = arith.constant 768 : i32
        %add3A_713 = arith.addi %mul3A_711, %add3A_712 : i32
        %add3A_714 = vector.broadcast %add3A_713 : i32 to vector<8x128xi32>
        %add3A_715 = arith.addi %add3A_714, %iota3A : vector<8x128xi32>
        %eq3A_716 = vector.broadcast %broadcast_in_dim3A_16 : vector<8x1xi32> to vector<8x128xi32>
        %eq3A_717 = arith.cmpi eq, %add3A_715, %eq3A_716 : vector<8x128xi32>
        %jit3A_718 = arith.constant -3.000000e+38 : f32
        %broadcast_in_dim3A_719 = vector.broadcast %jit3A_718 : f32 to vector<8x128xf32>
        %select_n3A_720 = arith.select %eq3A_717, %broadcast_in_dim3A_719, %get3A_709 : vector<8x128xi1>, vector<8x128xf32>
        %swap3A_721 = arith.index_cast %scan3A_555 : i32 to index
        %swap3A_722 = arith.constant 0 : index
        %swap3A_723 = arith.constant 768 : index
        %swap3A_724 = vector.load %arg4[%swap3A_721, %swap3A_722, %swap3A_723] : memref<8x8x1024xf32, #tpu.memory_space<vmem>>, vector<1x8x128xf32>
        %swap3A_725 = vector.shape_cast %swap3A_724 : vector<1x8x128xf32> to vector<8x128xf32>
        %swap3A_726 = vector.shape_cast %select_n3A_720 : vector<8x128xf32> to vector<1x8x128xf32>
        tpu.vector_store %arg4[%swap3A_721, %swap3A_722, %swap3A_723], %swap3A_726 {strides = array<i32>} : memref<8x8x1024xf32, #tpu.memory_space<vmem>>, vector<1x8x128xf32>,
        %gt3A_727 = arith.cmpf ogt, %select_n3A_720, %select_n3A_703 : vector<8x128xf32>
        %select_n3A_728 = arith.select %gt3A_727, %select_n3A_720, %select_n3A_703 : vector<8x128xi1>, vector<8x128xf32>
        %select_n3A_729 = arith.select %gt3A_727, %add3A_715, %select_n3A_704 : vector<8x128xi1>, vector<8x128xi32>
        %get3A_730 = arith.index_cast %scan3A_555 : i32 to index
        %get3A_731 = arith.constant 0 : index
        %get3A_732 = arith.constant 896 : index
        %get3A_733 = vector.load %arg4[%get3A_730, %get3A_731, %get3A_732] : memref<8x8x1024xf32, #tpu.memory_space<vmem>>, vector<1x8x128xf32>
        %get3A_734 = vector.shape_cast %get3A_733 : vector<1x8x128xf32> to vector<8x128xf32>
        %mul3A_735 = arith.constant 1024 : i32
        %mul3A_736 = arith.muli %scan3A_555, %mul3A_735 : i32
        %add3A_737 = arith.constant 896 : i32
        %add3A_738 = arith.addi %mul3A_736, %add3A_737 : i32
        %add3A_739 = vector.broadcast %add3A_738 : i32 to vector<8x128xi32>
        %add3A_740 = arith.addi %add3A_739, %iota3A : vector<8x128xi32>
        %eq3A_741 = vector.broadcast %broadcast_in_dim3A_16 : vector<8x1xi32> to vector<8x128xi32>
        %eq3A_742 = arith.cmpi eq, %add3A_740, %eq3A_741 : vector<8x128xi32>
        %jit3A_743 = arith.constant -3.000000e+38 : f32
        %broadcast_in_dim3A_744 = vector.broadcast %jit3A_743 : f32 to vector<8x128xf32>
        %select_n3A_745 = arith.select %eq3A_742, %broadcast_in_dim3A_744, %get3A_734 : vector<8x128xi1>, vector<8x128xf32>
        %swap3A_746 = arith.index_cast %scan3A_555 : i32 to index
        %swap3A_747 = arith.constant 0 : index
        %swap3A_748 = arith.constant 896 : index
        %swap3A_749 = vector.load %arg4[%swap3A_746, %swap3A_747, %swap3A_748] : memref<8x8x1024xf32, #tpu.memory_space<vmem>>, vector<1x8x128xf32>
        %swap3A_750 = vector.shape_cast %swap3A_749 : vector<1x8x128xf32> to vector<8x128xf32>
        %swap3A_751 = vector.shape_cast %select_n3A_745 : vector<8x128xf32> to vector<1x8x128xf32>
        tpu.vector_store %arg4[%swap3A_746, %swap3A_747, %swap3A_748], %swap3A_751 {strides = array<i32>} : memref<8x8x1024xf32, #tpu.memory_space<vmem>>, vector<1x8x128xf32>,
        %gt3A_752 = arith.cmpf ogt, %select_n3A_745, %select_n3A_728 : vector<8x128xf32>
        %select_n3A_753 = arith.select %gt3A_752, %select_n3A_745, %select_n3A_728 : vector<8x128xi1>, vector<8x128xf32>
        %select_n3A_754 = arith.select %gt3A_752, %add3A_740, %select_n3A_729 : vector<8x128xi1>, vector<8x128xi32>
        scf.yield %select_n3A_753, %select_n3A_754 : vector<8x128xf32>, vector<8x128xi32>
      }
      %scan3A_25 = arith.constant 8 : i32
      %reduce_max3A = arith.constant dense<0xFF800000> : vector<8xf32>
      %reduce_max3A_26 = vector.multi_reduction <maximumf>, %scan3A_24#0, %reduce_max3A [1] : vector<8x128xf32> to vector<8xf32>
      %broadcast_in_dim3A_27 = vector.shape_cast %reduce_max3A_26 : vector<8xf32> to vector<8x1xf32>
      %eq3A_28 = vector.broadcast %broadcast_in_dim3A_27 : vector<8x1xf32> to vector<8x128xf32>
      %eq3A_29 = arith.cmpf oeq, %scan3A_24#0, %eq3A_28 : vector<8x128xf32>
      %jit3A = arith.constant 8192 : i32
      %broadcast_in_dim3A_30 = vector.broadcast %jit3A : i32 to vector<8x128xi32>
      %select_n3A = arith.select %eq3A_29, %scan3A_24#1, %broadcast_in_dim3A_30 : vector<8x128xi1>, vector<8x128xi32>
      %reduce_min3A = arith.constant dense<2147483647> : vector<8xi32>
      %reduce_min3A_31 = vector.multi_reduction <minsi>, %select_n3A, %reduce_min3A [1] : vector<8x128xi32> to vector<8xi32>
      %broadcast_in_dim3A_32 = vector.shape_cast %reduce_min3A_31 : vector<8xi32> to vector<8x1xi32>
      %eq3A_33 = arith.constant 0 : i32
      %eq3A_34 = vector.broadcast %eq3A_33 : i32 to vector<8x32xi32>
      %eq3A_35 = arith.cmpi eq, %iota3A_13, %eq3A_34 : vector<8x32xi32>
      %broadcast_in_dim3A_36 = vector.shape_cast %broadcast_in_dim3A_32 : vector<8x1xi32> to vector<8x1xi32>
      %broadcast_in_dim3A_37 = vector.broadcast %broadcast_in_dim3A_36 : vector<8x1xi32> to vector<8x32xi32>
      %select_n3A_38 = arith.select %eq3A_35, %broadcast_in_dim3A_37, %broadcast_in_dim3A_14 : vector<8x32xi1>, vector<8x32xi32>
      %broadcast_in_dim3A_39 = arith.constant -3.000000e+38 : f32
      %broadcast_in_dim3A_40 = vector.broadcast %broadcast_in_dim3A_39 : f32 to vector<8x128xf32>
      %broadcast_in_dim3A_41 = arith.constant 0 : i32
      %broadcast_in_dim3A_42 = vector.broadcast %broadcast_in_dim3A_41 : i32 to vector<8x128xi32>
      %scan3A_43 = arith.constant 0 : i32
      %scan3A_44 = arith.constant 8 : i32
      %scan3A_45 = arith.addi %scan3A_43, %scan3A_44 : i32
      %scan3A_46 = arith.constant 1 : i32
      %scan3A_47:2 = scf.for %scan3A_555 = %scan3A_43 to %scan3A_45 step %scan3A_46 iter_args(%scan3A_556 = %broadcast_in_dim3A_40, %scan3A_557 = %broadcast_in_dim3A_42) -> (vector<8x128xf32>, vector<8x128xi32>)  : i32 {
        %get3A_558 = arith.index_cast %scan3A_555 : i32 to index
        %get3A_559 = arith.constant 0 : index
        %get3A_560 = arith.constant 0 : index
        %get3A_561 = vector.load %arg4[%get3A_558, %get3A_559, %get3A_560] : memref<8x8x1024xf32, #tpu.memory_space<vmem>>, vector<1x8x128xf32>
        %get3A_562 = vector.shape_cast %get3A_561 : vector<1x8x128xf32> to vector<8x128xf32>
        %mul3A = arith.constant 1024 : i32
        %mul3A_563 = arith.muli %scan3A_555, %mul3A : i32
        %add3A = arith.constant 0 : i32
        %add3A_564 = arith.addi %mul3A_563, %add3A : i32
        %add3A_565 = vector.broadcast %add3A_564 : i32 to vector<8x128xi32>
        %add3A_566 = arith.addi %add3A_565, %iota3A : vector<8x128xi32>
        %eq3A_567 = vector.broadcast %broadcast_in_dim3A_32 : vector<8x1xi32> to vector<8x128xi32>
        %eq3A_568 = arith.cmpi eq, %add3A_566, %eq3A_567 : vector<8x128xi32>
        %jit3A_569 = arith.constant -3.000000e+38 : f32
        %broadcast_in_dim3A_570 = vector.broadcast %jit3A_569 : f32 to vector<8x128xf32>
        %select_n3A_571 = arith.select %eq3A_568, %broadcast_in_dim3A_570, %get3A_562 : vector<8x128xi1>, vector<8x128xf32>
        %swap3A_572 = arith.index_cast %scan3A_555 : i32 to index
        %swap3A_573 = arith.constant 0 : index
        %swap3A_574 = arith.constant 0 : index
        %swap3A_575 = vector.load %arg4[%swap3A_572, %swap3A_573, %swap3A_574] : memref<8x8x1024xf32, #tpu.memory_space<vmem>>, vector<1x8x128xf32>
        %swap3A_576 = vector.shape_cast %swap3A_575 : vector<1x8x128xf32> to vector<8x128xf32>
        %swap3A_577 = vector.shape_cast %select_n3A_571 : vector<8x128xf32> to vector<1x8x128xf32>
        tpu.vector_store %arg4[%swap3A_572, %swap3A_573, %swap3A_574], %swap3A_577 {strides = array<i32>} : memref<8x8x1024xf32, #tpu.memory_space<vmem>>, vector<1x8x128xf32>,
        %gt3A = arith.cmpf ogt, %select_n3A_571, %scan3A_556 : vector<8x128xf32>
        %select_n3A_578 = arith.select %gt3A, %select_n3A_571, %scan3A_556 : vector<8x128xi1>, vector<8x128xf32>
        %select_n3A_579 = arith.select %gt3A, %add3A_566, %scan3A_557 : vector<8x128xi1>, vector<8x128xi32>
        %get3A_580 = arith.index_cast %scan3A_555 : i32 to index
        %get3A_581 = arith.constant 0 : index
        %get3A_582 = arith.constant 128 : index
        %get3A_583 = vector.load %arg4[%get3A_580, %get3A_581, %get3A_582] : memref<8x8x1024xf32, #tpu.memory_space<vmem>>, vector<1x8x128xf32>
        %get3A_584 = vector.shape_cast %get3A_583 : vector<1x8x128xf32> to vector<8x128xf32>
        %mul3A_585 = arith.constant 1024 : i32
        %mul3A_586 = arith.muli %scan3A_555, %mul3A_585 : i32
        %add3A_587 = arith.constant 128 : i32
        %add3A_588 = arith.addi %mul3A_586, %add3A_587 : i32
        %add3A_589 = vector.broadcast %add3A_588 : i32 to vector<8x128xi32>
        %add3A_590 = arith.addi %add3A_589, %iota3A : vector<8x128xi32>
        %eq3A_591 = vector.broadcast %broadcast_in_dim3A_32 : vector<8x1xi32> to vector<8x128xi32>
        %eq3A_592 = arith.cmpi eq, %add3A_590, %eq3A_591 : vector<8x128xi32>
        %jit3A_593 = arith.constant -3.000000e+38 : f32
        %broadcast_in_dim3A_594 = vector.broadcast %jit3A_593 : f32 to vector<8x128xf32>
        %select_n3A_595 = arith.select %eq3A_592, %broadcast_in_dim3A_594, %get3A_584 : vector<8x128xi1>, vector<8x128xf32>
        %swap3A_596 = arith.index_cast %scan3A_555 : i32 to index
        %swap3A_597 = arith.constant 0 : index
        %swap3A_598 = arith.constant 128 : index
        %swap3A_599 = vector.load %arg4[%swap3A_596, %swap3A_597, %swap3A_598] : memref<8x8x1024xf32, #tpu.memory_space<vmem>>, vector<1x8x128xf32>
        %swap3A_600 = vector.shape_cast %swap3A_599 : vector<1x8x128xf32> to vector<8x128xf32>
        %swap3A_601 = vector.shape_cast %select_n3A_595 : vector<8x128xf32> to vector<1x8x128xf32>
        tpu.vector_store %arg4[%swap3A_596, %swap3A_597, %swap3A_598], %swap3A_601 {strides = array<i32>} : memref<8x8x1024xf32, #tpu.memory_space<vmem>>, vector<1x8x128xf32>,
        %gt3A_602 = arith.cmpf ogt, %select_n3A_595, %select_n3A_578 : vector<8x128xf32>
        %select_n3A_603 = arith.select %gt3A_602, %select_n3A_595, %select_n3A_578 : vector<8x128xi1>, vector<8x128xf32>
        %select_n3A_604 = arith.select %gt3A_602, %add3A_590, %select_n3A_579 : vector<8x128xi1>, vector<8x128xi32>
        %get3A_605 = arith.index_cast %scan3A_555 : i32 to index
        %get3A_606 = arith.constant 0 : index
        %get3A_607 = arith.constant 256 : index
        %get3A_608 = vector.load %arg4[%get3A_605, %get3A_606, %get3A_607] : memref<8x8x1024xf32, #tpu.memory_space<vmem>>, vector<1x8x128xf32>
        %get3A_609 = vector.shape_cast %get3A_608 : vector<1x8x128xf32> to vector<8x128xf32>
        %mul3A_610 = arith.constant 1024 : i32
        %mul3A_611 = arith.muli %scan3A_555, %mul3A_610 : i32
        %add3A_612 = arith.constant 256 : i32
        %add3A_613 = arith.addi %mul3A_611, %add3A_612 : i32
        %add3A_614 = vector.broadcast %add3A_613 : i32 to vector<8x128xi32>
        %add3A_615 = arith.addi %add3A_614, %iota3A : vector<8x128xi32>
        %eq3A_616 = vector.broadcast %broadcast_in_dim3A_32 : vector<8x1xi32> to vector<8x128xi32>
        %eq3A_617 = arith.cmpi eq, %add3A_615, %eq3A_616 : vector<8x128xi32>
        %jit3A_618 = arith.constant -3.000000e+38 : f32
        %broadcast_in_dim3A_619 = vector.broadcast %jit3A_618 : f32 to vector<8x128xf32>
        %select_n3A_620 = arith.select %eq3A_617, %broadcast_in_dim3A_619, %get3A_609 : vector<8x128xi1>, vector<8x128xf32>
        %swap3A_621 = arith.index_cast %scan3A_555 : i32 to index
        %swap3A_622 = arith.constant 0 : index
        %swap3A_623 = arith.constant 256 : index
        %swap3A_624 = vector.load %arg4[%swap3A_621, %swap3A_622, %swap3A_623] : memref<8x8x1024xf32, #tpu.memory_space<vmem>>, vector<1x8x128xf32>
        %swap3A_625 = vector.shape_cast %swap3A_624 : vector<1x8x128xf32> to vector<8x128xf32>
        %swap3A_626 = vector.shape_cast %select_n3A_620 : vector<8x128xf32> to vector<1x8x128xf32>
        tpu.vector_store %arg4[%swap3A_621, %swap3A_622, %swap3A_623], %swap3A_626 {strides = array<i32>} : memref<8x8x1024xf32, #tpu.memory_space<vmem>>, vector<1x8x128xf32>,
        %gt3A_627 = arith.cmpf ogt, %select_n3A_620, %select_n3A_603 : vector<8x128xf32>
        %select_n3A_628 = arith.select %gt3A_627, %select_n3A_620, %select_n3A_603 : vector<8x128xi1>, vector<8x128xf32>
        %select_n3A_629 = arith.select %gt3A_627, %add3A_615, %select_n3A_604 : vector<8x128xi1>, vector<8x128xi32>
        %get3A_630 = arith.index_cast %scan3A_555 : i32 to index
        %get3A_631 = arith.constant 0 : index
        %get3A_632 = arith.constant 384 : index
        %get3A_633 = vector.load %arg4[%get3A_630, %get3A_631, %get3A_632] : memref<8x8x1024xf32, #tpu.memory_space<vmem>>, vector<1x8x128xf32>
        %get3A_634 = vector.shape_cast %get3A_633 : vector<1x8x128xf32> to vector<8x128xf32>
        %mul3A_635 = arith.constant 1024 : i32
        %mul3A_636 = arith.muli %scan3A_555, %mul3A_635 : i32
        %add3A_637 = arith.constant 384 : i32
        %add3A_638 = arith.addi %mul3A_636, %add3A_637 : i32
        %add3A_639 = vector.broadcast %add3A_638 : i32 to vector<8x128xi32>
        %add3A_640 = arith.addi %add3A_639, %iota3A : vector<8x128xi32>
        %eq3A_641 = vector.broadcast %broadcast_in_dim3A_32 : vector<8x1xi32> to vector<8x128xi32>
        %eq3A_642 = arith.cmpi eq, %add3A_640, %eq3A_641 : vector<8x128xi32>
        %jit3A_643 = arith.constant -3.000000e+38 : f32
        %broadcast_in_dim3A_644 = vector.broadcast %jit3A_643 : f32 to vector<8x128xf32>
        %select_n3A_645 = arith.select %eq3A_642, %broadcast_in_dim3A_644, %get3A_634 : vector<8x128xi1>, vector<8x128xf32>
        %swap3A_646 = arith.index_cast %scan3A_555 : i32 to index
        %swap3A_647 = arith.constant 0 : index
        %swap3A_648 = arith.constant 384 : index
        %swap3A_649 = vector.load %arg4[%swap3A_646, %swap3A_647, %swap3A_648] : memref<8x8x1024xf32, #tpu.memory_space<vmem>>, vector<1x8x128xf32>
        %swap3A_650 = vector.shape_cast %swap3A_649 : vector<1x8x128xf32> to vector<8x128xf32>
        %swap3A_651 = vector.shape_cast %select_n3A_645 : vector<8x128xf32> to vector<1x8x128xf32>
        tpu.vector_store %arg4[%swap3A_646, %swap3A_647, %swap3A_648], %swap3A_651 {strides = array<i32>} : memref<8x8x1024xf32, #tpu.memory_space<vmem>>, vector<1x8x128xf32>,
        %gt3A_652 = arith.cmpf ogt, %select_n3A_645, %select_n3A_628 : vector<8x128xf32>
        %select_n3A_653 = arith.select %gt3A_652, %select_n3A_645, %select_n3A_628 : vector<8x128xi1>, vector<8x128xf32>
        %select_n3A_654 = arith.select %gt3A_652, %add3A_640, %select_n3A_629 : vector<8x128xi1>, vector<8x128xi32>
        %get3A_655 = arith.index_cast %scan3A_555 : i32 to index
        %get3A_656 = arith.constant 0 : index
        %get3A_657 = arith.constant 512 : index
        %get3A_658 = vector.load %arg4[%get3A_655, %get3A_656, %get3A_657] : memref<8x8x1024xf32, #tpu.memory_space<vmem>>, vector<1x8x128xf32>
        %get3A_659 = vector.shape_cast %get3A_658 : vector<1x8x128xf32> to vector<8x128xf32>
        %mul3A_660 = arith.constant 1024 : i32
        %mul3A_661 = arith.muli %scan3A_555, %mul3A_660 : i32
        %add3A_662 = arith.constant 512 : i32
        %add3A_663 = arith.addi %mul3A_661, %add3A_662 : i32
        %add3A_664 = vector.broadcast %add3A_663 : i32 to vector<8x128xi32>
        %add3A_665 = arith.addi %add3A_664, %iota3A : vector<8x128xi32>
        %eq3A_666 = vector.broadcast %broadcast_in_dim3A_32 : vector<8x1xi32> to vector<8x128xi32>
        %eq3A_667 = arith.cmpi eq, %add3A_665, %eq3A_666 : vector<8x128xi32>
        %jit3A_668 = arith.constant -3.000000e+38 : f32
        %broadcast_in_dim3A_669 = vector.broadcast %jit3A_668 : f32 to vector<8x128xf32>
        %select_n3A_670 = arith.select %eq3A_667, %broadcast_in_dim3A_669, %get3A_659 : vector<8x128xi1>, vector<8x128xf32>
        %swap3A_671 = arith.index_cast %scan3A_555 : i32 to index
        %swap3A_672 = arith.constant 0 : index
        %swap3A_673 = arith.constant 512 : index
        %swap3A_674 = vector.load %arg4[%swap3A_671, %swap3A_672, %swap3A_673] : memref<8x8x1024xf32, #tpu.memory_space<vmem>>, vector<1x8x128xf32>
        %swap3A_675 = vector.shape_cast %swap3A_674 : vector<1x8x128xf32> to vector<8x128xf32>
        %swap3A_676 = vector.shape_cast %select_n3A_670 : vector<8x128xf32> to vector<1x8x128xf32>
        tpu.vector_store %arg4[%swap3A_671, %swap3A_672, %swap3A_673], %swap3A_676 {strides = array<i32>} : memref<8x8x1024xf32, #tpu.memory_space<vmem>>, vector<1x8x128xf32>,
        %gt3A_677 = arith.cmpf ogt, %select_n3A_670, %select_n3A_653 : vector<8x128xf32>
        %select_n3A_678 = arith.select %gt3A_677, %select_n3A_670, %select_n3A_653 : vector<8x128xi1>, vector<8x128xf32>
        %select_n3A_679 = arith.select %gt3A_677, %add3A_665, %select_n3A_654 : vector<8x128xi1>, vector<8x128xi32>
        %get3A_680 = arith.index_cast %scan3A_555 : i32 to index
        %get3A_681 = arith.constant 0 : index
        %get3A_682 = arith.constant 640 : index
        %get3A_683 = vector.load %arg4[%get3A_680, %get3A_681, %get3A_682] : memref<8x8x1024xf32, #tpu.memory_space<vmem>>, vector<1x8x128xf32>
        %get3A_684 = vector.shape_cast %get3A_683 : vector<1x8x128xf32> to vector<8x128xf32>
        %mul3A_685 = arith.constant 1024 : i32
        %mul3A_686 = arith.muli %scan3A_555, %mul3A_685 : i32
        %add3A_687 = arith.constant 640 : i32
        %add3A_688 = arith.addi %mul3A_686, %add3A_687 : i32
        %add3A_689 = vector.broadcast %add3A_688 : i32 to vector<8x128xi32>
        %add3A_690 = arith.addi %add3A_689, %iota3A : vector<8x128xi32>
        %eq3A_691 = vector.broadcast %broadcast_in_dim3A_32 : vector<8x1xi32> to vector<8x128xi32>
        %eq3A_692 = arith.cmpi eq, %add3A_690, %eq3A_691 : vector<8x128xi32>
        %jit3A_693 = arith.constant -3.000000e+38 : f32
        %broadcast_in_dim3A_694 = vector.broadcast %jit3A_693 : f32 to vector<8x128xf32>
        %select_n3A_695 = arith.select %eq3A_692, %broadcast_in_dim3A_694, %get3A_684 : vector<8x128xi1>, vector<8x128xf32>
        %swap3A_696 = arith.index_cast %scan3A_555 : i32 to index
        %swap3A_697 = arith.constant 0 : index
        %swap3A_698 = arith.constant 640 : index
        %swap3A_699 = vector.load %arg4[%swap3A_696, %swap3A_697, %swap3A_698] : memref<8x8x1024xf32, #tpu.memory_space<vmem>>, vector<1x8x128xf32>
        %swap3A_700 = vector.shape_cast %swap3A_699 : vector<1x8x128xf32> to vector<8x128xf32>
        %swap3A_701 = vector.shape_cast %select_n3A_695 : vector<8x128xf32> to vector<1x8x128xf32>
        tpu.vector_store %arg4[%swap3A_696, %swap3A_697, %swap3A_698], %swap3A_701 {strides = array<i32>} : memref<8x8x1024xf32, #tpu.memory_space<vmem>>, vector<1x8x128xf32>,
        %gt3A_702 = arith.cmpf ogt, %select_n3A_695, %select_n3A_678 : vector<8x128xf32>
        %select_n3A_703 = arith.select %gt3A_702, %select_n3A_695, %select_n3A_678 : vector<8x128xi1>, vector<8x128xf32>
        %select_n3A_704 = arith.select %gt3A_702, %add3A_690, %select_n3A_679 : vector<8x128xi1>, vector<8x128xi32>
        %get3A_705 = arith.index_cast %scan3A_555 : i32 to index
        %get3A_706 = arith.constant 0 : index
        %get3A_707 = arith.constant 768 : index
        %get3A_708 = vector.load %arg4[%get3A_705, %get3A_706, %get3A_707] : memref<8x8x1024xf32, #tpu.memory_space<vmem>>, vector<1x8x128xf32>
        %get3A_709 = vector.shape_cast %get3A_708 : vector<1x8x128xf32> to vector<8x128xf32>
        %mul3A_710 = arith.constant 1024 : i32
        %mul3A_711 = arith.muli %scan3A_555, %mul3A_710 : i32
        %add3A_712 = arith.constant 768 : i32
        %add3A_713 = arith.addi %mul3A_711, %add3A_712 : i32
        %add3A_714 = vector.broadcast %add3A_713 : i32 to vector<8x128xi32>
        %add3A_715 = arith.addi %add3A_714, %iota3A : vector<8x128xi32>
        %eq3A_716 = vector.broadcast %broadcast_in_dim3A_32 : vector<8x1xi32> to vector<8x128xi32>
        %eq3A_717 = arith.cmpi eq, %add3A_715, %eq3A_716 : vector<8x128xi32>
        %jit3A_718 = arith.constant -3.000000e+38 : f32
        %broadcast_in_dim3A_719 = vector.broadcast %jit3A_718 : f32 to vector<8x128xf32>
        %select_n3A_720 = arith.select %eq3A_717, %broadcast_in_dim3A_719, %get3A_709 : vector<8x128xi1>, vector<8x128xf32>
        %swap3A_721 = arith.index_cast %scan3A_555 : i32 to index
        %swap3A_722 = arith.constant 0 : index
        %swap3A_723 = arith.constant 768 : index
        %swap3A_724 = vector.load %arg4[%swap3A_721, %swap3A_722, %swap3A_723] : memref<8x8x1024xf32, #tpu.memory_space<vmem>>, vector<1x8x128xf32>
        %swap3A_725 = vector.shape_cast %swap3A_724 : vector<1x8x128xf32> to vector<8x128xf32>
        %swap3A_726 = vector.shape_cast %select_n3A_720 : vector<8x128xf32> to vector<1x8x128xf32>
        tpu.vector_store %arg4[%swap3A_721, %swap3A_722, %swap3A_723], %swap3A_726 {strides = array<i32>} : memref<8x8x1024xf32, #tpu.memory_space<vmem>>, vector<1x8x128xf32>,
        %gt3A_727 = arith.cmpf ogt, %select_n3A_720, %select_n3A_703 : vector<8x128xf32>
        %select_n3A_728 = arith.select %gt3A_727, %select_n3A_720, %select_n3A_703 : vector<8x128xi1>, vector<8x128xf32>
        %select_n3A_729 = arith.select %gt3A_727, %add3A_715, %select_n3A_704 : vector<8x128xi1>, vector<8x128xi32>
        %get3A_730 = arith.index_cast %scan3A_555 : i32 to index
        %get3A_731 = arith.constant 0 : index
        %get3A_732 = arith.constant 896 : index
        %get3A_733 = vector.load %arg4[%get3A_730, %get3A_731, %get3A_732] : memref<8x8x1024xf32, #tpu.memory_space<vmem>>, vector<1x8x128xf32>
        %get3A_734 = vector.shape_cast %get3A_733 : vector<1x8x128xf32> to vector<8x128xf32>
        %mul3A_735 = arith.constant 1024 : i32
        %mul3A_736 = arith.muli %scan3A_555, %mul3A_735 : i32
        %add3A_737 = arith.constant 896 : i32
        %add3A_738 = arith.addi %mul3A_736, %add3A_737 : i32
        %add3A_739 = vector.broadcast %add3A_738 : i32 to vector<8x128xi32>
        %add3A_740 = arith.addi %add3A_739, %iota3A : vector<8x128xi32>
        %eq3A_741 = vector.broadcast %broadcast_in_dim3A_32 : vector<8x1xi32> to vector<8x128xi32>
        %eq3A_742 = arith.cmpi eq, %add3A_740, %eq3A_741 : vector<8x128xi32>
        %jit3A_743 = arith.constant -3.000000e+38 : f32
        %broadcast_in_dim3A_744 = vector.broadcast %jit3A_743 : f32 to vector<8x128xf32>
        %select_n3A_745 = arith.select %eq3A_742, %broadcast_in_dim3A_744, %get3A_734 : vector<8x128xi1>, vector<8x128xf32>
        %swap3A_746 = arith.index_cast %scan3A_555 : i32 to index
        %swap3A_747 = arith.constant 0 : index
        %swap3A_748 = arith.constant 896 : index
        %swap3A_749 = vector.load %arg4[%swap3A_746, %swap3A_747, %swap3A_748] : memref<8x8x1024xf32, #tpu.memory_space<vmem>>, vector<1x8x128xf32>
        %swap3A_750 = vector.shape_cast %swap3A_749 : vector<1x8x128xf32> to vector<8x128xf32>
        %swap3A_751 = vector.shape_cast %select_n3A_745 : vector<8x128xf32> to vector<1x8x128xf32>
        tpu.vector_store %arg4[%swap3A_746, %swap3A_747, %swap3A_748], %swap3A_751 {strides = array<i32>} : memref<8x8x1024xf32, #tpu.memory_space<vmem>>, vector<1x8x128xf32>,
        %gt3A_752 = arith.cmpf ogt, %select_n3A_745, %select_n3A_728 : vector<8x128xf32>
        %select_n3A_753 = arith.select %gt3A_752, %select_n3A_745, %select_n3A_728 : vector<8x128xi1>, vector<8x128xf32>
        %select_n3A_754 = arith.select %gt3A_752, %add3A_740, %select_n3A_729 : vector<8x128xi1>, vector<8x128xi32>
        scf.yield %select_n3A_753, %select_n3A_754 : vector<8x128xf32>, vector<8x128xi32>
      }
      %scan3A_48 = arith.constant 8 : i32
      %reduce_max3A_49 = arith.constant dense<0xFF800000> : vector<8xf32>
      %reduce_max3A_50 = vector.multi_reduction <maximumf>, %scan3A_47#0, %reduce_max3A_49 [1] : vector<8x128xf32> to vector<8xf32>
      %broadcast_in_dim3A_51 = vector.shape_cast %reduce_max3A_50 : vector<8xf32> to vector<8x1xf32>
      %eq3A_52 = vector.broadcast %broadcast_in_dim3A_51 : vector<8x1xf32> to vector<8x128xf32>
      %eq3A_53 = arith.cmpf oeq, %scan3A_47#0, %eq3A_52 : vector<8x128xf32>
      %jit3A_54 = arith.constant 8192 : i32
      %broadcast_in_dim3A_55 = vector.broadcast %jit3A_54 : i32 to vector<8x128xi32>
      %select_n3A_56 = arith.select %eq3A_53, %scan3A_47#1, %broadcast_in_dim3A_55 : vector<8x128xi1>, vector<8x128xi32>
      %reduce_min3A_57 = arith.constant dense<2147483647> : vector<8xi32>
      %reduce_min3A_58 = vector.multi_reduction <minsi>, %select_n3A_56, %reduce_min3A_57 [1] : vector<8x128xi32> to vector<8xi32>
      %broadcast_in_dim3A_59 = vector.shape_cast %reduce_min3A_58 : vector<8xi32> to vector<8x1xi32>
      %eq3A_60 = arith.constant 1 : i32
      %eq3A_61 = vector.broadcast %eq3A_60 : i32 to vector<8x32xi32>
      %eq3A_62 = arith.cmpi eq, %iota3A_13, %eq3A_61 : vector<8x32xi32>
      %broadcast_in_dim3A_63 = vector.shape_cast %broadcast_in_dim3A_59 : vector<8x1xi32> to vector<8x1xi32>
      %broadcast_in_dim3A_64 = vector.broadcast %broadcast_in_dim3A_63 : vector<8x1xi32> to vector<8x32xi32>
      %select_n3A_65 = arith.select %eq3A_62, %broadcast_in_dim3A_64, %select_n3A_38 : vector<8x32xi1>, vector<8x32xi32>
      %broadcast_in_dim3A_66 = arith.constant -3.000000e+38 : f32
      %broadcast_in_dim3A_67 = vector.broadcast %broadcast_in_dim3A_66 : f32 to vector<8x128xf32>
      %broadcast_in_dim3A_68 = arith.constant 0 : i32
      %broadcast_in_dim3A_69 = vector.broadcast %broadcast_in_dim3A_68 : i32 to vector<8x128xi32>
      %scan3A_70 = arith.constant 0 : i32
      %scan3A_71 = arith.constant 8 : i32
      %scan3A_72 = arith.addi %scan3A_70, %scan3A_71 : i32
      %scan3A_73 = arith.constant 1 : i32
      %scan3A_74:2 = scf.for %scan3A_555 = %scan3A_70 to %scan3A_72 step %scan3A_73 iter_args(%scan3A_556 = %broadcast_in_dim3A_67, %scan3A_557 = %broadcast_in_dim3A_69) -> (vector<8x128xf32>, vector<8x128xi32>)  : i32 {
        %get3A_558 = arith.index_cast %scan3A_555 : i32 to index
        %get3A_559 = arith.constant 0 : index
        %get3A_560 = arith.constant 0 : index
        %get3A_561 = vector.load %arg4[%get3A_558, %get3A_559, %get3A_560] : memref<8x8x1024xf32, #tpu.memory_space<vmem>>, vector<1x8x128xf32>
        %get3A_562 = vector.shape_cast %get3A_561 : vector<1x8x128xf32> to vector<8x128xf32>
        %mul3A = arith.constant 1024 : i32
        %mul3A_563 = arith.muli %scan3A_555, %mul3A : i32
        %add3A = arith.constant 0 : i32
        %add3A_564 = arith.addi %mul3A_563, %add3A : i32
        %add3A_565 = vector.broadcast %add3A_564 : i32 to vector<8x128xi32>
        %add3A_566 = arith.addi %add3A_565, %iota3A : vector<8x128xi32>
        %eq3A_567 = vector.broadcast %broadcast_in_dim3A_59 : vector<8x1xi32> to vector<8x128xi32>
        %eq3A_568 = arith.cmpi eq, %add3A_566, %eq3A_567 : vector<8x128xi32>
        %jit3A_569 = arith.constant -3.000000e+38 : f32
        %broadcast_in_dim3A_570 = vector.broadcast %jit3A_569 : f32 to vector<8x128xf32>
        %select_n3A_571 = arith.select %eq3A_568, %broadcast_in_dim3A_570, %get3A_562 : vector<8x128xi1>, vector<8x128xf32>
        %swap3A_572 = arith.index_cast %scan3A_555 : i32 to index
        %swap3A_573 = arith.constant 0 : index
        %swap3A_574 = arith.constant 0 : index
        %swap3A_575 = vector.load %arg4[%swap3A_572, %swap3A_573, %swap3A_574] : memref<8x8x1024xf32, #tpu.memory_space<vmem>>, vector<1x8x128xf32>
        %swap3A_576 = vector.shape_cast %swap3A_575 : vector<1x8x128xf32> to vector<8x128xf32>
        %swap3A_577 = vector.shape_cast %select_n3A_571 : vector<8x128xf32> to vector<1x8x128xf32>
        tpu.vector_store %arg4[%swap3A_572, %swap3A_573, %swap3A_574], %swap3A_577 {strides = array<i32>} : memref<8x8x1024xf32, #tpu.memory_space<vmem>>, vector<1x8x128xf32>,
        %gt3A = arith.cmpf ogt, %select_n3A_571, %scan3A_556 : vector<8x128xf32>
        %select_n3A_578 = arith.select %gt3A, %select_n3A_571, %scan3A_556 : vector<8x128xi1>, vector<8x128xf32>
        %select_n3A_579 = arith.select %gt3A, %add3A_566, %scan3A_557 : vector<8x128xi1>, vector<8x128xi32>
        %get3A_580 = arith.index_cast %scan3A_555 : i32 to index
        %get3A_581 = arith.constant 0 : index
        %get3A_582 = arith.constant 128 : index
        %get3A_583 = vector.load %arg4[%get3A_580, %get3A_581, %get3A_582] : memref<8x8x1024xf32, #tpu.memory_space<vmem>>, vector<1x8x128xf32>
        %get3A_584 = vector.shape_cast %get3A_583 : vector<1x8x128xf32> to vector<8x128xf32>
        %mul3A_585 = arith.constant 1024 : i32
        %mul3A_586 = arith.muli %scan3A_555, %mul3A_585 : i32
        %add3A_587 = arith.constant 128 : i32
        %add3A_588 = arith.addi %mul3A_586, %add3A_587 : i32
        %add3A_589 = vector.broadcast %add3A_588 : i32 to vector<8x128xi32>
        %add3A_590 = arith.addi %add3A_589, %iota3A : vector<8x128xi32>
        %eq3A_591 = vector.broadcast %broadcast_in_dim3A_59 : vector<8x1xi32> to vector<8x128xi32>
        %eq3A_592 = arith.cmpi eq, %add3A_590, %eq3A_591 : vector<8x128xi32>
        %jit3A_593 = arith.constant -3.000000e+38 : f32
        %broadcast_in_dim3A_594 = vector.broadcast %jit3A_593 : f32 to vector<8x128xf32>
        %select_n3A_595 = arith.select %eq3A_592, %broadcast_in_dim3A_594, %get3A_584 : vector<8x128xi1>, vector<8x128xf32>
        %swap3A_596 = arith.index_cast %scan3A_555 : i32 to index
        %swap3A_597 = arith.constant 0 : index
        %swap3A_598 = arith.constant 128 : index
        %swap3A_599 = vector.load %arg4[%swap3A_596, %swap3A_597, %swap3A_598] : memref<8x8x1024xf32, #tpu.memory_space<vmem>>, vector<1x8x128xf32>
        %swap3A_600 = vector.shape_cast %swap3A_599 : vector<1x8x128xf32> to vector<8x128xf32>
        %swap3A_601 = vector.shape_cast %select_n3A_595 : vector<8x128xf32> to vector<1x8x128xf32>
        tpu.vector_store %arg4[%swap3A_596, %swap3A_597, %swap3A_598], %swap3A_601 {strides = array<i32>} : memref<8x8x1024xf32, #tpu.memory_space<vmem>>, vector<1x8x128xf32>,
        %gt3A_602 = arith.cmpf ogt, %select_n3A_595, %select_n3A_578 : vector<8x128xf32>
        %select_n3A_603 = arith.select %gt3A_602, %select_n3A_595, %select_n3A_578 : vector<8x128xi1>, vector<8x128xf32>
        %select_n3A_604 = arith.select %gt3A_602, %add3A_590, %select_n3A_579 : vector<8x128xi1>, vector<8x128xi32>
        %get3A_605 = arith.index_cast %scan3A_555 : i32 to index
        %get3A_606 = arith.constant 0 : index
        %get3A_607 = arith.constant 256 : index
        %get3A_608 = vector.load %arg4[%get3A_605, %get3A_606, %get3A_607] : memref<8x8x1024xf32, #tpu.memory_space<vmem>>, vector<1x8x128xf32>
        %get3A_609 = vector.shape_cast %get3A_608 : vector<1x8x128xf32> to vector<8x128xf32>
        %mul3A_610 = arith.constant 1024 : i32
        %mul3A_611 = arith.muli %scan3A_555, %mul3A_610 : i32
        %add3A_612 = arith.constant 256 : i32
        %add3A_613 = arith.addi %mul3A_611, %add3A_612 : i32
        %add3A_614 = vector.broadcast %add3A_613 : i32 to vector<8x128xi32>
        %add3A_615 = arith.addi %add3A_614, %iota3A : vector<8x128xi32>
        %eq3A_616 = vector.broadcast %broadcast_in_dim3A_59 : vector<8x1xi32> to vector<8x128xi32>
        %eq3A_617 = arith.cmpi eq, %add3A_615, %eq3A_616 : vector<8x128xi32>
        %jit3A_618 = arith.constant -3.000000e+38 : f32
        %broadcast_in_dim3A_619 = vector.broadcast %jit3A_618 : f32 to vector<8x128xf32>
        %select_n3A_620 = arith.select %eq3A_617, %broadcast_in_dim3A_619, %get3A_609 : vector<8x128xi1>, vector<8x128xf32>
        %swap3A_621 = arith.index_cast %scan3A_555 : i32 to index
        %swap3A_622 = arith.constant 0 : index
        %swap3A_623 = arith.constant 256 : index
        %swap3A_624 = vector.load %arg4[%swap3A_621, %swap3A_622, %swap3A_623] : memref<8x8x1024xf32, #tpu.memory_space<vmem>>, vector<1x8x128xf32>
        %swap3A_625 = vector.shape_cast %swap3A_624 : vector<1x8x128xf32> to vector<8x128xf32>
        %swap3A_626 = vector.shape_cast %select_n3A_620 : vector<8x128xf32> to vector<1x8x128xf32>
        tpu.vector_store %arg4[%swap3A_621, %swap3A_622, %swap3A_623], %swap3A_626 {strides = array<i32>} : memref<8x8x1024xf32, #tpu.memory_space<vmem>>, vector<1x8x128xf32>,
        %gt3A_627 = arith.cmpf ogt, %select_n3A_620, %select_n3A_603 : vector<8x128xf32>
        %select_n3A_628 = arith.select %gt3A_627, %select_n3A_620, %select_n3A_603 : vector<8x128xi1>, vector<8x128xf32>
        %select_n3A_629 = arith.select %gt3A_627, %add3A_615, %select_n3A_604 : vector<8x128xi1>, vector<8x128xi32>
        %get3A_630 = arith.index_cast %scan3A_555 : i32 to index
        %get3A_631 = arith.constant 0 : index
        %get3A_632 = arith.constant 384 : index
        %get3A_633 = vector.load %arg4[%get3A_630, %get3A_631, %get3A_632] : memref<8x8x1024xf32, #tpu.memory_space<vmem>>, vector<1x8x128xf32>
        %get3A_634 = vector.shape_cast %get3A_633 : vector<1x8x128xf32> to vector<8x128xf32>
        %mul3A_635 = arith.constant 1024 : i32
        %mul3A_636 = arith.muli %scan3A_555, %mul3A_635 : i32
        %add3A_637 = arith.constant 384 : i32
        %add3A_638 = arith.addi %mul3A_636, %add3A_637 : i32
        %add3A_639 = vector.broadcast %add3A_638 : i32 to vector<8x128xi32>
        %add3A_640 = arith.addi %add3A_639, %iota3A : vector<8x128xi32>
        %eq3A_641 = vector.broadcast %broadcast_in_dim3A_59 : vector<8x1xi32> to vector<8x128xi32>
        %eq3A_642 = arith.cmpi eq, %add3A_640, %eq3A_641 : vector<8x128xi32>
        %jit3A_643 = arith.constant -3.000000e+38 : f32
        %broadcast_in_dim3A_644 = vector.broadcast %jit3A_643 : f32 to vector<8x128xf32>
        %select_n3A_645 = arith.select %eq3A_642, %broadcast_in_dim3A_644, %get3A_634 : vector<8x128xi1>, vector<8x128xf32>
        %swap3A_646 = arith.index_cast %scan3A_555 : i32 to index
        %swap3A_647 = arith.constant 0 : index
        %swap3A_648 = arith.constant 384 : index
        %swap3A_649 = vector.load %arg4[%swap3A_646, %swap3A_647, %swap3A_648] : memref<8x8x1024xf32, #tpu.memory_space<vmem>>, vector<1x8x128xf32>
        %swap3A_650 = vector.shape_cast %swap3A_649 : vector<1x8x128xf32> to vector<8x128xf32>
        %swap3A_651 = vector.shape_cast %select_n3A_645 : vector<8x128xf32> to vector<1x8x128xf32>
        tpu.vector_store %arg4[%swap3A_646, %swap3A_647, %swap3A_648], %swap3A_651 {strides = array<i32>} : memref<8x8x1024xf32, #tpu.memory_space<vmem>>, vector<1x8x128xf32>,
        %gt3A_652 = arith.cmpf ogt, %select_n3A_645, %select_n3A_628 : vector<8x128xf32>
        %select_n3A_653 = arith.select %gt3A_652, %select_n3A_645, %select_n3A_628 : vector<8x128xi1>, vector<8x128xf32>
        %select_n3A_654 = arith.select %gt3A_652, %add3A_640, %select_n3A_629 : vector<8x128xi1>, vector<8x128xi32>
        %get3A_655 = arith.index_cast %scan3A_555 : i32 to index
        %get3A_656 = arith.constant 0 : index
        %get3A_657 = arith.constant 512 : index
        %get3A_658 = vector.load %arg4[%get3A_655, %get3A_656, %get3A_657] : memref<8x8x1024xf32, #tpu.memory_space<vmem>>, vector<1x8x128xf32>
        %get3A_659 = vector.shape_cast %get3A_658 : vector<1x8x128xf32> to vector<8x128xf32>
        %mul3A_660 = arith.constant 1024 : i32
        %mul3A_661 = arith.muli %scan3A_555, %mul3A_660 : i32
        %add3A_662 = arith.constant 512 : i32
        %add3A_663 = arith.addi %mul3A_661, %add3A_662 : i32
        %add3A_664 = vector.broadcast %add3A_663 : i32 to vector<8x128xi32>
        %add3A_665 = arith.addi %add3A_664, %iota3A : vector<8x128xi32>
        %eq3A_666 = vector.broadcast %broadcast_in_dim3A_59 : vector<8x1xi32> to vector<8x128xi32>
        %eq3A_667 = arith.cmpi eq, %add3A_665, %eq3A_666 : vector<8x128xi32>
        %jit3A_668 = arith.constant -3.000000e+38 : f32
        %broadcast_in_dim3A_669 = vector.broadcast %jit3A_668 : f32 to vector<8x128xf32>
        %select_n3A_670 = arith.select %eq3A_667, %broadcast_in_dim3A_669, %get3A_659 : vector<8x128xi1>, vector<8x128xf32>
        %swap3A_671 = arith.index_cast %scan3A_555 : i32 to index
        %swap3A_672 = arith.constant 0 : index
        %swap3A_673 = arith.constant 512 : index
        %swap3A_674 = vector.load %arg4[%swap3A_671, %swap3A_672, %swap3A_673] : memref<8x8x1024xf32, #tpu.memory_space<vmem>>, vector<1x8x128xf32>
        %swap3A_675 = vector.shape_cast %swap3A_674 : vector<1x8x128xf32> to vector<8x128xf32>
        %swap3A_676 = vector.shape_cast %select_n3A_670 : vector<8x128xf32> to vector<1x8x128xf32>
        tpu.vector_store %arg4[%swap3A_671, %swap3A_672, %swap3A_673], %swap3A_676 {strides = array<i32>} : memref<8x8x1024xf32, #tpu.memory_space<vmem>>, vector<1x8x128xf32>,
        %gt3A_677 = arith.cmpf ogt, %select_n3A_670, %select_n3A_653 : vector<8x128xf32>
        %select_n3A_678 = arith.select %gt3A_677, %select_n3A_670, %select_n3A_653 : vector<8x128xi1>, vector<8x128xf32>
        %select_n3A_679 = arith.select %gt3A_677, %add3A_665, %select_n3A_654 : vector<8x128xi1>, vector<8x128xi32>
        %get3A_680 = arith.index_cast %scan3A_555 : i32 to index
        %get3A_681 = arith.constant 0 : index
        %get3A_682 = arith.constant 640 : index
        %get3A_683 = vector.load %arg4[%get3A_680, %get3A_681, %get3A_682] : memref<8x8x1024xf32, #tpu.memory_space<vmem>>, vector<1x8x128xf32>
        %get3A_684 = vector.shape_cast %get3A_683 : vector<1x8x128xf32> to vector<8x128xf32>
        %mul3A_685 = arith.constant 1024 : i32
        %mul3A_686 = arith.muli %scan3A_555, %mul3A_685 : i32
        %add3A_687 = arith.constant 640 : i32
        %add3A_688 = arith.addi %mul3A_686, %add3A_687 : i32
        %add3A_689 = vector.broadcast %add3A_688 : i32 to vector<8x128xi32>
        %add3A_690 = arith.addi %add3A_689, %iota3A : vector<8x128xi32>
        %eq3A_691 = vector.broadcast %broadcast_in_dim3A_59 : vector<8x1xi32> to vector<8x128xi32>
        %eq3A_692 = arith.cmpi eq, %add3A_690, %eq3A_691 : vector<8x128xi32>
        %jit3A_693 = arith.constant -3.000000e+38 : f32
        %broadcast_in_dim3A_694 = vector.broadcast %jit3A_693 : f32 to vector<8x128xf32>
        %select_n3A_695 = arith.select %eq3A_692, %broadcast_in_dim3A_694, %get3A_684 : vector<8x128xi1>, vector<8x128xf32>
        %swap3A_696 = arith.index_cast %scan3A_555 : i32 to index
        %swap3A_697 = arith.constant 0 : index
        %swap3A_698 = arith.constant 640 : index
        %swap3A_699 = vector.load %arg4[%swap3A_696, %swap3A_697, %swap3A_698] : memref<8x8x1024xf32, #tpu.memory_space<vmem>>, vector<1x8x128xf32>
        %swap3A_700 = vector.shape_cast %swap3A_699 : vector<1x8x128xf32> to vector<8x128xf32>
        %swap3A_701 = vector.shape_cast %select_n3A_695 : vector<8x128xf32> to vector<1x8x128xf32>
        tpu.vector_store %arg4[%swap3A_696, %swap3A_697, %swap3A_698], %swap3A_701 {strides = array<i32>} : memref<8x8x1024xf32, #tpu.memory_space<vmem>>, vector<1x8x128xf32>,
        %gt3A_702 = arith.cmpf ogt, %select_n3A_695, %select_n3A_678 : vector<8x128xf32>
        %select_n3A_703 = arith.select %gt3A_702, %select_n3A_695, %select_n3A_678 : vector<8x128xi1>, vector<8x128xf32>
        %select_n3A_704 = arith.select %gt3A_702, %add3A_690, %select_n3A_679 : vector<8x128xi1>, vector<8x128xi32>
        %get3A_705 = arith.index_cast %scan3A_555 : i32 to index
        %get3A_706 = arith.constant 0 : index
        %get3A_707 = arith.constant 768 : index
        %get3A_708 = vector.load %arg4[%get3A_705, %get3A_706, %get3A_707] : memref<8x8x1024xf32, #tpu.memory_space<vmem>>, vector<1x8x128xf32>
        %get3A_709 = vector.shape_cast %get3A_708 : vector<1x8x128xf32> to vector<8x128xf32>
        %mul3A_710 = arith.constant 1024 : i32
        %mul3A_711 = arith.muli %scan3A_555, %mul3A_710 : i32
        %add3A_712 = arith.constant 768 : i32
        %add3A_713 = arith.addi %mul3A_711, %add3A_712 : i32
        %add3A_714 = vector.broadcast %add3A_713 : i32 to vector<8x128xi32>
        %add3A_715 = arith.addi %add3A_714, %iota3A : vector<8x128xi32>
        %eq3A_716 = vector.broadcast %broadcast_in_dim3A_59 : vector<8x1xi32> to vector<8x128xi32>
        %eq3A_717 = arith.cmpi eq, %add3A_715, %eq3A_716 : vector<8x128xi32>
        %jit3A_718 = arith.constant -3.000000e+38 : f32
        %broadcast_in_dim3A_719 = vector.broadcast %jit3A_718 : f32 to vector<8x128xf32>
        %select_n3A_720 = arith.select %eq3A_717, %broadcast_in_dim3A_719, %get3A_709 : vector<8x128xi1>, vector<8x128xf32>
        %swap3A_721 = arith.index_cast %scan3A_555 : i32 to index
        %swap3A_722 = arith.constant 0 : index
        %swap3A_723 = arith.constant 768 : index
        %swap3A_724 = vector.load %arg4[%swap3A_721, %swap3A_722, %swap3A_723] : memref<8x8x1024xf32, #tpu.memory_space<vmem>>, vector<1x8x128xf32>
        %swap3A_725 = vector.shape_cast %swap3A_724 : vector<1x8x128xf32> to vector<8x128xf32>
        %swap3A_726 = vector.shape_cast %select_n3A_720 : vector<8x128xf32> to vector<1x8x128xf32>
        tpu.vector_store %arg4[%swap3A_721, %swap3A_722, %swap3A_723], %swap3A_726 {strides = array<i32>} : memref<8x8x1024xf32, #tpu.memory_space<vmem>>, vector<1x8x128xf32>,
        %gt3A_727 = arith.cmpf ogt, %select_n3A_720, %select_n3A_703 : vector<8x128xf32>
        %select_n3A_728 = arith.select %gt3A_727, %select_n3A_720, %select_n3A_703 : vector<8x128xi1>, vector<8x128xf32>
        %select_n3A_729 = arith.select %gt3A_727, %add3A_715, %select_n3A_704 : vector<8x128xi1>, vector<8x128xi32>
        %get3A_730 = arith.index_cast %scan3A_555 : i32 to index
        %get3A_731 = arith.constant 0 : index
        %get3A_732 = arith.constant 896 : index
        %get3A_733 = vector.load %arg4[%get3A_730, %get3A_731, %get3A_732] : memref<8x8x1024xf32, #tpu.memory_space<vmem>>, vector<1x8x128xf32>
        %get3A_734 = vector.shape_cast %get3A_733 : vector<1x8x128xf32> to vector<8x128xf32>
        %mul3A_735 = arith.constant 1024 : i32
        %mul3A_736 = arith.muli %scan3A_555, %mul3A_735 : i32
        %add3A_737 = arith.constant 896 : i32
        %add3A_738 = arith.addi %mul3A_736, %add3A_737 : i32
        %add3A_739 = vector.broadcast %add3A_738 : i32 to vector<8x128xi32>
        %add3A_740 = arith.addi %add3A_739, %iota3A : vector<8x128xi32>
        %eq3A_741 = vector.broadcast %broadcast_in_dim3A_59 : vector<8x1xi32> to vector<8x128xi32>
        %eq3A_742 = arith.cmpi eq, %add3A_740, %eq3A_741 : vector<8x128xi32>
        %jit3A_743 = arith.constant -3.000000e+38 : f32
        %broadcast_in_dim3A_744 = vector.broadcast %jit3A_743 : f32 to vector<8x128xf32>
        %select_n3A_745 = arith.select %eq3A_742, %broadcast_in_dim3A_744, %get3A_734 : vector<8x128xi1>, vector<8x128xf32>
        %swap3A_746 = arith.index_cast %scan3A_555 : i32 to index
        %swap3A_747 = arith.constant 0 : index
        %swap3A_748 = arith.constant 896 : index
        %swap3A_749 = vector.load %arg4[%swap3A_746, %swap3A_747, %swap3A_748] : memref<8x8x1024xf32, #tpu.memory_space<vmem>>, vector<1x8x128xf32>
        %swap3A_750 = vector.shape_cast %swap3A_749 : vector<1x8x128xf32> to vector<8x128xf32>
        %swap3A_751 = vector.shape_cast %select_n3A_745 : vector<8x128xf32> to vector<1x8x128xf32>
        tpu.vector_store %arg4[%swap3A_746, %swap3A_747, %swap3A_748], %swap3A_751 {strides = array<i32>} : memref<8x8x1024xf32, #tpu.memory_space<vmem>>, vector<1x8x128xf32>,
        %gt3A_752 = arith.cmpf ogt, %select_n3A_745, %select_n3A_728 : vector<8x128xf32>
        %select_n3A_753 = arith.select %gt3A_752, %select_n3A_745, %select_n3A_728 : vector<8x128xi1>, vector<8x128xf32>
        %select_n3A_754 = arith.select %gt3A_752, %add3A_740, %select_n3A_729 : vector<8x128xi1>, vector<8x128xi32>
        scf.yield %select_n3A_753, %select_n3A_754 : vector<8x128xf32>, vector<8x128xi32>
      }
      %scan3A_75 = arith.constant 8 : i32
      %reduce_max3A_76 = arith.constant dense<0xFF800000> : vector<8xf32>
      %reduce_max3A_77 = vector.multi_reduction <maximumf>, %scan3A_74#0, %reduce_max3A_76 [1] : vector<8x128xf32> to vector<8xf32>
      %broadcast_in_dim3A_78 = vector.shape_cast %reduce_max3A_77 : vector<8xf32> to vector<8x1xf32>
      %eq3A_79 = vector.broadcast %broadcast_in_dim3A_78 : vector<8x1xf32> to vector<8x128xf32>
      %eq3A_80 = arith.cmpf oeq, %scan3A_74#0, %eq3A_79 : vector<8x128xf32>
      %jit3A_81 = arith.constant 8192 : i32
      %broadcast_in_dim3A_82 = vector.broadcast %jit3A_81 : i32 to vector<8x128xi32>
      %select_n3A_83 = arith.select %eq3A_80, %scan3A_74#1, %broadcast_in_dim3A_82 : vector<8x128xi1>, vector<8x128xi32>
      %reduce_min3A_84 = arith.constant dense<2147483647> : vector<8xi32>
      %reduce_min3A_85 = vector.multi_reduction <minsi>, %select_n3A_83, %reduce_min3A_84 [1] : vector<8x128xi32> to vector<8xi32>
      %broadcast_in_dim3A_86 = vector.shape_cast %reduce_min3A_85 : vector<8xi32> to vector<8x1xi32>
      %eq3A_87 = arith.constant 2 : i32
      %eq3A_88 = vector.broadcast %eq3A_87 : i32 to vector<8x32xi32>
      %eq3A_89 = arith.cmpi eq, %iota3A_13, %eq3A_88 : vector<8x32xi32>
      %broadcast_in_dim3A_90 = vector.shape_cast %broadcast_in_dim3A_86 : vector<8x1xi32> to vector<8x1xi32>
      %broadcast_in_dim3A_91 = vector.broadcast %broadcast_in_dim3A_90 : vector<8x1xi32> to vector<8x32xi32>
      %select_n3A_92 = arith.select %eq3A_89, %broadcast_in_dim3A_91, %select_n3A_65 : vector<8x32xi1>, vector<8x32xi32>
      %broadcast_in_dim3A_93 = arith.constant -3.000000e+38 : f32
      %broadcast_in_dim3A_94 = vector.broadcast %broadcast_in_dim3A_93 : f32 to vector<8x128xf32>
      %broadcast_in_dim3A_95 = arith.constant 0 : i32
      %broadcast_in_dim3A_96 = vector.broadcast %broadcast_in_dim3A_95 : i32 to vector<8x128xi32>
      %scan3A_97 = arith.constant 0 : i32
      %scan3A_98 = arith.constant 8 : i32
      %scan3A_99 = arith.addi %scan3A_97, %scan3A_98 : i32
      %scan3A_100 = arith.constant 1 : i32
      %scan3A_101:2 = scf.for %scan3A_555 = %scan3A_97 to %scan3A_99 step %scan3A_100 iter_args(%scan3A_556 = %broadcast_in_dim3A_94, %scan3A_557 = %broadcast_in_dim3A_96) -> (vector<8x128xf32>, vector<8x128xi32>)  : i32 {
        %get3A_558 = arith.index_cast %scan3A_555 : i32 to index
        %get3A_559 = arith.constant 0 : index
        %get3A_560 = arith.constant 0 : index
        %get3A_561 = vector.load %arg4[%get3A_558, %get3A_559, %get3A_560] : memref<8x8x1024xf32, #tpu.memory_space<vmem>>, vector<1x8x128xf32>
        %get3A_562 = vector.shape_cast %get3A_561 : vector<1x8x128xf32> to vector<8x128xf32>
        %mul3A = arith.constant 1024 : i32
        %mul3A_563 = arith.muli %scan3A_555, %mul3A : i32
        %add3A = arith.constant 0 : i32
        %add3A_564 = arith.addi %mul3A_563, %add3A : i32
        %add3A_565 = vector.broadcast %add3A_564 : i32 to vector<8x128xi32>
        %add3A_566 = arith.addi %add3A_565, %iota3A : vector<8x128xi32>
        %eq3A_567 = vector.broadcast %broadcast_in_dim3A_86 : vector<8x1xi32> to vector<8x128xi32>
        %eq3A_568 = arith.cmpi eq, %add3A_566, %eq3A_567 : vector<8x128xi32>
        %jit3A_569 = arith.constant -3.000000e+38 : f32
        %broadcast_in_dim3A_570 = vector.broadcast %jit3A_569 : f32 to vector<8x128xf32>
        %select_n3A_571 = arith.select %eq3A_568, %broadcast_in_dim3A_570, %get3A_562 : vector<8x128xi1>, vector<8x128xf32>
        %swap3A_572 = arith.index_cast %scan3A_555 : i32 to index
        %swap3A_573 = arith.constant 0 : index
        %swap3A_574 = arith.constant 0 : index
        %swap3A_575 = vector.load %arg4[%swap3A_572, %swap3A_573, %swap3A_574] : memref<8x8x1024xf32, #tpu.memory_space<vmem>>, vector<1x8x128xf32>
        %swap3A_576 = vector.shape_cast %swap3A_575 : vector<1x8x128xf32> to vector<8x128xf32>
        %swap3A_577 = vector.shape_cast %select_n3A_571 : vector<8x128xf32> to vector<1x8x128xf32>
        tpu.vector_store %arg4[%swap3A_572, %swap3A_573, %swap3A_574], %swap3A_577 {strides = array<i32>} : memref<8x8x1024xf32, #tpu.memory_space<vmem>>, vector<1x8x128xf32>,
        %gt3A = arith.cmpf ogt, %select_n3A_571, %scan3A_556 : vector<8x128xf32>
        %select_n3A_578 = arith.select %gt3A, %select_n3A_571, %scan3A_556 : vector<8x128xi1>, vector<8x128xf32>
        %select_n3A_579 = arith.select %gt3A, %add3A_566, %scan3A_557 : vector<8x128xi1>, vector<8x128xi32>
        %get3A_580 = arith.index_cast %scan3A_555 : i32 to index
        %get3A_581 = arith.constant 0 : index
        %get3A_582 = arith.constant 128 : index
        %get3A_583 = vector.load %arg4[%get3A_580, %get3A_581, %get3A_582] : memref<8x8x1024xf32, #tpu.memory_space<vmem>>, vector<1x8x128xf32>
        %get3A_584 = vector.shape_cast %get3A_583 : vector<1x8x128xf32> to vector<8x128xf32>
        %mul3A_585 = arith.constant 1024 : i32
        %mul3A_586 = arith.muli %scan3A_555, %mul3A_585 : i32
        %add3A_587 = arith.constant 128 : i32
        %add3A_588 = arith.addi %mul3A_586, %add3A_587 : i32
        %add3A_589 = vector.broadcast %add3A_588 : i32 to vector<8x128xi32>
        %add3A_590 = arith.addi %add3A_589, %iota3A : vector<8x128xi32>
        %eq3A_591 = vector.broadcast %broadcast_in_dim3A_86 : vector<8x1xi32> to vector<8x128xi32>
        %eq3A_592 = arith.cmpi eq, %add3A_590, %eq3A_591 : vector<8x128xi32>
        %jit3A_593 = arith.constant -3.000000e+38 : f32
        %broadcast_in_dim3A_594 = vector.broadcast %jit3A_593 : f32 to vector<8x128xf32>
        %select_n3A_595 = arith.select %eq3A_592, %broadcast_in_dim3A_594, %get3A_584 : vector<8x128xi1>, vector<8x128xf32>
        %swap3A_596 = arith.index_cast %scan3A_555 : i32 to index
        %swap3A_597 = arith.constant 0 : index
        %swap3A_598 = arith.constant 128 : index
        %swap3A_599 = vector.load %arg4[%swap3A_596, %swap3A_597, %swap3A_598] : memref<8x8x1024xf32, #tpu.memory_space<vmem>>, vector<1x8x128xf32>
        %swap3A_600 = vector.shape_cast %swap3A_599 : vector<1x8x128xf32> to vector<8x128xf32>
        %swap3A_601 = vector.shape_cast %select_n3A_595 : vector<8x128xf32> to vector<1x8x128xf32>
        tpu.vector_store %arg4[%swap3A_596, %swap3A_597, %swap3A_598], %swap3A_601 {strides = array<i32>} : memref<8x8x1024xf32, #tpu.memory_space<vmem>>, vector<1x8x128xf32>,
        %gt3A_602 = arith.cmpf ogt, %select_n3A_595, %select_n3A_578 : vector<8x128xf32>
        %select_n3A_603 = arith.select %gt3A_602, %select_n3A_595, %select_n3A_578 : vector<8x128xi1>, vector<8x128xf32>
        %select_n3A_604 = arith.select %gt3A_602, %add3A_590, %select_n3A_579 : vector<8x128xi1>, vector<8x128xi32>
        %get3A_605 = arith.index_cast %scan3A_555 : i32 to index
        %get3A_606 = arith.constant 0 : index
        %get3A_607 = arith.constant 256 : index
        %get3A_608 = vector.load %arg4[%get3A_605, %get3A_606, %get3A_607] : memref<8x8x1024xf32, #tpu.memory_space<vmem>>, vector<1x8x128xf32>
        %get3A_609 = vector.shape_cast %get3A_608 : vector<1x8x128xf32> to vector<8x128xf32>
        %mul3A_610 = arith.constant 1024 : i32
        %mul3A_611 = arith.muli %scan3A_555, %mul3A_610 : i32
        %add3A_612 = arith.constant 256 : i32
        %add3A_613 = arith.addi %mul3A_611, %add3A_612 : i32
        %add3A_614 = vector.broadcast %add3A_613 : i32 to vector<8x128xi32>
        %add3A_615 = arith.addi %add3A_614, %iota3A : vector<8x128xi32>
        %eq3A_616 = vector.broadcast %broadcast_in_dim3A_86 : vector<8x1xi32> to vector<8x128xi32>
        %eq3A_617 = arith.cmpi eq, %add3A_615, %eq3A_616 : vector<8x128xi32>
        %jit3A_618 = arith.constant -3.000000e+38 : f32
        %broadcast_in_dim3A_619 = vector.broadcast %jit3A_618 : f32 to vector<8x128xf32>
        %select_n3A_620 = arith.select %eq3A_617, %broadcast_in_dim3A_619, %get3A_609 : vector<8x128xi1>, vector<8x128xf32>
        %swap3A_621 = arith.index_cast %scan3A_555 : i32 to index
        %swap3A_622 = arith.constant 0 : index
        %swap3A_623 = arith.constant 256 : index
        %swap3A_624 = vector.load %arg4[%swap3A_621, %swap3A_622, %swap3A_623] : memref<8x8x1024xf32, #tpu.memory_space<vmem>>, vector<1x8x128xf32>
        %swap3A_625 = vector.shape_cast %swap3A_624 : vector<1x8x128xf32> to vector<8x128xf32>
        %swap3A_626 = vector.shape_cast %select_n3A_620 : vector<8x128xf32> to vector<1x8x128xf32>
        tpu.vector_store %arg4[%swap3A_621, %swap3A_622, %swap3A_623], %swap3A_626 {strides = array<i32>} : memref<8x8x1024xf32, #tpu.memory_space<vmem>>, vector<1x8x128xf32>,
        %gt3A_627 = arith.cmpf ogt, %select_n3A_620, %select_n3A_603 : vector<8x128xf32>
        %select_n3A_628 = arith.select %gt3A_627, %select_n3A_620, %select_n3A_603 : vector<8x128xi1>, vector<8x128xf32>
        %select_n3A_629 = arith.select %gt3A_627, %add3A_615, %select_n3A_604 : vector<8x128xi1>, vector<8x128xi32>
        %get3A_630 = arith.index_cast %scan3A_555 : i32 to index
        %get3A_631 = arith.constant 0 : index
        %get3A_632 = arith.constant 384 : index
        %get3A_633 = vector.load %arg4[%get3A_630, %get3A_631, %get3A_632] : memref<8x8x1024xf32, #tpu.memory_space<vmem>>, vector<1x8x128xf32>
        %get3A_634 = vector.shape_cast %get3A_633 : vector<1x8x128xf32> to vector<8x128xf32>
        %mul3A_635 = arith.constant 1024 : i32
        %mul3A_636 = arith.muli %scan3A_555, %mul3A_635 : i32
        %add3A_637 = arith.constant 384 : i32
        %add3A_638 = arith.addi %mul3A_636, %add3A_637 : i32
        %add3A_639 = vector.broadcast %add3A_638 : i32 to vector<8x128xi32>
        %add3A_640 = arith.addi %add3A_639, %iota3A : vector<8x128xi32>
        %eq3A_641 = vector.broadcast %broadcast_in_dim3A_86 : vector<8x1xi32> to vector<8x128xi32>
        %eq3A_642 = arith.cmpi eq, %add3A_640, %eq3A_641 : vector<8x128xi32>
        %jit3A_643 = arith.constant -3.000000e+38 : f32
        %broadcast_in_dim3A_644 = vector.broadcast %jit3A_643 : f32 to vector<8x128xf32>
        %select_n3A_645 = arith.select %eq3A_642, %broadcast_in_dim3A_644, %get3A_634 : vector<8x128xi1>, vector<8x128xf32>
        %swap3A_646 = arith.index_cast %scan3A_555 : i32 to index
        %swap3A_647 = arith.constant 0 : index
        %swap3A_648 = arith.constant 384 : index
        %swap3A_649 = vector.load %arg4[%swap3A_646, %swap3A_647, %swap3A_648] : memref<8x8x1024xf32, #tpu.memory_space<vmem>>, vector<1x8x128xf32>
        %swap3A_650 = vector.shape_cast %swap3A_649 : vector<1x8x128xf32> to vector<8x128xf32>
        %swap3A_651 = vector.shape_cast %select_n3A_645 : vector<8x128xf32> to vector<1x8x128xf32>
        tpu.vector_store %arg4[%swap3A_646, %swap3A_647, %swap3A_648], %swap3A_651 {strides = array<i32>} : memref<8x8x1024xf32, #tpu.memory_space<vmem>>, vector<1x8x128xf32>,
        %gt3A_652 = arith.cmpf ogt, %select_n3A_645, %select_n3A_628 : vector<8x128xf32>
        %select_n3A_653 = arith.select %gt3A_652, %select_n3A_645, %select_n3A_628 : vector<8x128xi1>, vector<8x128xf32>
        %select_n3A_654 = arith.select %gt3A_652, %add3A_640, %select_n3A_629 : vector<8x128xi1>, vector<8x128xi32>
        %get3A_655 = arith.index_cast %scan3A_555 : i32 to index
        %get3A_656 = arith.constant 0 : index
        %get3A_657 = arith.constant 512 : index
        %get3A_658 = vector.load %arg4[%get3A_655, %get3A_656, %get3A_657] : memref<8x8x1024xf32, #tpu.memory_space<vmem>>, vector<1x8x128xf32>
        %get3A_659 = vector.shape_cast %get3A_658 : vector<1x8x128xf32> to vector<8x128xf32>
        %mul3A_660 = arith.constant 1024 : i32
        %mul3A_661 = arith.muli %scan3A_555, %mul3A_660 : i32
        %add3A_662 = arith.constant 512 : i32
        %add3A_663 = arith.addi %mul3A_661, %add3A_662 : i32
        %add3A_664 = vector.broadcast %add3A_663 : i32 to vector<8x128xi32>
        %add3A_665 = arith.addi %add3A_664, %iota3A : vector<8x128xi32>
        %eq3A_666 = vector.broadcast %broadcast_in_dim3A_86 : vector<8x1xi32> to vector<8x128xi32>
        %eq3A_667 = arith.cmpi eq, %add3A_665, %eq3A_666 : vector<8x128xi32>
        %jit3A_668 = arith.constant -3.000000e+38 : f32
        %broadcast_in_dim3A_669 = vector.broadcast %jit3A_668 : f32 to vector<8x128xf32>
        %select_n3A_670 = arith.select %eq3A_667, %broadcast_in_dim3A_669, %get3A_659 : vector<8x128xi1>, vector<8x128xf32>
        %swap3A_671 = arith.index_cast %scan3A_555 : i32 to index
        %swap3A_672 = arith.constant 0 : index
        %swap3A_673 = arith.constant 512 : index
        %swap3A_674 = vector.load %arg4[%swap3A_671, %swap3A_672, %swap3A_673] : memref<8x8x1024xf32, #tpu.memory_space<vmem>>, vector<1x8x128xf32>
        %swap3A_675 = vector.shape_cast %swap3A_674 : vector<1x8x128xf32> to vector<8x128xf32>
        %swap3A_676 = vector.shape_cast %select_n3A_670 : vector<8x128xf32> to vector<1x8x128xf32>
        tpu.vector_store %arg4[%swap3A_671, %swap3A_672, %swap3A_673], %swap3A_676 {strides = array<i32>} : memref<8x8x1024xf32, #tpu.memory_space<vmem>>, vector<1x8x128xf32>,
        %gt3A_677 = arith.cmpf ogt, %select_n3A_670, %select_n3A_653 : vector<8x128xf32>
        %select_n3A_678 = arith.select %gt3A_677, %select_n3A_670, %select_n3A_653 : vector<8x128xi1>, vector<8x128xf32>
        %select_n3A_679 = arith.select %gt3A_677, %add3A_665, %select_n3A_654 : vector<8x128xi1>, vector<8x128xi32>
        %get3A_680 = arith.index_cast %scan3A_555 : i32 to index
        %get3A_681 = arith.constant 0 : index
        %get3A_682 = arith.constant 640 : index
        %get3A_683 = vector.load %arg4[%get3A_680, %get3A_681, %get3A_682] : memref<8x8x1024xf32, #tpu.memory_space<vmem>>, vector<1x8x128xf32>
        %get3A_684 = vector.shape_cast %get3A_683 : vector<1x8x128xf32> to vector<8x128xf32>
        %mul3A_685 = arith.constant 1024 : i32
        %mul3A_686 = arith.muli %scan3A_555, %mul3A_685 : i32
        %add3A_687 = arith.constant 640 : i32
        %add3A_688 = arith.addi %mul3A_686, %add3A_687 : i32
        %add3A_689 = vector.broadcast %add3A_688 : i32 to vector<8x128xi32>
        %add3A_690 = arith.addi %add3A_689, %iota3A : vector<8x128xi32>
        %eq3A_691 = vector.broadcast %broadcast_in_dim3A_86 : vector<8x1xi32> to vector<8x128xi32>
        %eq3A_692 = arith.cmpi eq, %add3A_690, %eq3A_691 : vector<8x128xi32>
        %jit3A_693 = arith.constant -3.000000e+38 : f32
        %broadcast_in_dim3A_694 = vector.broadcast %jit3A_693 : f32 to vector<8x128xf32>
        %select_n3A_695 = arith.select %eq3A_692, %broadcast_in_dim3A_694, %get3A_684 : vector<8x128xi1>, vector<8x128xf32>
        %swap3A_696 = arith.index_cast %scan3A_555 : i32 to index
        %swap3A_697 = arith.constant 0 : index
        %swap3A_698 = arith.constant 640 : index
        %swap3A_699 = vector.load %arg4[%swap3A_696, %swap3A_697, %swap3A_698] : memref<8x8x1024xf32, #tpu.memory_space<vmem>>, vector<1x8x128xf32>
        %swap3A_700 = vector.shape_cast %swap3A_699 : vector<1x8x128xf32> to vector<8x128xf32>
        %swap3A_701 = vector.shape_cast %select_n3A_695 : vector<8x128xf32> to vector<1x8x128xf32>
        tpu.vector_store %arg4[%swap3A_696, %swap3A_697, %swap3A_698], %swap3A_701 {strides = array<i32>} : memref<8x8x1024xf32, #tpu.memory_space<vmem>>, vector<1x8x128xf32>,
        %gt3A_702 = arith.cmpf ogt, %select_n3A_695, %select_n3A_678 : vector<8x128xf32>
        %select_n3A_703 = arith.select %gt3A_702, %select_n3A_695, %select_n3A_678 : vector<8x128xi1>, vector<8x128xf32>
        %select_n3A_704 = arith.select %gt3A_702, %add3A_690, %select_n3A_679 : vector<8x128xi1>, vector<8x128xi32>
        %get3A_705 = arith.index_cast %scan3A_555 : i32 to index
        %get3A_706 = arith.constant 0 : index
        %get3A_707 = arith.constant 768 : index
        %get3A_708 = vector.load %arg4[%get3A_705, %get3A_706, %get3A_707] : memref<8x8x1024xf32, #tpu.memory_space<vmem>>, vector<1x8x128xf32>
        %get3A_709 = vector.shape_cast %get3A_708 : vector<1x8x128xf32> to vector<8x128xf32>
        %mul3A_710 = arith.constant 1024 : i32
        %mul3A_711 = arith.muli %scan3A_555, %mul3A_710 : i32
        %add3A_712 = arith.constant 768 : i32
        %add3A_713 = arith.addi %mul3A_711, %add3A_712 : i32
        %add3A_714 = vector.broadcast %add3A_713 : i32 to vector<8x128xi32>
        %add3A_715 = arith.addi %add3A_714, %iota3A : vector<8x128xi32>
        %eq3A_716 = vector.broadcast %broadcast_in_dim3A_86 : vector<8x1xi32> to vector<8x128xi32>
        %eq3A_717 = arith.cmpi eq, %add3A_715, %eq3A_716 : vector<8x128xi32>
        %jit3A_718 = arith.constant -3.000000e+38 : f32
        %broadcast_in_dim3A_719 = vector.broadcast %jit3A_718 : f32 to vector<8x128xf32>
        %select_n3A_720 = arith.select %eq3A_717, %broadcast_in_dim3A_719, %get3A_709 : vector<8x128xi1>, vector<8x128xf32>
        %swap3A_721 = arith.index_cast %scan3A_555 : i32 to index
        %swap3A_722 = arith.constant 0 : index
        %swap3A_723 = arith.constant 768 : index
        %swap3A_724 = vector.load %arg4[%swap3A_721, %swap3A_722, %swap3A_723] : memref<8x8x1024xf32, #tpu.memory_space<vmem>>, vector<1x8x128xf32>
        %swap3A_725 = vector.shape_cast %swap3A_724 : vector<1x8x128xf32> to vector<8x128xf32>
        %swap3A_726 = vector.shape_cast %select_n3A_720 : vector<8x128xf32> to vector<1x8x128xf32>
        tpu.vector_store %arg4[%swap3A_721, %swap3A_722, %swap3A_723], %swap3A_726 {strides = array<i32>} : memref<8x8x1024xf32, #tpu.memory_space<vmem>>, vector<1x8x128xf32>,
        %gt3A_727 = arith.cmpf ogt, %select_n3A_720, %select_n3A_703 : vector<8x128xf32>
        %select_n3A_728 = arith.select %gt3A_727, %select_n3A_720, %select_n3A_703 : vector<8x128xi1>, vector<8x128xf32>
        %select_n3A_729 = arith.select %gt3A_727, %add3A_715, %select_n3A_704 : vector<8x128xi1>, vector<8x128xi32>
        %get3A_730 = arith.index_cast %scan3A_555 : i32 to index
        %get3A_731 = arith.constant 0 : index
        %get3A_732 = arith.constant 896 : index
        %get3A_733 = vector.load %arg4[%get3A_730, %get3A_731, %get3A_732] : memref<8x8x1024xf32, #tpu.memory_space<vmem>>, vector<1x8x128xf32>
        %get3A_734 = vector.shape_cast %get3A_733 : vector<1x8x128xf32> to vector<8x128xf32>
        %mul3A_735 = arith.constant 1024 : i32
        %mul3A_736 = arith.muli %scan3A_555, %mul3A_735 : i32
        %add3A_737 = arith.constant 896 : i32
        %add3A_738 = arith.addi %mul3A_736, %add3A_737 : i32
        %add3A_739 = vector.broadcast %add3A_738 : i32 to vector<8x128xi32>
        %add3A_740 = arith.addi %add3A_739, %iota3A : vector<8x128xi32>
        %eq3A_741 = vector.broadcast %broadcast_in_dim3A_86 : vector<8x1xi32> to vector<8x128xi32>
        %eq3A_742 = arith.cmpi eq, %add3A_740, %eq3A_741 : vector<8x128xi32>
        %jit3A_743 = arith.constant -3.000000e+38 : f32
        %broadcast_in_dim3A_744 = vector.broadcast %jit3A_743 : f32 to vector<8x128xf32>
        %select_n3A_745 = arith.select %eq3A_742, %broadcast_in_dim3A_744, %get3A_734 : vector<8x128xi1>, vector<8x128xf32>
        %swap3A_746 = arith.index_cast %scan3A_555 : i32 to index
        %swap3A_747 = arith.constant 0 : index
        %swap3A_748 = arith.constant 896 : index
        %swap3A_749 = vector.load %arg4[%swap3A_746, %swap3A_747, %swap3A_748] : memref<8x8x1024xf32, #tpu.memory_space<vmem>>, vector<1x8x128xf32>
        %swap3A_750 = vector.shape_cast %swap3A_749 : vector<1x8x128xf32> to vector<8x128xf32>
        %swap3A_751 = vector.shape_cast %select_n3A_745 : vector<8x128xf32> to vector<1x8x128xf32>
        tpu.vector_store %arg4[%swap3A_746, %swap3A_747, %swap3A_748], %swap3A_751 {strides = array<i32>} : memref<8x8x1024xf32, #tpu.memory_space<vmem>>, vector<1x8x128xf32>,
        %gt3A_752 = arith.cmpf ogt, %select_n3A_745, %select_n3A_728 : vector<8x128xf32>
        %select_n3A_753 = arith.select %gt3A_752, %select_n3A_745, %select_n3A_728 : vector<8x128xi1>, vector<8x128xf32>
        %select_n3A_754 = arith.select %gt3A_752, %add3A_740, %select_n3A_729 : vector<8x128xi1>, vector<8x128xi32>
        scf.yield %select_n3A_753, %select_n3A_754 : vector<8x128xf32>, vector<8x128xi32>
      }
      %scan3A_102 = arith.constant 8 : i32
      %reduce_max3A_103 = arith.constant dense<0xFF800000> : vector<8xf32>
      %reduce_max3A_104 = vector.multi_reduction <maximumf>, %scan3A_101#0, %reduce_max3A_103 [1] : vector<8x128xf32> to vector<8xf32>
      %broadcast_in_dim3A_105 = vector.shape_cast %reduce_max3A_104 : vector<8xf32> to vector<8x1xf32>
      %eq3A_106 = vector.broadcast %broadcast_in_dim3A_105 : vector<8x1xf32> to vector<8x128xf32>
      %eq3A_107 = arith.cmpf oeq, %scan3A_101#0, %eq3A_106 : vector<8x128xf32>
      %jit3A_108 = arith.constant 8192 : i32
      %broadcast_in_dim3A_109 = vector.broadcast %jit3A_108 : i32 to vector<8x128xi32>
      %select_n3A_110 = arith.select %eq3A_107, %scan3A_101#1, %broadcast_in_dim3A_109 : vector<8x128xi1>, vector<8x128xi32>
      %reduce_min3A_111 = arith.constant dense<2147483647> : vector<8xi32>
      %reduce_min3A_112 = vector.multi_reduction <minsi>, %select_n3A_110, %reduce_min3A_111 [1] : vector<8x128xi32> to vector<8xi32>
      %broadcast_in_dim3A_113 = vector.shape_cast %reduce_min3A_112 : vector<8xi32> to vector<8x1xi32>
      %eq3A_114 = arith.constant 3 : i32
      %eq3A_115 = vector.broadcast %eq3A_114 : i32 to vector<8x32xi32>
      %eq3A_116 = arith.cmpi eq, %iota3A_13, %eq3A_115 : vector<8x32xi32>
      %broadcast_in_dim3A_117 = vector.shape_cast %broadcast_in_dim3A_113 : vector<8x1xi32> to vector<8x1xi32>
      %broadcast_in_dim3A_118 = vector.broadcast %broadcast_in_dim3A_117 : vector<8x1xi32> to vector<8x32xi32>
      %select_n3A_119 = arith.select %eq3A_116, %broadcast_in_dim3A_118, %select_n3A_92 : vector<8x32xi1>, vector<8x32xi32>
      %broadcast_in_dim3A_120 = arith.constant -3.000000e+38 : f32
      %broadcast_in_dim3A_121 = vector.broadcast %broadcast_in_dim3A_120 : f32 to vector<8x128xf32>
      %broadcast_in_dim3A_122 = arith.constant 0 : i32
      %broadcast_in_dim3A_123 = vector.broadcast %broadcast_in_dim3A_122 : i32 to vector<8x128xi32>
      %scan3A_124 = arith.constant 0 : i32
      %scan3A_125 = arith.constant 8 : i32
      %scan3A_126 = arith.addi %scan3A_124, %scan3A_125 : i32
      %scan3A_127 = arith.constant 1 : i32
      %scan3A_128:2 = scf.for %scan3A_555 = %scan3A_124 to %scan3A_126 step %scan3A_127 iter_args(%scan3A_556 = %broadcast_in_dim3A_121, %scan3A_557 = %broadcast_in_dim3A_123) -> (vector<8x128xf32>, vector<8x128xi32>)  : i32 {
        %get3A_558 = arith.index_cast %scan3A_555 : i32 to index
        %get3A_559 = arith.constant 0 : index
        %get3A_560 = arith.constant 0 : index
        %get3A_561 = vector.load %arg4[%get3A_558, %get3A_559, %get3A_560] : memref<8x8x1024xf32, #tpu.memory_space<vmem>>, vector<1x8x128xf32>
        %get3A_562 = vector.shape_cast %get3A_561 : vector<1x8x128xf32> to vector<8x128xf32>
        %mul3A = arith.constant 1024 : i32
        %mul3A_563 = arith.muli %scan3A_555, %mul3A : i32
        %add3A = arith.constant 0 : i32
        %add3A_564 = arith.addi %mul3A_563, %add3A : i32
        %add3A_565 = vector.broadcast %add3A_564 : i32 to vector<8x128xi32>
        %add3A_566 = arith.addi %add3A_565, %iota3A : vector<8x128xi32>
        %eq3A_567 = vector.broadcast %broadcast_in_dim3A_113 : vector<8x1xi32> to vector<8x128xi32>
        %eq3A_568 = arith.cmpi eq, %add3A_566, %eq3A_567 : vector<8x128xi32>
        %jit3A_569 = arith.constant -3.000000e+38 : f32
        %broadcast_in_dim3A_570 = vector.broadcast %jit3A_569 : f32 to vector<8x128xf32>
        %select_n3A_571 = arith.select %eq3A_568, %broadcast_in_dim3A_570, %get3A_562 : vector<8x128xi1>, vector<8x128xf32>
        %swap3A_572 = arith.index_cast %scan3A_555 : i32 to index
        %swap3A_573 = arith.constant 0 : index
        %swap3A_574 = arith.constant 0 : index
        %swap3A_575 = vector.load %arg4[%swap3A_572, %swap3A_573, %swap3A_574] : memref<8x8x1024xf32, #tpu.memory_space<vmem>>, vector<1x8x128xf32>
        %swap3A_576 = vector.shape_cast %swap3A_575 : vector<1x8x128xf32> to vector<8x128xf32>
        %swap3A_577 = vector.shape_cast %select_n3A_571 : vector<8x128xf32> to vector<1x8x128xf32>
        tpu.vector_store %arg4[%swap3A_572, %swap3A_573, %swap3A_574], %swap3A_577 {strides = array<i32>} : memref<8x8x1024xf32, #tpu.memory_space<vmem>>, vector<1x8x128xf32>,
        %gt3A = arith.cmpf ogt, %select_n3A_571, %scan3A_556 : vector<8x128xf32>
        %select_n3A_578 = arith.select %gt3A, %select_n3A_571, %scan3A_556 : vector<8x128xi1>, vector<8x128xf32>
        %select_n3A_579 = arith.select %gt3A, %add3A_566, %scan3A_557 : vector<8x128xi1>, vector<8x128xi32>
        %get3A_580 = arith.index_cast %scan3A_555 : i32 to index
        %get3A_581 = arith.constant 0 : index
        %get3A_582 = arith.constant 128 : index
        %get3A_583 = vector.load %arg4[%get3A_580, %get3A_581, %get3A_582] : memref<8x8x1024xf32, #tpu.memory_space<vmem>>, vector<1x8x128xf32>
        %get3A_584 = vector.shape_cast %get3A_583 : vector<1x8x128xf32> to vector<8x128xf32>
        %mul3A_585 = arith.constant 1024 : i32
        %mul3A_586 = arith.muli %scan3A_555, %mul3A_585 : i32
        %add3A_587 = arith.constant 128 : i32
        %add3A_588 = arith.addi %mul3A_586, %add3A_587 : i32
        %add3A_589 = vector.broadcast %add3A_588 : i32 to vector<8x128xi32>
        %add3A_590 = arith.addi %add3A_589, %iota3A : vector<8x128xi32>
        %eq3A_591 = vector.broadcast %broadcast_in_dim3A_113 : vector<8x1xi32> to vector<8x128xi32>
        %eq3A_592 = arith.cmpi eq, %add3A_590, %eq3A_591 : vector<8x128xi32>
        %jit3A_593 = arith.constant -3.000000e+38 : f32
        %broadcast_in_dim3A_594 = vector.broadcast %jit3A_593 : f32 to vector<8x128xf32>
        %select_n3A_595 = arith.select %eq3A_592, %broadcast_in_dim3A_594, %get3A_584 : vector<8x128xi1>, vector<8x128xf32>
        %swap3A_596 = arith.index_cast %scan3A_555 : i32 to index
        %swap3A_597 = arith.constant 0 : index
        %swap3A_598 = arith.constant 128 : index
        %swap3A_599 = vector.load %arg4[%swap3A_596, %swap3A_597, %swap3A_598] : memref<8x8x1024xf32, #tpu.memory_space<vmem>>, vector<1x8x128xf32>
        %swap3A_600 = vector.shape_cast %swap3A_599 : vector<1x8x128xf32> to vector<8x128xf32>
        %swap3A_601 = vector.shape_cast %select_n3A_595 : vector<8x128xf32> to vector<1x8x128xf32>
        tpu.vector_store %arg4[%swap3A_596, %swap3A_597, %swap3A_598], %swap3A_601 {strides = array<i32>} : memref<8x8x1024xf32, #tpu.memory_space<vmem>>, vector<1x8x128xf32>,
        %gt3A_602 = arith.cmpf ogt, %select_n3A_595, %select_n3A_578 : vector<8x128xf32>
        %select_n3A_603 = arith.select %gt3A_602, %select_n3A_595, %select_n3A_578 : vector<8x128xi1>, vector<8x128xf32>
        %select_n3A_604 = arith.select %gt3A_602, %add3A_590, %select_n3A_579 : vector<8x128xi1>, vector<8x128xi32>
        %get3A_605 = arith.index_cast %scan3A_555 : i32 to index
        %get3A_606 = arith.constant 0 : index
        %get3A_607 = arith.constant 256 : index
        %get3A_608 = vector.load %arg4[%get3A_605, %get3A_606, %get3A_607] : memref<8x8x1024xf32, #tpu.memory_space<vmem>>, vector<1x8x128xf32>
        %get3A_609 = vector.shape_cast %get3A_608 : vector<1x8x128xf32> to vector<8x128xf32>
        %mul3A_610 = arith.constant 1024 : i32
        %mul3A_611 = arith.muli %scan3A_555, %mul3A_610 : i32
        %add3A_612 = arith.constant 256 : i32
        %add3A_613 = arith.addi %mul3A_611, %add3A_612 : i32
        %add3A_614 = vector.broadcast %add3A_613 : i32 to vector<8x128xi32>
        %add3A_615 = arith.addi %add3A_614, %iota3A : vector<8x128xi32>
        %eq3A_616 = vector.broadcast %broadcast_in_dim3A_113 : vector<8x1xi32> to vector<8x128xi32>
        %eq3A_617 = arith.cmpi eq, %add3A_615, %eq3A_616 : vector<8x128xi32>
        %jit3A_618 = arith.constant -3.000000e+38 : f32
        %broadcast_in_dim3A_619 = vector.broadcast %jit3A_618 : f32 to vector<8x128xf32>
        %select_n3A_620 = arith.select %eq3A_617, %broadcast_in_dim3A_619, %get3A_609 : vector<8x128xi1>, vector<8x128xf32>
        %swap3A_621 = arith.index_cast %scan3A_555 : i32 to index
        %swap3A_622 = arith.constant 0 : index
        %swap3A_623 = arith.constant 256 : index
        %swap3A_624 = vector.load %arg4[%swap3A_621, %swap3A_622, %swap3A_623] : memref<8x8x1024xf32, #tpu.memory_space<vmem>>, vector<1x8x128xf32>
        %swap3A_625 = vector.shape_cast %swap3A_624 : vector<1x8x128xf32> to vector<8x128xf32>
        %swap3A_626 = vector.shape_cast %select_n3A_620 : vector<8x128xf32> to vector<1x8x128xf32>
        tpu.vector_store %arg4[%swap3A_621, %swap3A_622, %swap3A_623], %swap3A_626 {strides = array<i32>} : memref<8x8x1024xf32, #tpu.memory_space<vmem>>, vector<1x8x128xf32>,
        %gt3A_627 = arith.cmpf ogt, %select_n3A_620, %select_n3A_603 : vector<8x128xf32>
        %select_n3A_628 = arith.select %gt3A_627, %select_n3A_620, %select_n3A_603 : vector<8x128xi1>, vector<8x128xf32>
        %select_n3A_629 = arith.select %gt3A_627, %add3A_615, %select_n3A_604 : vector<8x128xi1>, vector<8x128xi32>
        %get3A_630 = arith.index_cast %scan3A_555 : i32 to index
        %get3A_631 = arith.constant 0 : index
        %get3A_632 = arith.constant 384 : index
        %get3A_633 = vector.load %arg4[%get3A_630, %get3A_631, %get3A_632] : memref<8x8x1024xf32, #tpu.memory_space<vmem>>, vector<1x8x128xf32>
        %get3A_634 = vector.shape_cast %get3A_633 : vector<1x8x128xf32> to vector<8x128xf32>
        %mul3A_635 = arith.constant 1024 : i32
        %mul3A_636 = arith.muli %scan3A_555, %mul3A_635 : i32
        %add3A_637 = arith.constant 384 : i32
        %add3A_638 = arith.addi %mul3A_636, %add3A_637 : i32
        %add3A_639 = vector.broadcast %add3A_638 : i32 to vector<8x128xi32>
        %add3A_640 = arith.addi %add3A_639, %iota3A : vector<8x128xi32>
        %eq3A_641 = vector.broadcast %broadcast_in_dim3A_113 : vector<8x1xi32> to vector<8x128xi32>
        %eq3A_642 = arith.cmpi eq, %add3A_640, %eq3A_641 : vector<8x128xi32>
        %jit3A_643 = arith.constant -3.000000e+38 : f32
        %broadcast_in_dim3A_644 = vector.broadcast %jit3A_643 : f32 to vector<8x128xf32>
        %select_n3A_645 = arith.select %eq3A_642, %broadcast_in_dim3A_644, %get3A_634 : vector<8x128xi1>, vector<8x128xf32>
        %swap3A_646 = arith.index_cast %scan3A_555 : i32 to index
        %swap3A_647 = arith.constant 0 : index
        %swap3A_648 = arith.constant 384 : index
        %swap3A_649 = vector.load %arg4[%swap3A_646, %swap3A_647, %swap3A_648] : memref<8x8x1024xf32, #tpu.memory_space<vmem>>, vector<1x8x128xf32>
        %swap3A_650 = vector.shape_cast %swap3A_649 : vector<1x8x128xf32> to vector<8x128xf32>
        %swap3A_651 = vector.shape_cast %select_n3A_645 : vector<8x128xf32> to vector<1x8x128xf32>
        tpu.vector_store %arg4[%swap3A_646, %swap3A_647, %swap3A_648], %swap3A_651 {strides = array<i32>} : memref<8x8x1024xf32, #tpu.memory_space<vmem>>, vector<1x8x128xf32>,
        %gt3A_652 = arith.cmpf ogt, %select_n3A_645, %select_n3A_628 : vector<8x128xf32>
        %select_n3A_653 = arith.select %gt3A_652, %select_n3A_645, %select_n3A_628 : vector<8x128xi1>, vector<8x128xf32>
        %select_n3A_654 = arith.select %gt3A_652, %add3A_640, %select_n3A_629 : vector<8x128xi1>, vector<8x128xi32>
        %get3A_655 = arith.index_cast %scan3A_555 : i32 to index
        %get3A_656 = arith.constant 0 : index
        %get3A_657 = arith.constant 512 : index
        %get3A_658 = vector.load %arg4[%get3A_655, %get3A_656, %get3A_657] : memref<8x8x1024xf32, #tpu.memory_space<vmem>>, vector<1x8x128xf32>
        %get3A_659 = vector.shape_cast %get3A_658 : vector<1x8x128xf32> to vector<8x128xf32>
        %mul3A_660 = arith.constant 1024 : i32
        %mul3A_661 = arith.muli %scan3A_555, %mul3A_660 : i32
        %add3A_662 = arith.constant 512 : i32
        %add3A_663 = arith.addi %mul3A_661, %add3A_662 : i32
        %add3A_664 = vector.broadcast %add3A_663 : i32 to vector<8x128xi32>
        %add3A_665 = arith.addi %add3A_664, %iota3A : vector<8x128xi32>
        %eq3A_666 = vector.broadcast %broadcast_in_dim3A_113 : vector<8x1xi32> to vector<8x128xi32>
        %eq3A_667 = arith.cmpi eq, %add3A_665, %eq3A_666 : vector<8x128xi32>
        %jit3A_668 = arith.constant -3.000000e+38 : f32
        %broadcast_in_dim3A_669 = vector.broadcast %jit3A_668 : f32 to vector<8x128xf32>
        %select_n3A_670 = arith.select %eq3A_667, %broadcast_in_dim3A_669, %get3A_659 : vector<8x128xi1>, vector<8x128xf32>
        %swap3A_671 = arith.index_cast %scan3A_555 : i32 to index
        %swap3A_672 = arith.constant 0 : index
        %swap3A_673 = arith.constant 512 : index
        %swap3A_674 = vector.load %arg4[%swap3A_671, %swap3A_672, %swap3A_673] : memref<8x8x1024xf32, #tpu.memory_space<vmem>>, vector<1x8x128xf32>
        %swap3A_675 = vector.shape_cast %swap3A_674 : vector<1x8x128xf32> to vector<8x128xf32>
        %swap3A_676 = vector.shape_cast %select_n3A_670 : vector<8x128xf32> to vector<1x8x128xf32>
        tpu.vector_store %arg4[%swap3A_671, %swap3A_672, %swap3A_673], %swap3A_676 {strides = array<i32>} : memref<8x8x1024xf32, #tpu.memory_space<vmem>>, vector<1x8x128xf32>,
        %gt3A_677 = arith.cmpf ogt, %select_n3A_670, %select_n3A_653 : vector<8x128xf32>
        %select_n3A_678 = arith.select %gt3A_677, %select_n3A_670, %select_n3A_653 : vector<8x128xi1>, vector<8x128xf32>
        %select_n3A_679 = arith.select %gt3A_677, %add3A_665, %select_n3A_654 : vector<8x128xi1>, vector<8x128xi32>
        %get3A_680 = arith.index_cast %scan3A_555 : i32 to index
        %get3A_681 = arith.constant 0 : index
        %get3A_682 = arith.constant 640 : index
        %get3A_683 = vector.load %arg4[%get3A_680, %get3A_681, %get3A_682] : memref<8x8x1024xf32, #tpu.memory_space<vmem>>, vector<1x8x128xf32>
        %get3A_684 = vector.shape_cast %get3A_683 : vector<1x8x128xf32> to vector<8x128xf32>
        %mul3A_685 = arith.constant 1024 : i32
        %mul3A_686 = arith.muli %scan3A_555, %mul3A_685 : i32
        %add3A_687 = arith.constant 640 : i32
        %add3A_688 = arith.addi %mul3A_686, %add3A_687 : i32
        %add3A_689 = vector.broadcast %add3A_688 : i32 to vector<8x128xi32>
        %add3A_690 = arith.addi %add3A_689, %iota3A : vector<8x128xi32>
        %eq3A_691 = vector.broadcast %broadcast_in_dim3A_113 : vector<8x1xi32> to vector<8x128xi32>
        %eq3A_692 = arith.cmpi eq, %add3A_690, %eq3A_691 : vector<8x128xi32>
        %jit3A_693 = arith.constant -3.000000e+38 : f32
        %broadcast_in_dim3A_694 = vector.broadcast %jit3A_693 : f32 to vector<8x128xf32>
        %select_n3A_695 = arith.select %eq3A_692, %broadcast_in_dim3A_694, %get3A_684 : vector<8x128xi1>, vector<8x128xf32>
        %swap3A_696 = arith.index_cast %scan3A_555 : i32 to index
        %swap3A_697 = arith.constant 0 : index
        %swap3A_698 = arith.constant 640 : index
        %swap3A_699 = vector.load %arg4[%swap3A_696, %swap3A_697, %swap3A_698] : memref<8x8x1024xf32, #tpu.memory_space<vmem>>, vector<1x8x128xf32>
        %swap3A_700 = vector.shape_cast %swap3A_699 : vector<1x8x128xf32> to vector<8x128xf32>
        %swap3A_701 = vector.shape_cast %select_n3A_695 : vector<8x128xf32> to vector<1x8x128xf32>
        tpu.vector_store %arg4[%swap3A_696, %swap3A_697, %swap3A_698], %swap3A_701 {strides = array<i32>} : memref<8x8x1024xf32, #tpu.memory_space<vmem>>, vector<1x8x128xf32>,
        %gt3A_702 = arith.cmpf ogt, %select_n3A_695, %select_n3A_678 : vector<8x128xf32>
        %select_n3A_703 = arith.select %gt3A_702, %select_n3A_695, %select_n3A_678 : vector<8x128xi1>, vector<8x128xf32>
        %select_n3A_704 = arith.select %gt3A_702, %add3A_690, %select_n3A_679 : vector<8x128xi1>, vector<8x128xi32>
        %get3A_705 = arith.index_cast %scan3A_555 : i32 to index
        %get3A_706 = arith.constant 0 : index
        %get3A_707 = arith.constant 768 : index
        %get3A_708 = vector.load %arg4[%get3A_705, %get3A_706, %get3A_707] : memref<8x8x1024xf32, #tpu.memory_space<vmem>>, vector<1x8x128xf32>
        %get3A_709 = vector.shape_cast %get3A_708 : vector<1x8x128xf32> to vector<8x128xf32>
        %mul3A_710 = arith.constant 1024 : i32
        %mul3A_711 = arith.muli %scan3A_555, %mul3A_710 : i32
        %add3A_712 = arith.constant 768 : i32
        %add3A_713 = arith.addi %mul3A_711, %add3A_712 : i32
        %add3A_714 = vector.broadcast %add3A_713 : i32 to vector<8x128xi32>
        %add3A_715 = arith.addi %add3A_714, %iota3A : vector<8x128xi32>
        %eq3A_716 = vector.broadcast %broadcast_in_dim3A_113 : vector<8x1xi32> to vector<8x128xi32>
        %eq3A_717 = arith.cmpi eq, %add3A_715, %eq3A_716 : vector<8x128xi32>
        %jit3A_718 = arith.constant -3.000000e+38 : f32
        %broadcast_in_dim3A_719 = vector.broadcast %jit3A_718 : f32 to vector<8x128xf32>
        %select_n3A_720 = arith.select %eq3A_717, %broadcast_in_dim3A_719, %get3A_709 : vector<8x128xi1>, vector<8x128xf32>
        %swap3A_721 = arith.index_cast %scan3A_555 : i32 to index
        %swap3A_722 = arith.constant 0 : index
        %swap3A_723 = arith.constant 768 : index
        %swap3A_724 = vector.load %arg4[%swap3A_721, %swap3A_722, %swap3A_723] : memref<8x8x1024xf32, #tpu.memory_space<vmem>>, vector<1x8x128xf32>
        %swap3A_725 = vector.shape_cast %swap3A_724 : vector<1x8x128xf32> to vector<8x128xf32>
        %swap3A_726 = vector.shape_cast %select_n3A_720 : vector<8x128xf32> to vector<1x8x128xf32>
        tpu.vector_store %arg4[%swap3A_721, %swap3A_722, %swap3A_723], %swap3A_726 {strides = array<i32>} : memref<8x8x1024xf32, #tpu.memory_space<vmem>>, vector<1x8x128xf32>,
        %gt3A_727 = arith.cmpf ogt, %select_n3A_720, %select_n3A_703 : vector<8x128xf32>
        %select_n3A_728 = arith.select %gt3A_727, %select_n3A_720, %select_n3A_703 : vector<8x128xi1>, vector<8x128xf32>
        %select_n3A_729 = arith.select %gt3A_727, %add3A_715, %select_n3A_704 : vector<8x128xi1>, vector<8x128xi32>
        %get3A_730 = arith.index_cast %scan3A_555 : i32 to index
        %get3A_731 = arith.constant 0 : index
        %get3A_732 = arith.constant 896 : index
        %get3A_733 = vector.load %arg4[%get3A_730, %get3A_731, %get3A_732] : memref<8x8x1024xf32, #tpu.memory_space<vmem>>, vector<1x8x128xf32>
        %get3A_734 = vector.shape_cast %get3A_733 : vector<1x8x128xf32> to vector<8x128xf32>
        %mul3A_735 = arith.constant 1024 : i32
        %mul3A_736 = arith.muli %scan3A_555, %mul3A_735 : i32
        %add3A_737 = arith.constant 896 : i32
        %add3A_738 = arith.addi %mul3A_736, %add3A_737 : i32
        %add3A_739 = vector.broadcast %add3A_738 : i32 to vector<8x128xi32>
        %add3A_740 = arith.addi %add3A_739, %iota3A : vector<8x128xi32>
        %eq3A_741 = vector.broadcast %broadcast_in_dim3A_113 : vector<8x1xi32> to vector<8x128xi32>
        %eq3A_742 = arith.cmpi eq, %add3A_740, %eq3A_741 : vector<8x128xi32>
        %jit3A_743 = arith.constant -3.000000e+38 : f32
        %broadcast_in_dim3A_744 = vector.broadcast %jit3A_743 : f32 to vector<8x128xf32>
        %select_n3A_745 = arith.select %eq3A_742, %broadcast_in_dim3A_744, %get3A_734 : vector<8x128xi1>, vector<8x128xf32>
        %swap3A_746 = arith.index_cast %scan3A_555 : i32 to index
        %swap3A_747 = arith.constant 0 : index
        %swap3A_748 = arith.constant 896 : index
        %swap3A_749 = vector.load %arg4[%swap3A_746, %swap3A_747, %swap3A_748] : memref<8x8x1024xf32, #tpu.memory_space<vmem>>, vector<1x8x128xf32>
        %swap3A_750 = vector.shape_cast %swap3A_749 : vector<1x8x128xf32> to vector<8x128xf32>
        %swap3A_751 = vector.shape_cast %select_n3A_745 : vector<8x128xf32> to vector<1x8x128xf32>
        tpu.vector_store %arg4[%swap3A_746, %swap3A_747, %swap3A_748], %swap3A_751 {strides = array<i32>} : memref<8x8x1024xf32, #tpu.memory_space<vmem>>, vector<1x8x128xf32>,
        %gt3A_752 = arith.cmpf ogt, %select_n3A_745, %select_n3A_728 : vector<8x128xf32>
        %select_n3A_753 = arith.select %gt3A_752, %select_n3A_745, %select_n3A_728 : vector<8x128xi1>, vector<8x128xf32>
        %select_n3A_754 = arith.select %gt3A_752, %add3A_740, %select_n3A_729 : vector<8x128xi1>, vector<8x128xi32>
        scf.yield %select_n3A_753, %select_n3A_754 : vector<8x128xf32>, vector<8x128xi32>
      }
      %scan3A_129 = arith.constant 8 : i32
      %reduce_max3A_130 = arith.constant dense<0xFF800000> : vector<8xf32>
      %reduce_max3A_131 = vector.multi_reduction <maximumf>, %scan3A_128#0, %reduce_max3A_130 [1] : vector<8x128xf32> to vector<8xf32>
      %broadcast_in_dim3A_132 = vector.shape_cast %reduce_max3A_131 : vector<8xf32> to vector<8x1xf32>
      %eq3A_133 = vector.broadcast %broadcast_in_dim3A_132 : vector<8x1xf32> to vector<8x128xf32>
      %eq3A_134 = arith.cmpf oeq, %scan3A_128#0, %eq3A_133 : vector<8x128xf32>
      %jit3A_135 = arith.constant 8192 : i32
      %broadcast_in_dim3A_136 = vector.broadcast %jit3A_135 : i32 to vector<8x128xi32>
      %select_n3A_137 = arith.select %eq3A_134, %scan3A_128#1, %broadcast_in_dim3A_136 : vector<8x128xi1>, vector<8x128xi32>
      %reduce_min3A_138 = arith.constant dense<2147483647> : vector<8xi32>
      %reduce_min3A_139 = vector.multi_reduction <minsi>, %select_n3A_137, %reduce_min3A_138 [1] : vector<8x128xi32> to vector<8xi32>
      %broadcast_in_dim3A_140 = vector.shape_cast %reduce_min3A_139 : vector<8xi32> to vector<8x1xi32>
      %eq3A_141 = arith.constant 4 : i32
      %eq3A_142 = vector.broadcast %eq3A_141 : i32 to vector<8x32xi32>
      %eq3A_143 = arith.cmpi eq, %iota3A_13, %eq3A_142 : vector<8x32xi32>
      %broadcast_in_dim3A_144 = vector.shape_cast %broadcast_in_dim3A_140 : vector<8x1xi32> to vector<8x1xi32>
      %broadcast_in_dim3A_145 = vector.broadcast %broadcast_in_dim3A_144 : vector<8x1xi32> to vector<8x32xi32>
      %select_n3A_146 = arith.select %eq3A_143, %broadcast_in_dim3A_145, %select_n3A_119 : vector<8x32xi1>, vector<8x32xi32>
      %broadcast_in_dim3A_147 = arith.constant -3.000000e+38 : f32
      %broadcast_in_dim3A_148 = vector.broadcast %broadcast_in_dim3A_147 : f32 to vector<8x128xf32>
      %broadcast_in_dim3A_149 = arith.constant 0 : i32
      %broadcast_in_dim3A_150 = vector.broadcast %broadcast_in_dim3A_149 : i32 to vector<8x128xi32>
      %scan3A_151 = arith.constant 0 : i32
      %scan3A_152 = arith.constant 8 : i32
      %scan3A_153 = arith.addi %scan3A_151, %scan3A_152 : i32
      %scan3A_154 = arith.constant 1 : i32
      %scan3A_155:2 = scf.for %scan3A_555 = %scan3A_151 to %scan3A_153 step %scan3A_154 iter_args(%scan3A_556 = %broadcast_in_dim3A_148, %scan3A_557 = %broadcast_in_dim3A_150) -> (vector<8x128xf32>, vector<8x128xi32>)  : i32 {
        %get3A_558 = arith.index_cast %scan3A_555 : i32 to index
        %get3A_559 = arith.constant 0 : index
        %get3A_560 = arith.constant 0 : index
        %get3A_561 = vector.load %arg4[%get3A_558, %get3A_559, %get3A_560] : memref<8x8x1024xf32, #tpu.memory_space<vmem>>, vector<1x8x128xf32>
        %get3A_562 = vector.shape_cast %get3A_561 : vector<1x8x128xf32> to vector<8x128xf32>
        %mul3A = arith.constant 1024 : i32
        %mul3A_563 = arith.muli %scan3A_555, %mul3A : i32
        %add3A = arith.constant 0 : i32
        %add3A_564 = arith.addi %mul3A_563, %add3A : i32
        %add3A_565 = vector.broadcast %add3A_564 : i32 to vector<8x128xi32>
        %add3A_566 = arith.addi %add3A_565, %iota3A : vector<8x128xi32>
        %eq3A_567 = vector.broadcast %broadcast_in_dim3A_140 : vector<8x1xi32> to vector<8x128xi32>
        %eq3A_568 = arith.cmpi eq, %add3A_566, %eq3A_567 : vector<8x128xi32>
        %jit3A_569 = arith.constant -3.000000e+38 : f32
        %broadcast_in_dim3A_570 = vector.broadcast %jit3A_569 : f32 to vector<8x128xf32>
        %select_n3A_571 = arith.select %eq3A_568, %broadcast_in_dim3A_570, %get3A_562 : vector<8x128xi1>, vector<8x128xf32>
        %swap3A_572 = arith.index_cast %scan3A_555 : i32 to index
        %swap3A_573 = arith.constant 0 : index
        %swap3A_574 = arith.constant 0 : index
        %swap3A_575 = vector.load %arg4[%swap3A_572, %swap3A_573, %swap3A_574] : memref<8x8x1024xf32, #tpu.memory_space<vmem>>, vector<1x8x128xf32>
        %swap3A_576 = vector.shape_cast %swap3A_575 : vector<1x8x128xf32> to vector<8x128xf32>
        %swap3A_577 = vector.shape_cast %select_n3A_571 : vector<8x128xf32> to vector<1x8x128xf32>
        tpu.vector_store %arg4[%swap3A_572, %swap3A_573, %swap3A_574], %swap3A_577 {strides = array<i32>} : memref<8x8x1024xf32, #tpu.memory_space<vmem>>, vector<1x8x128xf32>,
        %gt3A = arith.cmpf ogt, %select_n3A_571, %scan3A_556 : vector<8x128xf32>
        %select_n3A_578 = arith.select %gt3A, %select_n3A_571, %scan3A_556 : vector<8x128xi1>, vector<8x128xf32>
        %select_n3A_579 = arith.select %gt3A, %add3A_566, %scan3A_557 : vector<8x128xi1>, vector<8x128xi32>
        %get3A_580 = arith.index_cast %scan3A_555 : i32 to index
        %get3A_581 = arith.constant 0 : index
        %get3A_582 = arith.constant 128 : index
        %get3A_583 = vector.load %arg4[%get3A_580, %get3A_581, %get3A_582] : memref<8x8x1024xf32, #tpu.memory_space<vmem>>, vector<1x8x128xf32>
        %get3A_584 = vector.shape_cast %get3A_583 : vector<1x8x128xf32> to vector<8x128xf32>
        %mul3A_585 = arith.constant 1024 : i32
        %mul3A_586 = arith.muli %scan3A_555, %mul3A_585 : i32
        %add3A_587 = arith.constant 128 : i32
        %add3A_588 = arith.addi %mul3A_586, %add3A_587 : i32
        %add3A_589 = vector.broadcast %add3A_588 : i32 to vector<8x128xi32>
        %add3A_590 = arith.addi %add3A_589, %iota3A : vector<8x128xi32>
        %eq3A_591 = vector.broadcast %broadcast_in_dim3A_140 : vector<8x1xi32> to vector<8x128xi32>
        %eq3A_592 = arith.cmpi eq, %add3A_590, %eq3A_591 : vector<8x128xi32>
        %jit3A_593 = arith.constant -3.000000e+38 : f32
        %broadcast_in_dim3A_594 = vector.broadcast %jit3A_593 : f32 to vector<8x128xf32>
        %select_n3A_595 = arith.select %eq3A_592, %broadcast_in_dim3A_594, %get3A_584 : vector<8x128xi1>, vector<8x128xf32>
        %swap3A_596 = arith.index_cast %scan3A_555 : i32 to index
        %swap3A_597 = arith.constant 0 : index
        %swap3A_598 = arith.constant 128 : index
        %swap3A_599 = vector.load %arg4[%swap3A_596, %swap3A_597, %swap3A_598] : memref<8x8x1024xf32, #tpu.memory_space<vmem>>, vector<1x8x128xf32>
        %swap3A_600 = vector.shape_cast %swap3A_599 : vector<1x8x128xf32> to vector<8x128xf32>
        %swap3A_601 = vector.shape_cast %select_n3A_595 : vector<8x128xf32> to vector<1x8x128xf32>
        tpu.vector_store %arg4[%swap3A_596, %swap3A_597, %swap3A_598], %swap3A_601 {strides = array<i32>} : memref<8x8x1024xf32, #tpu.memory_space<vmem>>, vector<1x8x128xf32>,
        %gt3A_602 = arith.cmpf ogt, %select_n3A_595, %select_n3A_578 : vector<8x128xf32>
        %select_n3A_603 = arith.select %gt3A_602, %select_n3A_595, %select_n3A_578 : vector<8x128xi1>, vector<8x128xf32>
        %select_n3A_604 = arith.select %gt3A_602, %add3A_590, %select_n3A_579 : vector<8x128xi1>, vector<8x128xi32>
        %get3A_605 = arith.index_cast %scan3A_555 : i32 to index
        %get3A_606 = arith.constant 0 : index
        %get3A_607 = arith.constant 256 : index
        %get3A_608 = vector.load %arg4[%get3A_605, %get3A_606, %get3A_607] : memref<8x8x1024xf32, #tpu.memory_space<vmem>>, vector<1x8x128xf32>
        %get3A_609 = vector.shape_cast %get3A_608 : vector<1x8x128xf32> to vector<8x128xf32>
        %mul3A_610 = arith.constant 1024 : i32
        %mul3A_611 = arith.muli %scan3A_555, %mul3A_610 : i32
        %add3A_612 = arith.constant 256 : i32
        %add3A_613 = arith.addi %mul3A_611, %add3A_612 : i32
        %add3A_614 = vector.broadcast %add3A_613 : i32 to vector<8x128xi32>
        %add3A_615 = arith.addi %add3A_614, %iota3A : vector<8x128xi32>
        %eq3A_616 = vector.broadcast %broadcast_in_dim3A_140 : vector<8x1xi32> to vector<8x128xi32>
        %eq3A_617 = arith.cmpi eq, %add3A_615, %eq3A_616 : vector<8x128xi32>
        %jit3A_618 = arith.constant -3.000000e+38 : f32
        %broadcast_in_dim3A_619 = vector.broadcast %jit3A_618 : f32 to vector<8x128xf32>
        %select_n3A_620 = arith.select %eq3A_617, %broadcast_in_dim3A_619, %get3A_609 : vector<8x128xi1>, vector<8x128xf32>
        %swap3A_621 = arith.index_cast %scan3A_555 : i32 to index
        %swap3A_622 = arith.constant 0 : index
        %swap3A_623 = arith.constant 256 : index
        %swap3A_624 = vector.load %arg4[%swap3A_621, %swap3A_622, %swap3A_623] : memref<8x8x1024xf32, #tpu.memory_space<vmem>>, vector<1x8x128xf32>
        %swap3A_625 = vector.shape_cast %swap3A_624 : vector<1x8x128xf32> to vector<8x128xf32>
        %swap3A_626 = vector.shape_cast %select_n3A_620 : vector<8x128xf32> to vector<1x8x128xf32>
        tpu.vector_store %arg4[%swap3A_621, %swap3A_622, %swap3A_623], %swap3A_626 {strides = array<i32>} : memref<8x8x1024xf32, #tpu.memory_space<vmem>>, vector<1x8x128xf32>,
        %gt3A_627 = arith.cmpf ogt, %select_n3A_620, %select_n3A_603 : vector<8x128xf32>
        %select_n3A_628 = arith.select %gt3A_627, %select_n3A_620, %select_n3A_603 : vector<8x128xi1>, vector<8x128xf32>
        %select_n3A_629 = arith.select %gt3A_627, %add3A_615, %select_n3A_604 : vector<8x128xi1>, vector<8x128xi32>
        %get3A_630 = arith.index_cast %scan3A_555 : i32 to index
        %get3A_631 = arith.constant 0 : index
        %get3A_632 = arith.constant 384 : index
        %get3A_633 = vector.load %arg4[%get3A_630, %get3A_631, %get3A_632] : memref<8x8x1024xf32, #tpu.memory_space<vmem>>, vector<1x8x128xf32>
        %get3A_634 = vector.shape_cast %get3A_633 : vector<1x8x128xf32> to vector<8x128xf32>
        %mul3A_635 = arith.constant 1024 : i32
        %mul3A_636 = arith.muli %scan3A_555, %mul3A_635 : i32
        %add3A_637 = arith.constant 384 : i32
        %add3A_638 = arith.addi %mul3A_636, %add3A_637 : i32
        %add3A_639 = vector.broadcast %add3A_638 : i32 to vector<8x128xi32>
        %add3A_640 = arith.addi %add3A_639, %iota3A : vector<8x128xi32>
        %eq3A_641 = vector.broadcast %broadcast_in_dim3A_140 : vector<8x1xi32> to vector<8x128xi32>
        %eq3A_642 = arith.cmpi eq, %add3A_640, %eq3A_641 : vector<8x128xi32>
        %jit3A_643 = arith.constant -3.000000e+38 : f32
        %broadcast_in_dim3A_644 = vector.broadcast %jit3A_643 : f32 to vector<8x128xf32>
        %select_n3A_645 = arith.select %eq3A_642, %broadcast_in_dim3A_644, %get3A_634 : vector<8x128xi1>, vector<8x128xf32>
        %swap3A_646 = arith.index_cast %scan3A_555 : i32 to index
        %swap3A_647 = arith.constant 0 : index
        %swap3A_648 = arith.constant 384 : index
        %swap3A_649 = vector.load %arg4[%swap3A_646, %swap3A_647, %swap3A_648] : memref<8x8x1024xf32, #tpu.memory_space<vmem>>, vector<1x8x128xf32>
        %swap3A_650 = vector.shape_cast %swap3A_649 : vector<1x8x128xf32> to vector<8x128xf32>
        %swap3A_651 = vector.shape_cast %select_n3A_645 : vector<8x128xf32> to vector<1x8x128xf32>
        tpu.vector_store %arg4[%swap3A_646, %swap3A_647, %swap3A_648], %swap3A_651 {strides = array<i32>} : memref<8x8x1024xf32, #tpu.memory_space<vmem>>, vector<1x8x128xf32>,
        %gt3A_652 = arith.cmpf ogt, %select_n3A_645, %select_n3A_628 : vector<8x128xf32>
        %select_n3A_653 = arith.select %gt3A_652, %select_n3A_645, %select_n3A_628 : vector<8x128xi1>, vector<8x128xf32>
        %select_n3A_654 = arith.select %gt3A_652, %add3A_640, %select_n3A_629 : vector<8x128xi1>, vector<8x128xi32>
        %get3A_655 = arith.index_cast %scan3A_555 : i32 to index
        %get3A_656 = arith.constant 0 : index
        %get3A_657 = arith.constant 512 : index
        %get3A_658 = vector.load %arg4[%get3A_655, %get3A_656, %get3A_657] : memref<8x8x1024xf32, #tpu.memory_space<vmem>>, vector<1x8x128xf32>
        %get3A_659 = vector.shape_cast %get3A_658 : vector<1x8x128xf32> to vector<8x128xf32>
        %mul3A_660 = arith.constant 1024 : i32
        %mul3A_661 = arith.muli %scan3A_555, %mul3A_660 : i32
        %add3A_662 = arith.constant 512 : i32
        %add3A_663 = arith.addi %mul3A_661, %add3A_662 : i32
        %add3A_664 = vector.broadcast %add3A_663 : i32 to vector<8x128xi32>
        %add3A_665 = arith.addi %add3A_664, %iota3A : vector<8x128xi32>
        %eq3A_666 = vector.broadcast %broadcast_in_dim3A_140 : vector<8x1xi32> to vector<8x128xi32>
        %eq3A_667 = arith.cmpi eq, %add3A_665, %eq3A_666 : vector<8x128xi32>
        %jit3A_668 = arith.constant -3.000000e+38 : f32
        %broadcast_in_dim3A_669 = vector.broadcast %jit3A_668 : f32 to vector<8x128xf32>
        %select_n3A_670 = arith.select %eq3A_667, %broadcast_in_dim3A_669, %get3A_659 : vector<8x128xi1>, vector<8x128xf32>
        %swap3A_671 = arith.index_cast %scan3A_555 : i32 to index
        %swap3A_672 = arith.constant 0 : index
        %swap3A_673 = arith.constant 512 : index
        %swap3A_674 = vector.load %arg4[%swap3A_671, %swap3A_672, %swap3A_673] : memref<8x8x1024xf32, #tpu.memory_space<vmem>>, vector<1x8x128xf32>
        %swap3A_675 = vector.shape_cast %swap3A_674 : vector<1x8x128xf32> to vector<8x128xf32>
        %swap3A_676 = vector.shape_cast %select_n3A_670 : vector<8x128xf32> to vector<1x8x128xf32>
        tpu.vector_store %arg4[%swap3A_671, %swap3A_672, %swap3A_673], %swap3A_676 {strides = array<i32>} : memref<8x8x1024xf32, #tpu.memory_space<vmem>>, vector<1x8x128xf32>,
        %gt3A_677 = arith.cmpf ogt, %select_n3A_670, %select_n3A_653 : vector<8x128xf32>
        %select_n3A_678 = arith.select %gt3A_677, %select_n3A_670, %select_n3A_653 : vector<8x128xi1>, vector<8x128xf32>
        %select_n3A_679 = arith.select %gt3A_677, %add3A_665, %select_n3A_654 : vector<8x128xi1>, vector<8x128xi32>
        %get3A_680 = arith.index_cast %scan3A_555 : i32 to index
        %get3A_681 = arith.constant 0 : index
        %get3A_682 = arith.constant 640 : index
        %get3A_683 = vector.load %arg4[%get3A_680, %get3A_681, %get3A_682] : memref<8x8x1024xf32, #tpu.memory_space<vmem>>, vector<1x8x128xf32>
        %get3A_684 = vector.shape_cast %get3A_683 : vector<1x8x128xf32> to vector<8x128xf32>
        %mul3A_685 = arith.constant 1024 : i32
        %mul3A_686 = arith.muli %scan3A_555, %mul3A_685 : i32
        %add3A_687 = arith.constant 640 : i32
        %add3A_688 = arith.addi %mul3A_686, %add3A_687 : i32
        %add3A_689 = vector.broadcast %add3A_688 : i32 to vector<8x128xi32>
        %add3A_690 = arith.addi %add3A_689, %iota3A : vector<8x128xi32>
        %eq3A_691 = vector.broadcast %broadcast_in_dim3A_140 : vector<8x1xi32> to vector<8x128xi32>
        %eq3A_692 = arith.cmpi eq, %add3A_690, %eq3A_691 : vector<8x128xi32>
        %jit3A_693 = arith.constant -3.000000e+38 : f32
        %broadcast_in_dim3A_694 = vector.broadcast %jit3A_693 : f32 to vector<8x128xf32>
        %select_n3A_695 = arith.select %eq3A_692, %broadcast_in_dim3A_694, %get3A_684 : vector<8x128xi1>, vector<8x128xf32>
        %swap3A_696 = arith.index_cast %scan3A_555 : i32 to index
        %swap3A_697 = arith.constant 0 : index
        %swap3A_698 = arith.constant 640 : index
        %swap3A_699 = vector.load %arg4[%swap3A_696, %swap3A_697, %swap3A_698] : memref<8x8x1024xf32, #tpu.memory_space<vmem>>, vector<1x8x128xf32>
        %swap3A_700 = vector.shape_cast %swap3A_699 : vector<1x8x128xf32> to vector<8x128xf32>
        %swap3A_701 = vector.shape_cast %select_n3A_695 : vector<8x128xf32> to vector<1x8x128xf32>
        tpu.vector_store %arg4[%swap3A_696, %swap3A_697, %swap3A_698], %swap3A_701 {strides = array<i32>} : memref<8x8x1024xf32, #tpu.memory_space<vmem>>, vector<1x8x128xf32>,
        %gt3A_702 = arith.cmpf ogt, %select_n3A_695, %select_n3A_678 : vector<8x128xf32>
        %select_n3A_703 = arith.select %gt3A_702, %select_n3A_695, %select_n3A_678 : vector<8x128xi1>, vector<8x128xf32>
        %select_n3A_704 = arith.select %gt3A_702, %add3A_690, %select_n3A_679 : vector<8x128xi1>, vector<8x128xi32>
        %get3A_705 = arith.index_cast %scan3A_555 : i32 to index
        %get3A_706 = arith.constant 0 : index
        %get3A_707 = arith.constant 768 : index
        %get3A_708 = vector.load %arg4[%get3A_705, %get3A_706, %get3A_707] : memref<8x8x1024xf32, #tpu.memory_space<vmem>>, vector<1x8x128xf32>
        %get3A_709 = vector.shape_cast %get3A_708 : vector<1x8x128xf32> to vector<8x128xf32>
        %mul3A_710 = arith.constant 1024 : i32
        %mul3A_711 = arith.muli %scan3A_555, %mul3A_710 : i32
        %add3A_712 = arith.constant 768 : i32
        %add3A_713 = arith.addi %mul3A_711, %add3A_712 : i32
        %add3A_714 = vector.broadcast %add3A_713 : i32 to vector<8x128xi32>
        %add3A_715 = arith.addi %add3A_714, %iota3A : vector<8x128xi32>
        %eq3A_716 = vector.broadcast %broadcast_in_dim3A_140 : vector<8x1xi32> to vector<8x128xi32>
        %eq3A_717 = arith.cmpi eq, %add3A_715, %eq3A_716 : vector<8x128xi32>
        %jit3A_718 = arith.constant -3.000000e+38 : f32
        %broadcast_in_dim3A_719 = vector.broadcast %jit3A_718 : f32 to vector<8x128xf32>
        %select_n3A_720 = arith.select %eq3A_717, %broadcast_in_dim3A_719, %get3A_709 : vector<8x128xi1>, vector<8x128xf32>
        %swap3A_721 = arith.index_cast %scan3A_555 : i32 to index
        %swap3A_722 = arith.constant 0 : index
        %swap3A_723 = arith.constant 768 : index
        %swap3A_724 = vector.load %arg4[%swap3A_721, %swap3A_722, %swap3A_723] : memref<8x8x1024xf32, #tpu.memory_space<vmem>>, vector<1x8x128xf32>
        %swap3A_725 = vector.shape_cast %swap3A_724 : vector<1x8x128xf32> to vector<8x128xf32>
        %swap3A_726 = vector.shape_cast %select_n3A_720 : vector<8x128xf32> to vector<1x8x128xf32>
        tpu.vector_store %arg4[%swap3A_721, %swap3A_722, %swap3A_723], %swap3A_726 {strides = array<i32>} : memref<8x8x1024xf32, #tpu.memory_space<vmem>>, vector<1x8x128xf32>,
        %gt3A_727 = arith.cmpf ogt, %select_n3A_720, %select_n3A_703 : vector<8x128xf32>
        %select_n3A_728 = arith.select %gt3A_727, %select_n3A_720, %select_n3A_703 : vector<8x128xi1>, vector<8x128xf32>
        %select_n3A_729 = arith.select %gt3A_727, %add3A_715, %select_n3A_704 : vector<8x128xi1>, vector<8x128xi32>
        %get3A_730 = arith.index_cast %scan3A_555 : i32 to index
        %get3A_731 = arith.constant 0 : index
        %get3A_732 = arith.constant 896 : index
        %get3A_733 = vector.load %arg4[%get3A_730, %get3A_731, %get3A_732] : memref<8x8x1024xf32, #tpu.memory_space<vmem>>, vector<1x8x128xf32>
        %get3A_734 = vector.shape_cast %get3A_733 : vector<1x8x128xf32> to vector<8x128xf32>
        %mul3A_735 = arith.constant 1024 : i32
        %mul3A_736 = arith.muli %scan3A_555, %mul3A_735 : i32
        %add3A_737 = arith.constant 896 : i32
        %add3A_738 = arith.addi %mul3A_736, %add3A_737 : i32
        %add3A_739 = vector.broadcast %add3A_738 : i32 to vector<8x128xi32>
        %add3A_740 = arith.addi %add3A_739, %iota3A : vector<8x128xi32>
        %eq3A_741 = vector.broadcast %broadcast_in_dim3A_140 : vector<8x1xi32> to vector<8x128xi32>
        %eq3A_742 = arith.cmpi eq, %add3A_740, %eq3A_741 : vector<8x128xi32>
        %jit3A_743 = arith.constant -3.000000e+38 : f32
        %broadcast_in_dim3A_744 = vector.broadcast %jit3A_743 : f32 to vector<8x128xf32>
        %select_n3A_745 = arith.select %eq3A_742, %broadcast_in_dim3A_744, %get3A_734 : vector<8x128xi1>, vector<8x128xf32>
        %swap3A_746 = arith.index_cast %scan3A_555 : i32 to index
        %swap3A_747 = arith.constant 0 : index
        %swap3A_748 = arith.constant 896 : index
        %swap3A_749 = vector.load %arg4[%swap3A_746, %swap3A_747, %swap3A_748] : memref<8x8x1024xf32, #tpu.memory_space<vmem>>, vector<1x8x128xf32>
        %swap3A_750 = vector.shape_cast %swap3A_749 : vector<1x8x128xf32> to vector<8x128xf32>
        %swap3A_751 = vector.shape_cast %select_n3A_745 : vector<8x128xf32> to vector<1x8x128xf32>
        tpu.vector_store %arg4[%swap3A_746, %swap3A_747, %swap3A_748], %swap3A_751 {strides = array<i32>} : memref<8x8x1024xf32, #tpu.memory_space<vmem>>, vector<1x8x128xf32>,
        %gt3A_752 = arith.cmpf ogt, %select_n3A_745, %select_n3A_728 : vector<8x128xf32>
        %select_n3A_753 = arith.select %gt3A_752, %select_n3A_745, %select_n3A_728 : vector<8x128xi1>, vector<8x128xf32>
        %select_n3A_754 = arith.select %gt3A_752, %add3A_740, %select_n3A_729 : vector<8x128xi1>, vector<8x128xi32>
        scf.yield %select_n3A_753, %select_n3A_754 : vector<8x128xf32>, vector<8x128xi32>
      }
      %scan3A_156 = arith.constant 8 : i32
      %reduce_max3A_157 = arith.constant dense<0xFF800000> : vector<8xf32>
      %reduce_max3A_158 = vector.multi_reduction <maximumf>, %scan3A_155#0, %reduce_max3A_157 [1] : vector<8x128xf32> to vector<8xf32>
      %broadcast_in_dim3A_159 = vector.shape_cast %reduce_max3A_158 : vector<8xf32> to vector<8x1xf32>
      %eq3A_160 = vector.broadcast %broadcast_in_dim3A_159 : vector<8x1xf32> to vector<8x128xf32>
      %eq3A_161 = arith.cmpf oeq, %scan3A_155#0, %eq3A_160 : vector<8x128xf32>
      %jit3A_162 = arith.constant 8192 : i32
      %broadcast_in_dim3A_163 = vector.broadcast %jit3A_162 : i32 to vector<8x128xi32>
      %select_n3A_164 = arith.select %eq3A_161, %scan3A_155#1, %broadcast_in_dim3A_163 : vector<8x128xi1>, vector<8x128xi32>
      %reduce_min3A_165 = arith.constant dense<2147483647> : vector<8xi32>
      %reduce_min3A_166 = vector.multi_reduction <minsi>, %select_n3A_164, %reduce_min3A_165 [1] : vector<8x128xi32> to vector<8xi32>
      %broadcast_in_dim3A_167 = vector.shape_cast %reduce_min3A_166 : vector<8xi32> to vector<8x1xi32>
      %eq3A_168 = arith.constant 5 : i32
      %eq3A_169 = vector.broadcast %eq3A_168 : i32 to vector<8x32xi32>
      %eq3A_170 = arith.cmpi eq, %iota3A_13, %eq3A_169 : vector<8x32xi32>
      %broadcast_in_dim3A_171 = vector.shape_cast %broadcast_in_dim3A_167 : vector<8x1xi32> to vector<8x1xi32>
      %broadcast_in_dim3A_172 = vector.broadcast %broadcast_in_dim3A_171 : vector<8x1xi32> to vector<8x32xi32>
      %select_n3A_173 = arith.select %eq3A_170, %broadcast_in_dim3A_172, %select_n3A_146 : vector<8x32xi1>, vector<8x32xi32>
      %broadcast_in_dim3A_174 = arith.constant -3.000000e+38 : f32
      %broadcast_in_dim3A_175 = vector.broadcast %broadcast_in_dim3A_174 : f32 to vector<8x128xf32>
      %broadcast_in_dim3A_176 = arith.constant 0 : i32
      %broadcast_in_dim3A_177 = vector.broadcast %broadcast_in_dim3A_176 : i32 to vector<8x128xi32>
      %scan3A_178 = arith.constant 0 : i32
      %scan3A_179 = arith.constant 8 : i32
      %scan3A_180 = arith.addi %scan3A_178, %scan3A_179 : i32
      %scan3A_181 = arith.constant 1 : i32
      %scan3A_182:2 = scf.for %scan3A_555 = %scan3A_178 to %scan3A_180 step %scan3A_181 iter_args(%scan3A_556 = %broadcast_in_dim3A_175, %scan3A_557 = %broadcast_in_dim3A_177) -> (vector<8x128xf32>, vector<8x128xi32>)  : i32 {
        %get3A_558 = arith.index_cast %scan3A_555 : i32 to index
        %get3A_559 = arith.constant 0 : index
        %get3A_560 = arith.constant 0 : index
        %get3A_561 = vector.load %arg4[%get3A_558, %get3A_559, %get3A_560] : memref<8x8x1024xf32, #tpu.memory_space<vmem>>, vector<1x8x128xf32>
        %get3A_562 = vector.shape_cast %get3A_561 : vector<1x8x128xf32> to vector<8x128xf32>
        %mul3A = arith.constant 1024 : i32
        %mul3A_563 = arith.muli %scan3A_555, %mul3A : i32
        %add3A = arith.constant 0 : i32
        %add3A_564 = arith.addi %mul3A_563, %add3A : i32
        %add3A_565 = vector.broadcast %add3A_564 : i32 to vector<8x128xi32>
        %add3A_566 = arith.addi %add3A_565, %iota3A : vector<8x128xi32>
        %eq3A_567 = vector.broadcast %broadcast_in_dim3A_167 : vector<8x1xi32> to vector<8x128xi32>
        %eq3A_568 = arith.cmpi eq, %add3A_566, %eq3A_567 : vector<8x128xi32>
        %jit3A_569 = arith.constant -3.000000e+38 : f32
        %broadcast_in_dim3A_570 = vector.broadcast %jit3A_569 : f32 to vector<8x128xf32>
        %select_n3A_571 = arith.select %eq3A_568, %broadcast_in_dim3A_570, %get3A_562 : vector<8x128xi1>, vector<8x128xf32>
        %swap3A_572 = arith.index_cast %scan3A_555 : i32 to index
        %swap3A_573 = arith.constant 0 : index
        %swap3A_574 = arith.constant 0 : index
        %swap3A_575 = vector.load %arg4[%swap3A_572, %swap3A_573, %swap3A_574] : memref<8x8x1024xf32, #tpu.memory_space<vmem>>, vector<1x8x128xf32>
        %swap3A_576 = vector.shape_cast %swap3A_575 : vector<1x8x128xf32> to vector<8x128xf32>
        %swap3A_577 = vector.shape_cast %select_n3A_571 : vector<8x128xf32> to vector<1x8x128xf32>
        tpu.vector_store %arg4[%swap3A_572, %swap3A_573, %swap3A_574], %swap3A_577 {strides = array<i32>} : memref<8x8x1024xf32, #tpu.memory_space<vmem>>, vector<1x8x128xf32>,
        %gt3A = arith.cmpf ogt, %select_n3A_571, %scan3A_556 : vector<8x128xf32>
        %select_n3A_578 = arith.select %gt3A, %select_n3A_571, %scan3A_556 : vector<8x128xi1>, vector<8x128xf32>
        %select_n3A_579 = arith.select %gt3A, %add3A_566, %scan3A_557 : vector<8x128xi1>, vector<8x128xi32>
        %get3A_580 = arith.index_cast %scan3A_555 : i32 to index
        %get3A_581 = arith.constant 0 : index
        %get3A_582 = arith.constant 128 : index
        %get3A_583 = vector.load %arg4[%get3A_580, %get3A_581, %get3A_582] : memref<8x8x1024xf32, #tpu.memory_space<vmem>>, vector<1x8x128xf32>
        %get3A_584 = vector.shape_cast %get3A_583 : vector<1x8x128xf32> to vector<8x128xf32>
        %mul3A_585 = arith.constant 1024 : i32
        %mul3A_586 = arith.muli %scan3A_555, %mul3A_585 : i32
        %add3A_587 = arith.constant 128 : i32
        %add3A_588 = arith.addi %mul3A_586, %add3A_587 : i32
        %add3A_589 = vector.broadcast %add3A_588 : i32 to vector<8x128xi32>
        %add3A_590 = arith.addi %add3A_589, %iota3A : vector<8x128xi32>
        %eq3A_591 = vector.broadcast %broadcast_in_dim3A_167 : vector<8x1xi32> to vector<8x128xi32>
        %eq3A_592 = arith.cmpi eq, %add3A_590, %eq3A_591 : vector<8x128xi32>
        %jit3A_593 = arith.constant -3.000000e+38 : f32
        %broadcast_in_dim3A_594 = vector.broadcast %jit3A_593 : f32 to vector<8x128xf32>
        %select_n3A_595 = arith.select %eq3A_592, %broadcast_in_dim3A_594, %get3A_584 : vector<8x128xi1>, vector<8x128xf32>
        %swap3A_596 = arith.index_cast %scan3A_555 : i32 to index
        %swap3A_597 = arith.constant 0 : index
        %swap3A_598 = arith.constant 128 : index
        %swap3A_599 = vector.load %arg4[%swap3A_596, %swap3A_597, %swap3A_598] : memref<8x8x1024xf32, #tpu.memory_space<vmem>>, vector<1x8x128xf32>
        %swap3A_600 = vector.shape_cast %swap3A_599 : vector<1x8x128xf32> to vector<8x128xf32>
        %swap3A_601 = vector.shape_cast %select_n3A_595 : vector<8x128xf32> to vector<1x8x128xf32>
        tpu.vector_store %arg4[%swap3A_596, %swap3A_597, %swap3A_598], %swap3A_601 {strides = array<i32>} : memref<8x8x1024xf32, #tpu.memory_space<vmem>>, vector<1x8x128xf32>,
        %gt3A_602 = arith.cmpf ogt, %select_n3A_595, %select_n3A_578 : vector<8x128xf32>
        %select_n3A_603 = arith.select %gt3A_602, %select_n3A_595, %select_n3A_578 : vector<8x128xi1>, vector<8x128xf32>
        %select_n3A_604 = arith.select %gt3A_602, %add3A_590, %select_n3A_579 : vector<8x128xi1>, vector<8x128xi32>
        %get3A_605 = arith.index_cast %scan3A_555 : i32 to index
        %get3A_606 = arith.constant 0 : index
        %get3A_607 = arith.constant 256 : index
        %get3A_608 = vector.load %arg4[%get3A_605, %get3A_606, %get3A_607] : memref<8x8x1024xf32, #tpu.memory_space<vmem>>, vector<1x8x128xf32>
        %get3A_609 = vector.shape_cast %get3A_608 : vector<1x8x128xf32> to vector<8x128xf32>
        %mul3A_610 = arith.constant 1024 : i32
        %mul3A_611 = arith.muli %scan3A_555, %mul3A_610 : i32
        %add3A_612 = arith.constant 256 : i32
        %add3A_613 = arith.addi %mul3A_611, %add3A_612 : i32
        %add3A_614 = vector.broadcast %add3A_613 : i32 to vector<8x128xi32>
        %add3A_615 = arith.addi %add3A_614, %iota3A : vector<8x128xi32>
        %eq3A_616 = vector.broadcast %broadcast_in_dim3A_167 : vector<8x1xi32> to vector<8x128xi32>
        %eq3A_617 = arith.cmpi eq, %add3A_615, %eq3A_616 : vector<8x128xi32>
        %jit3A_618 = arith.constant -3.000000e+38 : f32
        %broadcast_in_dim3A_619 = vector.broadcast %jit3A_618 : f32 to vector<8x128xf32>
        %select_n3A_620 = arith.select %eq3A_617, %broadcast_in_dim3A_619, %get3A_609 : vector<8x128xi1>, vector<8x128xf32>
        %swap3A_621 = arith.index_cast %scan3A_555 : i32 to index
        %swap3A_622 = arith.constant 0 : index
        %swap3A_623 = arith.constant 256 : index
        %swap3A_624 = vector.load %arg4[%swap3A_621, %swap3A_622, %swap3A_623] : memref<8x8x1024xf32, #tpu.memory_space<vmem>>, vector<1x8x128xf32>
        %swap3A_625 = vector.shape_cast %swap3A_624 : vector<1x8x128xf32> to vector<8x128xf32>
        %swap3A_626 = vector.shape_cast %select_n3A_620 : vector<8x128xf32> to vector<1x8x128xf32>
        tpu.vector_store %arg4[%swap3A_621, %swap3A_622, %swap3A_623], %swap3A_626 {strides = array<i32>} : memref<8x8x1024xf32, #tpu.memory_space<vmem>>, vector<1x8x128xf32>,
        %gt3A_627 = arith.cmpf ogt, %select_n3A_620, %select_n3A_603 : vector<8x128xf32>
        %select_n3A_628 = arith.select %gt3A_627, %select_n3A_620, %select_n3A_603 : vector<8x128xi1>, vector<8x128xf32>
        %select_n3A_629 = arith.select %gt3A_627, %add3A_615, %select_n3A_604 : vector<8x128xi1>, vector<8x128xi32>
        %get3A_630 = arith.index_cast %scan3A_555 : i32 to index
        %get3A_631 = arith.constant 0 : index
        %get3A_632 = arith.constant 384 : index
        %get3A_633 = vector.load %arg4[%get3A_630, %get3A_631, %get3A_632] : memref<8x8x1024xf32, #tpu.memory_space<vmem>>, vector<1x8x128xf32>
        %get3A_634 = vector.shape_cast %get3A_633 : vector<1x8x128xf32> to vector<8x128xf32>
        %mul3A_635 = arith.constant 1024 : i32
        %mul3A_636 = arith.muli %scan3A_555, %mul3A_635 : i32
        %add3A_637 = arith.constant 384 : i32
        %add3A_638 = arith.addi %mul3A_636, %add3A_637 : i32
        %add3A_639 = vector.broadcast %add3A_638 : i32 to vector<8x128xi32>
        %add3A_640 = arith.addi %add3A_639, %iota3A : vector<8x128xi32>
        %eq3A_641 = vector.broadcast %broadcast_in_dim3A_167 : vector<8x1xi32> to vector<8x128xi32>
        %eq3A_642 = arith.cmpi eq, %add3A_640, %eq3A_641 : vector<8x128xi32>
        %jit3A_643 = arith.constant -3.000000e+38 : f32
        %broadcast_in_dim3A_644 = vector.broadcast %jit3A_643 : f32 to vector<8x128xf32>
        %select_n3A_645 = arith.select %eq3A_642, %broadcast_in_dim3A_644, %get3A_634 : vector<8x128xi1>, vector<8x128xf32>
        %swap3A_646 = arith.index_cast %scan3A_555 : i32 to index
        %swap3A_647 = arith.constant 0 : index
        %swap3A_648 = arith.constant 384 : index
        %swap3A_649 = vector.load %arg4[%swap3A_646, %swap3A_647, %swap3A_648] : memref<8x8x1024xf32, #tpu.memory_space<vmem>>, vector<1x8x128xf32>
        %swap3A_650 = vector.shape_cast %swap3A_649 : vector<1x8x128xf32> to vector<8x128xf32>
        %swap3A_651 = vector.shape_cast %select_n3A_645 : vector<8x128xf32> to vector<1x8x128xf32>
        tpu.vector_store %arg4[%swap3A_646, %swap3A_647, %swap3A_648], %swap3A_651 {strides = array<i32>} : memref<8x8x1024xf32, #tpu.memory_space<vmem>>, vector<1x8x128xf32>,
        %gt3A_652 = arith.cmpf ogt, %select_n3A_645, %select_n3A_628 : vector<8x128xf32>
        %select_n3A_653 = arith.select %gt3A_652, %select_n3A_645, %select_n3A_628 : vector<8x128xi1>, vector<8x128xf32>
        %select_n3A_654 = arith.select %gt3A_652, %add3A_640, %select_n3A_629 : vector<8x128xi1>, vector<8x128xi32>
        %get3A_655 = arith.index_cast %scan3A_555 : i32 to index
        %get3A_656 = arith.constant 0 : index
        %get3A_657 = arith.constant 512 : index
        %get3A_658 = vector.load %arg4[%get3A_655, %get3A_656, %get3A_657] : memref<8x8x1024xf32, #tpu.memory_space<vmem>>, vector<1x8x128xf32>
        %get3A_659 = vector.shape_cast %get3A_658 : vector<1x8x128xf32> to vector<8x128xf32>
        %mul3A_660 = arith.constant 1024 : i32
        %mul3A_661 = arith.muli %scan3A_555, %mul3A_660 : i32
        %add3A_662 = arith.constant 512 : i32
        %add3A_663 = arith.addi %mul3A_661, %add3A_662 : i32
        %add3A_664 = vector.broadcast %add3A_663 : i32 to vector<8x128xi32>
        %add3A_665 = arith.addi %add3A_664, %iota3A : vector<8x128xi32>
        %eq3A_666 = vector.broadcast %broadcast_in_dim3A_167 : vector<8x1xi32> to vector<8x128xi32>
        %eq3A_667 = arith.cmpi eq, %add3A_665, %eq3A_666 : vector<8x128xi32>
        %jit3A_668 = arith.constant -3.000000e+38 : f32
        %broadcast_in_dim3A_669 = vector.broadcast %jit3A_668 : f32 to vector<8x128xf32>
        %select_n3A_670 = arith.select %eq3A_667, %broadcast_in_dim3A_669, %get3A_659 : vector<8x128xi1>, vector<8x128xf32>
        %swap3A_671 = arith.index_cast %scan3A_555 : i32 to index
        %swap3A_672 = arith.constant 0 : index
        %swap3A_673 = arith.constant 512 : index
        %swap3A_674 = vector.load %arg4[%swap3A_671, %swap3A_672, %swap3A_673] : memref<8x8x1024xf32, #tpu.memory_space<vmem>>, vector<1x8x128xf32>
        %swap3A_675 = vector.shape_cast %swap3A_674 : vector<1x8x128xf32> to vector<8x128xf32>
        %swap3A_676 = vector.shape_cast %select_n3A_670 : vector<8x128xf32> to vector<1x8x128xf32>
        tpu.vector_store %arg4[%swap3A_671, %swap3A_672, %swap3A_673], %swap3A_676 {strides = array<i32>} : memref<8x8x1024xf32, #tpu.memory_space<vmem>>, vector<1x8x128xf32>,
        %gt3A_677 = arith.cmpf ogt, %select_n3A_670, %select_n3A_653 : vector<8x128xf32>
        %select_n3A_678 = arith.select %gt3A_677, %select_n3A_670, %select_n3A_653 : vector<8x128xi1>, vector<8x128xf32>
        %select_n3A_679 = arith.select %gt3A_677, %add3A_665, %select_n3A_654 : vector<8x128xi1>, vector<8x128xi32>
        %get3A_680 = arith.index_cast %scan3A_555 : i32 to index
        %get3A_681 = arith.constant 0 : index
        %get3A_682 = arith.constant 640 : index
        %get3A_683 = vector.load %arg4[%get3A_680, %get3A_681, %get3A_682] : memref<8x8x1024xf32, #tpu.memory_space<vmem>>, vector<1x8x128xf32>
        %get3A_684 = vector.shape_cast %get3A_683 : vector<1x8x128xf32> to vector<8x128xf32>
        %mul3A_685 = arith.constant 1024 : i32
        %mul3A_686 = arith.muli %scan3A_555, %mul3A_685 : i32
        %add3A_687 = arith.constant 640 : i32
        %add3A_688 = arith.addi %mul3A_686, %add3A_687 : i32
        %add3A_689 = vector.broadcast %add3A_688 : i32 to vector<8x128xi32>
        %add3A_690 = arith.addi %add3A_689, %iota3A : vector<8x128xi32>
        %eq3A_691 = vector.broadcast %broadcast_in_dim3A_167 : vector<8x1xi32> to vector<8x128xi32>
        %eq3A_692 = arith.cmpi eq, %add3A_690, %eq3A_691 : vector<8x128xi32>
        %jit3A_693 = arith.constant -3.000000e+38 : f32
        %broadcast_in_dim3A_694 = vector.broadcast %jit3A_693 : f32 to vector<8x128xf32>
        %select_n3A_695 = arith.select %eq3A_692, %broadcast_in_dim3A_694, %get3A_684 : vector<8x128xi1>, vector<8x128xf32>
        %swap3A_696 = arith.index_cast %scan3A_555 : i32 to index
        %swap3A_697 = arith.constant 0 : index
        %swap3A_698 = arith.constant 640 : index
        %swap3A_699 = vector.load %arg4[%swap3A_696, %swap3A_697, %swap3A_698] : memref<8x8x1024xf32, #tpu.memory_space<vmem>>, vector<1x8x128xf32>
        %swap3A_700 = vector.shape_cast %swap3A_699 : vector<1x8x128xf32> to vector<8x128xf32>
        %swap3A_701 = vector.shape_cast %select_n3A_695 : vector<8x128xf32> to vector<1x8x128xf32>
        tpu.vector_store %arg4[%swap3A_696, %swap3A_697, %swap3A_698], %swap3A_701 {strides = array<i32>} : memref<8x8x1024xf32, #tpu.memory_space<vmem>>, vector<1x8x128xf32>,
        %gt3A_702 = arith.cmpf ogt, %select_n3A_695, %select_n3A_678 : vector<8x128xf32>
        %select_n3A_703 = arith.select %gt3A_702, %select_n3A_695, %select_n3A_678 : vector<8x128xi1>, vector<8x128xf32>
        %select_n3A_704 = arith.select %gt3A_702, %add3A_690, %select_n3A_679 : vector<8x128xi1>, vector<8x128xi32>
        %get3A_705 = arith.index_cast %scan3A_555 : i32 to index
        %get3A_706 = arith.constant 0 : index
        %get3A_707 = arith.constant 768 : index
        %get3A_708 = vector.load %arg4[%get3A_705, %get3A_706, %get3A_707] : memref<8x8x1024xf32, #tpu.memory_space<vmem>>, vector<1x8x128xf32>
        %get3A_709 = vector.shape_cast %get3A_708 : vector<1x8x128xf32> to vector<8x128xf32>
        %mul3A_710 = arith.constant 1024 : i32
        %mul3A_711 = arith.muli %scan3A_555, %mul3A_710 : i32
        %add3A_712 = arith.constant 768 : i32
        %add3A_713 = arith.addi %mul3A_711, %add3A_712 : i32
        %add3A_714 = vector.broadcast %add3A_713 : i32 to vector<8x128xi32>
        %add3A_715 = arith.addi %add3A_714, %iota3A : vector<8x128xi32>
        %eq3A_716 = vector.broadcast %broadcast_in_dim3A_167 : vector<8x1xi32> to vector<8x128xi32>
        %eq3A_717 = arith.cmpi eq, %add3A_715, %eq3A_716 : vector<8x128xi32>
        %jit3A_718 = arith.constant -3.000000e+38 : f32
        %broadcast_in_dim3A_719 = vector.broadcast %jit3A_718 : f32 to vector<8x128xf32>
        %select_n3A_720 = arith.select %eq3A_717, %broadcast_in_dim3A_719, %get3A_709 : vector<8x128xi1>, vector<8x128xf32>
        %swap3A_721 = arith.index_cast %scan3A_555 : i32 to index
        %swap3A_722 = arith.constant 0 : index
        %swap3A_723 = arith.constant 768 : index
        %swap3A_724 = vector.load %arg4[%swap3A_721, %swap3A_722, %swap3A_723] : memref<8x8x1024xf32, #tpu.memory_space<vmem>>, vector<1x8x128xf32>
        %swap3A_725 = vector.shape_cast %swap3A_724 : vector<1x8x128xf32> to vector<8x128xf32>
        %swap3A_726 = vector.shape_cast %select_n3A_720 : vector<8x128xf32> to vector<1x8x128xf32>
        tpu.vector_store %arg4[%swap3A_721, %swap3A_722, %swap3A_723], %swap3A_726 {strides = array<i32>} : memref<8x8x1024xf32, #tpu.memory_space<vmem>>, vector<1x8x128xf32>,
        %gt3A_727 = arith.cmpf ogt, %select_n3A_720, %select_n3A_703 : vector<8x128xf32>
        %select_n3A_728 = arith.select %gt3A_727, %select_n3A_720, %select_n3A_703 : vector<8x128xi1>, vector<8x128xf32>
        %select_n3A_729 = arith.select %gt3A_727, %add3A_715, %select_n3A_704 : vector<8x128xi1>, vector<8x128xi32>
        %get3A_730 = arith.index_cast %scan3A_555 : i32 to index
        %get3A_731 = arith.constant 0 : index
        %get3A_732 = arith.constant 896 : index
        %get3A_733 = vector.load %arg4[%get3A_730, %get3A_731, %get3A_732] : memref<8x8x1024xf32, #tpu.memory_space<vmem>>, vector<1x8x128xf32>
        %get3A_734 = vector.shape_cast %get3A_733 : vector<1x8x128xf32> to vector<8x128xf32>
        %mul3A_735 = arith.constant 1024 : i32
        %mul3A_736 = arith.muli %scan3A_555, %mul3A_735 : i32
        %add3A_737 = arith.constant 896 : i32
        %add3A_738 = arith.addi %mul3A_736, %add3A_737 : i32
        %add3A_739 = vector.broadcast %add3A_738 : i32 to vector<8x128xi32>
        %add3A_740 = arith.addi %add3A_739, %iota3A : vector<8x128xi32>
        %eq3A_741 = vector.broadcast %broadcast_in_dim3A_167 : vector<8x1xi32> to vector<8x128xi32>
        %eq3A_742 = arith.cmpi eq, %add3A_740, %eq3A_741 : vector<8x128xi32>
        %jit3A_743 = arith.constant -3.000000e+38 : f32
        %broadcast_in_dim3A_744 = vector.broadcast %jit3A_743 : f32 to vector<8x128xf32>
        %select_n3A_745 = arith.select %eq3A_742, %broadcast_in_dim3A_744, %get3A_734 : vector<8x128xi1>, vector<8x128xf32>
        %swap3A_746 = arith.index_cast %scan3A_555 : i32 to index
        %swap3A_747 = arith.constant 0 : index
        %swap3A_748 = arith.constant 896 : index
        %swap3A_749 = vector.load %arg4[%swap3A_746, %swap3A_747, %swap3A_748] : memref<8x8x1024xf32, #tpu.memory_space<vmem>>, vector<1x8x128xf32>
        %swap3A_750 = vector.shape_cast %swap3A_749 : vector<1x8x128xf32> to vector<8x128xf32>
        %swap3A_751 = vector.shape_cast %select_n3A_745 : vector<8x128xf32> to vector<1x8x128xf32>
        tpu.vector_store %arg4[%swap3A_746, %swap3A_747, %swap3A_748], %swap3A_751 {strides = array<i32>} : memref<8x8x1024xf32, #tpu.memory_space<vmem>>, vector<1x8x128xf32>,
        %gt3A_752 = arith.cmpf ogt, %select_n3A_745, %select_n3A_728 : vector<8x128xf32>
        %select_n3A_753 = arith.select %gt3A_752, %select_n3A_745, %select_n3A_728 : vector<8x128xi1>, vector<8x128xf32>
        %select_n3A_754 = arith.select %gt3A_752, %add3A_740, %select_n3A_729 : vector<8x128xi1>, vector<8x128xi32>
        scf.yield %select_n3A_753, %select_n3A_754 : vector<8x128xf32>, vector<8x128xi32>
      }
      %scan3A_183 = arith.constant 8 : i32
      %reduce_max3A_184 = arith.constant dense<0xFF800000> : vector<8xf32>
      %reduce_max3A_185 = vector.multi_reduction <maximumf>, %scan3A_182#0, %reduce_max3A_184 [1] : vector<8x128xf32> to vector<8xf32>
      %broadcast_in_dim3A_186 = vector.shape_cast %reduce_max3A_185 : vector<8xf32> to vector<8x1xf32>
      %eq3A_187 = vector.broadcast %broadcast_in_dim3A_186 : vector<8x1xf32> to vector<8x128xf32>
      %eq3A_188 = arith.cmpf oeq, %scan3A_182#0, %eq3A_187 : vector<8x128xf32>
      %jit3A_189 = arith.constant 8192 : i32
      %broadcast_in_dim3A_190 = vector.broadcast %jit3A_189 : i32 to vector<8x128xi32>
      %select_n3A_191 = arith.select %eq3A_188, %scan3A_182#1, %broadcast_in_dim3A_190 : vector<8x128xi1>, vector<8x128xi32>
      %reduce_min3A_192 = arith.constant dense<2147483647> : vector<8xi32>
      %reduce_min3A_193 = vector.multi_reduction <minsi>, %select_n3A_191, %reduce_min3A_192 [1] : vector<8x128xi32> to vector<8xi32>
      %broadcast_in_dim3A_194 = vector.shape_cast %reduce_min3A_193 : vector<8xi32> to vector<8x1xi32>
      %eq3A_195 = arith.constant 6 : i32
      %eq3A_196 = vector.broadcast %eq3A_195 : i32 to vector<8x32xi32>
      %eq3A_197 = arith.cmpi eq, %iota3A_13, %eq3A_196 : vector<8x32xi32>
      %broadcast_in_dim3A_198 = vector.shape_cast %broadcast_in_dim3A_194 : vector<8x1xi32> to vector<8x1xi32>
      %broadcast_in_dim3A_199 = vector.broadcast %broadcast_in_dim3A_198 : vector<8x1xi32> to vector<8x32xi32>
      %select_n3A_200 = arith.select %eq3A_197, %broadcast_in_dim3A_199, %select_n3A_173 : vector<8x32xi1>, vector<8x32xi32>
      %broadcast_in_dim3A_201 = arith.constant -3.000000e+38 : f32
      %broadcast_in_dim3A_202 = vector.broadcast %broadcast_in_dim3A_201 : f32 to vector<8x128xf32>
      %broadcast_in_dim3A_203 = arith.constant 0 : i32
      %broadcast_in_dim3A_204 = vector.broadcast %broadcast_in_dim3A_203 : i32 to vector<8x128xi32>
      %scan3A_205 = arith.constant 0 : i32
      %scan3A_206 = arith.constant 8 : i32
      %scan3A_207 = arith.addi %scan3A_205, %scan3A_206 : i32
      %scan3A_208 = arith.constant 1 : i32
      %scan3A_209:2 = scf.for %scan3A_555 = %scan3A_205 to %scan3A_207 step %scan3A_208 iter_args(%scan3A_556 = %broadcast_in_dim3A_202, %scan3A_557 = %broadcast_in_dim3A_204) -> (vector<8x128xf32>, vector<8x128xi32>)  : i32 {
        %get3A_558 = arith.index_cast %scan3A_555 : i32 to index
        %get3A_559 = arith.constant 0 : index
        %get3A_560 = arith.constant 0 : index
        %get3A_561 = vector.load %arg4[%get3A_558, %get3A_559, %get3A_560] : memref<8x8x1024xf32, #tpu.memory_space<vmem>>, vector<1x8x128xf32>
        %get3A_562 = vector.shape_cast %get3A_561 : vector<1x8x128xf32> to vector<8x128xf32>
        %mul3A = arith.constant 1024 : i32
        %mul3A_563 = arith.muli %scan3A_555, %mul3A : i32
        %add3A = arith.constant 0 : i32
        %add3A_564 = arith.addi %mul3A_563, %add3A : i32
        %add3A_565 = vector.broadcast %add3A_564 : i32 to vector<8x128xi32>
        %add3A_566 = arith.addi %add3A_565, %iota3A : vector<8x128xi32>
        %eq3A_567 = vector.broadcast %broadcast_in_dim3A_194 : vector<8x1xi32> to vector<8x128xi32>
        %eq3A_568 = arith.cmpi eq, %add3A_566, %eq3A_567 : vector<8x128xi32>
        %jit3A_569 = arith.constant -3.000000e+38 : f32
        %broadcast_in_dim3A_570 = vector.broadcast %jit3A_569 : f32 to vector<8x128xf32>
        %select_n3A_571 = arith.select %eq3A_568, %broadcast_in_dim3A_570, %get3A_562 : vector<8x128xi1>, vector<8x128xf32>
        %swap3A_572 = arith.index_cast %scan3A_555 : i32 to index
        %swap3A_573 = arith.constant 0 : index
        %swap3A_574 = arith.constant 0 : index
        %swap3A_575 = vector.load %arg4[%swap3A_572, %swap3A_573, %swap3A_574] : memref<8x8x1024xf32, #tpu.memory_space<vmem>>, vector<1x8x128xf32>
        %swap3A_576 = vector.shape_cast %swap3A_575 : vector<1x8x128xf32> to vector<8x128xf32>
        %swap3A_577 = vector.shape_cast %select_n3A_571 : vector<8x128xf32> to vector<1x8x128xf32>
        tpu.vector_store %arg4[%swap3A_572, %swap3A_573, %swap3A_574], %swap3A_577 {strides = array<i32>} : memref<8x8x1024xf32, #tpu.memory_space<vmem>>, vector<1x8x128xf32>,
        %gt3A = arith.cmpf ogt, %select_n3A_571, %scan3A_556 : vector<8x128xf32>
        %select_n3A_578 = arith.select %gt3A, %select_n3A_571, %scan3A_556 : vector<8x128xi1>, vector<8x128xf32>
        %select_n3A_579 = arith.select %gt3A, %add3A_566, %scan3A_557 : vector<8x128xi1>, vector<8x128xi32>
        %get3A_580 = arith.index_cast %scan3A_555 : i32 to index
        %get3A_581 = arith.constant 0 : index
        %get3A_582 = arith.constant 128 : index
        %get3A_583 = vector.load %arg4[%get3A_580, %get3A_581, %get3A_582] : memref<8x8x1024xf32, #tpu.memory_space<vmem>>, vector<1x8x128xf32>
        %get3A_584 = vector.shape_cast %get3A_583 : vector<1x8x128xf32> to vector<8x128xf32>
        %mul3A_585 = arith.constant 1024 : i32
        %mul3A_586 = arith.muli %scan3A_555, %mul3A_585 : i32
        %add3A_587 = arith.constant 128 : i32
        %add3A_588 = arith.addi %mul3A_586, %add3A_587 : i32
        %add3A_589 = vector.broadcast %add3A_588 : i32 to vector<8x128xi32>
        %add3A_590 = arith.addi %add3A_589, %iota3A : vector<8x128xi32>
        %eq3A_591 = vector.broadcast %broadcast_in_dim3A_194 : vector<8x1xi32> to vector<8x128xi32>
        %eq3A_592 = arith.cmpi eq, %add3A_590, %eq3A_591 : vector<8x128xi32>
        %jit3A_593 = arith.constant -3.000000e+38 : f32
        %broadcast_in_dim3A_594 = vector.broadcast %jit3A_593 : f32 to vector<8x128xf32>
        %select_n3A_595 = arith.select %eq3A_592, %broadcast_in_dim3A_594, %get3A_584 : vector<8x128xi1>, vector<8x128xf32>
        %swap3A_596 = arith.index_cast %scan3A_555 : i32 to index
        %swap3A_597 = arith.constant 0 : index
        %swap3A_598 = arith.constant 128 : index
        %swap3A_599 = vector.load %arg4[%swap3A_596, %swap3A_597, %swap3A_598] : memref<8x8x1024xf32, #tpu.memory_space<vmem>>, vector<1x8x128xf32>
        %swap3A_600 = vector.shape_cast %swap3A_599 : vector<1x8x128xf32> to vector<8x128xf32>
        %swap3A_601 = vector.shape_cast %select_n3A_595 : vector<8x128xf32> to vector<1x8x128xf32>
        tpu.vector_store %arg4[%swap3A_596, %swap3A_597, %swap3A_598], %swap3A_601 {strides = array<i32>} : memref<8x8x1024xf32, #tpu.memory_space<vmem>>, vector<1x8x128xf32>,
        %gt3A_602 = arith.cmpf ogt, %select_n3A_595, %select_n3A_578 : vector<8x128xf32>
        %select_n3A_603 = arith.select %gt3A_602, %select_n3A_595, %select_n3A_578 : vector<8x128xi1>, vector<8x128xf32>
        %select_n3A_604 = arith.select %gt3A_602, %add3A_590, %select_n3A_579 : vector<8x128xi1>, vector<8x128xi32>
        %get3A_605 = arith.index_cast %scan3A_555 : i32 to index
        %get3A_606 = arith.constant 0 : index
        %get3A_607 = arith.constant 256 : index
        %get3A_608 = vector.load %arg4[%get3A_605, %get3A_606, %get3A_607] : memref<8x8x1024xf32, #tpu.memory_space<vmem>>, vector<1x8x128xf32>
        %get3A_609 = vector.shape_cast %get3A_608 : vector<1x8x128xf32> to vector<8x128xf32>
        %mul3A_610 = arith.constant 1024 : i32
        %mul3A_611 = arith.muli %scan3A_555, %mul3A_610 : i32
        %add3A_612 = arith.constant 256 : i32
        %add3A_613 = arith.addi %mul3A_611, %add3A_612 : i32
        %add3A_614 = vector.broadcast %add3A_613 : i32 to vector<8x128xi32>
        %add3A_615 = arith.addi %add3A_614, %iota3A : vector<8x128xi32>
        %eq3A_616 = vector.broadcast %broadcast_in_dim3A_194 : vector<8x1xi32> to vector<8x128xi32>
        %eq3A_617 = arith.cmpi eq, %add3A_615, %eq3A_616 : vector<8x128xi32>
        %jit3A_618 = arith.constant -3.000000e+38 : f32
        %broadcast_in_dim3A_619 = vector.broadcast %jit3A_618 : f32 to vector<8x128xf32>
        %select_n3A_620 = arith.select %eq3A_617, %broadcast_in_dim3A_619, %get3A_609 : vector<8x128xi1>, vector<8x128xf32>
        %swap3A_621 = arith.index_cast %scan3A_555 : i32 to index
        %swap3A_622 = arith.constant 0 : index
        %swap3A_623 = arith.constant 256 : index
        %swap3A_624 = vector.load %arg4[%swap3A_621, %swap3A_622, %swap3A_623] : memref<8x8x1024xf32, #tpu.memory_space<vmem>>, vector<1x8x128xf32>
        %swap3A_625 = vector.shape_cast %swap3A_624 : vector<1x8x128xf32> to vector<8x128xf32>
        %swap3A_626 = vector.shape_cast %select_n3A_620 : vector<8x128xf32> to vector<1x8x128xf32>
        tpu.vector_store %arg4[%swap3A_621, %swap3A_622, %swap3A_623], %swap3A_626 {strides = array<i32>} : memref<8x8x1024xf32, #tpu.memory_space<vmem>>, vector<1x8x128xf32>,
        %gt3A_627 = arith.cmpf ogt, %select_n3A_620, %select_n3A_603 : vector<8x128xf32>
        %select_n3A_628 = arith.select %gt3A_627, %select_n3A_620, %select_n3A_603 : vector<8x128xi1>, vector<8x128xf32>
        %select_n3A_629 = arith.select %gt3A_627, %add3A_615, %select_n3A_604 : vector<8x128xi1>, vector<8x128xi32>
        %get3A_630 = arith.index_cast %scan3A_555 : i32 to index
        %get3A_631 = arith.constant 0 : index
        %get3A_632 = arith.constant 384 : index
        %get3A_633 = vector.load %arg4[%get3A_630, %get3A_631, %get3A_632] : memref<8x8x1024xf32, #tpu.memory_space<vmem>>, vector<1x8x128xf32>
        %get3A_634 = vector.shape_cast %get3A_633 : vector<1x8x128xf32> to vector<8x128xf32>
        %mul3A_635 = arith.constant 1024 : i32
        %mul3A_636 = arith.muli %scan3A_555, %mul3A_635 : i32
        %add3A_637 = arith.constant 384 : i32
        %add3A_638 = arith.addi %mul3A_636, %add3A_637 : i32
        %add3A_639 = vector.broadcast %add3A_638 : i32 to vector<8x128xi32>
        %add3A_640 = arith.addi %add3A_639, %iota3A : vector<8x128xi32>
        %eq3A_641 = vector.broadcast %broadcast_in_dim3A_194 : vector<8x1xi32> to vector<8x128xi32>
        %eq3A_642 = arith.cmpi eq, %add3A_640, %eq3A_641 : vector<8x128xi32>
        %jit3A_643 = arith.constant -3.000000e+38 : f32
        %broadcast_in_dim3A_644 = vector.broadcast %jit3A_643 : f32 to vector<8x128xf32>
        %select_n3A_645 = arith.select %eq3A_642, %broadcast_in_dim3A_644, %get3A_634 : vector<8x128xi1>, vector<8x128xf32>
        %swap3A_646 = arith.index_cast %scan3A_555 : i32 to index
        %swap3A_647 = arith.constant 0 : index
        %swap3A_648 = arith.constant 384 : index
        %swap3A_649 = vector.load %arg4[%swap3A_646, %swap3A_647, %swap3A_648] : memref<8x8x1024xf32, #tpu.memory_space<vmem>>, vector<1x8x128xf32>
        %swap3A_650 = vector.shape_cast %swap3A_649 : vector<1x8x128xf32> to vector<8x128xf32>
        %swap3A_651 = vector.shape_cast %select_n3A_645 : vector<8x128xf32> to vector<1x8x128xf32>
        tpu.vector_store %arg4[%swap3A_646, %swap3A_647, %swap3A_648], %swap3A_651 {strides = array<i32>} : memref<8x8x1024xf32, #tpu.memory_space<vmem>>, vector<1x8x128xf32>,
        %gt3A_652 = arith.cmpf ogt, %select_n3A_645, %select_n3A_628 : vector<8x128xf32>
        %select_n3A_653 = arith.select %gt3A_652, %select_n3A_645, %select_n3A_628 : vector<8x128xi1>, vector<8x128xf32>
        %select_n3A_654 = arith.select %gt3A_652, %add3A_640, %select_n3A_629 : vector<8x128xi1>, vector<8x128xi32>
        %get3A_655 = arith.index_cast %scan3A_555 : i32 to index
        %get3A_656 = arith.constant 0 : index
        %get3A_657 = arith.constant 512 : index
        %get3A_658 = vector.load %arg4[%get3A_655, %get3A_656, %get3A_657] : memref<8x8x1024xf32, #tpu.memory_space<vmem>>, vector<1x8x128xf32>
        %get3A_659 = vector.shape_cast %get3A_658 : vector<1x8x128xf32> to vector<8x128xf32>
        %mul3A_660 = arith.constant 1024 : i32
        %mul3A_661 = arith.muli %scan3A_555, %mul3A_660 : i32
        %add3A_662 = arith.constant 512 : i32
        %add3A_663 = arith.addi %mul3A_661, %add3A_662 : i32
        %add3A_664 = vector.broadcast %add3A_663 : i32 to vector<8x128xi32>
        %add3A_665 = arith.addi %add3A_664, %iota3A : vector<8x128xi32>
        %eq3A_666 = vector.broadcast %broadcast_in_dim3A_194 : vector<8x1xi32> to vector<8x128xi32>
        %eq3A_667 = arith.cmpi eq, %add3A_665, %eq3A_666 : vector<8x128xi32>
        %jit3A_668 = arith.constant -3.000000e+38 : f32
        %broadcast_in_dim3A_669 = vector.broadcast %jit3A_668 : f32 to vector<8x128xf32>
        %select_n3A_670 = arith.select %eq3A_667, %broadcast_in_dim3A_669, %get3A_659 : vector<8x128xi1>, vector<8x128xf32>
        %swap3A_671 = arith.index_cast %scan3A_555 : i32 to index
        %swap3A_672 = arith.constant 0 : index
        %swap3A_673 = arith.constant 512 : index
        %swap3A_674 = vector.load %arg4[%swap3A_671, %swap3A_672, %swap3A_673] : memref<8x8x1024xf32, #tpu.memory_space<vmem>>, vector<1x8x128xf32>
        %swap3A_675 = vector.shape_cast %swap3A_674 : vector<1x8x128xf32> to vector<8x128xf32>
        %swap3A_676 = vector.shape_cast %select_n3A_670 : vector<8x128xf32> to vector<1x8x128xf32>
        tpu.vector_store %arg4[%swap3A_671, %swap3A_672, %swap3A_673], %swap3A_676 {strides = array<i32>} : memref<8x8x1024xf32, #tpu.memory_space<vmem>>, vector<1x8x128xf32>,
        %gt3A_677 = arith.cmpf ogt, %select_n3A_670, %select_n3A_653 : vector<8x128xf32>
        %select_n3A_678 = arith.select %gt3A_677, %select_n3A_670, %select_n3A_653 : vector<8x128xi1>, vector<8x128xf32>
        %select_n3A_679 = arith.select %gt3A_677, %add3A_665, %select_n3A_654 : vector<8x128xi1>, vector<8x128xi32>
        %get3A_680 = arith.index_cast %scan3A_555 : i32 to index
        %get3A_681 = arith.constant 0 : index
        %get3A_682 = arith.constant 640 : index
        %get3A_683 = vector.load %arg4[%get3A_680, %get3A_681, %get3A_682] : memref<8x8x1024xf32, #tpu.memory_space<vmem>>, vector<1x8x128xf32>
        %get3A_684 = vector.shape_cast %get3A_683 : vector<1x8x128xf32> to vector<8x128xf32>
        %mul3A_685 = arith.constant 1024 : i32
        %mul3A_686 = arith.muli %scan3A_555, %mul3A_685 : i32
        %add3A_687 = arith.constant 640 : i32
        %add3A_688 = arith.addi %mul3A_686, %add3A_687 : i32
        %add3A_689 = vector.broadcast %add3A_688 : i32 to vector<8x128xi32>
        %add3A_690 = arith.addi %add3A_689, %iota3A : vector<8x128xi32>
        %eq3A_691 = vector.broadcast %broadcast_in_dim3A_194 : vector<8x1xi32> to vector<8x128xi32>
        %eq3A_692 = arith.cmpi eq, %add3A_690, %eq3A_691 : vector<8x128xi32>
        %jit3A_693 = arith.constant -3.000000e+38 : f32
        %broadcast_in_dim3A_694 = vector.broadcast %jit3A_693 : f32 to vector<8x128xf32>
        %select_n3A_695 = arith.select %eq3A_692, %broadcast_in_dim3A_694, %get3A_684 : vector<8x128xi1>, vector<8x128xf32>
        %swap3A_696 = arith.index_cast %scan3A_555 : i32 to index
        %swap3A_697 = arith.constant 0 : index
        %swap3A_698 = arith.constant 640 : index
        %swap3A_699 = vector.load %arg4[%swap3A_696, %swap3A_697, %swap3A_698] : memref<8x8x1024xf32, #tpu.memory_space<vmem>>, vector<1x8x128xf32>
        %swap3A_700 = vector.shape_cast %swap3A_699 : vector<1x8x128xf32> to vector<8x128xf32>
        %swap3A_701 = vector.shape_cast %select_n3A_695 : vector<8x128xf32> to vector<1x8x128xf32>
        tpu.vector_store %arg4[%swap3A_696, %swap3A_697, %swap3A_698], %swap3A_701 {strides = array<i32>} : memref<8x8x1024xf32, #tpu.memory_space<vmem>>, vector<1x8x128xf32>,
        %gt3A_702 = arith.cmpf ogt, %select_n3A_695, %select_n3A_678 : vector<8x128xf32>
        %select_n3A_703 = arith.select %gt3A_702, %select_n3A_695, %select_n3A_678 : vector<8x128xi1>, vector<8x128xf32>
        %select_n3A_704 = arith.select %gt3A_702, %add3A_690, %select_n3A_679 : vector<8x128xi1>, vector<8x128xi32>
        %get3A_705 = arith.index_cast %scan3A_555 : i32 to index
        %get3A_706 = arith.constant 0 : index
        %get3A_707 = arith.constant 768 : index
        %get3A_708 = vector.load %arg4[%get3A_705, %get3A_706, %get3A_707] : memref<8x8x1024xf32, #tpu.memory_space<vmem>>, vector<1x8x128xf32>
        %get3A_709 = vector.shape_cast %get3A_708 : vector<1x8x128xf32> to vector<8x128xf32>
        %mul3A_710 = arith.constant 1024 : i32
        %mul3A_711 = arith.muli %scan3A_555, %mul3A_710 : i32
        %add3A_712 = arith.constant 768 : i32
        %add3A_713 = arith.addi %mul3A_711, %add3A_712 : i32
        %add3A_714 = vector.broadcast %add3A_713 : i32 to vector<8x128xi32>
        %add3A_715 = arith.addi %add3A_714, %iota3A : vector<8x128xi32>
        %eq3A_716 = vector.broadcast %broadcast_in_dim3A_194 : vector<8x1xi32> to vector<8x128xi32>
        %eq3A_717 = arith.cmpi eq, %add3A_715, %eq3A_716 : vector<8x128xi32>
        %jit3A_718 = arith.constant -3.000000e+38 : f32
        %broadcast_in_dim3A_719 = vector.broadcast %jit3A_718 : f32 to vector<8x128xf32>
        %select_n3A_720 = arith.select %eq3A_717, %broadcast_in_dim3A_719, %get3A_709 : vector<8x128xi1>, vector<8x128xf32>
        %swap3A_721 = arith.index_cast %scan3A_555 : i32 to index
        %swap3A_722 = arith.constant 0 : index
        %swap3A_723 = arith.constant 768 : index
        %swap3A_724 = vector.load %arg4[%swap3A_721, %swap3A_722, %swap3A_723] : memref<8x8x1024xf32, #tpu.memory_space<vmem>>, vector<1x8x128xf32>
        %swap3A_725 = vector.shape_cast %swap3A_724 : vector<1x8x128xf32> to vector<8x128xf32>
        %swap3A_726 = vector.shape_cast %select_n3A_720 : vector<8x128xf32> to vector<1x8x128xf32>
        tpu.vector_store %arg4[%swap3A_721, %swap3A_722, %swap3A_723], %swap3A_726 {strides = array<i32>} : memref<8x8x1024xf32, #tpu.memory_space<vmem>>, vector<1x8x128xf32>,
        %gt3A_727 = arith.cmpf ogt, %select_n3A_720, %select_n3A_703 : vector<8x128xf32>
        %select_n3A_728 = arith.select %gt3A_727, %select_n3A_720, %select_n3A_703 : vector<8x128xi1>, vector<8x128xf32>
        %select_n3A_729 = arith.select %gt3A_727, %add3A_715, %select_n3A_704 : vector<8x128xi1>, vector<8x128xi32>
        %get3A_730 = arith.index_cast %scan3A_555 : i32 to index
        %get3A_731 = arith.constant 0 : index
        %get3A_732 = arith.constant 896 : index
        %get3A_733 = vector.load %arg4[%get3A_730, %get3A_731, %get3A_732] : memref<8x8x1024xf32, #tpu.memory_space<vmem>>, vector<1x8x128xf32>
        %get3A_734 = vector.shape_cast %get3A_733 : vector<1x8x128xf32> to vector<8x128xf32>
        %mul3A_735 = arith.constant 1024 : i32
        %mul3A_736 = arith.muli %scan3A_555, %mul3A_735 : i32
        %add3A_737 = arith.constant 896 : i32
        %add3A_738 = arith.addi %mul3A_736, %add3A_737 : i32
        %add3A_739 = vector.broadcast %add3A_738 : i32 to vector<8x128xi32>
        %add3A_740 = arith.addi %add3A_739, %iota3A : vector<8x128xi32>
        %eq3A_741 = vector.broadcast %broadcast_in_dim3A_194 : vector<8x1xi32> to vector<8x128xi32>
        %eq3A_742 = arith.cmpi eq, %add3A_740, %eq3A_741 : vector<8x128xi32>
        %jit3A_743 = arith.constant -3.000000e+38 : f32
        %broadcast_in_dim3A_744 = vector.broadcast %jit3A_743 : f32 to vector<8x128xf32>
        %select_n3A_745 = arith.select %eq3A_742, %broadcast_in_dim3A_744, %get3A_734 : vector<8x128xi1>, vector<8x128xf32>
        %swap3A_746 = arith.index_cast %scan3A_555 : i32 to index
        %swap3A_747 = arith.constant 0 : index
        %swap3A_748 = arith.constant 896 : index
        %swap3A_749 = vector.load %arg4[%swap3A_746, %swap3A_747, %swap3A_748] : memref<8x8x1024xf32, #tpu.memory_space<vmem>>, vector<1x8x128xf32>
        %swap3A_750 = vector.shape_cast %swap3A_749 : vector<1x8x128xf32> to vector<8x128xf32>
        %swap3A_751 = vector.shape_cast %select_n3A_745 : vector<8x128xf32> to vector<1x8x128xf32>
        tpu.vector_store %arg4[%swap3A_746, %swap3A_747, %swap3A_748], %swap3A_751 {strides = array<i32>} : memref<8x8x1024xf32, #tpu.memory_space<vmem>>, vector<1x8x128xf32>,
        %gt3A_752 = arith.cmpf ogt, %select_n3A_745, %select_n3A_728 : vector<8x128xf32>
        %select_n3A_753 = arith.select %gt3A_752, %select_n3A_745, %select_n3A_728 : vector<8x128xi1>, vector<8x128xf32>
        %select_n3A_754 = arith.select %gt3A_752, %add3A_740, %select_n3A_729 : vector<8x128xi1>, vector<8x128xi32>
        scf.yield %select_n3A_753, %select_n3A_754 : vector<8x128xf32>, vector<8x128xi32>
      }
      %scan3A_210 = arith.constant 8 : i32
      %reduce_max3A_211 = arith.constant dense<0xFF800000> : vector<8xf32>
      %reduce_max3A_212 = vector.multi_reduction <maximumf>, %scan3A_209#0, %reduce_max3A_211 [1] : vector<8x128xf32> to vector<8xf32>
      %broadcast_in_dim3A_213 = vector.shape_cast %reduce_max3A_212 : vector<8xf32> to vector<8x1xf32>
      %eq3A_214 = vector.broadcast %broadcast_in_dim3A_213 : vector<8x1xf32> to vector<8x128xf32>
      %eq3A_215 = arith.cmpf oeq, %scan3A_209#0, %eq3A_214 : vector<8x128xf32>
      %jit3A_216 = arith.constant 8192 : i32
      %broadcast_in_dim3A_217 = vector.broadcast %jit3A_216 : i32 to vector<8x128xi32>
      %select_n3A_218 = arith.select %eq3A_215, %scan3A_209#1, %broadcast_in_dim3A_217 : vector<8x128xi1>, vector<8x128xi32>
      %reduce_min3A_219 = arith.constant dense<2147483647> : vector<8xi32>
      %reduce_min3A_220 = vector.multi_reduction <minsi>, %select_n3A_218, %reduce_min3A_219 [1] : vector<8x128xi32> to vector<8xi32>
      %broadcast_in_dim3A_221 = vector.shape_cast %reduce_min3A_220 : vector<8xi32> to vector<8x1xi32>
      %eq3A_222 = arith.constant 7 : i32
      %eq3A_223 = vector.broadcast %eq3A_222 : i32 to vector<8x32xi32>
      %eq3A_224 = arith.cmpi eq, %iota3A_13, %eq3A_223 : vector<8x32xi32>
      %broadcast_in_dim3A_225 = vector.shape_cast %broadcast_in_dim3A_221 : vector<8x1xi32> to vector<8x1xi32>
      %broadcast_in_dim3A_226 = vector.broadcast %broadcast_in_dim3A_225 : vector<8x1xi32> to vector<8x32xi32>
      %select_n3A_227 = arith.select %eq3A_224, %broadcast_in_dim3A_226, %select_n3A_200 : vector<8x32xi1>, vector<8x32xi32>
      %broadcast_in_dim3A_228 = arith.constant -3.000000e+38 : f32
      %broadcast_in_dim3A_229 = vector.broadcast %broadcast_in_dim3A_228 : f32 to vector<8x128xf32>
      %broadcast_in_dim3A_230 = arith.constant 0 : i32
      %broadcast_in_dim3A_231 = vector.broadcast %broadcast_in_dim3A_230 : i32 to vector<8x128xi32>
      %scan3A_232 = arith.constant 0 : i32
      %scan3A_233 = arith.constant 8 : i32
      %scan3A_234 = arith.addi %scan3A_232, %scan3A_233 : i32
      %scan3A_235 = arith.constant 1 : i32
      %scan3A_236:2 = scf.for %scan3A_555 = %scan3A_232 to %scan3A_234 step %scan3A_235 iter_args(%scan3A_556 = %broadcast_in_dim3A_229, %scan3A_557 = %broadcast_in_dim3A_231) -> (vector<8x128xf32>, vector<8x128xi32>)  : i32 {
        %get3A_558 = arith.index_cast %scan3A_555 : i32 to index
        %get3A_559 = arith.constant 0 : index
        %get3A_560 = arith.constant 0 : index
        %get3A_561 = vector.load %arg4[%get3A_558, %get3A_559, %get3A_560] : memref<8x8x1024xf32, #tpu.memory_space<vmem>>, vector<1x8x128xf32>
        %get3A_562 = vector.shape_cast %get3A_561 : vector<1x8x128xf32> to vector<8x128xf32>
        %mul3A = arith.constant 1024 : i32
        %mul3A_563 = arith.muli %scan3A_555, %mul3A : i32
        %add3A = arith.constant 0 : i32
        %add3A_564 = arith.addi %mul3A_563, %add3A : i32
        %add3A_565 = vector.broadcast %add3A_564 : i32 to vector<8x128xi32>
        %add3A_566 = arith.addi %add3A_565, %iota3A : vector<8x128xi32>
        %eq3A_567 = vector.broadcast %broadcast_in_dim3A_221 : vector<8x1xi32> to vector<8x128xi32>
        %eq3A_568 = arith.cmpi eq, %add3A_566, %eq3A_567 : vector<8x128xi32>
        %jit3A_569 = arith.constant -3.000000e+38 : f32
        %broadcast_in_dim3A_570 = vector.broadcast %jit3A_569 : f32 to vector<8x128xf32>
        %select_n3A_571 = arith.select %eq3A_568, %broadcast_in_dim3A_570, %get3A_562 : vector<8x128xi1>, vector<8x128xf32>
        %swap3A_572 = arith.index_cast %scan3A_555 : i32 to index
        %swap3A_573 = arith.constant 0 : index
        %swap3A_574 = arith.constant 0 : index
        %swap3A_575 = vector.load %arg4[%swap3A_572, %swap3A_573, %swap3A_574] : memref<8x8x1024xf32, #tpu.memory_space<vmem>>, vector<1x8x128xf32>
        %swap3A_576 = vector.shape_cast %swap3A_575 : vector<1x8x128xf32> to vector<8x128xf32>
        %swap3A_577 = vector.shape_cast %select_n3A_571 : vector<8x128xf32> to vector<1x8x128xf32>
        tpu.vector_store %arg4[%swap3A_572, %swap3A_573, %swap3A_574], %swap3A_577 {strides = array<i32>} : memref<8x8x1024xf32, #tpu.memory_space<vmem>>, vector<1x8x128xf32>,
        %gt3A = arith.cmpf ogt, %select_n3A_571, %scan3A_556 : vector<8x128xf32>
        %select_n3A_578 = arith.select %gt3A, %select_n3A_571, %scan3A_556 : vector<8x128xi1>, vector<8x128xf32>
        %select_n3A_579 = arith.select %gt3A, %add3A_566, %scan3A_557 : vector<8x128xi1>, vector<8x128xi32>
        %get3A_580 = arith.index_cast %scan3A_555 : i32 to index
        %get3A_581 = arith.constant 0 : index
        %get3A_582 = arith.constant 128 : index
        %get3A_583 = vector.load %arg4[%get3A_580, %get3A_581, %get3A_582] : memref<8x8x1024xf32, #tpu.memory_space<vmem>>, vector<1x8x128xf32>
        %get3A_584 = vector.shape_cast %get3A_583 : vector<1x8x128xf32> to vector<8x128xf32>
        %mul3A_585 = arith.constant 1024 : i32
        %mul3A_586 = arith.muli %scan3A_555, %mul3A_585 : i32
        %add3A_587 = arith.constant 128 : i32
        %add3A_588 = arith.addi %mul3A_586, %add3A_587 : i32
        %add3A_589 = vector.broadcast %add3A_588 : i32 to vector<8x128xi32>
        %add3A_590 = arith.addi %add3A_589, %iota3A : vector<8x128xi32>
        %eq3A_591 = vector.broadcast %broadcast_in_dim3A_221 : vector<8x1xi32> to vector<8x128xi32>
        %eq3A_592 = arith.cmpi eq, %add3A_590, %eq3A_591 : vector<8x128xi32>
        %jit3A_593 = arith.constant -3.000000e+38 : f32
        %broadcast_in_dim3A_594 = vector.broadcast %jit3A_593 : f32 to vector<8x128xf32>
        %select_n3A_595 = arith.select %eq3A_592, %broadcast_in_dim3A_594, %get3A_584 : vector<8x128xi1>, vector<8x128xf32>
        %swap3A_596 = arith.index_cast %scan3A_555 : i32 to index
        %swap3A_597 = arith.constant 0 : index
        %swap3A_598 = arith.constant 128 : index
        %swap3A_599 = vector.load %arg4[%swap3A_596, %swap3A_597, %swap3A_598] : memref<8x8x1024xf32, #tpu.memory_space<vmem>>, vector<1x8x128xf32>
        %swap3A_600 = vector.shape_cast %swap3A_599 : vector<1x8x128xf32> to vector<8x128xf32>
        %swap3A_601 = vector.shape_cast %select_n3A_595 : vector<8x128xf32> to vector<1x8x128xf32>
        tpu.vector_store %arg4[%swap3A_596, %swap3A_597, %swap3A_598], %swap3A_601 {strides = array<i32>} : memref<8x8x1024xf32, #tpu.memory_space<vmem>>, vector<1x8x128xf32>,
        %gt3A_602 = arith.cmpf ogt, %select_n3A_595, %select_n3A_578 : vector<8x128xf32>
        %select_n3A_603 = arith.select %gt3A_602, %select_n3A_595, %select_n3A_578 : vector<8x128xi1>, vector<8x128xf32>
        %select_n3A_604 = arith.select %gt3A_602, %add3A_590, %select_n3A_579 : vector<8x128xi1>, vector<8x128xi32>
        %get3A_605 = arith.index_cast %scan3A_555 : i32 to index
        %get3A_606 = arith.constant 0 : index
        %get3A_607 = arith.constant 256 : index
        %get3A_608 = vector.load %arg4[%get3A_605, %get3A_606, %get3A_607] : memref<8x8x1024xf32, #tpu.memory_space<vmem>>, vector<1x8x128xf32>
        %get3A_609 = vector.shape_cast %get3A_608 : vector<1x8x128xf32> to vector<8x128xf32>
        %mul3A_610 = arith.constant 1024 : i32
        %mul3A_611 = arith.muli %scan3A_555, %mul3A_610 : i32
        %add3A_612 = arith.constant 256 : i32
        %add3A_613 = arith.addi %mul3A_611, %add3A_612 : i32
        %add3A_614 = vector.broadcast %add3A_613 : i32 to vector<8x128xi32>
        %add3A_615 = arith.addi %add3A_614, %iota3A : vector<8x128xi32>
        %eq3A_616 = vector.broadcast %broadcast_in_dim3A_221 : vector<8x1xi32> to vector<8x128xi32>
        %eq3A_617 = arith.cmpi eq, %add3A_615, %eq3A_616 : vector<8x128xi32>
        %jit3A_618 = arith.constant -3.000000e+38 : f32
        %broadcast_in_dim3A_619 = vector.broadcast %jit3A_618 : f32 to vector<8x128xf32>
        %select_n3A_620 = arith.select %eq3A_617, %broadcast_in_dim3A_619, %get3A_609 : vector<8x128xi1>, vector<8x128xf32>
        %swap3A_621 = arith.index_cast %scan3A_555 : i32 to index
        %swap3A_622 = arith.constant 0 : index
        %swap3A_623 = arith.constant 256 : index
        %swap3A_624 = vector.load %arg4[%swap3A_621, %swap3A_622, %swap3A_623] : memref<8x8x1024xf32, #tpu.memory_space<vmem>>, vector<1x8x128xf32>
        %swap3A_625 = vector.shape_cast %swap3A_624 : vector<1x8x128xf32> to vector<8x128xf32>
        %swap3A_626 = vector.shape_cast %select_n3A_620 : vector<8x128xf32> to vector<1x8x128xf32>
        tpu.vector_store %arg4[%swap3A_621, %swap3A_622, %swap3A_623], %swap3A_626 {strides = array<i32>} : memref<8x8x1024xf32, #tpu.memory_space<vmem>>, vector<1x8x128xf32>,
        %gt3A_627 = arith.cmpf ogt, %select_n3A_620, %select_n3A_603 : vector<8x128xf32>
        %select_n3A_628 = arith.select %gt3A_627, %select_n3A_620, %select_n3A_603 : vector<8x128xi1>, vector<8x128xf32>
        %select_n3A_629 = arith.select %gt3A_627, %add3A_615, %select_n3A_604 : vector<8x128xi1>, vector<8x128xi32>
        %get3A_630 = arith.index_cast %scan3A_555 : i32 to index
        %get3A_631 = arith.constant 0 : index
        %get3A_632 = arith.constant 384 : index
        %get3A_633 = vector.load %arg4[%get3A_630, %get3A_631, %get3A_632] : memref<8x8x1024xf32, #tpu.memory_space<vmem>>, vector<1x8x128xf32>
        %get3A_634 = vector.shape_cast %get3A_633 : vector<1x8x128xf32> to vector<8x128xf32>
        %mul3A_635 = arith.constant 1024 : i32
        %mul3A_636 = arith.muli %scan3A_555, %mul3A_635 : i32
        %add3A_637 = arith.constant 384 : i32
        %add3A_638 = arith.addi %mul3A_636, %add3A_637 : i32
        %add3A_639 = vector.broadcast %add3A_638 : i32 to vector<8x128xi32>
        %add3A_640 = arith.addi %add3A_639, %iota3A : vector<8x128xi32>
        %eq3A_641 = vector.broadcast %broadcast_in_dim3A_221 : vector<8x1xi32> to vector<8x128xi32>
        %eq3A_642 = arith.cmpi eq, %add3A_640, %eq3A_641 : vector<8x128xi32>
        %jit3A_643 = arith.constant -3.000000e+38 : f32
        %broadcast_in_dim3A_644 = vector.broadcast %jit3A_643 : f32 to vector<8x128xf32>
        %select_n3A_645 = arith.select %eq3A_642, %broadcast_in_dim3A_644, %get3A_634 : vector<8x128xi1>, vector<8x128xf32>
        %swap3A_646 = arith.index_cast %scan3A_555 : i32 to index
        %swap3A_647 = arith.constant 0 : index
        %swap3A_648 = arith.constant 384 : index
        %swap3A_649 = vector.load %arg4[%swap3A_646, %swap3A_647, %swap3A_648] : memref<8x8x1024xf32, #tpu.memory_space<vmem>>, vector<1x8x128xf32>
        %swap3A_650 = vector.shape_cast %swap3A_649 : vector<1x8x128xf32> to vector<8x128xf32>
        %swap3A_651 = vector.shape_cast %select_n3A_645 : vector<8x128xf32> to vector<1x8x128xf32>
        tpu.vector_store %arg4[%swap3A_646, %swap3A_647, %swap3A_648], %swap3A_651 {strides = array<i32>} : memref<8x8x1024xf32, #tpu.memory_space<vmem>>, vector<1x8x128xf32>,
        %gt3A_652 = arith.cmpf ogt, %select_n3A_645, %select_n3A_628 : vector<8x128xf32>
        %select_n3A_653 = arith.select %gt3A_652, %select_n3A_645, %select_n3A_628 : vector<8x128xi1>, vector<8x128xf32>
        %select_n3A_654 = arith.select %gt3A_652, %add3A_640, %select_n3A_629 : vector<8x128xi1>, vector<8x128xi32>
        %get3A_655 = arith.index_cast %scan3A_555 : i32 to index
        %get3A_656 = arith.constant 0 : index
        %get3A_657 = arith.constant 512 : index
        %get3A_658 = vector.load %arg4[%get3A_655, %get3A_656, %get3A_657] : memref<8x8x1024xf32, #tpu.memory_space<vmem>>, vector<1x8x128xf32>
        %get3A_659 = vector.shape_cast %get3A_658 : vector<1x8x128xf32> to vector<8x128xf32>
        %mul3A_660 = arith.constant 1024 : i32
        %mul3A_661 = arith.muli %scan3A_555, %mul3A_660 : i32
        %add3A_662 = arith.constant 512 : i32
        %add3A_663 = arith.addi %mul3A_661, %add3A_662 : i32
        %add3A_664 = vector.broadcast %add3A_663 : i32 to vector<8x128xi32>
        %add3A_665 = arith.addi %add3A_664, %iota3A : vector<8x128xi32>
        %eq3A_666 = vector.broadcast %broadcast_in_dim3A_221 : vector<8x1xi32> to vector<8x128xi32>
        %eq3A_667 = arith.cmpi eq, %add3A_665, %eq3A_666 : vector<8x128xi32>
        %jit3A_668 = arith.constant -3.000000e+38 : f32
        %broadcast_in_dim3A_669 = vector.broadcast %jit3A_668 : f32 to vector<8x128xf32>
        %select_n3A_670 = arith.select %eq3A_667, %broadcast_in_dim3A_669, %get3A_659 : vector<8x128xi1>, vector<8x128xf32>
        %swap3A_671 = arith.index_cast %scan3A_555 : i32 to index
        %swap3A_672 = arith.constant 0 : index
        %swap3A_673 = arith.constant 512 : index
        %swap3A_674 = vector.load %arg4[%swap3A_671, %swap3A_672, %swap3A_673] : memref<8x8x1024xf32, #tpu.memory_space<vmem>>, vector<1x8x128xf32>
        %swap3A_675 = vector.shape_cast %swap3A_674 : vector<1x8x128xf32> to vector<8x128xf32>
        %swap3A_676 = vector.shape_cast %select_n3A_670 : vector<8x128xf32> to vector<1x8x128xf32>
        tpu.vector_store %arg4[%swap3A_671, %swap3A_672, %swap3A_673], %swap3A_676 {strides = array<i32>} : memref<8x8x1024xf32, #tpu.memory_space<vmem>>, vector<1x8x128xf32>,
        %gt3A_677 = arith.cmpf ogt, %select_n3A_670, %select_n3A_653 : vector<8x128xf32>
        %select_n3A_678 = arith.select %gt3A_677, %select_n3A_670, %select_n3A_653 : vector<8x128xi1>, vector<8x128xf32>
        %select_n3A_679 = arith.select %gt3A_677, %add3A_665, %select_n3A_654 : vector<8x128xi1>, vector<8x128xi32>
        %get3A_680 = arith.index_cast %scan3A_555 : i32 to index
        %get3A_681 = arith.constant 0 : index
        %get3A_682 = arith.constant 640 : index
        %get3A_683 = vector.load %arg4[%get3A_680, %get3A_681, %get3A_682] : memref<8x8x1024xf32, #tpu.memory_space<vmem>>, vector<1x8x128xf32>
        %get3A_684 = vector.shape_cast %get3A_683 : vector<1x8x128xf32> to vector<8x128xf32>
        %mul3A_685 = arith.constant 1024 : i32
        %mul3A_686 = arith.muli %scan3A_555, %mul3A_685 : i32
        %add3A_687 = arith.constant 640 : i32
        %add3A_688 = arith.addi %mul3A_686, %add3A_687 : i32
        %add3A_689 = vector.broadcast %add3A_688 : i32 to vector<8x128xi32>
        %add3A_690 = arith.addi %add3A_689, %iota3A : vector<8x128xi32>
        %eq3A_691 = vector.broadcast %broadcast_in_dim3A_221 : vector<8x1xi32> to vector<8x128xi32>
        %eq3A_692 = arith.cmpi eq, %add3A_690, %eq3A_691 : vector<8x128xi32>
        %jit3A_693 = arith.constant -3.000000e+38 : f32
        %broadcast_in_dim3A_694 = vector.broadcast %jit3A_693 : f32 to vector<8x128xf32>
        %select_n3A_695 = arith.select %eq3A_692, %broadcast_in_dim3A_694, %get3A_684 : vector<8x128xi1>, vector<8x128xf32>
        %swap3A_696 = arith.index_cast %scan3A_555 : i32 to index
        %swap3A_697 = arith.constant 0 : index
        %swap3A_698 = arith.constant 640 : index
        %swap3A_699 = vector.load %arg4[%swap3A_696, %swap3A_697, %swap3A_698] : memref<8x8x1024xf32, #tpu.memory_space<vmem>>, vector<1x8x128xf32>
        %swap3A_700 = vector.shape_cast %swap3A_699 : vector<1x8x128xf32> to vector<8x128xf32>
        %swap3A_701 = vector.shape_cast %select_n3A_695 : vector<8x128xf32> to vector<1x8x128xf32>
        tpu.vector_store %arg4[%swap3A_696, %swap3A_697, %swap3A_698], %swap3A_701 {strides = array<i32>} : memref<8x8x1024xf32, #tpu.memory_space<vmem>>, vector<1x8x128xf32>,
        %gt3A_702 = arith.cmpf ogt, %select_n3A_695, %select_n3A_678 : vector<8x128xf32>
        %select_n3A_703 = arith.select %gt3A_702, %select_n3A_695, %select_n3A_678 : vector<8x128xi1>, vector<8x128xf32>
        %select_n3A_704 = arith.select %gt3A_702, %add3A_690, %select_n3A_679 : vector<8x128xi1>, vector<8x128xi32>
        %get3A_705 = arith.index_cast %scan3A_555 : i32 to index
        %get3A_706 = arith.constant 0 : index
        %get3A_707 = arith.constant 768 : index
        %get3A_708 = vector.load %arg4[%get3A_705, %get3A_706, %get3A_707] : memref<8x8x1024xf32, #tpu.memory_space<vmem>>, vector<1x8x128xf32>
        %get3A_709 = vector.shape_cast %get3A_708 : vector<1x8x128xf32> to vector<8x128xf32>
        %mul3A_710 = arith.constant 1024 : i32
        %mul3A_711 = arith.muli %scan3A_555, %mul3A_710 : i32
        %add3A_712 = arith.constant 768 : i32
        %add3A_713 = arith.addi %mul3A_711, %add3A_712 : i32
        %add3A_714 = vector.broadcast %add3A_713 : i32 to vector<8x128xi32>
        %add3A_715 = arith.addi %add3A_714, %iota3A : vector<8x128xi32>
        %eq3A_716 = vector.broadcast %broadcast_in_dim3A_221 : vector<8x1xi32> to vector<8x128xi32>
        %eq3A_717 = arith.cmpi eq, %add3A_715, %eq3A_716 : vector<8x128xi32>
        %jit3A_718 = arith.constant -3.000000e+38 : f32
        %broadcast_in_dim3A_719 = vector.broadcast %jit3A_718 : f32 to vector<8x128xf32>
        %select_n3A_720 = arith.select %eq3A_717, %broadcast_in_dim3A_719, %get3A_709 : vector<8x128xi1>, vector<8x128xf32>
        %swap3A_721 = arith.index_cast %scan3A_555 : i32 to index
        %swap3A_722 = arith.constant 0 : index
        %swap3A_723 = arith.constant 768 : index
        %swap3A_724 = vector.load %arg4[%swap3A_721, %swap3A_722, %swap3A_723] : memref<8x8x1024xf32, #tpu.memory_space<vmem>>, vector<1x8x128xf32>
        %swap3A_725 = vector.shape_cast %swap3A_724 : vector<1x8x128xf32> to vector<8x128xf32>
        %swap3A_726 = vector.shape_cast %select_n3A_720 : vector<8x128xf32> to vector<1x8x128xf32>
        tpu.vector_store %arg4[%swap3A_721, %swap3A_722, %swap3A_723], %swap3A_726 {strides = array<i32>} : memref<8x8x1024xf32, #tpu.memory_space<vmem>>, vector<1x8x128xf32>,
        %gt3A_727 = arith.cmpf ogt, %select_n3A_720, %select_n3A_703 : vector<8x128xf32>
        %select_n3A_728 = arith.select %gt3A_727, %select_n3A_720, %select_n3A_703 : vector<8x128xi1>, vector<8x128xf32>
        %select_n3A_729 = arith.select %gt3A_727, %add3A_715, %select_n3A_704 : vector<8x128xi1>, vector<8x128xi32>
        %get3A_730 = arith.index_cast %scan3A_555 : i32 to index
        %get3A_731 = arith.constant 0 : index
        %get3A_732 = arith.constant 896 : index
        %get3A_733 = vector.load %arg4[%get3A_730, %get3A_731, %get3A_732] : memref<8x8x1024xf32, #tpu.memory_space<vmem>>, vector<1x8x128xf32>
        %get3A_734 = vector.shape_cast %get3A_733 : vector<1x8x128xf32> to vector<8x128xf32>
        %mul3A_735 = arith.constant 1024 : i32
        %mul3A_736 = arith.muli %scan3A_555, %mul3A_735 : i32
        %add3A_737 = arith.constant 896 : i32
        %add3A_738 = arith.addi %mul3A_736, %add3A_737 : i32
        %add3A_739 = vector.broadcast %add3A_738 : i32 to vector<8x128xi32>
        %add3A_740 = arith.addi %add3A_739, %iota3A : vector<8x128xi32>
        %eq3A_741 = vector.broadcast %broadcast_in_dim3A_221 : vector<8x1xi32> to vector<8x128xi32>
        %eq3A_742 = arith.cmpi eq, %add3A_740, %eq3A_741 : vector<8x128xi32>
        %jit3A_743 = arith.constant -3.000000e+38 : f32
        %broadcast_in_dim3A_744 = vector.broadcast %jit3A_743 : f32 to vector<8x128xf32>
        %select_n3A_745 = arith.select %eq3A_742, %broadcast_in_dim3A_744, %get3A_734 : vector<8x128xi1>, vector<8x128xf32>
        %swap3A_746 = arith.index_cast %scan3A_555 : i32 to index
        %swap3A_747 = arith.constant 0 : index
        %swap3A_748 = arith.constant 896 : index
        %swap3A_749 = vector.load %arg4[%swap3A_746, %swap3A_747, %swap3A_748] : memref<8x8x1024xf32, #tpu.memory_space<vmem>>, vector<1x8x128xf32>
        %swap3A_750 = vector.shape_cast %swap3A_749 : vector<1x8x128xf32> to vector<8x128xf32>
        %swap3A_751 = vector.shape_cast %select_n3A_745 : vector<8x128xf32> to vector<1x8x128xf32>
        tpu.vector_store %arg4[%swap3A_746, %swap3A_747, %swap3A_748], %swap3A_751 {strides = array<i32>} : memref<8x8x1024xf32, #tpu.memory_space<vmem>>, vector<1x8x128xf32>,
        %gt3A_752 = arith.cmpf ogt, %select_n3A_745, %select_n3A_728 : vector<8x128xf32>
        %select_n3A_753 = arith.select %gt3A_752, %select_n3A_745, %select_n3A_728 : vector<8x128xi1>, vector<8x128xf32>
        %select_n3A_754 = arith.select %gt3A_752, %add3A_740, %select_n3A_729 : vector<8x128xi1>, vector<8x128xi32>
        scf.yield %select_n3A_753, %select_n3A_754 : vector<8x128xf32>, vector<8x128xi32>
      }
      %scan3A_237 = arith.constant 8 : i32
      %reduce_max3A_238 = arith.constant dense<0xFF800000> : vector<8xf32>
      %reduce_max3A_239 = vector.multi_reduction <maximumf>, %scan3A_236#0, %reduce_max3A_238 [1] : vector<8x128xf32> to vector<8xf32>
      %broadcast_in_dim3A_240 = vector.shape_cast %reduce_max3A_239 : vector<8xf32> to vector<8x1xf32>
      %eq3A_241 = vector.broadcast %broadcast_in_dim3A_240 : vector<8x1xf32> to vector<8x128xf32>
      %eq3A_242 = arith.cmpf oeq, %scan3A_236#0, %eq3A_241 : vector<8x128xf32>
      %jit3A_243 = arith.constant 8192 : i32
      %broadcast_in_dim3A_244 = vector.broadcast %jit3A_243 : i32 to vector<8x128xi32>
      %select_n3A_245 = arith.select %eq3A_242, %scan3A_236#1, %broadcast_in_dim3A_244 : vector<8x128xi1>, vector<8x128xi32>
      %reduce_min3A_246 = arith.constant dense<2147483647> : vector<8xi32>
      %reduce_min3A_247 = vector.multi_reduction <minsi>, %select_n3A_245, %reduce_min3A_246 [1] : vector<8x128xi32> to vector<8xi32>
      %broadcast_in_dim3A_248 = vector.shape_cast %reduce_min3A_247 : vector<8xi32> to vector<8x1xi32>
      %eq3A_249 = arith.constant 8 : i32
      %eq3A_250 = vector.broadcast %eq3A_249 : i32 to vector<8x32xi32>
      %eq3A_251 = arith.cmpi eq, %iota3A_13, %eq3A_250 : vector<8x32xi32>
      %broadcast_in_dim3A_252 = vector.shape_cast %broadcast_in_dim3A_248 : vector<8x1xi32> to vector<8x1xi32>
      %broadcast_in_dim3A_253 = vector.broadcast %broadcast_in_dim3A_252 : vector<8x1xi32> to vector<8x32xi32>
      %select_n3A_254 = arith.select %eq3A_251, %broadcast_in_dim3A_253, %select_n3A_227 : vector<8x32xi1>, vector<8x32xi32>
      %broadcast_in_dim3A_255 = arith.constant -3.000000e+38 : f32
      %broadcast_in_dim3A_256 = vector.broadcast %broadcast_in_dim3A_255 : f32 to vector<8x128xf32>
      %broadcast_in_dim3A_257 = arith.constant 0 : i32
      %broadcast_in_dim3A_258 = vector.broadcast %broadcast_in_dim3A_257 : i32 to vector<8x128xi32>
      %scan3A_259 = arith.constant 0 : i32
      %scan3A_260 = arith.constant 8 : i32
      %scan3A_261 = arith.addi %scan3A_259, %scan3A_260 : i32
      %scan3A_262 = arith.constant 1 : i32
      %scan3A_263:2 = scf.for %scan3A_555 = %scan3A_259 to %scan3A_261 step %scan3A_262 iter_args(%scan3A_556 = %broadcast_in_dim3A_256, %scan3A_557 = %broadcast_in_dim3A_258) -> (vector<8x128xf32>, vector<8x128xi32>)  : i32 {
        %get3A_558 = arith.index_cast %scan3A_555 : i32 to index
        %get3A_559 = arith.constant 0 : index
        %get3A_560 = arith.constant 0 : index
        %get3A_561 = vector.load %arg4[%get3A_558, %get3A_559, %get3A_560] : memref<8x8x1024xf32, #tpu.memory_space<vmem>>, vector<1x8x128xf32>
        %get3A_562 = vector.shape_cast %get3A_561 : vector<1x8x128xf32> to vector<8x128xf32>
        %mul3A = arith.constant 1024 : i32
        %mul3A_563 = arith.muli %scan3A_555, %mul3A : i32
        %add3A = arith.constant 0 : i32
        %add3A_564 = arith.addi %mul3A_563, %add3A : i32
        %add3A_565 = vector.broadcast %add3A_564 : i32 to vector<8x128xi32>
        %add3A_566 = arith.addi %add3A_565, %iota3A : vector<8x128xi32>
        %eq3A_567 = vector.broadcast %broadcast_in_dim3A_248 : vector<8x1xi32> to vector<8x128xi32>
        %eq3A_568 = arith.cmpi eq, %add3A_566, %eq3A_567 : vector<8x128xi32>
        %jit3A_569 = arith.constant -3.000000e+38 : f32
        %broadcast_in_dim3A_570 = vector.broadcast %jit3A_569 : f32 to vector<8x128xf32>
        %select_n3A_571 = arith.select %eq3A_568, %broadcast_in_dim3A_570, %get3A_562 : vector<8x128xi1>, vector<8x128xf32>
        %swap3A_572 = arith.index_cast %scan3A_555 : i32 to index
        %swap3A_573 = arith.constant 0 : index
        %swap3A_574 = arith.constant 0 : index
        %swap3A_575 = vector.load %arg4[%swap3A_572, %swap3A_573, %swap3A_574] : memref<8x8x1024xf32, #tpu.memory_space<vmem>>, vector<1x8x128xf32>
        %swap3A_576 = vector.shape_cast %swap3A_575 : vector<1x8x128xf32> to vector<8x128xf32>
        %swap3A_577 = vector.shape_cast %select_n3A_571 : vector<8x128xf32> to vector<1x8x128xf32>
        tpu.vector_store %arg4[%swap3A_572, %swap3A_573, %swap3A_574], %swap3A_577 {strides = array<i32>} : memref<8x8x1024xf32, #tpu.memory_space<vmem>>, vector<1x8x128xf32>,
        %gt3A = arith.cmpf ogt, %select_n3A_571, %scan3A_556 : vector<8x128xf32>
        %select_n3A_578 = arith.select %gt3A, %select_n3A_571, %scan3A_556 : vector<8x128xi1>, vector<8x128xf32>
        %select_n3A_579 = arith.select %gt3A, %add3A_566, %scan3A_557 : vector<8x128xi1>, vector<8x128xi32>
        %get3A_580 = arith.index_cast %scan3A_555 : i32 to index
        %get3A_581 = arith.constant 0 : index
        %get3A_582 = arith.constant 128 : index
        %get3A_583 = vector.load %arg4[%get3A_580, %get3A_581, %get3A_582] : memref<8x8x1024xf32, #tpu.memory_space<vmem>>, vector<1x8x128xf32>
        %get3A_584 = vector.shape_cast %get3A_583 : vector<1x8x128xf32> to vector<8x128xf32>
        %mul3A_585 = arith.constant 1024 : i32
        %mul3A_586 = arith.muli %scan3A_555, %mul3A_585 : i32
        %add3A_587 = arith.constant 128 : i32
        %add3A_588 = arith.addi %mul3A_586, %add3A_587 : i32
        %add3A_589 = vector.broadcast %add3A_588 : i32 to vector<8x128xi32>
        %add3A_590 = arith.addi %add3A_589, %iota3A : vector<8x128xi32>
        %eq3A_591 = vector.broadcast %broadcast_in_dim3A_248 : vector<8x1xi32> to vector<8x128xi32>
        %eq3A_592 = arith.cmpi eq, %add3A_590, %eq3A_591 : vector<8x128xi32>
        %jit3A_593 = arith.constant -3.000000e+38 : f32
        %broadcast_in_dim3A_594 = vector.broadcast %jit3A_593 : f32 to vector<8x128xf32>
        %select_n3A_595 = arith.select %eq3A_592, %broadcast_in_dim3A_594, %get3A_584 : vector<8x128xi1>, vector<8x128xf32>
        %swap3A_596 = arith.index_cast %scan3A_555 : i32 to index
        %swap3A_597 = arith.constant 0 : index
        %swap3A_598 = arith.constant 128 : index
        %swap3A_599 = vector.load %arg4[%swap3A_596, %swap3A_597, %swap3A_598] : memref<8x8x1024xf32, #tpu.memory_space<vmem>>, vector<1x8x128xf32>
        %swap3A_600 = vector.shape_cast %swap3A_599 : vector<1x8x128xf32> to vector<8x128xf32>
        %swap3A_601 = vector.shape_cast %select_n3A_595 : vector<8x128xf32> to vector<1x8x128xf32>
        tpu.vector_store %arg4[%swap3A_596, %swap3A_597, %swap3A_598], %swap3A_601 {strides = array<i32>} : memref<8x8x1024xf32, #tpu.memory_space<vmem>>, vector<1x8x128xf32>,
        %gt3A_602 = arith.cmpf ogt, %select_n3A_595, %select_n3A_578 : vector<8x128xf32>
        %select_n3A_603 = arith.select %gt3A_602, %select_n3A_595, %select_n3A_578 : vector<8x128xi1>, vector<8x128xf32>
        %select_n3A_604 = arith.select %gt3A_602, %add3A_590, %select_n3A_579 : vector<8x128xi1>, vector<8x128xi32>
        %get3A_605 = arith.index_cast %scan3A_555 : i32 to index
        %get3A_606 = arith.constant 0 : index
        %get3A_607 = arith.constant 256 : index
        %get3A_608 = vector.load %arg4[%get3A_605, %get3A_606, %get3A_607] : memref<8x8x1024xf32, #tpu.memory_space<vmem>>, vector<1x8x128xf32>
        %get3A_609 = vector.shape_cast %get3A_608 : vector<1x8x128xf32> to vector<8x128xf32>
        %mul3A_610 = arith.constant 1024 : i32
        %mul3A_611 = arith.muli %scan3A_555, %mul3A_610 : i32
        %add3A_612 = arith.constant 256 : i32
        %add3A_613 = arith.addi %mul3A_611, %add3A_612 : i32
        %add3A_614 = vector.broadcast %add3A_613 : i32 to vector<8x128xi32>
        %add3A_615 = arith.addi %add3A_614, %iota3A : vector<8x128xi32>
        %eq3A_616 = vector.broadcast %broadcast_in_dim3A_248 : vector<8x1xi32> to vector<8x128xi32>
        %eq3A_617 = arith.cmpi eq, %add3A_615, %eq3A_616 : vector<8x128xi32>
        %jit3A_618 = arith.constant -3.000000e+38 : f32
        %broadcast_in_dim3A_619 = vector.broadcast %jit3A_618 : f32 to vector<8x128xf32>
        %select_n3A_620 = arith.select %eq3A_617, %broadcast_in_dim3A_619, %get3A_609 : vector<8x128xi1>, vector<8x128xf32>
        %swap3A_621 = arith.index_cast %scan3A_555 : i32 to index
        %swap3A_622 = arith.constant 0 : index
        %swap3A_623 = arith.constant 256 : index
        %swap3A_624 = vector.load %arg4[%swap3A_621, %swap3A_622, %swap3A_623] : memref<8x8x1024xf32, #tpu.memory_space<vmem>>, vector<1x8x128xf32>
        %swap3A_625 = vector.shape_cast %swap3A_624 : vector<1x8x128xf32> to vector<8x128xf32>
        %swap3A_626 = vector.shape_cast %select_n3A_620 : vector<8x128xf32> to vector<1x8x128xf32>
        tpu.vector_store %arg4[%swap3A_621, %swap3A_622, %swap3A_623], %swap3A_626 {strides = array<i32>} : memref<8x8x1024xf32, #tpu.memory_space<vmem>>, vector<1x8x128xf32>,
        %gt3A_627 = arith.cmpf ogt, %select_n3A_620, %select_n3A_603 : vector<8x128xf32>
        %select_n3A_628 = arith.select %gt3A_627, %select_n3A_620, %select_n3A_603 : vector<8x128xi1>, vector<8x128xf32>
        %select_n3A_629 = arith.select %gt3A_627, %add3A_615, %select_n3A_604 : vector<8x128xi1>, vector<8x128xi32>
        %get3A_630 = arith.index_cast %scan3A_555 : i32 to index
        %get3A_631 = arith.constant 0 : index
        %get3A_632 = arith.constant 384 : index
        %get3A_633 = vector.load %arg4[%get3A_630, %get3A_631, %get3A_632] : memref<8x8x1024xf32, #tpu.memory_space<vmem>>, vector<1x8x128xf32>
        %get3A_634 = vector.shape_cast %get3A_633 : vector<1x8x128xf32> to vector<8x128xf32>
        %mul3A_635 = arith.constant 1024 : i32
        %mul3A_636 = arith.muli %scan3A_555, %mul3A_635 : i32
        %add3A_637 = arith.constant 384 : i32
        %add3A_638 = arith.addi %mul3A_636, %add3A_637 : i32
        %add3A_639 = vector.broadcast %add3A_638 : i32 to vector<8x128xi32>
        %add3A_640 = arith.addi %add3A_639, %iota3A : vector<8x128xi32>
        %eq3A_641 = vector.broadcast %broadcast_in_dim3A_248 : vector<8x1xi32> to vector<8x128xi32>
        %eq3A_642 = arith.cmpi eq, %add3A_640, %eq3A_641 : vector<8x128xi32>
        %jit3A_643 = arith.constant -3.000000e+38 : f32
        %broadcast_in_dim3A_644 = vector.broadcast %jit3A_643 : f32 to vector<8x128xf32>
        %select_n3A_645 = arith.select %eq3A_642, %broadcast_in_dim3A_644, %get3A_634 : vector<8x128xi1>, vector<8x128xf32>
        %swap3A_646 = arith.index_cast %scan3A_555 : i32 to index
        %swap3A_647 = arith.constant 0 : index
        %swap3A_648 = arith.constant 384 : index
        %swap3A_649 = vector.load %arg4[%swap3A_646, %swap3A_647, %swap3A_648] : memref<8x8x1024xf32, #tpu.memory_space<vmem>>, vector<1x8x128xf32>
        %swap3A_650 = vector.shape_cast %swap3A_649 : vector<1x8x128xf32> to vector<8x128xf32>
        %swap3A_651 = vector.shape_cast %select_n3A_645 : vector<8x128xf32> to vector<1x8x128xf32>
        tpu.vector_store %arg4[%swap3A_646, %swap3A_647, %swap3A_648], %swap3A_651 {strides = array<i32>} : memref<8x8x1024xf32, #tpu.memory_space<vmem>>, vector<1x8x128xf32>,
        %gt3A_652 = arith.cmpf ogt, %select_n3A_645, %select_n3A_628 : vector<8x128xf32>
        %select_n3A_653 = arith.select %gt3A_652, %select_n3A_645, %select_n3A_628 : vector<8x128xi1>, vector<8x128xf32>
        %select_n3A_654 = arith.select %gt3A_652, %add3A_640, %select_n3A_629 : vector<8x128xi1>, vector<8x128xi32>
        %get3A_655 = arith.index_cast %scan3A_555 : i32 to index
        %get3A_656 = arith.constant 0 : index
        %get3A_657 = arith.constant 512 : index
        %get3A_658 = vector.load %arg4[%get3A_655, %get3A_656, %get3A_657] : memref<8x8x1024xf32, #tpu.memory_space<vmem>>, vector<1x8x128xf32>
        %get3A_659 = vector.shape_cast %get3A_658 : vector<1x8x128xf32> to vector<8x128xf32>
        %mul3A_660 = arith.constant 1024 : i32
        %mul3A_661 = arith.muli %scan3A_555, %mul3A_660 : i32
        %add3A_662 = arith.constant 512 : i32
        %add3A_663 = arith.addi %mul3A_661, %add3A_662 : i32
        %add3A_664 = vector.broadcast %add3A_663 : i32 to vector<8x128xi32>
        %add3A_665 = arith.addi %add3A_664, %iota3A : vector<8x128xi32>
        %eq3A_666 = vector.broadcast %broadcast_in_dim3A_248 : vector<8x1xi32> to vector<8x128xi32>
        %eq3A_667 = arith.cmpi eq, %add3A_665, %eq3A_666 : vector<8x128xi32>
        %jit3A_668 = arith.constant -3.000000e+38 : f32
        %broadcast_in_dim3A_669 = vector.broadcast %jit3A_668 : f32 to vector<8x128xf32>
        %select_n3A_670 = arith.select %eq3A_667, %broadcast_in_dim3A_669, %get3A_659 : vector<8x128xi1>, vector<8x128xf32>
        %swap3A_671 = arith.index_cast %scan3A_555 : i32 to index
        %swap3A_672 = arith.constant 0 : index
        %swap3A_673 = arith.constant 512 : index
        %swap3A_674 = vector.load %arg4[%swap3A_671, %swap3A_672, %swap3A_673] : memref<8x8x1024xf32, #tpu.memory_space<vmem>>, vector<1x8x128xf32>
        %swap3A_675 = vector.shape_cast %swap3A_674 : vector<1x8x128xf32> to vector<8x128xf32>
        %swap3A_676 = vector.shape_cast %select_n3A_670 : vector<8x128xf32> to vector<1x8x128xf32>
        tpu.vector_store %arg4[%swap3A_671, %swap3A_672, %swap3A_673], %swap3A_676 {strides = array<i32>} : memref<8x8x1024xf32, #tpu.memory_space<vmem>>, vector<1x8x128xf32>,
        %gt3A_677 = arith.cmpf ogt, %select_n3A_670, %select_n3A_653 : vector<8x128xf32>
        %select_n3A_678 = arith.select %gt3A_677, %select_n3A_670, %select_n3A_653 : vector<8x128xi1>, vector<8x128xf32>
        %select_n3A_679 = arith.select %gt3A_677, %add3A_665, %select_n3A_654 : vector<8x128xi1>, vector<8x128xi32>
        %get3A_680 = arith.index_cast %scan3A_555 : i32 to index
        %get3A_681 = arith.constant 0 : index
        %get3A_682 = arith.constant 640 : index
        %get3A_683 = vector.load %arg4[%get3A_680, %get3A_681, %get3A_682] : memref<8x8x1024xf32, #tpu.memory_space<vmem>>, vector<1x8x128xf32>
        %get3A_684 = vector.shape_cast %get3A_683 : vector<1x8x128xf32> to vector<8x128xf32>
        %mul3A_685 = arith.constant 1024 : i32
        %mul3A_686 = arith.muli %scan3A_555, %mul3A_685 : i32
        %add3A_687 = arith.constant 640 : i32
        %add3A_688 = arith.addi %mul3A_686, %add3A_687 : i32
        %add3A_689 = vector.broadcast %add3A_688 : i32 to vector<8x128xi32>
        %add3A_690 = arith.addi %add3A_689, %iota3A : vector<8x128xi32>
        %eq3A_691 = vector.broadcast %broadcast_in_dim3A_248 : vector<8x1xi32> to vector<8x128xi32>
        %eq3A_692 = arith.cmpi eq, %add3A_690, %eq3A_691 : vector<8x128xi32>
        %jit3A_693 = arith.constant -3.000000e+38 : f32
        %broadcast_in_dim3A_694 = vector.broadcast %jit3A_693 : f32 to vector<8x128xf32>
        %select_n3A_695 = arith.select %eq3A_692, %broadcast_in_dim3A_694, %get3A_684 : vector<8x128xi1>, vector<8x128xf32>
        %swap3A_696 = arith.index_cast %scan3A_555 : i32 to index
        %swap3A_697 = arith.constant 0 : index
        %swap3A_698 = arith.constant 640 : index
        %swap3A_699 = vector.load %arg4[%swap3A_696, %swap3A_697, %swap3A_698] : memref<8x8x1024xf32, #tpu.memory_space<vmem>>, vector<1x8x128xf32>
        %swap3A_700 = vector.shape_cast %swap3A_699 : vector<1x8x128xf32> to vector<8x128xf32>
        %swap3A_701 = vector.shape_cast %select_n3A_695 : vector<8x128xf32> to vector<1x8x128xf32>
        tpu.vector_store %arg4[%swap3A_696, %swap3A_697, %swap3A_698], %swap3A_701 {strides = array<i32>} : memref<8x8x1024xf32, #tpu.memory_space<vmem>>, vector<1x8x128xf32>,
        %gt3A_702 = arith.cmpf ogt, %select_n3A_695, %select_n3A_678 : vector<8x128xf32>
        %select_n3A_703 = arith.select %gt3A_702, %select_n3A_695, %select_n3A_678 : vector<8x128xi1>, vector<8x128xf32>
        %select_n3A_704 = arith.select %gt3A_702, %add3A_690, %select_n3A_679 : vector<8x128xi1>, vector<8x128xi32>
        %get3A_705 = arith.index_cast %scan3A_555 : i32 to index
        %get3A_706 = arith.constant 0 : index
        %get3A_707 = arith.constant 768 : index
        %get3A_708 = vector.load %arg4[%get3A_705, %get3A_706, %get3A_707] : memref<8x8x1024xf32, #tpu.memory_space<vmem>>, vector<1x8x128xf32>
        %get3A_709 = vector.shape_cast %get3A_708 : vector<1x8x128xf32> to vector<8x128xf32>
        %mul3A_710 = arith.constant 1024 : i32
        %mul3A_711 = arith.muli %scan3A_555, %mul3A_710 : i32
        %add3A_712 = arith.constant 768 : i32
        %add3A_713 = arith.addi %mul3A_711, %add3A_712 : i32
        %add3A_714 = vector.broadcast %add3A_713 : i32 to vector<8x128xi32>
        %add3A_715 = arith.addi %add3A_714, %iota3A : vector<8x128xi32>
        %eq3A_716 = vector.broadcast %broadcast_in_dim3A_248 : vector<8x1xi32> to vector<8x128xi32>
        %eq3A_717 = arith.cmpi eq, %add3A_715, %eq3A_716 : vector<8x128xi32>
        %jit3A_718 = arith.constant -3.000000e+38 : f32
        %broadcast_in_dim3A_719 = vector.broadcast %jit3A_718 : f32 to vector<8x128xf32>
        %select_n3A_720 = arith.select %eq3A_717, %broadcast_in_dim3A_719, %get3A_709 : vector<8x128xi1>, vector<8x128xf32>
        %swap3A_721 = arith.index_cast %scan3A_555 : i32 to index
        %swap3A_722 = arith.constant 0 : index
        %swap3A_723 = arith.constant 768 : index
        %swap3A_724 = vector.load %arg4[%swap3A_721, %swap3A_722, %swap3A_723] : memref<8x8x1024xf32, #tpu.memory_space<vmem>>, vector<1x8x128xf32>
        %swap3A_725 = vector.shape_cast %swap3A_724 : vector<1x8x128xf32> to vector<8x128xf32>
        %swap3A_726 = vector.shape_cast %select_n3A_720 : vector<8x128xf32> to vector<1x8x128xf32>
        tpu.vector_store %arg4[%swap3A_721, %swap3A_722, %swap3A_723], %swap3A_726 {strides = array<i32>} : memref<8x8x1024xf32, #tpu.memory_space<vmem>>, vector<1x8x128xf32>,
        %gt3A_727 = arith.cmpf ogt, %select_n3A_720, %select_n3A_703 : vector<8x128xf32>
        %select_n3A_728 = arith.select %gt3A_727, %select_n3A_720, %select_n3A_703 : vector<8x128xi1>, vector<8x128xf32>
        %select_n3A_729 = arith.select %gt3A_727, %add3A_715, %select_n3A_704 : vector<8x128xi1>, vector<8x128xi32>
        %get3A_730 = arith.index_cast %scan3A_555 : i32 to index
        %get3A_731 = arith.constant 0 : index
        %get3A_732 = arith.constant 896 : index
        %get3A_733 = vector.load %arg4[%get3A_730, %get3A_731, %get3A_732] : memref<8x8x1024xf32, #tpu.memory_space<vmem>>, vector<1x8x128xf32>
        %get3A_734 = vector.shape_cast %get3A_733 : vector<1x8x128xf32> to vector<8x128xf32>
        %mul3A_735 = arith.constant 1024 : i32
        %mul3A_736 = arith.muli %scan3A_555, %mul3A_735 : i32
        %add3A_737 = arith.constant 896 : i32
        %add3A_738 = arith.addi %mul3A_736, %add3A_737 : i32
        %add3A_739 = vector.broadcast %add3A_738 : i32 to vector<8x128xi32>
        %add3A_740 = arith.addi %add3A_739, %iota3A : vector<8x128xi32>
        %eq3A_741 = vector.broadcast %broadcast_in_dim3A_248 : vector<8x1xi32> to vector<8x128xi32>
        %eq3A_742 = arith.cmpi eq, %add3A_740, %eq3A_741 : vector<8x128xi32>
        %jit3A_743 = arith.constant -3.000000e+38 : f32
        %broadcast_in_dim3A_744 = vector.broadcast %jit3A_743 : f32 to vector<8x128xf32>
        %select_n3A_745 = arith.select %eq3A_742, %broadcast_in_dim3A_744, %get3A_734 : vector<8x128xi1>, vector<8x128xf32>
        %swap3A_746 = arith.index_cast %scan3A_555 : i32 to index
        %swap3A_747 = arith.constant 0 : index
        %swap3A_748 = arith.constant 896 : index
        %swap3A_749 = vector.load %arg4[%swap3A_746, %swap3A_747, %swap3A_748] : memref<8x8x1024xf32, #tpu.memory_space<vmem>>, vector<1x8x128xf32>
        %swap3A_750 = vector.shape_cast %swap3A_749 : vector<1x8x128xf32> to vector<8x128xf32>
        %swap3A_751 = vector.shape_cast %select_n3A_745 : vector<8x128xf32> to vector<1x8x128xf32>
        tpu.vector_store %arg4[%swap3A_746, %swap3A_747, %swap3A_748], %swap3A_751 {strides = array<i32>} : memref<8x8x1024xf32, #tpu.memory_space<vmem>>, vector<1x8x128xf32>,
        %gt3A_752 = arith.cmpf ogt, %select_n3A_745, %select_n3A_728 : vector<8x128xf32>
        %select_n3A_753 = arith.select %gt3A_752, %select_n3A_745, %select_n3A_728 : vector<8x128xi1>, vector<8x128xf32>
        %select_n3A_754 = arith.select %gt3A_752, %add3A_740, %select_n3A_729 : vector<8x128xi1>, vector<8x128xi32>
        scf.yield %select_n3A_753, %select_n3A_754 : vector<8x128xf32>, vector<8x128xi32>
      }
      %scan3A_264 = arith.constant 8 : i32
      %reduce_max3A_265 = arith.constant dense<0xFF800000> : vector<8xf32>
      %reduce_max3A_266 = vector.multi_reduction <maximumf>, %scan3A_263#0, %reduce_max3A_265 [1] : vector<8x128xf32> to vector<8xf32>
      %broadcast_in_dim3A_267 = vector.shape_cast %reduce_max3A_266 : vector<8xf32> to vector<8x1xf32>
      %eq3A_268 = vector.broadcast %broadcast_in_dim3A_267 : vector<8x1xf32> to vector<8x128xf32>
      %eq3A_269 = arith.cmpf oeq, %scan3A_263#0, %eq3A_268 : vector<8x128xf32>
      %jit3A_270 = arith.constant 8192 : i32
      %broadcast_in_dim3A_271 = vector.broadcast %jit3A_270 : i32 to vector<8x128xi32>
      %select_n3A_272 = arith.select %eq3A_269, %scan3A_263#1, %broadcast_in_dim3A_271 : vector<8x128xi1>, vector<8x128xi32>
      %reduce_min3A_273 = arith.constant dense<2147483647> : vector<8xi32>
      %reduce_min3A_274 = vector.multi_reduction <minsi>, %select_n3A_272, %reduce_min3A_273 [1] : vector<8x128xi32> to vector<8xi32>
      %broadcast_in_dim3A_275 = vector.shape_cast %reduce_min3A_274 : vector<8xi32> to vector<8x1xi32>
      %eq3A_276 = arith.constant 9 : i32
      %eq3A_277 = vector.broadcast %eq3A_276 : i32 to vector<8x32xi32>
      %eq3A_278 = arith.cmpi eq, %iota3A_13, %eq3A_277 : vector<8x32xi32>
      %broadcast_in_dim3A_279 = vector.shape_cast %broadcast_in_dim3A_275 : vector<8x1xi32> to vector<8x1xi32>
      %broadcast_in_dim3A_280 = vector.broadcast %broadcast_in_dim3A_279 : vector<8x1xi32> to vector<8x32xi32>
      %select_n3A_281 = arith.select %eq3A_278, %broadcast_in_dim3A_280, %select_n3A_254 : vector<8x32xi1>, vector<8x32xi32>
      %broadcast_in_dim3A_282 = arith.constant -3.000000e+38 : f32
      %broadcast_in_dim3A_283 = vector.broadcast %broadcast_in_dim3A_282 : f32 to vector<8x128xf32>
      %broadcast_in_dim3A_284 = arith.constant 0 : i32
      %broadcast_in_dim3A_285 = vector.broadcast %broadcast_in_dim3A_284 : i32 to vector<8x128xi32>
      %scan3A_286 = arith.constant 0 : i32
      %scan3A_287 = arith.constant 8 : i32
      %scan3A_288 = arith.addi %scan3A_286, %scan3A_287 : i32
      %scan3A_289 = arith.constant 1 : i32
      %scan3A_290:2 = scf.for %scan3A_555 = %scan3A_286 to %scan3A_288 step %scan3A_289 iter_args(%scan3A_556 = %broadcast_in_dim3A_283, %scan3A_557 = %broadcast_in_dim3A_285) -> (vector<8x128xf32>, vector<8x128xi32>)  : i32 {
        %get3A_558 = arith.index_cast %scan3A_555 : i32 to index
        %get3A_559 = arith.constant 0 : index
        %get3A_560 = arith.constant 0 : index
        %get3A_561 = vector.load %arg4[%get3A_558, %get3A_559, %get3A_560] : memref<8x8x1024xf32, #tpu.memory_space<vmem>>, vector<1x8x128xf32>
        %get3A_562 = vector.shape_cast %get3A_561 : vector<1x8x128xf32> to vector<8x128xf32>
        %mul3A = arith.constant 1024 : i32
        %mul3A_563 = arith.muli %scan3A_555, %mul3A : i32
        %add3A = arith.constant 0 : i32
        %add3A_564 = arith.addi %mul3A_563, %add3A : i32
        %add3A_565 = vector.broadcast %add3A_564 : i32 to vector<8x128xi32>
        %add3A_566 = arith.addi %add3A_565, %iota3A : vector<8x128xi32>
        %eq3A_567 = vector.broadcast %broadcast_in_dim3A_275 : vector<8x1xi32> to vector<8x128xi32>
        %eq3A_568 = arith.cmpi eq, %add3A_566, %eq3A_567 : vector<8x128xi32>
        %jit3A_569 = arith.constant -3.000000e+38 : f32
        %broadcast_in_dim3A_570 = vector.broadcast %jit3A_569 : f32 to vector<8x128xf32>
        %select_n3A_571 = arith.select %eq3A_568, %broadcast_in_dim3A_570, %get3A_562 : vector<8x128xi1>, vector<8x128xf32>
        %swap3A_572 = arith.index_cast %scan3A_555 : i32 to index
        %swap3A_573 = arith.constant 0 : index
        %swap3A_574 = arith.constant 0 : index
        %swap3A_575 = vector.load %arg4[%swap3A_572, %swap3A_573, %swap3A_574] : memref<8x8x1024xf32, #tpu.memory_space<vmem>>, vector<1x8x128xf32>
        %swap3A_576 = vector.shape_cast %swap3A_575 : vector<1x8x128xf32> to vector<8x128xf32>
        %swap3A_577 = vector.shape_cast %select_n3A_571 : vector<8x128xf32> to vector<1x8x128xf32>
        tpu.vector_store %arg4[%swap3A_572, %swap3A_573, %swap3A_574], %swap3A_577 {strides = array<i32>} : memref<8x8x1024xf32, #tpu.memory_space<vmem>>, vector<1x8x128xf32>,
        %gt3A = arith.cmpf ogt, %select_n3A_571, %scan3A_556 : vector<8x128xf32>
        %select_n3A_578 = arith.select %gt3A, %select_n3A_571, %scan3A_556 : vector<8x128xi1>, vector<8x128xf32>
        %select_n3A_579 = arith.select %gt3A, %add3A_566, %scan3A_557 : vector<8x128xi1>, vector<8x128xi32>
        %get3A_580 = arith.index_cast %scan3A_555 : i32 to index
        %get3A_581 = arith.constant 0 : index
        %get3A_582 = arith.constant 128 : index
        %get3A_583 = vector.load %arg4[%get3A_580, %get3A_581, %get3A_582] : memref<8x8x1024xf32, #tpu.memory_space<vmem>>, vector<1x8x128xf32>
        %get3A_584 = vector.shape_cast %get3A_583 : vector<1x8x128xf32> to vector<8x128xf32>
        %mul3A_585 = arith.constant 1024 : i32
        %mul3A_586 = arith.muli %scan3A_555, %mul3A_585 : i32
        %add3A_587 = arith.constant 128 : i32
        %add3A_588 = arith.addi %mul3A_586, %add3A_587 : i32
        %add3A_589 = vector.broadcast %add3A_588 : i32 to vector<8x128xi32>
        %add3A_590 = arith.addi %add3A_589, %iota3A : vector<8x128xi32>
        %eq3A_591 = vector.broadcast %broadcast_in_dim3A_275 : vector<8x1xi32> to vector<8x128xi32>
        %eq3A_592 = arith.cmpi eq, %add3A_590, %eq3A_591 : vector<8x128xi32>
        %jit3A_593 = arith.constant -3.000000e+38 : f32
        %broadcast_in_dim3A_594 = vector.broadcast %jit3A_593 : f32 to vector<8x128xf32>
        %select_n3A_595 = arith.select %eq3A_592, %broadcast_in_dim3A_594, %get3A_584 : vector<8x128xi1>, vector<8x128xf32>
        %swap3A_596 = arith.index_cast %scan3A_555 : i32 to index
        %swap3A_597 = arith.constant 0 : index
        %swap3A_598 = arith.constant 128 : index
        %swap3A_599 = vector.load %arg4[%swap3A_596, %swap3A_597, %swap3A_598] : memref<8x8x1024xf32, #tpu.memory_space<vmem>>, vector<1x8x128xf32>
        %swap3A_600 = vector.shape_cast %swap3A_599 : vector<1x8x128xf32> to vector<8x128xf32>
        %swap3A_601 = vector.shape_cast %select_n3A_595 : vector<8x128xf32> to vector<1x8x128xf32>
        tpu.vector_store %arg4[%swap3A_596, %swap3A_597, %swap3A_598], %swap3A_601 {strides = array<i32>} : memref<8x8x1024xf32, #tpu.memory_space<vmem>>, vector<1x8x128xf32>,
        %gt3A_602 = arith.cmpf ogt, %select_n3A_595, %select_n3A_578 : vector<8x128xf32>
        %select_n3A_603 = arith.select %gt3A_602, %select_n3A_595, %select_n3A_578 : vector<8x128xi1>, vector<8x128xf32>
        %select_n3A_604 = arith.select %gt3A_602, %add3A_590, %select_n3A_579 : vector<8x128xi1>, vector<8x128xi32>
        %get3A_605 = arith.index_cast %scan3A_555 : i32 to index
        %get3A_606 = arith.constant 0 : index
        %get3A_607 = arith.constant 256 : index
        %get3A_608 = vector.load %arg4[%get3A_605, %get3A_606, %get3A_607] : memref<8x8x1024xf32, #tpu.memory_space<vmem>>, vector<1x8x128xf32>
        %get3A_609 = vector.shape_cast %get3A_608 : vector<1x8x128xf32> to vector<8x128xf32>
        %mul3A_610 = arith.constant 1024 : i32
        %mul3A_611 = arith.muli %scan3A_555, %mul3A_610 : i32
        %add3A_612 = arith.constant 256 : i32
        %add3A_613 = arith.addi %mul3A_611, %add3A_612 : i32
        %add3A_614 = vector.broadcast %add3A_613 : i32 to vector<8x128xi32>
        %add3A_615 = arith.addi %add3A_614, %iota3A : vector<8x128xi32>
        %eq3A_616 = vector.broadcast %broadcast_in_dim3A_275 : vector<8x1xi32> to vector<8x128xi32>
        %eq3A_617 = arith.cmpi eq, %add3A_615, %eq3A_616 : vector<8x128xi32>
        %jit3A_618 = arith.constant -3.000000e+38 : f32
        %broadcast_in_dim3A_619 = vector.broadcast %jit3A_618 : f32 to vector<8x128xf32>
        %select_n3A_620 = arith.select %eq3A_617, %broadcast_in_dim3A_619, %get3A_609 : vector<8x128xi1>, vector<8x128xf32>
        %swap3A_621 = arith.index_cast %scan3A_555 : i32 to index
        %swap3A_622 = arith.constant 0 : index
        %swap3A_623 = arith.constant 256 : index
        %swap3A_624 = vector.load %arg4[%swap3A_621, %swap3A_622, %swap3A_623] : memref<8x8x1024xf32, #tpu.memory_space<vmem>>, vector<1x8x128xf32>
        %swap3A_625 = vector.shape_cast %swap3A_624 : vector<1x8x128xf32> to vector<8x128xf32>
        %swap3A_626 = vector.shape_cast %select_n3A_620 : vector<8x128xf32> to vector<1x8x128xf32>
        tpu.vector_store %arg4[%swap3A_621, %swap3A_622, %swap3A_623], %swap3A_626 {strides = array<i32>} : memref<8x8x1024xf32, #tpu.memory_space<vmem>>, vector<1x8x128xf32>,
        %gt3A_627 = arith.cmpf ogt, %select_n3A_620, %select_n3A_603 : vector<8x128xf32>
        %select_n3A_628 = arith.select %gt3A_627, %select_n3A_620, %select_n3A_603 : vector<8x128xi1>, vector<8x128xf32>
        %select_n3A_629 = arith.select %gt3A_627, %add3A_615, %select_n3A_604 : vector<8x128xi1>, vector<8x128xi32>
        %get3A_630 = arith.index_cast %scan3A_555 : i32 to index
        %get3A_631 = arith.constant 0 : index
        %get3A_632 = arith.constant 384 : index
        %get3A_633 = vector.load %arg4[%get3A_630, %get3A_631, %get3A_632] : memref<8x8x1024xf32, #tpu.memory_space<vmem>>, vector<1x8x128xf32>
        %get3A_634 = vector.shape_cast %get3A_633 : vector<1x8x128xf32> to vector<8x128xf32>
        %mul3A_635 = arith.constant 1024 : i32
        %mul3A_636 = arith.muli %scan3A_555, %mul3A_635 : i32
        %add3A_637 = arith.constant 384 : i32
        %add3A_638 = arith.addi %mul3A_636, %add3A_637 : i32
        %add3A_639 = vector.broadcast %add3A_638 : i32 to vector<8x128xi32>
        %add3A_640 = arith.addi %add3A_639, %iota3A : vector<8x128xi32>
        %eq3A_641 = vector.broadcast %broadcast_in_dim3A_275 : vector<8x1xi32> to vector<8x128xi32>
        %eq3A_642 = arith.cmpi eq, %add3A_640, %eq3A_641 : vector<8x128xi32>
        %jit3A_643 = arith.constant -3.000000e+38 : f32
        %broadcast_in_dim3A_644 = vector.broadcast %jit3A_643 : f32 to vector<8x128xf32>
        %select_n3A_645 = arith.select %eq3A_642, %broadcast_in_dim3A_644, %get3A_634 : vector<8x128xi1>, vector<8x128xf32>
        %swap3A_646 = arith.index_cast %scan3A_555 : i32 to index
        %swap3A_647 = arith.constant 0 : index
        %swap3A_648 = arith.constant 384 : index
        %swap3A_649 = vector.load %arg4[%swap3A_646, %swap3A_647, %swap3A_648] : memref<8x8x1024xf32, #tpu.memory_space<vmem>>, vector<1x8x128xf32>
        %swap3A_650 = vector.shape_cast %swap3A_649 : vector<1x8x128xf32> to vector<8x128xf32>
        %swap3A_651 = vector.shape_cast %select_n3A_645 : vector<8x128xf32> to vector<1x8x128xf32>
        tpu.vector_store %arg4[%swap3A_646, %swap3A_647, %swap3A_648], %swap3A_651 {strides = array<i32>} : memref<8x8x1024xf32, #tpu.memory_space<vmem>>, vector<1x8x128xf32>,
        %gt3A_652 = arith.cmpf ogt, %select_n3A_645, %select_n3A_628 : vector<8x128xf32>
        %select_n3A_653 = arith.select %gt3A_652, %select_n3A_645, %select_n3A_628 : vector<8x128xi1>, vector<8x128xf32>
        %select_n3A_654 = arith.select %gt3A_652, %add3A_640, %select_n3A_629 : vector<8x128xi1>, vector<8x128xi32>
        %get3A_655 = arith.index_cast %scan3A_555 : i32 to index
        %get3A_656 = arith.constant 0 : index
        %get3A_657 = arith.constant 512 : index
        %get3A_658 = vector.load %arg4[%get3A_655, %get3A_656, %get3A_657] : memref<8x8x1024xf32, #tpu.memory_space<vmem>>, vector<1x8x128xf32>
        %get3A_659 = vector.shape_cast %get3A_658 : vector<1x8x128xf32> to vector<8x128xf32>
        %mul3A_660 = arith.constant 1024 : i32
        %mul3A_661 = arith.muli %scan3A_555, %mul3A_660 : i32
        %add3A_662 = arith.constant 512 : i32
        %add3A_663 = arith.addi %mul3A_661, %add3A_662 : i32
        %add3A_664 = vector.broadcast %add3A_663 : i32 to vector<8x128xi32>
        %add3A_665 = arith.addi %add3A_664, %iota3A : vector<8x128xi32>
        %eq3A_666 = vector.broadcast %broadcast_in_dim3A_275 : vector<8x1xi32> to vector<8x128xi32>
        %eq3A_667 = arith.cmpi eq, %add3A_665, %eq3A_666 : vector<8x128xi32>
        %jit3A_668 = arith.constant -3.000000e+38 : f32
        %broadcast_in_dim3A_669 = vector.broadcast %jit3A_668 : f32 to vector<8x128xf32>
        %select_n3A_670 = arith.select %eq3A_667, %broadcast_in_dim3A_669, %get3A_659 : vector<8x128xi1>, vector<8x128xf32>
        %swap3A_671 = arith.index_cast %scan3A_555 : i32 to index
        %swap3A_672 = arith.constant 0 : index
        %swap3A_673 = arith.constant 512 : index
        %swap3A_674 = vector.load %arg4[%swap3A_671, %swap3A_672, %swap3A_673] : memref<8x8x1024xf32, #tpu.memory_space<vmem>>, vector<1x8x128xf32>
        %swap3A_675 = vector.shape_cast %swap3A_674 : vector<1x8x128xf32> to vector<8x128xf32>
        %swap3A_676 = vector.shape_cast %select_n3A_670 : vector<8x128xf32> to vector<1x8x128xf32>
        tpu.vector_store %arg4[%swap3A_671, %swap3A_672, %swap3A_673], %swap3A_676 {strides = array<i32>} : memref<8x8x1024xf32, #tpu.memory_space<vmem>>, vector<1x8x128xf32>,
        %gt3A_677 = arith.cmpf ogt, %select_n3A_670, %select_n3A_653 : vector<8x128xf32>
        %select_n3A_678 = arith.select %gt3A_677, %select_n3A_670, %select_n3A_653 : vector<8x128xi1>, vector<8x128xf32>
        %select_n3A_679 = arith.select %gt3A_677, %add3A_665, %select_n3A_654 : vector<8x128xi1>, vector<8x128xi32>
        %get3A_680 = arith.index_cast %scan3A_555 : i32 to index
        %get3A_681 = arith.constant 0 : index
        %get3A_682 = arith.constant 640 : index
        %get3A_683 = vector.load %arg4[%get3A_680, %get3A_681, %get3A_682] : memref<8x8x1024xf32, #tpu.memory_space<vmem>>, vector<1x8x128xf32>
        %get3A_684 = vector.shape_cast %get3A_683 : vector<1x8x128xf32> to vector<8x128xf32>
        %mul3A_685 = arith.constant 1024 : i32
        %mul3A_686 = arith.muli %scan3A_555, %mul3A_685 : i32
        %add3A_687 = arith.constant 640 : i32
        %add3A_688 = arith.addi %mul3A_686, %add3A_687 : i32
        %add3A_689 = vector.broadcast %add3A_688 : i32 to vector<8x128xi32>
        %add3A_690 = arith.addi %add3A_689, %iota3A : vector<8x128xi32>
        %eq3A_691 = vector.broadcast %broadcast_in_dim3A_275 : vector<8x1xi32> to vector<8x128xi32>
        %eq3A_692 = arith.cmpi eq, %add3A_690, %eq3A_691 : vector<8x128xi32>
        %jit3A_693 = arith.constant -3.000000e+38 : f32
        %broadcast_in_dim3A_694 = vector.broadcast %jit3A_693 : f32 to vector<8x128xf32>
        %select_n3A_695 = arith.select %eq3A_692, %broadcast_in_dim3A_694, %get3A_684 : vector<8x128xi1>, vector<8x128xf32>
        %swap3A_696 = arith.index_cast %scan3A_555 : i32 to index
        %swap3A_697 = arith.constant 0 : index
        %swap3A_698 = arith.constant 640 : index
        %swap3A_699 = vector.load %arg4[%swap3A_696, %swap3A_697, %swap3A_698] : memref<8x8x1024xf32, #tpu.memory_space<vmem>>, vector<1x8x128xf32>
        %swap3A_700 = vector.shape_cast %swap3A_699 : vector<1x8x128xf32> to vector<8x128xf32>
        %swap3A_701 = vector.shape_cast %select_n3A_695 : vector<8x128xf32> to vector<1x8x128xf32>
        tpu.vector_store %arg4[%swap3A_696, %swap3A_697, %swap3A_698], %swap3A_701 {strides = array<i32>} : memref<8x8x1024xf32, #tpu.memory_space<vmem>>, vector<1x8x128xf32>,
        %gt3A_702 = arith.cmpf ogt, %select_n3A_695, %select_n3A_678 : vector<8x128xf32>
        %select_n3A_703 = arith.select %gt3A_702, %select_n3A_695, %select_n3A_678 : vector<8x128xi1>, vector<8x128xf32>
        %select_n3A_704 = arith.select %gt3A_702, %add3A_690, %select_n3A_679 : vector<8x128xi1>, vector<8x128xi32>
        %get3A_705 = arith.index_cast %scan3A_555 : i32 to index
        %get3A_706 = arith.constant 0 : index
        %get3A_707 = arith.constant 768 : index
        %get3A_708 = vector.load %arg4[%get3A_705, %get3A_706, %get3A_707] : memref<8x8x1024xf32, #tpu.memory_space<vmem>>, vector<1x8x128xf32>
        %get3A_709 = vector.shape_cast %get3A_708 : vector<1x8x128xf32> to vector<8x128xf32>
        %mul3A_710 = arith.constant 1024 : i32
        %mul3A_711 = arith.muli %scan3A_555, %mul3A_710 : i32
        %add3A_712 = arith.constant 768 : i32
        %add3A_713 = arith.addi %mul3A_711, %add3A_712 : i32
        %add3A_714 = vector.broadcast %add3A_713 : i32 to vector<8x128xi32>
        %add3A_715 = arith.addi %add3A_714, %iota3A : vector<8x128xi32>
        %eq3A_716 = vector.broadcast %broadcast_in_dim3A_275 : vector<8x1xi32> to vector<8x128xi32>
        %eq3A_717 = arith.cmpi eq, %add3A_715, %eq3A_716 : vector<8x128xi32>
        %jit3A_718 = arith.constant -3.000000e+38 : f32
        %broadcast_in_dim3A_719 = vector.broadcast %jit3A_718 : f32 to vector<8x128xf32>
        %select_n3A_720 = arith.select %eq3A_717, %broadcast_in_dim3A_719, %get3A_709 : vector<8x128xi1>, vector<8x128xf32>
        %swap3A_721 = arith.index_cast %scan3A_555 : i32 to index
        %swap3A_722 = arith.constant 0 : index
        %swap3A_723 = arith.constant 768 : index
        %swap3A_724 = vector.load %arg4[%swap3A_721, %swap3A_722, %swap3A_723] : memref<8x8x1024xf32, #tpu.memory_space<vmem>>, vector<1x8x128xf32>
        %swap3A_725 = vector.shape_cast %swap3A_724 : vector<1x8x128xf32> to vector<8x128xf32>
        %swap3A_726 = vector.shape_cast %select_n3A_720 : vector<8x128xf32> to vector<1x8x128xf32>
        tpu.vector_store %arg4[%swap3A_721, %swap3A_722, %swap3A_723], %swap3A_726 {strides = array<i32>} : memref<8x8x1024xf32, #tpu.memory_space<vmem>>, vector<1x8x128xf32>,
        %gt3A_727 = arith.cmpf ogt, %select_n3A_720, %select_n3A_703 : vector<8x128xf32>
        %select_n3A_728 = arith.select %gt3A_727, %select_n3A_720, %select_n3A_703 : vector<8x128xi1>, vector<8x128xf32>
        %select_n3A_729 = arith.select %gt3A_727, %add3A_715, %select_n3A_704 : vector<8x128xi1>, vector<8x128xi32>
        %get3A_730 = arith.index_cast %scan3A_555 : i32 to index
        %get3A_731 = arith.constant 0 : index
        %get3A_732 = arith.constant 896 : index
        %get3A_733 = vector.load %arg4[%get3A_730, %get3A_731, %get3A_732] : memref<8x8x1024xf32, #tpu.memory_space<vmem>>, vector<1x8x128xf32>
        %get3A_734 = vector.shape_cast %get3A_733 : vector<1x8x128xf32> to vector<8x128xf32>
        %mul3A_735 = arith.constant 1024 : i32
        %mul3A_736 = arith.muli %scan3A_555, %mul3A_735 : i32
        %add3A_737 = arith.constant 896 : i32
        %add3A_738 = arith.addi %mul3A_736, %add3A_737 : i32
        %add3A_739 = vector.broadcast %add3A_738 : i32 to vector<8x128xi32>
        %add3A_740 = arith.addi %add3A_739, %iota3A : vector<8x128xi32>
        %eq3A_741 = vector.broadcast %broadcast_in_dim3A_275 : vector<8x1xi32> to vector<8x128xi32>
        %eq3A_742 = arith.cmpi eq, %add3A_740, %eq3A_741 : vector<8x128xi32>
        %jit3A_743 = arith.constant -3.000000e+38 : f32
        %broadcast_in_dim3A_744 = vector.broadcast %jit3A_743 : f32 to vector<8x128xf32>
        %select_n3A_745 = arith.select %eq3A_742, %broadcast_in_dim3A_744, %get3A_734 : vector<8x128xi1>, vector<8x128xf32>
        %swap3A_746 = arith.index_cast %scan3A_555 : i32 to index
        %swap3A_747 = arith.constant 0 : index
        %swap3A_748 = arith.constant 896 : index
        %swap3A_749 = vector.load %arg4[%swap3A_746, %swap3A_747, %swap3A_748] : memref<8x8x1024xf32, #tpu.memory_space<vmem>>, vector<1x8x128xf32>
        %swap3A_750 = vector.shape_cast %swap3A_749 : vector<1x8x128xf32> to vector<8x128xf32>
        %swap3A_751 = vector.shape_cast %select_n3A_745 : vector<8x128xf32> to vector<1x8x128xf32>
        tpu.vector_store %arg4[%swap3A_746, %swap3A_747, %swap3A_748], %swap3A_751 {strides = array<i32>} : memref<8x8x1024xf32, #tpu.memory_space<vmem>>, vector<1x8x128xf32>,
        %gt3A_752 = arith.cmpf ogt, %select_n3A_745, %select_n3A_728 : vector<8x128xf32>
        %select_n3A_753 = arith.select %gt3A_752, %select_n3A_745, %select_n3A_728 : vector<8x128xi1>, vector<8x128xf32>
        %select_n3A_754 = arith.select %gt3A_752, %add3A_740, %select_n3A_729 : vector<8x128xi1>, vector<8x128xi32>
        scf.yield %select_n3A_753, %select_n3A_754 : vector<8x128xf32>, vector<8x128xi32>
      }
      %scan3A_291 = arith.constant 8 : i32
      %reduce_max3A_292 = arith.constant dense<0xFF800000> : vector<8xf32>
      %reduce_max3A_293 = vector.multi_reduction <maximumf>, %scan3A_290#0, %reduce_max3A_292 [1] : vector<8x128xf32> to vector<8xf32>
      %broadcast_in_dim3A_294 = vector.shape_cast %reduce_max3A_293 : vector<8xf32> to vector<8x1xf32>
      %eq3A_295 = vector.broadcast %broadcast_in_dim3A_294 : vector<8x1xf32> to vector<8x128xf32>
      %eq3A_296 = arith.cmpf oeq, %scan3A_290#0, %eq3A_295 : vector<8x128xf32>
      %jit3A_297 = arith.constant 8192 : i32
      %broadcast_in_dim3A_298 = vector.broadcast %jit3A_297 : i32 to vector<8x128xi32>
      %select_n3A_299 = arith.select %eq3A_296, %scan3A_290#1, %broadcast_in_dim3A_298 : vector<8x128xi1>, vector<8x128xi32>
      %reduce_min3A_300 = arith.constant dense<2147483647> : vector<8xi32>
      %reduce_min3A_301 = vector.multi_reduction <minsi>, %select_n3A_299, %reduce_min3A_300 [1] : vector<8x128xi32> to vector<8xi32>
      %broadcast_in_dim3A_302 = vector.shape_cast %reduce_min3A_301 : vector<8xi32> to vector<8x1xi32>
      %eq3A_303 = arith.constant 10 : i32
      %eq3A_304 = vector.broadcast %eq3A_303 : i32 to vector<8x32xi32>
      %eq3A_305 = arith.cmpi eq, %iota3A_13, %eq3A_304 : vector<8x32xi32>
      %broadcast_in_dim3A_306 = vector.shape_cast %broadcast_in_dim3A_302 : vector<8x1xi32> to vector<8x1xi32>
      %broadcast_in_dim3A_307 = vector.broadcast %broadcast_in_dim3A_306 : vector<8x1xi32> to vector<8x32xi32>
      %select_n3A_308 = arith.select %eq3A_305, %broadcast_in_dim3A_307, %select_n3A_281 : vector<8x32xi1>, vector<8x32xi32>
      %broadcast_in_dim3A_309 = arith.constant -3.000000e+38 : f32
      %broadcast_in_dim3A_310 = vector.broadcast %broadcast_in_dim3A_309 : f32 to vector<8x128xf32>
      %broadcast_in_dim3A_311 = arith.constant 0 : i32
      %broadcast_in_dim3A_312 = vector.broadcast %broadcast_in_dim3A_311 : i32 to vector<8x128xi32>
      %scan3A_313 = arith.constant 0 : i32
      %scan3A_314 = arith.constant 8 : i32
      %scan3A_315 = arith.addi %scan3A_313, %scan3A_314 : i32
      %scan3A_316 = arith.constant 1 : i32
      %scan3A_317:2 = scf.for %scan3A_555 = %scan3A_313 to %scan3A_315 step %scan3A_316 iter_args(%scan3A_556 = %broadcast_in_dim3A_310, %scan3A_557 = %broadcast_in_dim3A_312) -> (vector<8x128xf32>, vector<8x128xi32>)  : i32 {
        %get3A_558 = arith.index_cast %scan3A_555 : i32 to index
        %get3A_559 = arith.constant 0 : index
        %get3A_560 = arith.constant 0 : index
        %get3A_561 = vector.load %arg4[%get3A_558, %get3A_559, %get3A_560] : memref<8x8x1024xf32, #tpu.memory_space<vmem>>, vector<1x8x128xf32>
        %get3A_562 = vector.shape_cast %get3A_561 : vector<1x8x128xf32> to vector<8x128xf32>
        %mul3A = arith.constant 1024 : i32
        %mul3A_563 = arith.muli %scan3A_555, %mul3A : i32
        %add3A = arith.constant 0 : i32
        %add3A_564 = arith.addi %mul3A_563, %add3A : i32
        %add3A_565 = vector.broadcast %add3A_564 : i32 to vector<8x128xi32>
        %add3A_566 = arith.addi %add3A_565, %iota3A : vector<8x128xi32>
        %eq3A_567 = vector.broadcast %broadcast_in_dim3A_302 : vector<8x1xi32> to vector<8x128xi32>
        %eq3A_568 = arith.cmpi eq, %add3A_566, %eq3A_567 : vector<8x128xi32>
        %jit3A_569 = arith.constant -3.000000e+38 : f32
        %broadcast_in_dim3A_570 = vector.broadcast %jit3A_569 : f32 to vector<8x128xf32>
        %select_n3A_571 = arith.select %eq3A_568, %broadcast_in_dim3A_570, %get3A_562 : vector<8x128xi1>, vector<8x128xf32>
        %swap3A_572 = arith.index_cast %scan3A_555 : i32 to index
        %swap3A_573 = arith.constant 0 : index
        %swap3A_574 = arith.constant 0 : index
        %swap3A_575 = vector.load %arg4[%swap3A_572, %swap3A_573, %swap3A_574] : memref<8x8x1024xf32, #tpu.memory_space<vmem>>, vector<1x8x128xf32>
        %swap3A_576 = vector.shape_cast %swap3A_575 : vector<1x8x128xf32> to vector<8x128xf32>
        %swap3A_577 = vector.shape_cast %select_n3A_571 : vector<8x128xf32> to vector<1x8x128xf32>
        tpu.vector_store %arg4[%swap3A_572, %swap3A_573, %swap3A_574], %swap3A_577 {strides = array<i32>} : memref<8x8x1024xf32, #tpu.memory_space<vmem>>, vector<1x8x128xf32>,
        %gt3A = arith.cmpf ogt, %select_n3A_571, %scan3A_556 : vector<8x128xf32>
        %select_n3A_578 = arith.select %gt3A, %select_n3A_571, %scan3A_556 : vector<8x128xi1>, vector<8x128xf32>
        %select_n3A_579 = arith.select %gt3A, %add3A_566, %scan3A_557 : vector<8x128xi1>, vector<8x128xi32>
        %get3A_580 = arith.index_cast %scan3A_555 : i32 to index
        %get3A_581 = arith.constant 0 : index
        %get3A_582 = arith.constant 128 : index
        %get3A_583 = vector.load %arg4[%get3A_580, %get3A_581, %get3A_582] : memref<8x8x1024xf32, #tpu.memory_space<vmem>>, vector<1x8x128xf32>
        %get3A_584 = vector.shape_cast %get3A_583 : vector<1x8x128xf32> to vector<8x128xf32>
        %mul3A_585 = arith.constant 1024 : i32
        %mul3A_586 = arith.muli %scan3A_555, %mul3A_585 : i32
        %add3A_587 = arith.constant 128 : i32
        %add3A_588 = arith.addi %mul3A_586, %add3A_587 : i32
        %add3A_589 = vector.broadcast %add3A_588 : i32 to vector<8x128xi32>
        %add3A_590 = arith.addi %add3A_589, %iota3A : vector<8x128xi32>
        %eq3A_591 = vector.broadcast %broadcast_in_dim3A_302 : vector<8x1xi32> to vector<8x128xi32>
        %eq3A_592 = arith.cmpi eq, %add3A_590, %eq3A_591 : vector<8x128xi32>
        %jit3A_593 = arith.constant -3.000000e+38 : f32
        %broadcast_in_dim3A_594 = vector.broadcast %jit3A_593 : f32 to vector<8x128xf32>
        %select_n3A_595 = arith.select %eq3A_592, %broadcast_in_dim3A_594, %get3A_584 : vector<8x128xi1>, vector<8x128xf32>
        %swap3A_596 = arith.index_cast %scan3A_555 : i32 to index
        %swap3A_597 = arith.constant 0 : index
        %swap3A_598 = arith.constant 128 : index
        %swap3A_599 = vector.load %arg4[%swap3A_596, %swap3A_597, %swap3A_598] : memref<8x8x1024xf32, #tpu.memory_space<vmem>>, vector<1x8x128xf32>
        %swap3A_600 = vector.shape_cast %swap3A_599 : vector<1x8x128xf32> to vector<8x128xf32>
        %swap3A_601 = vector.shape_cast %select_n3A_595 : vector<8x128xf32> to vector<1x8x128xf32>
        tpu.vector_store %arg4[%swap3A_596, %swap3A_597, %swap3A_598], %swap3A_601 {strides = array<i32>} : memref<8x8x1024xf32, #tpu.memory_space<vmem>>, vector<1x8x128xf32>,
        %gt3A_602 = arith.cmpf ogt, %select_n3A_595, %select_n3A_578 : vector<8x128xf32>
        %select_n3A_603 = arith.select %gt3A_602, %select_n3A_595, %select_n3A_578 : vector<8x128xi1>, vector<8x128xf32>
        %select_n3A_604 = arith.select %gt3A_602, %add3A_590, %select_n3A_579 : vector<8x128xi1>, vector<8x128xi32>
        %get3A_605 = arith.index_cast %scan3A_555 : i32 to index
        %get3A_606 = arith.constant 0 : index
        %get3A_607 = arith.constant 256 : index
        %get3A_608 = vector.load %arg4[%get3A_605, %get3A_606, %get3A_607] : memref<8x8x1024xf32, #tpu.memory_space<vmem>>, vector<1x8x128xf32>
        %get3A_609 = vector.shape_cast %get3A_608 : vector<1x8x128xf32> to vector<8x128xf32>
        %mul3A_610 = arith.constant 1024 : i32
        %mul3A_611 = arith.muli %scan3A_555, %mul3A_610 : i32
        %add3A_612 = arith.constant 256 : i32
        %add3A_613 = arith.addi %mul3A_611, %add3A_612 : i32
        %add3A_614 = vector.broadcast %add3A_613 : i32 to vector<8x128xi32>
        %add3A_615 = arith.addi %add3A_614, %iota3A : vector<8x128xi32>
        %eq3A_616 = vector.broadcast %broadcast_in_dim3A_302 : vector<8x1xi32> to vector<8x128xi32>
        %eq3A_617 = arith.cmpi eq, %add3A_615, %eq3A_616 : vector<8x128xi32>
        %jit3A_618 = arith.constant -3.000000e+38 : f32
        %broadcast_in_dim3A_619 = vector.broadcast %jit3A_618 : f32 to vector<8x128xf32>
        %select_n3A_620 = arith.select %eq3A_617, %broadcast_in_dim3A_619, %get3A_609 : vector<8x128xi1>, vector<8x128xf32>
        %swap3A_621 = arith.index_cast %scan3A_555 : i32 to index
        %swap3A_622 = arith.constant 0 : index
        %swap3A_623 = arith.constant 256 : index
        %swap3A_624 = vector.load %arg4[%swap3A_621, %swap3A_622, %swap3A_623] : memref<8x8x1024xf32, #tpu.memory_space<vmem>>, vector<1x8x128xf32>
        %swap3A_625 = vector.shape_cast %swap3A_624 : vector<1x8x128xf32> to vector<8x128xf32>
        %swap3A_626 = vector.shape_cast %select_n3A_620 : vector<8x128xf32> to vector<1x8x128xf32>
        tpu.vector_store %arg4[%swap3A_621, %swap3A_622, %swap3A_623], %swap3A_626 {strides = array<i32>} : memref<8x8x1024xf32, #tpu.memory_space<vmem>>, vector<1x8x128xf32>,
        %gt3A_627 = arith.cmpf ogt, %select_n3A_620, %select_n3A_603 : vector<8x128xf32>
        %select_n3A_628 = arith.select %gt3A_627, %select_n3A_620, %select_n3A_603 : vector<8x128xi1>, vector<8x128xf32>
        %select_n3A_629 = arith.select %gt3A_627, %add3A_615, %select_n3A_604 : vector<8x128xi1>, vector<8x128xi32>
        %get3A_630 = arith.index_cast %scan3A_555 : i32 to index
        %get3A_631 = arith.constant 0 : index
        %get3A_632 = arith.constant 384 : index
        %get3A_633 = vector.load %arg4[%get3A_630, %get3A_631, %get3A_632] : memref<8x8x1024xf32, #tpu.memory_space<vmem>>, vector<1x8x128xf32>
        %get3A_634 = vector.shape_cast %get3A_633 : vector<1x8x128xf32> to vector<8x128xf32>
        %mul3A_635 = arith.constant 1024 : i32
        %mul3A_636 = arith.muli %scan3A_555, %mul3A_635 : i32
        %add3A_637 = arith.constant 384 : i32
        %add3A_638 = arith.addi %mul3A_636, %add3A_637 : i32
        %add3A_639 = vector.broadcast %add3A_638 : i32 to vector<8x128xi32>
        %add3A_640 = arith.addi %add3A_639, %iota3A : vector<8x128xi32>
        %eq3A_641 = vector.broadcast %broadcast_in_dim3A_302 : vector<8x1xi32> to vector<8x128xi32>
        %eq3A_642 = arith.cmpi eq, %add3A_640, %eq3A_641 : vector<8x128xi32>
        %jit3A_643 = arith.constant -3.000000e+38 : f32
        %broadcast_in_dim3A_644 = vector.broadcast %jit3A_643 : f32 to vector<8x128xf32>
        %select_n3A_645 = arith.select %eq3A_642, %broadcast_in_dim3A_644, %get3A_634 : vector<8x128xi1>, vector<8x128xf32>
        %swap3A_646 = arith.index_cast %scan3A_555 : i32 to index
        %swap3A_647 = arith.constant 0 : index
        %swap3A_648 = arith.constant 384 : index
        %swap3A_649 = vector.load %arg4[%swap3A_646, %swap3A_647, %swap3A_648] : memref<8x8x1024xf32, #tpu.memory_space<vmem>>, vector<1x8x128xf32>
        %swap3A_650 = vector.shape_cast %swap3A_649 : vector<1x8x128xf32> to vector<8x128xf32>
        %swap3A_651 = vector.shape_cast %select_n3A_645 : vector<8x128xf32> to vector<1x8x128xf32>
        tpu.vector_store %arg4[%swap3A_646, %swap3A_647, %swap3A_648], %swap3A_651 {strides = array<i32>} : memref<8x8x1024xf32, #tpu.memory_space<vmem>>, vector<1x8x128xf32>,
        %gt3A_652 = arith.cmpf ogt, %select_n3A_645, %select_n3A_628 : vector<8x128xf32>
        %select_n3A_653 = arith.select %gt3A_652, %select_n3A_645, %select_n3A_628 : vector<8x128xi1>, vector<8x128xf32>
        %select_n3A_654 = arith.select %gt3A_652, %add3A_640, %select_n3A_629 : vector<8x128xi1>, vector<8x128xi32>
        %get3A_655 = arith.index_cast %scan3A_555 : i32 to index
        %get3A_656 = arith.constant 0 : index
        %get3A_657 = arith.constant 512 : index
        %get3A_658 = vector.load %arg4[%get3A_655, %get3A_656, %get3A_657] : memref<8x8x1024xf32, #tpu.memory_space<vmem>>, vector<1x8x128xf32>
        %get3A_659 = vector.shape_cast %get3A_658 : vector<1x8x128xf32> to vector<8x128xf32>
        %mul3A_660 = arith.constant 1024 : i32
        %mul3A_661 = arith.muli %scan3A_555, %mul3A_660 : i32
        %add3A_662 = arith.constant 512 : i32
        %add3A_663 = arith.addi %mul3A_661, %add3A_662 : i32
        %add3A_664 = vector.broadcast %add3A_663 : i32 to vector<8x128xi32>
        %add3A_665 = arith.addi %add3A_664, %iota3A : vector<8x128xi32>
        %eq3A_666 = vector.broadcast %broadcast_in_dim3A_302 : vector<8x1xi32> to vector<8x128xi32>
        %eq3A_667 = arith.cmpi eq, %add3A_665, %eq3A_666 : vector<8x128xi32>
        %jit3A_668 = arith.constant -3.000000e+38 : f32
        %broadcast_in_dim3A_669 = vector.broadcast %jit3A_668 : f32 to vector<8x128xf32>
        %select_n3A_670 = arith.select %eq3A_667, %broadcast_in_dim3A_669, %get3A_659 : vector<8x128xi1>, vector<8x128xf32>
        %swap3A_671 = arith.index_cast %scan3A_555 : i32 to index
        %swap3A_672 = arith.constant 0 : index
        %swap3A_673 = arith.constant 512 : index
        %swap3A_674 = vector.load %arg4[%swap3A_671, %swap3A_672, %swap3A_673] : memref<8x8x1024xf32, #tpu.memory_space<vmem>>, vector<1x8x128xf32>
        %swap3A_675 = vector.shape_cast %swap3A_674 : vector<1x8x128xf32> to vector<8x128xf32>
        %swap3A_676 = vector.shape_cast %select_n3A_670 : vector<8x128xf32> to vector<1x8x128xf32>
        tpu.vector_store %arg4[%swap3A_671, %swap3A_672, %swap3A_673], %swap3A_676 {strides = array<i32>} : memref<8x8x1024xf32, #tpu.memory_space<vmem>>, vector<1x8x128xf32>,
        %gt3A_677 = arith.cmpf ogt, %select_n3A_670, %select_n3A_653 : vector<8x128xf32>
        %select_n3A_678 = arith.select %gt3A_677, %select_n3A_670, %select_n3A_653 : vector<8x128xi1>, vector<8x128xf32>
        %select_n3A_679 = arith.select %gt3A_677, %add3A_665, %select_n3A_654 : vector<8x128xi1>, vector<8x128xi32>
        %get3A_680 = arith.index_cast %scan3A_555 : i32 to index
        %get3A_681 = arith.constant 0 : index
        %get3A_682 = arith.constant 640 : index
        %get3A_683 = vector.load %arg4[%get3A_680, %get3A_681, %get3A_682] : memref<8x8x1024xf32, #tpu.memory_space<vmem>>, vector<1x8x128xf32>
        %get3A_684 = vector.shape_cast %get3A_683 : vector<1x8x128xf32> to vector<8x128xf32>
        %mul3A_685 = arith.constant 1024 : i32
        %mul3A_686 = arith.muli %scan3A_555, %mul3A_685 : i32
        %add3A_687 = arith.constant 640 : i32
        %add3A_688 = arith.addi %mul3A_686, %add3A_687 : i32
        %add3A_689 = vector.broadcast %add3A_688 : i32 to vector<8x128xi32>
        %add3A_690 = arith.addi %add3A_689, %iota3A : vector<8x128xi32>
        %eq3A_691 = vector.broadcast %broadcast_in_dim3A_302 : vector<8x1xi32> to vector<8x128xi32>
        %eq3A_692 = arith.cmpi eq, %add3A_690, %eq3A_691 : vector<8x128xi32>
        %jit3A_693 = arith.constant -3.000000e+38 : f32
        %broadcast_in_dim3A_694 = vector.broadcast %jit3A_693 : f32 to vector<8x128xf32>
        %select_n3A_695 = arith.select %eq3A_692, %broadcast_in_dim3A_694, %get3A_684 : vector<8x128xi1>, vector<8x128xf32>
        %swap3A_696 = arith.index_cast %scan3A_555 : i32 to index
        %swap3A_697 = arith.constant 0 : index
        %swap3A_698 = arith.constant 640 : index
        %swap3A_699 = vector.load %arg4[%swap3A_696, %swap3A_697, %swap3A_698] : memref<8x8x1024xf32, #tpu.memory_space<vmem>>, vector<1x8x128xf32>
        %swap3A_700 = vector.shape_cast %swap3A_699 : vector<1x8x128xf32> to vector<8x128xf32>
        %swap3A_701 = vector.shape_cast %select_n3A_695 : vector<8x128xf32> to vector<1x8x128xf32>
        tpu.vector_store %arg4[%swap3A_696, %swap3A_697, %swap3A_698], %swap3A_701 {strides = array<i32>} : memref<8x8x1024xf32, #tpu.memory_space<vmem>>, vector<1x8x128xf32>,
        %gt3A_702 = arith.cmpf ogt, %select_n3A_695, %select_n3A_678 : vector<8x128xf32>
        %select_n3A_703 = arith.select %gt3A_702, %select_n3A_695, %select_n3A_678 : vector<8x128xi1>, vector<8x128xf32>
        %select_n3A_704 = arith.select %gt3A_702, %add3A_690, %select_n3A_679 : vector<8x128xi1>, vector<8x128xi32>
        %get3A_705 = arith.index_cast %scan3A_555 : i32 to index
        %get3A_706 = arith.constant 0 : index
        %get3A_707 = arith.constant 768 : index
        %get3A_708 = vector.load %arg4[%get3A_705, %get3A_706, %get3A_707] : memref<8x8x1024xf32, #tpu.memory_space<vmem>>, vector<1x8x128xf32>
        %get3A_709 = vector.shape_cast %get3A_708 : vector<1x8x128xf32> to vector<8x128xf32>
        %mul3A_710 = arith.constant 1024 : i32
        %mul3A_711 = arith.muli %scan3A_555, %mul3A_710 : i32
        %add3A_712 = arith.constant 768 : i32
        %add3A_713 = arith.addi %mul3A_711, %add3A_712 : i32
        %add3A_714 = vector.broadcast %add3A_713 : i32 to vector<8x128xi32>
        %add3A_715 = arith.addi %add3A_714, %iota3A : vector<8x128xi32>
        %eq3A_716 = vector.broadcast %broadcast_in_dim3A_302 : vector<8x1xi32> to vector<8x128xi32>
        %eq3A_717 = arith.cmpi eq, %add3A_715, %eq3A_716 : vector<8x128xi32>
        %jit3A_718 = arith.constant -3.000000e+38 : f32
        %broadcast_in_dim3A_719 = vector.broadcast %jit3A_718 : f32 to vector<8x128xf32>
        %select_n3A_720 = arith.select %eq3A_717, %broadcast_in_dim3A_719, %get3A_709 : vector<8x128xi1>, vector<8x128xf32>
        %swap3A_721 = arith.index_cast %scan3A_555 : i32 to index
        %swap3A_722 = arith.constant 0 : index
        %swap3A_723 = arith.constant 768 : index
        %swap3A_724 = vector.load %arg4[%swap3A_721, %swap3A_722, %swap3A_723] : memref<8x8x1024xf32, #tpu.memory_space<vmem>>, vector<1x8x128xf32>
        %swap3A_725 = vector.shape_cast %swap3A_724 : vector<1x8x128xf32> to vector<8x128xf32>
        %swap3A_726 = vector.shape_cast %select_n3A_720 : vector<8x128xf32> to vector<1x8x128xf32>
        tpu.vector_store %arg4[%swap3A_721, %swap3A_722, %swap3A_723], %swap3A_726 {strides = array<i32>} : memref<8x8x1024xf32, #tpu.memory_space<vmem>>, vector<1x8x128xf32>,
        %gt3A_727 = arith.cmpf ogt, %select_n3A_720, %select_n3A_703 : vector<8x128xf32>
        %select_n3A_728 = arith.select %gt3A_727, %select_n3A_720, %select_n3A_703 : vector<8x128xi1>, vector<8x128xf32>
        %select_n3A_729 = arith.select %gt3A_727, %add3A_715, %select_n3A_704 : vector<8x128xi1>, vector<8x128xi32>
        %get3A_730 = arith.index_cast %scan3A_555 : i32 to index
        %get3A_731 = arith.constant 0 : index
        %get3A_732 = arith.constant 896 : index
        %get3A_733 = vector.load %arg4[%get3A_730, %get3A_731, %get3A_732] : memref<8x8x1024xf32, #tpu.memory_space<vmem>>, vector<1x8x128xf32>
        %get3A_734 = vector.shape_cast %get3A_733 : vector<1x8x128xf32> to vector<8x128xf32>
        %mul3A_735 = arith.constant 1024 : i32
        %mul3A_736 = arith.muli %scan3A_555, %mul3A_735 : i32
        %add3A_737 = arith.constant 896 : i32
        %add3A_738 = arith.addi %mul3A_736, %add3A_737 : i32
        %add3A_739 = vector.broadcast %add3A_738 : i32 to vector<8x128xi32>
        %add3A_740 = arith.addi %add3A_739, %iota3A : vector<8x128xi32>
        %eq3A_741 = vector.broadcast %broadcast_in_dim3A_302 : vector<8x1xi32> to vector<8x128xi32>
        %eq3A_742 = arith.cmpi eq, %add3A_740, %eq3A_741 : vector<8x128xi32>
        %jit3A_743 = arith.constant -3.000000e+38 : f32
        %broadcast_in_dim3A_744 = vector.broadcast %jit3A_743 : f32 to vector<8x128xf32>
        %select_n3A_745 = arith.select %eq3A_742, %broadcast_in_dim3A_744, %get3A_734 : vector<8x128xi1>, vector<8x128xf32>
        %swap3A_746 = arith.index_cast %scan3A_555 : i32 to index
        %swap3A_747 = arith.constant 0 : index
        %swap3A_748 = arith.constant 896 : index
        %swap3A_749 = vector.load %arg4[%swap3A_746, %swap3A_747, %swap3A_748] : memref<8x8x1024xf32, #tpu.memory_space<vmem>>, vector<1x8x128xf32>
        %swap3A_750 = vector.shape_cast %swap3A_749 : vector<1x8x128xf32> to vector<8x128xf32>
        %swap3A_751 = vector.shape_cast %select_n3A_745 : vector<8x128xf32> to vector<1x8x128xf32>
        tpu.vector_store %arg4[%swap3A_746, %swap3A_747, %swap3A_748], %swap3A_751 {strides = array<i32>} : memref<8x8x1024xf32, #tpu.memory_space<vmem>>, vector<1x8x128xf32>,
        %gt3A_752 = arith.cmpf ogt, %select_n3A_745, %select_n3A_728 : vector<8x128xf32>
        %select_n3A_753 = arith.select %gt3A_752, %select_n3A_745, %select_n3A_728 : vector<8x128xi1>, vector<8x128xf32>
        %select_n3A_754 = arith.select %gt3A_752, %add3A_740, %select_n3A_729 : vector<8x128xi1>, vector<8x128xi32>
        scf.yield %select_n3A_753, %select_n3A_754 : vector<8x128xf32>, vector<8x128xi32>
      }
      %scan3A_318 = arith.constant 8 : i32
      %reduce_max3A_319 = arith.constant dense<0xFF800000> : vector<8xf32>
      %reduce_max3A_320 = vector.multi_reduction <maximumf>, %scan3A_317#0, %reduce_max3A_319 [1] : vector<8x128xf32> to vector<8xf32>
      %broadcast_in_dim3A_321 = vector.shape_cast %reduce_max3A_320 : vector<8xf32> to vector<8x1xf32>
      %eq3A_322 = vector.broadcast %broadcast_in_dim3A_321 : vector<8x1xf32> to vector<8x128xf32>
      %eq3A_323 = arith.cmpf oeq, %scan3A_317#0, %eq3A_322 : vector<8x128xf32>
      %jit3A_324 = arith.constant 8192 : i32
      %broadcast_in_dim3A_325 = vector.broadcast %jit3A_324 : i32 to vector<8x128xi32>
      %select_n3A_326 = arith.select %eq3A_323, %scan3A_317#1, %broadcast_in_dim3A_325 : vector<8x128xi1>, vector<8x128xi32>
      %reduce_min3A_327 = arith.constant dense<2147483647> : vector<8xi32>
      %reduce_min3A_328 = vector.multi_reduction <minsi>, %select_n3A_326, %reduce_min3A_327 [1] : vector<8x128xi32> to vector<8xi32>
      %broadcast_in_dim3A_329 = vector.shape_cast %reduce_min3A_328 : vector<8xi32> to vector<8x1xi32>
      %eq3A_330 = arith.constant 11 : i32
      %eq3A_331 = vector.broadcast %eq3A_330 : i32 to vector<8x32xi32>
      %eq3A_332 = arith.cmpi eq, %iota3A_13, %eq3A_331 : vector<8x32xi32>
      %broadcast_in_dim3A_333 = vector.shape_cast %broadcast_in_dim3A_329 : vector<8x1xi32> to vector<8x1xi32>
      %broadcast_in_dim3A_334 = vector.broadcast %broadcast_in_dim3A_333 : vector<8x1xi32> to vector<8x32xi32>
      %select_n3A_335 = arith.select %eq3A_332, %broadcast_in_dim3A_334, %select_n3A_308 : vector<8x32xi1>, vector<8x32xi32>
      %broadcast_in_dim3A_336 = arith.constant -3.000000e+38 : f32
      %broadcast_in_dim3A_337 = vector.broadcast %broadcast_in_dim3A_336 : f32 to vector<8x128xf32>
      %broadcast_in_dim3A_338 = arith.constant 0 : i32
      %broadcast_in_dim3A_339 = vector.broadcast %broadcast_in_dim3A_338 : i32 to vector<8x128xi32>
      %scan3A_340 = arith.constant 0 : i32
      %scan3A_341 = arith.constant 8 : i32
      %scan3A_342 = arith.addi %scan3A_340, %scan3A_341 : i32
      %scan3A_343 = arith.constant 1 : i32
      %scan3A_344:2 = scf.for %scan3A_555 = %scan3A_340 to %scan3A_342 step %scan3A_343 iter_args(%scan3A_556 = %broadcast_in_dim3A_337, %scan3A_557 = %broadcast_in_dim3A_339) -> (vector<8x128xf32>, vector<8x128xi32>)  : i32 {
        %get3A_558 = arith.index_cast %scan3A_555 : i32 to index
        %get3A_559 = arith.constant 0 : index
        %get3A_560 = arith.constant 0 : index
        %get3A_561 = vector.load %arg4[%get3A_558, %get3A_559, %get3A_560] : memref<8x8x1024xf32, #tpu.memory_space<vmem>>, vector<1x8x128xf32>
        %get3A_562 = vector.shape_cast %get3A_561 : vector<1x8x128xf32> to vector<8x128xf32>
        %mul3A = arith.constant 1024 : i32
        %mul3A_563 = arith.muli %scan3A_555, %mul3A : i32
        %add3A = arith.constant 0 : i32
        %add3A_564 = arith.addi %mul3A_563, %add3A : i32
        %add3A_565 = vector.broadcast %add3A_564 : i32 to vector<8x128xi32>
        %add3A_566 = arith.addi %add3A_565, %iota3A : vector<8x128xi32>
        %eq3A_567 = vector.broadcast %broadcast_in_dim3A_329 : vector<8x1xi32> to vector<8x128xi32>
        %eq3A_568 = arith.cmpi eq, %add3A_566, %eq3A_567 : vector<8x128xi32>
        %jit3A_569 = arith.constant -3.000000e+38 : f32
        %broadcast_in_dim3A_570 = vector.broadcast %jit3A_569 : f32 to vector<8x128xf32>
        %select_n3A_571 = arith.select %eq3A_568, %broadcast_in_dim3A_570, %get3A_562 : vector<8x128xi1>, vector<8x128xf32>
        %swap3A_572 = arith.index_cast %scan3A_555 : i32 to index
        %swap3A_573 = arith.constant 0 : index
        %swap3A_574 = arith.constant 0 : index
        %swap3A_575 = vector.load %arg4[%swap3A_572, %swap3A_573, %swap3A_574] : memref<8x8x1024xf32, #tpu.memory_space<vmem>>, vector<1x8x128xf32>
        %swap3A_576 = vector.shape_cast %swap3A_575 : vector<1x8x128xf32> to vector<8x128xf32>
        %swap3A_577 = vector.shape_cast %select_n3A_571 : vector<8x128xf32> to vector<1x8x128xf32>
        tpu.vector_store %arg4[%swap3A_572, %swap3A_573, %swap3A_574], %swap3A_577 {strides = array<i32>} : memref<8x8x1024xf32, #tpu.memory_space<vmem>>, vector<1x8x128xf32>,
        %gt3A = arith.cmpf ogt, %select_n3A_571, %scan3A_556 : vector<8x128xf32>
        %select_n3A_578 = arith.select %gt3A, %select_n3A_571, %scan3A_556 : vector<8x128xi1>, vector<8x128xf32>
        %select_n3A_579 = arith.select %gt3A, %add3A_566, %scan3A_557 : vector<8x128xi1>, vector<8x128xi32>
        %get3A_580 = arith.index_cast %scan3A_555 : i32 to index
        %get3A_581 = arith.constant 0 : index
        %get3A_582 = arith.constant 128 : index
        %get3A_583 = vector.load %arg4[%get3A_580, %get3A_581, %get3A_582] : memref<8x8x1024xf32, #tpu.memory_space<vmem>>, vector<1x8x128xf32>
        %get3A_584 = vector.shape_cast %get3A_583 : vector<1x8x128xf32> to vector<8x128xf32>
        %mul3A_585 = arith.constant 1024 : i32
        %mul3A_586 = arith.muli %scan3A_555, %mul3A_585 : i32
        %add3A_587 = arith.constant 128 : i32
        %add3A_588 = arith.addi %mul3A_586, %add3A_587 : i32
        %add3A_589 = vector.broadcast %add3A_588 : i32 to vector<8x128xi32>
        %add3A_590 = arith.addi %add3A_589, %iota3A : vector<8x128xi32>
        %eq3A_591 = vector.broadcast %broadcast_in_dim3A_329 : vector<8x1xi32> to vector<8x128xi32>
        %eq3A_592 = arith.cmpi eq, %add3A_590, %eq3A_591 : vector<8x128xi32>
        %jit3A_593 = arith.constant -3.000000e+38 : f32
        %broadcast_in_dim3A_594 = vector.broadcast %jit3A_593 : f32 to vector<8x128xf32>
        %select_n3A_595 = arith.select %eq3A_592, %broadcast_in_dim3A_594, %get3A_584 : vector<8x128xi1>, vector<8x128xf32>
        %swap3A_596 = arith.index_cast %scan3A_555 : i32 to index
        %swap3A_597 = arith.constant 0 : index
        %swap3A_598 = arith.constant 128 : index
        %swap3A_599 = vector.load %arg4[%swap3A_596, %swap3A_597, %swap3A_598] : memref<8x8x1024xf32, #tpu.memory_space<vmem>>, vector<1x8x128xf32>
        %swap3A_600 = vector.shape_cast %swap3A_599 : vector<1x8x128xf32> to vector<8x128xf32>
        %swap3A_601 = vector.shape_cast %select_n3A_595 : vector<8x128xf32> to vector<1x8x128xf32>
        tpu.vector_store %arg4[%swap3A_596, %swap3A_597, %swap3A_598], %swap3A_601 {strides = array<i32>} : memref<8x8x1024xf32, #tpu.memory_space<vmem>>, vector<1x8x128xf32>,
        %gt3A_602 = arith.cmpf ogt, %select_n3A_595, %select_n3A_578 : vector<8x128xf32>
        %select_n3A_603 = arith.select %gt3A_602, %select_n3A_595, %select_n3A_578 : vector<8x128xi1>, vector<8x128xf32>
        %select_n3A_604 = arith.select %gt3A_602, %add3A_590, %select_n3A_579 : vector<8x128xi1>, vector<8x128xi32>
        %get3A_605 = arith.index_cast %scan3A_555 : i32 to index
        %get3A_606 = arith.constant 0 : index
        %get3A_607 = arith.constant 256 : index
        %get3A_608 = vector.load %arg4[%get3A_605, %get3A_606, %get3A_607] : memref<8x8x1024xf32, #tpu.memory_space<vmem>>, vector<1x8x128xf32>
        %get3A_609 = vector.shape_cast %get3A_608 : vector<1x8x128xf32> to vector<8x128xf32>
        %mul3A_610 = arith.constant 1024 : i32
        %mul3A_611 = arith.muli %scan3A_555, %mul3A_610 : i32
        %add3A_612 = arith.constant 256 : i32
        %add3A_613 = arith.addi %mul3A_611, %add3A_612 : i32
        %add3A_614 = vector.broadcast %add3A_613 : i32 to vector<8x128xi32>
        %add3A_615 = arith.addi %add3A_614, %iota3A : vector<8x128xi32>
        %eq3A_616 = vector.broadcast %broadcast_in_dim3A_329 : vector<8x1xi32> to vector<8x128xi32>
        %eq3A_617 = arith.cmpi eq, %add3A_615, %eq3A_616 : vector<8x128xi32>
        %jit3A_618 = arith.constant -3.000000e+38 : f32
        %broadcast_in_dim3A_619 = vector.broadcast %jit3A_618 : f32 to vector<8x128xf32>
        %select_n3A_620 = arith.select %eq3A_617, %broadcast_in_dim3A_619, %get3A_609 : vector<8x128xi1>, vector<8x128xf32>
        %swap3A_621 = arith.index_cast %scan3A_555 : i32 to index
        %swap3A_622 = arith.constant 0 : index
        %swap3A_623 = arith.constant 256 : index
        %swap3A_624 = vector.load %arg4[%swap3A_621, %swap3A_622, %swap3A_623] : memref<8x8x1024xf32, #tpu.memory_space<vmem>>, vector<1x8x128xf32>
        %swap3A_625 = vector.shape_cast %swap3A_624 : vector<1x8x128xf32> to vector<8x128xf32>
        %swap3A_626 = vector.shape_cast %select_n3A_620 : vector<8x128xf32> to vector<1x8x128xf32>
        tpu.vector_store %arg4[%swap3A_621, %swap3A_622, %swap3A_623], %swap3A_626 {strides = array<i32>} : memref<8x8x1024xf32, #tpu.memory_space<vmem>>, vector<1x8x128xf32>,
        %gt3A_627 = arith.cmpf ogt, %select_n3A_620, %select_n3A_603 : vector<8x128xf32>
        %select_n3A_628 = arith.select %gt3A_627, %select_n3A_620, %select_n3A_603 : vector<8x128xi1>, vector<8x128xf32>
        %select_n3A_629 = arith.select %gt3A_627, %add3A_615, %select_n3A_604 : vector<8x128xi1>, vector<8x128xi32>
        %get3A_630 = arith.index_cast %scan3A_555 : i32 to index
        %get3A_631 = arith.constant 0 : index
        %get3A_632 = arith.constant 384 : index
        %get3A_633 = vector.load %arg4[%get3A_630, %get3A_631, %get3A_632] : memref<8x8x1024xf32, #tpu.memory_space<vmem>>, vector<1x8x128xf32>
        %get3A_634 = vector.shape_cast %get3A_633 : vector<1x8x128xf32> to vector<8x128xf32>
        %mul3A_635 = arith.constant 1024 : i32
        %mul3A_636 = arith.muli %scan3A_555, %mul3A_635 : i32
        %add3A_637 = arith.constant 384 : i32
        %add3A_638 = arith.addi %mul3A_636, %add3A_637 : i32
        %add3A_639 = vector.broadcast %add3A_638 : i32 to vector<8x128xi32>
        %add3A_640 = arith.addi %add3A_639, %iota3A : vector<8x128xi32>
        %eq3A_641 = vector.broadcast %broadcast_in_dim3A_329 : vector<8x1xi32> to vector<8x128xi32>
        %eq3A_642 = arith.cmpi eq, %add3A_640, %eq3A_641 : vector<8x128xi32>
        %jit3A_643 = arith.constant -3.000000e+38 : f32
        %broadcast_in_dim3A_644 = vector.broadcast %jit3A_643 : f32 to vector<8x128xf32>
        %select_n3A_645 = arith.select %eq3A_642, %broadcast_in_dim3A_644, %get3A_634 : vector<8x128xi1>, vector<8x128xf32>
        %swap3A_646 = arith.index_cast %scan3A_555 : i32 to index
        %swap3A_647 = arith.constant 0 : index
        %swap3A_648 = arith.constant 384 : index
        %swap3A_649 = vector.load %arg4[%swap3A_646, %swap3A_647, %swap3A_648] : memref<8x8x1024xf32, #tpu.memory_space<vmem>>, vector<1x8x128xf32>
        %swap3A_650 = vector.shape_cast %swap3A_649 : vector<1x8x128xf32> to vector<8x128xf32>
        %swap3A_651 = vector.shape_cast %select_n3A_645 : vector<8x128xf32> to vector<1x8x128xf32>
        tpu.vector_store %arg4[%swap3A_646, %swap3A_647, %swap3A_648], %swap3A_651 {strides = array<i32>} : memref<8x8x1024xf32, #tpu.memory_space<vmem>>, vector<1x8x128xf32>,
        %gt3A_652 = arith.cmpf ogt, %select_n3A_645, %select_n3A_628 : vector<8x128xf32>
        %select_n3A_653 = arith.select %gt3A_652, %select_n3A_645, %select_n3A_628 : vector<8x128xi1>, vector<8x128xf32>
        %select_n3A_654 = arith.select %gt3A_652, %add3A_640, %select_n3A_629 : vector<8x128xi1>, vector<8x128xi32>
        %get3A_655 = arith.index_cast %scan3A_555 : i32 to index
        %get3A_656 = arith.constant 0 : index
        %get3A_657 = arith.constant 512 : index
        %get3A_658 = vector.load %arg4[%get3A_655, %get3A_656, %get3A_657] : memref<8x8x1024xf32, #tpu.memory_space<vmem>>, vector<1x8x128xf32>
        %get3A_659 = vector.shape_cast %get3A_658 : vector<1x8x128xf32> to vector<8x128xf32>
        %mul3A_660 = arith.constant 1024 : i32
        %mul3A_661 = arith.muli %scan3A_555, %mul3A_660 : i32
        %add3A_662 = arith.constant 512 : i32
        %add3A_663 = arith.addi %mul3A_661, %add3A_662 : i32
        %add3A_664 = vector.broadcast %add3A_663 : i32 to vector<8x128xi32>
        %add3A_665 = arith.addi %add3A_664, %iota3A : vector<8x128xi32>
        %eq3A_666 = vector.broadcast %broadcast_in_dim3A_329 : vector<8x1xi32> to vector<8x128xi32>
        %eq3A_667 = arith.cmpi eq, %add3A_665, %eq3A_666 : vector<8x128xi32>
        %jit3A_668 = arith.constant -3.000000e+38 : f32
        %broadcast_in_dim3A_669 = vector.broadcast %jit3A_668 : f32 to vector<8x128xf32>
        %select_n3A_670 = arith.select %eq3A_667, %broadcast_in_dim3A_669, %get3A_659 : vector<8x128xi1>, vector<8x128xf32>
        %swap3A_671 = arith.index_cast %scan3A_555 : i32 to index
        %swap3A_672 = arith.constant 0 : index
        %swap3A_673 = arith.constant 512 : index
        %swap3A_674 = vector.load %arg4[%swap3A_671, %swap3A_672, %swap3A_673] : memref<8x8x1024xf32, #tpu.memory_space<vmem>>, vector<1x8x128xf32>
        %swap3A_675 = vector.shape_cast %swap3A_674 : vector<1x8x128xf32> to vector<8x128xf32>
        %swap3A_676 = vector.shape_cast %select_n3A_670 : vector<8x128xf32> to vector<1x8x128xf32>
        tpu.vector_store %arg4[%swap3A_671, %swap3A_672, %swap3A_673], %swap3A_676 {strides = array<i32>} : memref<8x8x1024xf32, #tpu.memory_space<vmem>>, vector<1x8x128xf32>,
        %gt3A_677 = arith.cmpf ogt, %select_n3A_670, %select_n3A_653 : vector<8x128xf32>
        %select_n3A_678 = arith.select %gt3A_677, %select_n3A_670, %select_n3A_653 : vector<8x128xi1>, vector<8x128xf32>
        %select_n3A_679 = arith.select %gt3A_677, %add3A_665, %select_n3A_654 : vector<8x128xi1>, vector<8x128xi32>
        %get3A_680 = arith.index_cast %scan3A_555 : i32 to index
        %get3A_681 = arith.constant 0 : index
        %get3A_682 = arith.constant 640 : index
        %get3A_683 = vector.load %arg4[%get3A_680, %get3A_681, %get3A_682] : memref<8x8x1024xf32, #tpu.memory_space<vmem>>, vector<1x8x128xf32>
        %get3A_684 = vector.shape_cast %get3A_683 : vector<1x8x128xf32> to vector<8x128xf32>
        %mul3A_685 = arith.constant 1024 : i32
        %mul3A_686 = arith.muli %scan3A_555, %mul3A_685 : i32
        %add3A_687 = arith.constant 640 : i32
        %add3A_688 = arith.addi %mul3A_686, %add3A_687 : i32
        %add3A_689 = vector.broadcast %add3A_688 : i32 to vector<8x128xi32>
        %add3A_690 = arith.addi %add3A_689, %iota3A : vector<8x128xi32>
        %eq3A_691 = vector.broadcast %broadcast_in_dim3A_329 : vector<8x1xi32> to vector<8x128xi32>
        %eq3A_692 = arith.cmpi eq, %add3A_690, %eq3A_691 : vector<8x128xi32>
        %jit3A_693 = arith.constant -3.000000e+38 : f32
        %broadcast_in_dim3A_694 = vector.broadcast %jit3A_693 : f32 to vector<8x128xf32>
        %select_n3A_695 = arith.select %eq3A_692, %broadcast_in_dim3A_694, %get3A_684 : vector<8x128xi1>, vector<8x128xf32>
        %swap3A_696 = arith.index_cast %scan3A_555 : i32 to index
        %swap3A_697 = arith.constant 0 : index
        %swap3A_698 = arith.constant 640 : index
        %swap3A_699 = vector.load %arg4[%swap3A_696, %swap3A_697, %swap3A_698] : memref<8x8x1024xf32, #tpu.memory_space<vmem>>, vector<1x8x128xf32>
        %swap3A_700 = vector.shape_cast %swap3A_699 : vector<1x8x128xf32> to vector<8x128xf32>
        %swap3A_701 = vector.shape_cast %select_n3A_695 : vector<8x128xf32> to vector<1x8x128xf32>
        tpu.vector_store %arg4[%swap3A_696, %swap3A_697, %swap3A_698], %swap3A_701 {strides = array<i32>} : memref<8x8x1024xf32, #tpu.memory_space<vmem>>, vector<1x8x128xf32>,
        %gt3A_702 = arith.cmpf ogt, %select_n3A_695, %select_n3A_678 : vector<8x128xf32>
        %select_n3A_703 = arith.select %gt3A_702, %select_n3A_695, %select_n3A_678 : vector<8x128xi1>, vector<8x128xf32>
        %select_n3A_704 = arith.select %gt3A_702, %add3A_690, %select_n3A_679 : vector<8x128xi1>, vector<8x128xi32>
        %get3A_705 = arith.index_cast %scan3A_555 : i32 to index
        %get3A_706 = arith.constant 0 : index
        %get3A_707 = arith.constant 768 : index
        %get3A_708 = vector.load %arg4[%get3A_705, %get3A_706, %get3A_707] : memref<8x8x1024xf32, #tpu.memory_space<vmem>>, vector<1x8x128xf32>
        %get3A_709 = vector.shape_cast %get3A_708 : vector<1x8x128xf32> to vector<8x128xf32>
        %mul3A_710 = arith.constant 1024 : i32
        %mul3A_711 = arith.muli %scan3A_555, %mul3A_710 : i32
        %add3A_712 = arith.constant 768 : i32
        %add3A_713 = arith.addi %mul3A_711, %add3A_712 : i32
        %add3A_714 = vector.broadcast %add3A_713 : i32 to vector<8x128xi32>
        %add3A_715 = arith.addi %add3A_714, %iota3A : vector<8x128xi32>
        %eq3A_716 = vector.broadcast %broadcast_in_dim3A_329 : vector<8x1xi32> to vector<8x128xi32>
        %eq3A_717 = arith.cmpi eq, %add3A_715, %eq3A_716 : vector<8x128xi32>
        %jit3A_718 = arith.constant -3.000000e+38 : f32
        %broadcast_in_dim3A_719 = vector.broadcast %jit3A_718 : f32 to vector<8x128xf32>
        %select_n3A_720 = arith.select %eq3A_717, %broadcast_in_dim3A_719, %get3A_709 : vector<8x128xi1>, vector<8x128xf32>
        %swap3A_721 = arith.index_cast %scan3A_555 : i32 to index
        %swap3A_722 = arith.constant 0 : index
        %swap3A_723 = arith.constant 768 : index
        %swap3A_724 = vector.load %arg4[%swap3A_721, %swap3A_722, %swap3A_723] : memref<8x8x1024xf32, #tpu.memory_space<vmem>>, vector<1x8x128xf32>
        %swap3A_725 = vector.shape_cast %swap3A_724 : vector<1x8x128xf32> to vector<8x128xf32>
        %swap3A_726 = vector.shape_cast %select_n3A_720 : vector<8x128xf32> to vector<1x8x128xf32>
        tpu.vector_store %arg4[%swap3A_721, %swap3A_722, %swap3A_723], %swap3A_726 {strides = array<i32>} : memref<8x8x1024xf32, #tpu.memory_space<vmem>>, vector<1x8x128xf32>,
        %gt3A_727 = arith.cmpf ogt, %select_n3A_720, %select_n3A_703 : vector<8x128xf32>
        %select_n3A_728 = arith.select %gt3A_727, %select_n3A_720, %select_n3A_703 : vector<8x128xi1>, vector<8x128xf32>
        %select_n3A_729 = arith.select %gt3A_727, %add3A_715, %select_n3A_704 : vector<8x128xi1>, vector<8x128xi32>
        %get3A_730 = arith.index_cast %scan3A_555 : i32 to index
        %get3A_731 = arith.constant 0 : index
        %get3A_732 = arith.constant 896 : index
        %get3A_733 = vector.load %arg4[%get3A_730, %get3A_731, %get3A_732] : memref<8x8x1024xf32, #tpu.memory_space<vmem>>, vector<1x8x128xf32>
        %get3A_734 = vector.shape_cast %get3A_733 : vector<1x8x128xf32> to vector<8x128xf32>
        %mul3A_735 = arith.constant 1024 : i32
        %mul3A_736 = arith.muli %scan3A_555, %mul3A_735 : i32
        %add3A_737 = arith.constant 896 : i32
        %add3A_738 = arith.addi %mul3A_736, %add3A_737 : i32
        %add3A_739 = vector.broadcast %add3A_738 : i32 to vector<8x128xi32>
        %add3A_740 = arith.addi %add3A_739, %iota3A : vector<8x128xi32>
        %eq3A_741 = vector.broadcast %broadcast_in_dim3A_329 : vector<8x1xi32> to vector<8x128xi32>
        %eq3A_742 = arith.cmpi eq, %add3A_740, %eq3A_741 : vector<8x128xi32>
        %jit3A_743 = arith.constant -3.000000e+38 : f32
        %broadcast_in_dim3A_744 = vector.broadcast %jit3A_743 : f32 to vector<8x128xf32>
        %select_n3A_745 = arith.select %eq3A_742, %broadcast_in_dim3A_744, %get3A_734 : vector<8x128xi1>, vector<8x128xf32>
        %swap3A_746 = arith.index_cast %scan3A_555 : i32 to index
        %swap3A_747 = arith.constant 0 : index
        %swap3A_748 = arith.constant 896 : index
        %swap3A_749 = vector.load %arg4[%swap3A_746, %swap3A_747, %swap3A_748] : memref<8x8x1024xf32, #tpu.memory_space<vmem>>, vector<1x8x128xf32>
        %swap3A_750 = vector.shape_cast %swap3A_749 : vector<1x8x128xf32> to vector<8x128xf32>
        %swap3A_751 = vector.shape_cast %select_n3A_745 : vector<8x128xf32> to vector<1x8x128xf32>
        tpu.vector_store %arg4[%swap3A_746, %swap3A_747, %swap3A_748], %swap3A_751 {strides = array<i32>} : memref<8x8x1024xf32, #tpu.memory_space<vmem>>, vector<1x8x128xf32>,
        %gt3A_752 = arith.cmpf ogt, %select_n3A_745, %select_n3A_728 : vector<8x128xf32>
        %select_n3A_753 = arith.select %gt3A_752, %select_n3A_745, %select_n3A_728 : vector<8x128xi1>, vector<8x128xf32>
        %select_n3A_754 = arith.select %gt3A_752, %add3A_740, %select_n3A_729 : vector<8x128xi1>, vector<8x128xi32>
        scf.yield %select_n3A_753, %select_n3A_754 : vector<8x128xf32>, vector<8x128xi32>
      }
      %scan3A_345 = arith.constant 8 : i32
      %reduce_max3A_346 = arith.constant dense<0xFF800000> : vector<8xf32>
      %reduce_max3A_347 = vector.multi_reduction <maximumf>, %scan3A_344#0, %reduce_max3A_346 [1] : vector<8x128xf32> to vector<8xf32>
      %broadcast_in_dim3A_348 = vector.shape_cast %reduce_max3A_347 : vector<8xf32> to vector<8x1xf32>
      %eq3A_349 = vector.broadcast %broadcast_in_dim3A_348 : vector<8x1xf32> to vector<8x128xf32>
      %eq3A_350 = arith.cmpf oeq, %scan3A_344#0, %eq3A_349 : vector<8x128xf32>
      %jit3A_351 = arith.constant 8192 : i32
      %broadcast_in_dim3A_352 = vector.broadcast %jit3A_351 : i32 to vector<8x128xi32>
      %select_n3A_353 = arith.select %eq3A_350, %scan3A_344#1, %broadcast_in_dim3A_352 : vector<8x128xi1>, vector<8x128xi32>
      %reduce_min3A_354 = arith.constant dense<2147483647> : vector<8xi32>
      %reduce_min3A_355 = vector.multi_reduction <minsi>, %select_n3A_353, %reduce_min3A_354 [1] : vector<8x128xi32> to vector<8xi32>
      %broadcast_in_dim3A_356 = vector.shape_cast %reduce_min3A_355 : vector<8xi32> to vector<8x1xi32>
      %eq3A_357 = arith.constant 12 : i32
      %eq3A_358 = vector.broadcast %eq3A_357 : i32 to vector<8x32xi32>
      %eq3A_359 = arith.cmpi eq, %iota3A_13, %eq3A_358 : vector<8x32xi32>
      %broadcast_in_dim3A_360 = vector.shape_cast %broadcast_in_dim3A_356 : vector<8x1xi32> to vector<8x1xi32>
      %broadcast_in_dim3A_361 = vector.broadcast %broadcast_in_dim3A_360 : vector<8x1xi32> to vector<8x32xi32>
      %select_n3A_362 = arith.select %eq3A_359, %broadcast_in_dim3A_361, %select_n3A_335 : vector<8x32xi1>, vector<8x32xi32>
      %broadcast_in_dim3A_363 = arith.constant -3.000000e+38 : f32
      %broadcast_in_dim3A_364 = vector.broadcast %broadcast_in_dim3A_363 : f32 to vector<8x128xf32>
      %broadcast_in_dim3A_365 = arith.constant 0 : i32
      %broadcast_in_dim3A_366 = vector.broadcast %broadcast_in_dim3A_365 : i32 to vector<8x128xi32>
      %scan3A_367 = arith.constant 0 : i32
      %scan3A_368 = arith.constant 8 : i32
      %scan3A_369 = arith.addi %scan3A_367, %scan3A_368 : i32
      %scan3A_370 = arith.constant 1 : i32
      %scan3A_371:2 = scf.for %scan3A_555 = %scan3A_367 to %scan3A_369 step %scan3A_370 iter_args(%scan3A_556 = %broadcast_in_dim3A_364, %scan3A_557 = %broadcast_in_dim3A_366) -> (vector<8x128xf32>, vector<8x128xi32>)  : i32 {
        %get3A_558 = arith.index_cast %scan3A_555 : i32 to index
        %get3A_559 = arith.constant 0 : index
        %get3A_560 = arith.constant 0 : index
        %get3A_561 = vector.load %arg4[%get3A_558, %get3A_559, %get3A_560] : memref<8x8x1024xf32, #tpu.memory_space<vmem>>, vector<1x8x128xf32>
        %get3A_562 = vector.shape_cast %get3A_561 : vector<1x8x128xf32> to vector<8x128xf32>
        %mul3A = arith.constant 1024 : i32
        %mul3A_563 = arith.muli %scan3A_555, %mul3A : i32
        %add3A = arith.constant 0 : i32
        %add3A_564 = arith.addi %mul3A_563, %add3A : i32
        %add3A_565 = vector.broadcast %add3A_564 : i32 to vector<8x128xi32>
        %add3A_566 = arith.addi %add3A_565, %iota3A : vector<8x128xi32>
        %eq3A_567 = vector.broadcast %broadcast_in_dim3A_356 : vector<8x1xi32> to vector<8x128xi32>
        %eq3A_568 = arith.cmpi eq, %add3A_566, %eq3A_567 : vector<8x128xi32>
        %jit3A_569 = arith.constant -3.000000e+38 : f32
        %broadcast_in_dim3A_570 = vector.broadcast %jit3A_569 : f32 to vector<8x128xf32>
        %select_n3A_571 = arith.select %eq3A_568, %broadcast_in_dim3A_570, %get3A_562 : vector<8x128xi1>, vector<8x128xf32>
        %swap3A_572 = arith.index_cast %scan3A_555 : i32 to index
        %swap3A_573 = arith.constant 0 : index
        %swap3A_574 = arith.constant 0 : index
        %swap3A_575 = vector.load %arg4[%swap3A_572, %swap3A_573, %swap3A_574] : memref<8x8x1024xf32, #tpu.memory_space<vmem>>, vector<1x8x128xf32>
        %swap3A_576 = vector.shape_cast %swap3A_575 : vector<1x8x128xf32> to vector<8x128xf32>
        %swap3A_577 = vector.shape_cast %select_n3A_571 : vector<8x128xf32> to vector<1x8x128xf32>
        tpu.vector_store %arg4[%swap3A_572, %swap3A_573, %swap3A_574], %swap3A_577 {strides = array<i32>} : memref<8x8x1024xf32, #tpu.memory_space<vmem>>, vector<1x8x128xf32>,
        %gt3A = arith.cmpf ogt, %select_n3A_571, %scan3A_556 : vector<8x128xf32>
        %select_n3A_578 = arith.select %gt3A, %select_n3A_571, %scan3A_556 : vector<8x128xi1>, vector<8x128xf32>
        %select_n3A_579 = arith.select %gt3A, %add3A_566, %scan3A_557 : vector<8x128xi1>, vector<8x128xi32>
        %get3A_580 = arith.index_cast %scan3A_555 : i32 to index
        %get3A_581 = arith.constant 0 : index
        %get3A_582 = arith.constant 128 : index
        %get3A_583 = vector.load %arg4[%get3A_580, %get3A_581, %get3A_582] : memref<8x8x1024xf32, #tpu.memory_space<vmem>>, vector<1x8x128xf32>
        %get3A_584 = vector.shape_cast %get3A_583 : vector<1x8x128xf32> to vector<8x128xf32>
        %mul3A_585 = arith.constant 1024 : i32
        %mul3A_586 = arith.muli %scan3A_555, %mul3A_585 : i32
        %add3A_587 = arith.constant 128 : i32
        %add3A_588 = arith.addi %mul3A_586, %add3A_587 : i32
        %add3A_589 = vector.broadcast %add3A_588 : i32 to vector<8x128xi32>
        %add3A_590 = arith.addi %add3A_589, %iota3A : vector<8x128xi32>
        %eq3A_591 = vector.broadcast %broadcast_in_dim3A_356 : vector<8x1xi32> to vector<8x128xi32>
        %eq3A_592 = arith.cmpi eq, %add3A_590, %eq3A_591 : vector<8x128xi32>
        %jit3A_593 = arith.constant -3.000000e+38 : f32
        %broadcast_in_dim3A_594 = vector.broadcast %jit3A_593 : f32 to vector<8x128xf32>
        %select_n3A_595 = arith.select %eq3A_592, %broadcast_in_dim3A_594, %get3A_584 : vector<8x128xi1>, vector<8x128xf32>
        %swap3A_596 = arith.index_cast %scan3A_555 : i32 to index
        %swap3A_597 = arith.constant 0 : index
        %swap3A_598 = arith.constant 128 : index
        %swap3A_599 = vector.load %arg4[%swap3A_596, %swap3A_597, %swap3A_598] : memref<8x8x1024xf32, #tpu.memory_space<vmem>>, vector<1x8x128xf32>
        %swap3A_600 = vector.shape_cast %swap3A_599 : vector<1x8x128xf32> to vector<8x128xf32>
        %swap3A_601 = vector.shape_cast %select_n3A_595 : vector<8x128xf32> to vector<1x8x128xf32>
        tpu.vector_store %arg4[%swap3A_596, %swap3A_597, %swap3A_598], %swap3A_601 {strides = array<i32>} : memref<8x8x1024xf32, #tpu.memory_space<vmem>>, vector<1x8x128xf32>,
        %gt3A_602 = arith.cmpf ogt, %select_n3A_595, %select_n3A_578 : vector<8x128xf32>
        %select_n3A_603 = arith.select %gt3A_602, %select_n3A_595, %select_n3A_578 : vector<8x128xi1>, vector<8x128xf32>
        %select_n3A_604 = arith.select %gt3A_602, %add3A_590, %select_n3A_579 : vector<8x128xi1>, vector<8x128xi32>
        %get3A_605 = arith.index_cast %scan3A_555 : i32 to index
        %get3A_606 = arith.constant 0 : index
        %get3A_607 = arith.constant 256 : index
        %get3A_608 = vector.load %arg4[%get3A_605, %get3A_606, %get3A_607] : memref<8x8x1024xf32, #tpu.memory_space<vmem>>, vector<1x8x128xf32>
        %get3A_609 = vector.shape_cast %get3A_608 : vector<1x8x128xf32> to vector<8x128xf32>
        %mul3A_610 = arith.constant 1024 : i32
        %mul3A_611 = arith.muli %scan3A_555, %mul3A_610 : i32
        %add3A_612 = arith.constant 256 : i32
        %add3A_613 = arith.addi %mul3A_611, %add3A_612 : i32
        %add3A_614 = vector.broadcast %add3A_613 : i32 to vector<8x128xi32>
        %add3A_615 = arith.addi %add3A_614, %iota3A : vector<8x128xi32>
        %eq3A_616 = vector.broadcast %broadcast_in_dim3A_356 : vector<8x1xi32> to vector<8x128xi32>
        %eq3A_617 = arith.cmpi eq, %add3A_615, %eq3A_616 : vector<8x128xi32>
        %jit3A_618 = arith.constant -3.000000e+38 : f32
        %broadcast_in_dim3A_619 = vector.broadcast %jit3A_618 : f32 to vector<8x128xf32>
        %select_n3A_620 = arith.select %eq3A_617, %broadcast_in_dim3A_619, %get3A_609 : vector<8x128xi1>, vector<8x128xf32>
        %swap3A_621 = arith.index_cast %scan3A_555 : i32 to index
        %swap3A_622 = arith.constant 0 : index
        %swap3A_623 = arith.constant 256 : index
        %swap3A_624 = vector.load %arg4[%swap3A_621, %swap3A_622, %swap3A_623] : memref<8x8x1024xf32, #tpu.memory_space<vmem>>, vector<1x8x128xf32>
        %swap3A_625 = vector.shape_cast %swap3A_624 : vector<1x8x128xf32> to vector<8x128xf32>
        %swap3A_626 = vector.shape_cast %select_n3A_620 : vector<8x128xf32> to vector<1x8x128xf32>
        tpu.vector_store %arg4[%swap3A_621, %swap3A_622, %swap3A_623], %swap3A_626 {strides = array<i32>} : memref<8x8x1024xf32, #tpu.memory_space<vmem>>, vector<1x8x128xf32>,
        %gt3A_627 = arith.cmpf ogt, %select_n3A_620, %select_n3A_603 : vector<8x128xf32>
        %select_n3A_628 = arith.select %gt3A_627, %select_n3A_620, %select_n3A_603 : vector<8x128xi1>, vector<8x128xf32>
        %select_n3A_629 = arith.select %gt3A_627, %add3A_615, %select_n3A_604 : vector<8x128xi1>, vector<8x128xi32>
        %get3A_630 = arith.index_cast %scan3A_555 : i32 to index
        %get3A_631 = arith.constant 0 : index
        %get3A_632 = arith.constant 384 : index
        %get3A_633 = vector.load %arg4[%get3A_630, %get3A_631, %get3A_632] : memref<8x8x1024xf32, #tpu.memory_space<vmem>>, vector<1x8x128xf32>
        %get3A_634 = vector.shape_cast %get3A_633 : vector<1x8x128xf32> to vector<8x128xf32>
        %mul3A_635 = arith.constant 1024 : i32
        %mul3A_636 = arith.muli %scan3A_555, %mul3A_635 : i32
        %add3A_637 = arith.constant 384 : i32
        %add3A_638 = arith.addi %mul3A_636, %add3A_637 : i32
        %add3A_639 = vector.broadcast %add3A_638 : i32 to vector<8x128xi32>
        %add3A_640 = arith.addi %add3A_639, %iota3A : vector<8x128xi32>
        %eq3A_641 = vector.broadcast %broadcast_in_dim3A_356 : vector<8x1xi32> to vector<8x128xi32>
        %eq3A_642 = arith.cmpi eq, %add3A_640, %eq3A_641 : vector<8x128xi32>
        %jit3A_643 = arith.constant -3.000000e+38 : f32
        %broadcast_in_dim3A_644 = vector.broadcast %jit3A_643 : f32 to vector<8x128xf32>
        %select_n3A_645 = arith.select %eq3A_642, %broadcast_in_dim3A_644, %get3A_634 : vector<8x128xi1>, vector<8x128xf32>
        %swap3A_646 = arith.index_cast %scan3A_555 : i32 to index
        %swap3A_647 = arith.constant 0 : index
        %swap3A_648 = arith.constant 384 : index
        %swap3A_649 = vector.load %arg4[%swap3A_646, %swap3A_647, %swap3A_648] : memref<8x8x1024xf32, #tpu.memory_space<vmem>>, vector<1x8x128xf32>
        %swap3A_650 = vector.shape_cast %swap3A_649 : vector<1x8x128xf32> to vector<8x128xf32>
        %swap3A_651 = vector.shape_cast %select_n3A_645 : vector<8x128xf32> to vector<1x8x128xf32>
        tpu.vector_store %arg4[%swap3A_646, %swap3A_647, %swap3A_648], %swap3A_651 {strides = array<i32>} : memref<8x8x1024xf32, #tpu.memory_space<vmem>>, vector<1x8x128xf32>,
        %gt3A_652 = arith.cmpf ogt, %select_n3A_645, %select_n3A_628 : vector<8x128xf32>
        %select_n3A_653 = arith.select %gt3A_652, %select_n3A_645, %select_n3A_628 : vector<8x128xi1>, vector<8x128xf32>
        %select_n3A_654 = arith.select %gt3A_652, %add3A_640, %select_n3A_629 : vector<8x128xi1>, vector<8x128xi32>
        %get3A_655 = arith.index_cast %scan3A_555 : i32 to index
        %get3A_656 = arith.constant 0 : index
        %get3A_657 = arith.constant 512 : index
        %get3A_658 = vector.load %arg4[%get3A_655, %get3A_656, %get3A_657] : memref<8x8x1024xf32, #tpu.memory_space<vmem>>, vector<1x8x128xf32>
        %get3A_659 = vector.shape_cast %get3A_658 : vector<1x8x128xf32> to vector<8x128xf32>
        %mul3A_660 = arith.constant 1024 : i32
        %mul3A_661 = arith.muli %scan3A_555, %mul3A_660 : i32
        %add3A_662 = arith.constant 512 : i32
        %add3A_663 = arith.addi %mul3A_661, %add3A_662 : i32
        %add3A_664 = vector.broadcast %add3A_663 : i32 to vector<8x128xi32>
        %add3A_665 = arith.addi %add3A_664, %iota3A : vector<8x128xi32>
        %eq3A_666 = vector.broadcast %broadcast_in_dim3A_356 : vector<8x1xi32> to vector<8x128xi32>
        %eq3A_667 = arith.cmpi eq, %add3A_665, %eq3A_666 : vector<8x128xi32>
        %jit3A_668 = arith.constant -3.000000e+38 : f32
        %broadcast_in_dim3A_669 = vector.broadcast %jit3A_668 : f32 to vector<8x128xf32>
        %select_n3A_670 = arith.select %eq3A_667, %broadcast_in_dim3A_669, %get3A_659 : vector<8x128xi1>, vector<8x128xf32>
        %swap3A_671 = arith.index_cast %scan3A_555 : i32 to index
        %swap3A_672 = arith.constant 0 : index
        %swap3A_673 = arith.constant 512 : index
        %swap3A_674 = vector.load %arg4[%swap3A_671, %swap3A_672, %swap3A_673] : memref<8x8x1024xf32, #tpu.memory_space<vmem>>, vector<1x8x128xf32>
        %swap3A_675 = vector.shape_cast %swap3A_674 : vector<1x8x128xf32> to vector<8x128xf32>
        %swap3A_676 = vector.shape_cast %select_n3A_670 : vector<8x128xf32> to vector<1x8x128xf32>
        tpu.vector_store %arg4[%swap3A_671, %swap3A_672, %swap3A_673], %swap3A_676 {strides = array<i32>} : memref<8x8x1024xf32, #tpu.memory_space<vmem>>, vector<1x8x128xf32>,
        %gt3A_677 = arith.cmpf ogt, %select_n3A_670, %select_n3A_653 : vector<8x128xf32>
        %select_n3A_678 = arith.select %gt3A_677, %select_n3A_670, %select_n3A_653 : vector<8x128xi1>, vector<8x128xf32>
        %select_n3A_679 = arith.select %gt3A_677, %add3A_665, %select_n3A_654 : vector<8x128xi1>, vector<8x128xi32>
        %get3A_680 = arith.index_cast %scan3A_555 : i32 to index
        %get3A_681 = arith.constant 0 : index
        %get3A_682 = arith.constant 640 : index
        %get3A_683 = vector.load %arg4[%get3A_680, %get3A_681, %get3A_682] : memref<8x8x1024xf32, #tpu.memory_space<vmem>>, vector<1x8x128xf32>
        %get3A_684 = vector.shape_cast %get3A_683 : vector<1x8x128xf32> to vector<8x128xf32>
        %mul3A_685 = arith.constant 1024 : i32
        %mul3A_686 = arith.muli %scan3A_555, %mul3A_685 : i32
        %add3A_687 = arith.constant 640 : i32
        %add3A_688 = arith.addi %mul3A_686, %add3A_687 : i32
        %add3A_689 = vector.broadcast %add3A_688 : i32 to vector<8x128xi32>
        %add3A_690 = arith.addi %add3A_689, %iota3A : vector<8x128xi32>
        %eq3A_691 = vector.broadcast %broadcast_in_dim3A_356 : vector<8x1xi32> to vector<8x128xi32>
        %eq3A_692 = arith.cmpi eq, %add3A_690, %eq3A_691 : vector<8x128xi32>
        %jit3A_693 = arith.constant -3.000000e+38 : f32
        %broadcast_in_dim3A_694 = vector.broadcast %jit3A_693 : f32 to vector<8x128xf32>
        %select_n3A_695 = arith.select %eq3A_692, %broadcast_in_dim3A_694, %get3A_684 : vector<8x128xi1>, vector<8x128xf32>
        %swap3A_696 = arith.index_cast %scan3A_555 : i32 to index
        %swap3A_697 = arith.constant 0 : index
        %swap3A_698 = arith.constant 640 : index
        %swap3A_699 = vector.load %arg4[%swap3A_696, %swap3A_697, %swap3A_698] : memref<8x8x1024xf32, #tpu.memory_space<vmem>>, vector<1x8x128xf32>
        %swap3A_700 = vector.shape_cast %swap3A_699 : vector<1x8x128xf32> to vector<8x128xf32>
        %swap3A_701 = vector.shape_cast %select_n3A_695 : vector<8x128xf32> to vector<1x8x128xf32>
        tpu.vector_store %arg4[%swap3A_696, %swap3A_697, %swap3A_698], %swap3A_701 {strides = array<i32>} : memref<8x8x1024xf32, #tpu.memory_space<vmem>>, vector<1x8x128xf32>,
        %gt3A_702 = arith.cmpf ogt, %select_n3A_695, %select_n3A_678 : vector<8x128xf32>
        %select_n3A_703 = arith.select %gt3A_702, %select_n3A_695, %select_n3A_678 : vector<8x128xi1>, vector<8x128xf32>
        %select_n3A_704 = arith.select %gt3A_702, %add3A_690, %select_n3A_679 : vector<8x128xi1>, vector<8x128xi32>
        %get3A_705 = arith.index_cast %scan3A_555 : i32 to index
        %get3A_706 = arith.constant 0 : index
        %get3A_707 = arith.constant 768 : index
        %get3A_708 = vector.load %arg4[%get3A_705, %get3A_706, %get3A_707] : memref<8x8x1024xf32, #tpu.memory_space<vmem>>, vector<1x8x128xf32>
        %get3A_709 = vector.shape_cast %get3A_708 : vector<1x8x128xf32> to vector<8x128xf32>
        %mul3A_710 = arith.constant 1024 : i32
        %mul3A_711 = arith.muli %scan3A_555, %mul3A_710 : i32
        %add3A_712 = arith.constant 768 : i32
        %add3A_713 = arith.addi %mul3A_711, %add3A_712 : i32
        %add3A_714 = vector.broadcast %add3A_713 : i32 to vector<8x128xi32>
        %add3A_715 = arith.addi %add3A_714, %iota3A : vector<8x128xi32>
        %eq3A_716 = vector.broadcast %broadcast_in_dim3A_356 : vector<8x1xi32> to vector<8x128xi32>
        %eq3A_717 = arith.cmpi eq, %add3A_715, %eq3A_716 : vector<8x128xi32>
        %jit3A_718 = arith.constant -3.000000e+38 : f32
        %broadcast_in_dim3A_719 = vector.broadcast %jit3A_718 : f32 to vector<8x128xf32>
        %select_n3A_720 = arith.select %eq3A_717, %broadcast_in_dim3A_719, %get3A_709 : vector<8x128xi1>, vector<8x128xf32>
        %swap3A_721 = arith.index_cast %scan3A_555 : i32 to index
        %swap3A_722 = arith.constant 0 : index
        %swap3A_723 = arith.constant 768 : index
        %swap3A_724 = vector.load %arg4[%swap3A_721, %swap3A_722, %swap3A_723] : memref<8x8x1024xf32, #tpu.memory_space<vmem>>, vector<1x8x128xf32>
        %swap3A_725 = vector.shape_cast %swap3A_724 : vector<1x8x128xf32> to vector<8x128xf32>
        %swap3A_726 = vector.shape_cast %select_n3A_720 : vector<8x128xf32> to vector<1x8x128xf32>
        tpu.vector_store %arg4[%swap3A_721, %swap3A_722, %swap3A_723], %swap3A_726 {strides = array<i32>} : memref<8x8x1024xf32, #tpu.memory_space<vmem>>, vector<1x8x128xf32>,
        %gt3A_727 = arith.cmpf ogt, %select_n3A_720, %select_n3A_703 : vector<8x128xf32>
        %select_n3A_728 = arith.select %gt3A_727, %select_n3A_720, %select_n3A_703 : vector<8x128xi1>, vector<8x128xf32>
        %select_n3A_729 = arith.select %gt3A_727, %add3A_715, %select_n3A_704 : vector<8x128xi1>, vector<8x128xi32>
        %get3A_730 = arith.index_cast %scan3A_555 : i32 to index
        %get3A_731 = arith.constant 0 : index
        %get3A_732 = arith.constant 896 : index
        %get3A_733 = vector.load %arg4[%get3A_730, %get3A_731, %get3A_732] : memref<8x8x1024xf32, #tpu.memory_space<vmem>>, vector<1x8x128xf32>
        %get3A_734 = vector.shape_cast %get3A_733 : vector<1x8x128xf32> to vector<8x128xf32>
        %mul3A_735 = arith.constant 1024 : i32
        %mul3A_736 = arith.muli %scan3A_555, %mul3A_735 : i32
        %add3A_737 = arith.constant 896 : i32
        %add3A_738 = arith.addi %mul3A_736, %add3A_737 : i32
        %add3A_739 = vector.broadcast %add3A_738 : i32 to vector<8x128xi32>
        %add3A_740 = arith.addi %add3A_739, %iota3A : vector<8x128xi32>
        %eq3A_741 = vector.broadcast %broadcast_in_dim3A_356 : vector<8x1xi32> to vector<8x128xi32>
        %eq3A_742 = arith.cmpi eq, %add3A_740, %eq3A_741 : vector<8x128xi32>
        %jit3A_743 = arith.constant -3.000000e+38 : f32
        %broadcast_in_dim3A_744 = vector.broadcast %jit3A_743 : f32 to vector<8x128xf32>
        %select_n3A_745 = arith.select %eq3A_742, %broadcast_in_dim3A_744, %get3A_734 : vector<8x128xi1>, vector<8x128xf32>
        %swap3A_746 = arith.index_cast %scan3A_555 : i32 to index
        %swap3A_747 = arith.constant 0 : index
        %swap3A_748 = arith.constant 896 : index
        %swap3A_749 = vector.load %arg4[%swap3A_746, %swap3A_747, %swap3A_748] : memref<8x8x1024xf32, #tpu.memory_space<vmem>>, vector<1x8x128xf32>
        %swap3A_750 = vector.shape_cast %swap3A_749 : vector<1x8x128xf32> to vector<8x128xf32>
        %swap3A_751 = vector.shape_cast %select_n3A_745 : vector<8x128xf32> to vector<1x8x128xf32>
        tpu.vector_store %arg4[%swap3A_746, %swap3A_747, %swap3A_748], %swap3A_751 {strides = array<i32>} : memref<8x8x1024xf32, #tpu.memory_space<vmem>>, vector<1x8x128xf32>,
        %gt3A_752 = arith.cmpf ogt, %select_n3A_745, %select_n3A_728 : vector<8x128xf32>
        %select_n3A_753 = arith.select %gt3A_752, %select_n3A_745, %select_n3A_728 : vector<8x128xi1>, vector<8x128xf32>
        %select_n3A_754 = arith.select %gt3A_752, %add3A_740, %select_n3A_729 : vector<8x128xi1>, vector<8x128xi32>
        scf.yield %select_n3A_753, %select_n3A_754 : vector<8x128xf32>, vector<8x128xi32>
      }
      %scan3A_372 = arith.constant 8 : i32
      %reduce_max3A_373 = arith.constant dense<0xFF800000> : vector<8xf32>
      %reduce_max3A_374 = vector.multi_reduction <maximumf>, %scan3A_371#0, %reduce_max3A_373 [1] : vector<8x128xf32> to vector<8xf32>
      %broadcast_in_dim3A_375 = vector.shape_cast %reduce_max3A_374 : vector<8xf32> to vector<8x1xf32>
      %eq3A_376 = vector.broadcast %broadcast_in_dim3A_375 : vector<8x1xf32> to vector<8x128xf32>
      %eq3A_377 = arith.cmpf oeq, %scan3A_371#0, %eq3A_376 : vector<8x128xf32>
      %jit3A_378 = arith.constant 8192 : i32
      %broadcast_in_dim3A_379 = vector.broadcast %jit3A_378 : i32 to vector<8x128xi32>
      %select_n3A_380 = arith.select %eq3A_377, %scan3A_371#1, %broadcast_in_dim3A_379 : vector<8x128xi1>, vector<8x128xi32>
      %reduce_min3A_381 = arith.constant dense<2147483647> : vector<8xi32>
      %reduce_min3A_382 = vector.multi_reduction <minsi>, %select_n3A_380, %reduce_min3A_381 [1] : vector<8x128xi32> to vector<8xi32>
      %broadcast_in_dim3A_383 = vector.shape_cast %reduce_min3A_382 : vector<8xi32> to vector<8x1xi32>
      %eq3A_384 = arith.constant 13 : i32
      %eq3A_385 = vector.broadcast %eq3A_384 : i32 to vector<8x32xi32>
      %eq3A_386 = arith.cmpi eq, %iota3A_13, %eq3A_385 : vector<8x32xi32>
      %broadcast_in_dim3A_387 = vector.shape_cast %broadcast_in_dim3A_383 : vector<8x1xi32> to vector<8x1xi32>
      %broadcast_in_dim3A_388 = vector.broadcast %broadcast_in_dim3A_387 : vector<8x1xi32> to vector<8x32xi32>
      %select_n3A_389 = arith.select %eq3A_386, %broadcast_in_dim3A_388, %select_n3A_362 : vector<8x32xi1>, vector<8x32xi32>
      %broadcast_in_dim3A_390 = arith.constant -3.000000e+38 : f32
      %broadcast_in_dim3A_391 = vector.broadcast %broadcast_in_dim3A_390 : f32 to vector<8x128xf32>
      %broadcast_in_dim3A_392 = arith.constant 0 : i32
      %broadcast_in_dim3A_393 = vector.broadcast %broadcast_in_dim3A_392 : i32 to vector<8x128xi32>
      %scan3A_394 = arith.constant 0 : i32
      %scan3A_395 = arith.constant 8 : i32
      %scan3A_396 = arith.addi %scan3A_394, %scan3A_395 : i32
      %scan3A_397 = arith.constant 1 : i32
      %scan3A_398:2 = scf.for %scan3A_555 = %scan3A_394 to %scan3A_396 step %scan3A_397 iter_args(%scan3A_556 = %broadcast_in_dim3A_391, %scan3A_557 = %broadcast_in_dim3A_393) -> (vector<8x128xf32>, vector<8x128xi32>)  : i32 {
        %get3A_558 = arith.index_cast %scan3A_555 : i32 to index
        %get3A_559 = arith.constant 0 : index
        %get3A_560 = arith.constant 0 : index
        %get3A_561 = vector.load %arg4[%get3A_558, %get3A_559, %get3A_560] : memref<8x8x1024xf32, #tpu.memory_space<vmem>>, vector<1x8x128xf32>
        %get3A_562 = vector.shape_cast %get3A_561 : vector<1x8x128xf32> to vector<8x128xf32>
        %mul3A = arith.constant 1024 : i32
        %mul3A_563 = arith.muli %scan3A_555, %mul3A : i32
        %add3A = arith.constant 0 : i32
        %add3A_564 = arith.addi %mul3A_563, %add3A : i32
        %add3A_565 = vector.broadcast %add3A_564 : i32 to vector<8x128xi32>
        %add3A_566 = arith.addi %add3A_565, %iota3A : vector<8x128xi32>
        %eq3A_567 = vector.broadcast %broadcast_in_dim3A_383 : vector<8x1xi32> to vector<8x128xi32>
        %eq3A_568 = arith.cmpi eq, %add3A_566, %eq3A_567 : vector<8x128xi32>
        %jit3A_569 = arith.constant -3.000000e+38 : f32
        %broadcast_in_dim3A_570 = vector.broadcast %jit3A_569 : f32 to vector<8x128xf32>
        %select_n3A_571 = arith.select %eq3A_568, %broadcast_in_dim3A_570, %get3A_562 : vector<8x128xi1>, vector<8x128xf32>
        %swap3A_572 = arith.index_cast %scan3A_555 : i32 to index
        %swap3A_573 = arith.constant 0 : index
        %swap3A_574 = arith.constant 0 : index
        %swap3A_575 = vector.load %arg4[%swap3A_572, %swap3A_573, %swap3A_574] : memref<8x8x1024xf32, #tpu.memory_space<vmem>>, vector<1x8x128xf32>
        %swap3A_576 = vector.shape_cast %swap3A_575 : vector<1x8x128xf32> to vector<8x128xf32>
        %swap3A_577 = vector.shape_cast %select_n3A_571 : vector<8x128xf32> to vector<1x8x128xf32>
        tpu.vector_store %arg4[%swap3A_572, %swap3A_573, %swap3A_574], %swap3A_577 {strides = array<i32>} : memref<8x8x1024xf32, #tpu.memory_space<vmem>>, vector<1x8x128xf32>,
        %gt3A = arith.cmpf ogt, %select_n3A_571, %scan3A_556 : vector<8x128xf32>
        %select_n3A_578 = arith.select %gt3A, %select_n3A_571, %scan3A_556 : vector<8x128xi1>, vector<8x128xf32>
        %select_n3A_579 = arith.select %gt3A, %add3A_566, %scan3A_557 : vector<8x128xi1>, vector<8x128xi32>
        %get3A_580 = arith.index_cast %scan3A_555 : i32 to index
        %get3A_581 = arith.constant 0 : index
        %get3A_582 = arith.constant 128 : index
        %get3A_583 = vector.load %arg4[%get3A_580, %get3A_581, %get3A_582] : memref<8x8x1024xf32, #tpu.memory_space<vmem>>, vector<1x8x128xf32>
        %get3A_584 = vector.shape_cast %get3A_583 : vector<1x8x128xf32> to vector<8x128xf32>
        %mul3A_585 = arith.constant 1024 : i32
        %mul3A_586 = arith.muli %scan3A_555, %mul3A_585 : i32
        %add3A_587 = arith.constant 128 : i32
        %add3A_588 = arith.addi %mul3A_586, %add3A_587 : i32
        %add3A_589 = vector.broadcast %add3A_588 : i32 to vector<8x128xi32>
        %add3A_590 = arith.addi %add3A_589, %iota3A : vector<8x128xi32>
        %eq3A_591 = vector.broadcast %broadcast_in_dim3A_383 : vector<8x1xi32> to vector<8x128xi32>
        %eq3A_592 = arith.cmpi eq, %add3A_590, %eq3A_591 : vector<8x128xi32>
        %jit3A_593 = arith.constant -3.000000e+38 : f32
        %broadcast_in_dim3A_594 = vector.broadcast %jit3A_593 : f32 to vector<8x128xf32>
        %select_n3A_595 = arith.select %eq3A_592, %broadcast_in_dim3A_594, %get3A_584 : vector<8x128xi1>, vector<8x128xf32>
        %swap3A_596 = arith.index_cast %scan3A_555 : i32 to index
        %swap3A_597 = arith.constant 0 : index
        %swap3A_598 = arith.constant 128 : index
        %swap3A_599 = vector.load %arg4[%swap3A_596, %swap3A_597, %swap3A_598] : memref<8x8x1024xf32, #tpu.memory_space<vmem>>, vector<1x8x128xf32>
        %swap3A_600 = vector.shape_cast %swap3A_599 : vector<1x8x128xf32> to vector<8x128xf32>
        %swap3A_601 = vector.shape_cast %select_n3A_595 : vector<8x128xf32> to vector<1x8x128xf32>
        tpu.vector_store %arg4[%swap3A_596, %swap3A_597, %swap3A_598], %swap3A_601 {strides = array<i32>} : memref<8x8x1024xf32, #tpu.memory_space<vmem>>, vector<1x8x128xf32>,
        %gt3A_602 = arith.cmpf ogt, %select_n3A_595, %select_n3A_578 : vector<8x128xf32>
        %select_n3A_603 = arith.select %gt3A_602, %select_n3A_595, %select_n3A_578 : vector<8x128xi1>, vector<8x128xf32>
        %select_n3A_604 = arith.select %gt3A_602, %add3A_590, %select_n3A_579 : vector<8x128xi1>, vector<8x128xi32>
        %get3A_605 = arith.index_cast %scan3A_555 : i32 to index
        %get3A_606 = arith.constant 0 : index
        %get3A_607 = arith.constant 256 : index
        %get3A_608 = vector.load %arg4[%get3A_605, %get3A_606, %get3A_607] : memref<8x8x1024xf32, #tpu.memory_space<vmem>>, vector<1x8x128xf32>
        %get3A_609 = vector.shape_cast %get3A_608 : vector<1x8x128xf32> to vector<8x128xf32>
        %mul3A_610 = arith.constant 1024 : i32
        %mul3A_611 = arith.muli %scan3A_555, %mul3A_610 : i32
        %add3A_612 = arith.constant 256 : i32
        %add3A_613 = arith.addi %mul3A_611, %add3A_612 : i32
        %add3A_614 = vector.broadcast %add3A_613 : i32 to vector<8x128xi32>
        %add3A_615 = arith.addi %add3A_614, %iota3A : vector<8x128xi32>
        %eq3A_616 = vector.broadcast %broadcast_in_dim3A_383 : vector<8x1xi32> to vector<8x128xi32>
        %eq3A_617 = arith.cmpi eq, %add3A_615, %eq3A_616 : vector<8x128xi32>
        %jit3A_618 = arith.constant -3.000000e+38 : f32
        %broadcast_in_dim3A_619 = vector.broadcast %jit3A_618 : f32 to vector<8x128xf32>
        %select_n3A_620 = arith.select %eq3A_617, %broadcast_in_dim3A_619, %get3A_609 : vector<8x128xi1>, vector<8x128xf32>
        %swap3A_621 = arith.index_cast %scan3A_555 : i32 to index
        %swap3A_622 = arith.constant 0 : index
        %swap3A_623 = arith.constant 256 : index
        %swap3A_624 = vector.load %arg4[%swap3A_621, %swap3A_622, %swap3A_623] : memref<8x8x1024xf32, #tpu.memory_space<vmem>>, vector<1x8x128xf32>
        %swap3A_625 = vector.shape_cast %swap3A_624 : vector<1x8x128xf32> to vector<8x128xf32>
        %swap3A_626 = vector.shape_cast %select_n3A_620 : vector<8x128xf32> to vector<1x8x128xf32>
        tpu.vector_store %arg4[%swap3A_621, %swap3A_622, %swap3A_623], %swap3A_626 {strides = array<i32>} : memref<8x8x1024xf32, #tpu.memory_space<vmem>>, vector<1x8x128xf32>,
        %gt3A_627 = arith.cmpf ogt, %select_n3A_620, %select_n3A_603 : vector<8x128xf32>
        %select_n3A_628 = arith.select %gt3A_627, %select_n3A_620, %select_n3A_603 : vector<8x128xi1>, vector<8x128xf32>
        %select_n3A_629 = arith.select %gt3A_627, %add3A_615, %select_n3A_604 : vector<8x128xi1>, vector<8x128xi32>
        %get3A_630 = arith.index_cast %scan3A_555 : i32 to index
        %get3A_631 = arith.constant 0 : index
        %get3A_632 = arith.constant 384 : index
        %get3A_633 = vector.load %arg4[%get3A_630, %get3A_631, %get3A_632] : memref<8x8x1024xf32, #tpu.memory_space<vmem>>, vector<1x8x128xf32>
        %get3A_634 = vector.shape_cast %get3A_633 : vector<1x8x128xf32> to vector<8x128xf32>
        %mul3A_635 = arith.constant 1024 : i32
        %mul3A_636 = arith.muli %scan3A_555, %mul3A_635 : i32
        %add3A_637 = arith.constant 384 : i32
        %add3A_638 = arith.addi %mul3A_636, %add3A_637 : i32
        %add3A_639 = vector.broadcast %add3A_638 : i32 to vector<8x128xi32>
        %add3A_640 = arith.addi %add3A_639, %iota3A : vector<8x128xi32>
        %eq3A_641 = vector.broadcast %broadcast_in_dim3A_383 : vector<8x1xi32> to vector<8x128xi32>
        %eq3A_642 = arith.cmpi eq, %add3A_640, %eq3A_641 : vector<8x128xi32>
        %jit3A_643 = arith.constant -3.000000e+38 : f32
        %broadcast_in_dim3A_644 = vector.broadcast %jit3A_643 : f32 to vector<8x128xf32>
        %select_n3A_645 = arith.select %eq3A_642, %broadcast_in_dim3A_644, %get3A_634 : vector<8x128xi1>, vector<8x128xf32>
        %swap3A_646 = arith.index_cast %scan3A_555 : i32 to index
        %swap3A_647 = arith.constant 0 : index
        %swap3A_648 = arith.constant 384 : index
        %swap3A_649 = vector.load %arg4[%swap3A_646, %swap3A_647, %swap3A_648] : memref<8x8x1024xf32, #tpu.memory_space<vmem>>, vector<1x8x128xf32>
        %swap3A_650 = vector.shape_cast %swap3A_649 : vector<1x8x128xf32> to vector<8x128xf32>
        %swap3A_651 = vector.shape_cast %select_n3A_645 : vector<8x128xf32> to vector<1x8x128xf32>
        tpu.vector_store %arg4[%swap3A_646, %swap3A_647, %swap3A_648], %swap3A_651 {strides = array<i32>} : memref<8x8x1024xf32, #tpu.memory_space<vmem>>, vector<1x8x128xf32>,
        %gt3A_652 = arith.cmpf ogt, %select_n3A_645, %select_n3A_628 : vector<8x128xf32>
        %select_n3A_653 = arith.select %gt3A_652, %select_n3A_645, %select_n3A_628 : vector<8x128xi1>, vector<8x128xf32>
        %select_n3A_654 = arith.select %gt3A_652, %add3A_640, %select_n3A_629 : vector<8x128xi1>, vector<8x128xi32>
        %get3A_655 = arith.index_cast %scan3A_555 : i32 to index
        %get3A_656 = arith.constant 0 : index
        %get3A_657 = arith.constant 512 : index
        %get3A_658 = vector.load %arg4[%get3A_655, %get3A_656, %get3A_657] : memref<8x8x1024xf32, #tpu.memory_space<vmem>>, vector<1x8x128xf32>
        %get3A_659 = vector.shape_cast %get3A_658 : vector<1x8x128xf32> to vector<8x128xf32>
        %mul3A_660 = arith.constant 1024 : i32
        %mul3A_661 = arith.muli %scan3A_555, %mul3A_660 : i32
        %add3A_662 = arith.constant 512 : i32
        %add3A_663 = arith.addi %mul3A_661, %add3A_662 : i32
        %add3A_664 = vector.broadcast %add3A_663 : i32 to vector<8x128xi32>
        %add3A_665 = arith.addi %add3A_664, %iota3A : vector<8x128xi32>
        %eq3A_666 = vector.broadcast %broadcast_in_dim3A_383 : vector<8x1xi32> to vector<8x128xi32>
        %eq3A_667 = arith.cmpi eq, %add3A_665, %eq3A_666 : vector<8x128xi32>
        %jit3A_668 = arith.constant -3.000000e+38 : f32
        %broadcast_in_dim3A_669 = vector.broadcast %jit3A_668 : f32 to vector<8x128xf32>
        %select_n3A_670 = arith.select %eq3A_667, %broadcast_in_dim3A_669, %get3A_659 : vector<8x128xi1>, vector<8x128xf32>
        %swap3A_671 = arith.index_cast %scan3A_555 : i32 to index
        %swap3A_672 = arith.constant 0 : index
        %swap3A_673 = arith.constant 512 : index
        %swap3A_674 = vector.load %arg4[%swap3A_671, %swap3A_672, %swap3A_673] : memref<8x8x1024xf32, #tpu.memory_space<vmem>>, vector<1x8x128xf32>
        %swap3A_675 = vector.shape_cast %swap3A_674 : vector<1x8x128xf32> to vector<8x128xf32>
        %swap3A_676 = vector.shape_cast %select_n3A_670 : vector<8x128xf32> to vector<1x8x128xf32>
        tpu.vector_store %arg4[%swap3A_671, %swap3A_672, %swap3A_673], %swap3A_676 {strides = array<i32>} : memref<8x8x1024xf32, #tpu.memory_space<vmem>>, vector<1x8x128xf32>,
        %gt3A_677 = arith.cmpf ogt, %select_n3A_670, %select_n3A_653 : vector<8x128xf32>
        %select_n3A_678 = arith.select %gt3A_677, %select_n3A_670, %select_n3A_653 : vector<8x128xi1>, vector<8x128xf32>
        %select_n3A_679 = arith.select %gt3A_677, %add3A_665, %select_n3A_654 : vector<8x128xi1>, vector<8x128xi32>
        %get3A_680 = arith.index_cast %scan3A_555 : i32 to index
        %get3A_681 = arith.constant 0 : index
        %get3A_682 = arith.constant 640 : index
        %get3A_683 = vector.load %arg4[%get3A_680, %get3A_681, %get3A_682] : memref<8x8x1024xf32, #tpu.memory_space<vmem>>, vector<1x8x128xf32>
        %get3A_684 = vector.shape_cast %get3A_683 : vector<1x8x128xf32> to vector<8x128xf32>
        %mul3A_685 = arith.constant 1024 : i32
        %mul3A_686 = arith.muli %scan3A_555, %mul3A_685 : i32
        %add3A_687 = arith.constant 640 : i32
        %add3A_688 = arith.addi %mul3A_686, %add3A_687 : i32
        %add3A_689 = vector.broadcast %add3A_688 : i32 to vector<8x128xi32>
        %add3A_690 = arith.addi %add3A_689, %iota3A : vector<8x128xi32>
        %eq3A_691 = vector.broadcast %broadcast_in_dim3A_383 : vector<8x1xi32> to vector<8x128xi32>
        %eq3A_692 = arith.cmpi eq, %add3A_690, %eq3A_691 : vector<8x128xi32>
        %jit3A_693 = arith.constant -3.000000e+38 : f32
        %broadcast_in_dim3A_694 = vector.broadcast %jit3A_693 : f32 to vector<8x128xf32>
        %select_n3A_695 = arith.select %eq3A_692, %broadcast_in_dim3A_694, %get3A_684 : vector<8x128xi1>, vector<8x128xf32>
        %swap3A_696 = arith.index_cast %scan3A_555 : i32 to index
        %swap3A_697 = arith.constant 0 : index
        %swap3A_698 = arith.constant 640 : index
        %swap3A_699 = vector.load %arg4[%swap3A_696, %swap3A_697, %swap3A_698] : memref<8x8x1024xf32, #tpu.memory_space<vmem>>, vector<1x8x128xf32>
        %swap3A_700 = vector.shape_cast %swap3A_699 : vector<1x8x128xf32> to vector<8x128xf32>
        %swap3A_701 = vector.shape_cast %select_n3A_695 : vector<8x128xf32> to vector<1x8x128xf32>
        tpu.vector_store %arg4[%swap3A_696, %swap3A_697, %swap3A_698], %swap3A_701 {strides = array<i32>} : memref<8x8x1024xf32, #tpu.memory_space<vmem>>, vector<1x8x128xf32>,
        %gt3A_702 = arith.cmpf ogt, %select_n3A_695, %select_n3A_678 : vector<8x128xf32>
        %select_n3A_703 = arith.select %gt3A_702, %select_n3A_695, %select_n3A_678 : vector<8x128xi1>, vector<8x128xf32>
        %select_n3A_704 = arith.select %gt3A_702, %add3A_690, %select_n3A_679 : vector<8x128xi1>, vector<8x128xi32>
        %get3A_705 = arith.index_cast %scan3A_555 : i32 to index
        %get3A_706 = arith.constant 0 : index
        %get3A_707 = arith.constant 768 : index
        %get3A_708 = vector.load %arg4[%get3A_705, %get3A_706, %get3A_707] : memref<8x8x1024xf32, #tpu.memory_space<vmem>>, vector<1x8x128xf32>
        %get3A_709 = vector.shape_cast %get3A_708 : vector<1x8x128xf32> to vector<8x128xf32>
        %mul3A_710 = arith.constant 1024 : i32
        %mul3A_711 = arith.muli %scan3A_555, %mul3A_710 : i32
        %add3A_712 = arith.constant 768 : i32
        %add3A_713 = arith.addi %mul3A_711, %add3A_712 : i32
        %add3A_714 = vector.broadcast %add3A_713 : i32 to vector<8x128xi32>
        %add3A_715 = arith.addi %add3A_714, %iota3A : vector<8x128xi32>
        %eq3A_716 = vector.broadcast %broadcast_in_dim3A_383 : vector<8x1xi32> to vector<8x128xi32>
        %eq3A_717 = arith.cmpi eq, %add3A_715, %eq3A_716 : vector<8x128xi32>
        %jit3A_718 = arith.constant -3.000000e+38 : f32
        %broadcast_in_dim3A_719 = vector.broadcast %jit3A_718 : f32 to vector<8x128xf32>
        %select_n3A_720 = arith.select %eq3A_717, %broadcast_in_dim3A_719, %get3A_709 : vector<8x128xi1>, vector<8x128xf32>
        %swap3A_721 = arith.index_cast %scan3A_555 : i32 to index
        %swap3A_722 = arith.constant 0 : index
        %swap3A_723 = arith.constant 768 : index
        %swap3A_724 = vector.load %arg4[%swap3A_721, %swap3A_722, %swap3A_723] : memref<8x8x1024xf32, #tpu.memory_space<vmem>>, vector<1x8x128xf32>
        %swap3A_725 = vector.shape_cast %swap3A_724 : vector<1x8x128xf32> to vector<8x128xf32>
        %swap3A_726 = vector.shape_cast %select_n3A_720 : vector<8x128xf32> to vector<1x8x128xf32>
        tpu.vector_store %arg4[%swap3A_721, %swap3A_722, %swap3A_723], %swap3A_726 {strides = array<i32>} : memref<8x8x1024xf32, #tpu.memory_space<vmem>>, vector<1x8x128xf32>,
        %gt3A_727 = arith.cmpf ogt, %select_n3A_720, %select_n3A_703 : vector<8x128xf32>
        %select_n3A_728 = arith.select %gt3A_727, %select_n3A_720, %select_n3A_703 : vector<8x128xi1>, vector<8x128xf32>
        %select_n3A_729 = arith.select %gt3A_727, %add3A_715, %select_n3A_704 : vector<8x128xi1>, vector<8x128xi32>
        %get3A_730 = arith.index_cast %scan3A_555 : i32 to index
        %get3A_731 = arith.constant 0 : index
        %get3A_732 = arith.constant 896 : index
        %get3A_733 = vector.load %arg4[%get3A_730, %get3A_731, %get3A_732] : memref<8x8x1024xf32, #tpu.memory_space<vmem>>, vector<1x8x128xf32>
        %get3A_734 = vector.shape_cast %get3A_733 : vector<1x8x128xf32> to vector<8x128xf32>
        %mul3A_735 = arith.constant 1024 : i32
        %mul3A_736 = arith.muli %scan3A_555, %mul3A_735 : i32
        %add3A_737 = arith.constant 896 : i32
        %add3A_738 = arith.addi %mul3A_736, %add3A_737 : i32
        %add3A_739 = vector.broadcast %add3A_738 : i32 to vector<8x128xi32>
        %add3A_740 = arith.addi %add3A_739, %iota3A : vector<8x128xi32>
        %eq3A_741 = vector.broadcast %broadcast_in_dim3A_383 : vector<8x1xi32> to vector<8x128xi32>
        %eq3A_742 = arith.cmpi eq, %add3A_740, %eq3A_741 : vector<8x128xi32>
        %jit3A_743 = arith.constant -3.000000e+38 : f32
        %broadcast_in_dim3A_744 = vector.broadcast %jit3A_743 : f32 to vector<8x128xf32>
        %select_n3A_745 = arith.select %eq3A_742, %broadcast_in_dim3A_744, %get3A_734 : vector<8x128xi1>, vector<8x128xf32>
        %swap3A_746 = arith.index_cast %scan3A_555 : i32 to index
        %swap3A_747 = arith.constant 0 : index
        %swap3A_748 = arith.constant 896 : index
        %swap3A_749 = vector.load %arg4[%swap3A_746, %swap3A_747, %swap3A_748] : memref<8x8x1024xf32, #tpu.memory_space<vmem>>, vector<1x8x128xf32>
        %swap3A_750 = vector.shape_cast %swap3A_749 : vector<1x8x128xf32> to vector<8x128xf32>
        %swap3A_751 = vector.shape_cast %select_n3A_745 : vector<8x128xf32> to vector<1x8x128xf32>
        tpu.vector_store %arg4[%swap3A_746, %swap3A_747, %swap3A_748], %swap3A_751 {strides = array<i32>} : memref<8x8x1024xf32, #tpu.memory_space<vmem>>, vector<1x8x128xf32>,
        %gt3A_752 = arith.cmpf ogt, %select_n3A_745, %select_n3A_728 : vector<8x128xf32>
        %select_n3A_753 = arith.select %gt3A_752, %select_n3A_745, %select_n3A_728 : vector<8x128xi1>, vector<8x128xf32>
        %select_n3A_754 = arith.select %gt3A_752, %add3A_740, %select_n3A_729 : vector<8x128xi1>, vector<8x128xi32>
        scf.yield %select_n3A_753, %select_n3A_754 : vector<8x128xf32>, vector<8x128xi32>
      }
      %scan3A_399 = arith.constant 8 : i32
      %reduce_max3A_400 = arith.constant dense<0xFF800000> : vector<8xf32>
      %reduce_max3A_401 = vector.multi_reduction <maximumf>, %scan3A_398#0, %reduce_max3A_400 [1] : vector<8x128xf32> to vector<8xf32>
      %broadcast_in_dim3A_402 = vector.shape_cast %reduce_max3A_401 : vector<8xf32> to vector<8x1xf32>
      %eq3A_403 = vector.broadcast %broadcast_in_dim3A_402 : vector<8x1xf32> to vector<8x128xf32>
      %eq3A_404 = arith.cmpf oeq, %scan3A_398#0, %eq3A_403 : vector<8x128xf32>
      %jit3A_405 = arith.constant 8192 : i32
      %broadcast_in_dim3A_406 = vector.broadcast %jit3A_405 : i32 to vector<8x128xi32>
      %select_n3A_407 = arith.select %eq3A_404, %scan3A_398#1, %broadcast_in_dim3A_406 : vector<8x128xi1>, vector<8x128xi32>
      %reduce_min3A_408 = arith.constant dense<2147483647> : vector<8xi32>
      %reduce_min3A_409 = vector.multi_reduction <minsi>, %select_n3A_407, %reduce_min3A_408 [1] : vector<8x128xi32> to vector<8xi32>
      %broadcast_in_dim3A_410 = vector.shape_cast %reduce_min3A_409 : vector<8xi32> to vector<8x1xi32>
      %eq3A_411 = arith.constant 14 : i32
      %eq3A_412 = vector.broadcast %eq3A_411 : i32 to vector<8x32xi32>
      %eq3A_413 = arith.cmpi eq, %iota3A_13, %eq3A_412 : vector<8x32xi32>
      %broadcast_in_dim3A_414 = vector.shape_cast %broadcast_in_dim3A_410 : vector<8x1xi32> to vector<8x1xi32>
      %broadcast_in_dim3A_415 = vector.broadcast %broadcast_in_dim3A_414 : vector<8x1xi32> to vector<8x32xi32>
      %select_n3A_416 = arith.select %eq3A_413, %broadcast_in_dim3A_415, %select_n3A_389 : vector<8x32xi1>, vector<8x32xi32>
      %broadcast_in_dim3A_417 = arith.constant -3.000000e+38 : f32
      %broadcast_in_dim3A_418 = vector.broadcast %broadcast_in_dim3A_417 : f32 to vector<8x128xf32>
      %broadcast_in_dim3A_419 = arith.constant 0 : i32
      %broadcast_in_dim3A_420 = vector.broadcast %broadcast_in_dim3A_419 : i32 to vector<8x128xi32>
      %scan3A_421 = arith.constant 0 : i32
      %scan3A_422 = arith.constant 8 : i32
      %scan3A_423 = arith.addi %scan3A_421, %scan3A_422 : i32
      %scan3A_424 = arith.constant 1 : i32
      %scan3A_425:2 = scf.for %scan3A_555 = %scan3A_421 to %scan3A_423 step %scan3A_424 iter_args(%scan3A_556 = %broadcast_in_dim3A_418, %scan3A_557 = %broadcast_in_dim3A_420) -> (vector<8x128xf32>, vector<8x128xi32>)  : i32 {
        %get3A_558 = arith.index_cast %scan3A_555 : i32 to index
        %get3A_559 = arith.constant 0 : index
        %get3A_560 = arith.constant 0 : index
        %get3A_561 = vector.load %arg4[%get3A_558, %get3A_559, %get3A_560] : memref<8x8x1024xf32, #tpu.memory_space<vmem>>, vector<1x8x128xf32>
        %get3A_562 = vector.shape_cast %get3A_561 : vector<1x8x128xf32> to vector<8x128xf32>
        %mul3A = arith.constant 1024 : i32
        %mul3A_563 = arith.muli %scan3A_555, %mul3A : i32
        %add3A = arith.constant 0 : i32
        %add3A_564 = arith.addi %mul3A_563, %add3A : i32
        %add3A_565 = vector.broadcast %add3A_564 : i32 to vector<8x128xi32>
        %add3A_566 = arith.addi %add3A_565, %iota3A : vector<8x128xi32>
        %eq3A_567 = vector.broadcast %broadcast_in_dim3A_410 : vector<8x1xi32> to vector<8x128xi32>
        %eq3A_568 = arith.cmpi eq, %add3A_566, %eq3A_567 : vector<8x128xi32>
        %jit3A_569 = arith.constant -3.000000e+38 : f32
        %broadcast_in_dim3A_570 = vector.broadcast %jit3A_569 : f32 to vector<8x128xf32>
        %select_n3A_571 = arith.select %eq3A_568, %broadcast_in_dim3A_570, %get3A_562 : vector<8x128xi1>, vector<8x128xf32>
        %swap3A_572 = arith.index_cast %scan3A_555 : i32 to index
        %swap3A_573 = arith.constant 0 : index
        %swap3A_574 = arith.constant 0 : index
        %swap3A_575 = vector.load %arg4[%swap3A_572, %swap3A_573, %swap3A_574] : memref<8x8x1024xf32, #tpu.memory_space<vmem>>, vector<1x8x128xf32>
        %swap3A_576 = vector.shape_cast %swap3A_575 : vector<1x8x128xf32> to vector<8x128xf32>
        %swap3A_577 = vector.shape_cast %select_n3A_571 : vector<8x128xf32> to vector<1x8x128xf32>
        tpu.vector_store %arg4[%swap3A_572, %swap3A_573, %swap3A_574], %swap3A_577 {strides = array<i32>} : memref<8x8x1024xf32, #tpu.memory_space<vmem>>, vector<1x8x128xf32>,
        %gt3A = arith.cmpf ogt, %select_n3A_571, %scan3A_556 : vector<8x128xf32>
        %select_n3A_578 = arith.select %gt3A, %select_n3A_571, %scan3A_556 : vector<8x128xi1>, vector<8x128xf32>
        %select_n3A_579 = arith.select %gt3A, %add3A_566, %scan3A_557 : vector<8x128xi1>, vector<8x128xi32>
        %get3A_580 = arith.index_cast %scan3A_555 : i32 to index
        %get3A_581 = arith.constant 0 : index
        %get3A_582 = arith.constant 128 : index
        %get3A_583 = vector.load %arg4[%get3A_580, %get3A_581, %get3A_582] : memref<8x8x1024xf32, #tpu.memory_space<vmem>>, vector<1x8x128xf32>
        %get3A_584 = vector.shape_cast %get3A_583 : vector<1x8x128xf32> to vector<8x128xf32>
        %mul3A_585 = arith.constant 1024 : i32
        %mul3A_586 = arith.muli %scan3A_555, %mul3A_585 : i32
        %add3A_587 = arith.constant 128 : i32
        %add3A_588 = arith.addi %mul3A_586, %add3A_587 : i32
        %add3A_589 = vector.broadcast %add3A_588 : i32 to vector<8x128xi32>
        %add3A_590 = arith.addi %add3A_589, %iota3A : vector<8x128xi32>
        %eq3A_591 = vector.broadcast %broadcast_in_dim3A_410 : vector<8x1xi32> to vector<8x128xi32>
        %eq3A_592 = arith.cmpi eq, %add3A_590, %eq3A_591 : vector<8x128xi32>
        %jit3A_593 = arith.constant -3.000000e+38 : f32
        %broadcast_in_dim3A_594 = vector.broadcast %jit3A_593 : f32 to vector<8x128xf32>
        %select_n3A_595 = arith.select %eq3A_592, %broadcast_in_dim3A_594, %get3A_584 : vector<8x128xi1>, vector<8x128xf32>
        %swap3A_596 = arith.index_cast %scan3A_555 : i32 to index
        %swap3A_597 = arith.constant 0 : index
        %swap3A_598 = arith.constant 128 : index
        %swap3A_599 = vector.load %arg4[%swap3A_596, %swap3A_597, %swap3A_598] : memref<8x8x1024xf32, #tpu.memory_space<vmem>>, vector<1x8x128xf32>
        %swap3A_600 = vector.shape_cast %swap3A_599 : vector<1x8x128xf32> to vector<8x128xf32>
        %swap3A_601 = vector.shape_cast %select_n3A_595 : vector<8x128xf32> to vector<1x8x128xf32>
        tpu.vector_store %arg4[%swap3A_596, %swap3A_597, %swap3A_598], %swap3A_601 {strides = array<i32>} : memref<8x8x1024xf32, #tpu.memory_space<vmem>>, vector<1x8x128xf32>,
        %gt3A_602 = arith.cmpf ogt, %select_n3A_595, %select_n3A_578 : vector<8x128xf32>
        %select_n3A_603 = arith.select %gt3A_602, %select_n3A_595, %select_n3A_578 : vector<8x128xi1>, vector<8x128xf32>
        %select_n3A_604 = arith.select %gt3A_602, %add3A_590, %select_n3A_579 : vector<8x128xi1>, vector<8x128xi32>
        %get3A_605 = arith.index_cast %scan3A_555 : i32 to index
        %get3A_606 = arith.constant 0 : index
        %get3A_607 = arith.constant 256 : index
        %get3A_608 = vector.load %arg4[%get3A_605, %get3A_606, %get3A_607] : memref<8x8x1024xf32, #tpu.memory_space<vmem>>, vector<1x8x128xf32>
        %get3A_609 = vector.shape_cast %get3A_608 : vector<1x8x128xf32> to vector<8x128xf32>
        %mul3A_610 = arith.constant 1024 : i32
        %mul3A_611 = arith.muli %scan3A_555, %mul3A_610 : i32
        %add3A_612 = arith.constant 256 : i32
        %add3A_613 = arith.addi %mul3A_611, %add3A_612 : i32
        %add3A_614 = vector.broadcast %add3A_613 : i32 to vector<8x128xi32>
        %add3A_615 = arith.addi %add3A_614, %iota3A : vector<8x128xi32>
        %eq3A_616 = vector.broadcast %broadcast_in_dim3A_410 : vector<8x1xi32> to vector<8x128xi32>
        %eq3A_617 = arith.cmpi eq, %add3A_615, %eq3A_616 : vector<8x128xi32>
        %jit3A_618 = arith.constant -3.000000e+38 : f32
        %broadcast_in_dim3A_619 = vector.broadcast %jit3A_618 : f32 to vector<8x128xf32>
        %select_n3A_620 = arith.select %eq3A_617, %broadcast_in_dim3A_619, %get3A_609 : vector<8x128xi1>, vector<8x128xf32>
        %swap3A_621 = arith.index_cast %scan3A_555 : i32 to index
        %swap3A_622 = arith.constant 0 : index
        %swap3A_623 = arith.constant 256 : index
        %swap3A_624 = vector.load %arg4[%swap3A_621, %swap3A_622, %swap3A_623] : memref<8x8x1024xf32, #tpu.memory_space<vmem>>, vector<1x8x128xf32>
        %swap3A_625 = vector.shape_cast %swap3A_624 : vector<1x8x128xf32> to vector<8x128xf32>
        %swap3A_626 = vector.shape_cast %select_n3A_620 : vector<8x128xf32> to vector<1x8x128xf32>
        tpu.vector_store %arg4[%swap3A_621, %swap3A_622, %swap3A_623], %swap3A_626 {strides = array<i32>} : memref<8x8x1024xf32, #tpu.memory_space<vmem>>, vector<1x8x128xf32>,
        %gt3A_627 = arith.cmpf ogt, %select_n3A_620, %select_n3A_603 : vector<8x128xf32>
        %select_n3A_628 = arith.select %gt3A_627, %select_n3A_620, %select_n3A_603 : vector<8x128xi1>, vector<8x128xf32>
        %select_n3A_629 = arith.select %gt3A_627, %add3A_615, %select_n3A_604 : vector<8x128xi1>, vector<8x128xi32>
        %get3A_630 = arith.index_cast %scan3A_555 : i32 to index
        %get3A_631 = arith.constant 0 : index
        %get3A_632 = arith.constant 384 : index
        %get3A_633 = vector.load %arg4[%get3A_630, %get3A_631, %get3A_632] : memref<8x8x1024xf32, #tpu.memory_space<vmem>>, vector<1x8x128xf32>
        %get3A_634 = vector.shape_cast %get3A_633 : vector<1x8x128xf32> to vector<8x128xf32>
        %mul3A_635 = arith.constant 1024 : i32
        %mul3A_636 = arith.muli %scan3A_555, %mul3A_635 : i32
        %add3A_637 = arith.constant 384 : i32
        %add3A_638 = arith.addi %mul3A_636, %add3A_637 : i32
        %add3A_639 = vector.broadcast %add3A_638 : i32 to vector<8x128xi32>
        %add3A_640 = arith.addi %add3A_639, %iota3A : vector<8x128xi32>
        %eq3A_641 = vector.broadcast %broadcast_in_dim3A_410 : vector<8x1xi32> to vector<8x128xi32>
        %eq3A_642 = arith.cmpi eq, %add3A_640, %eq3A_641 : vector<8x128xi32>
        %jit3A_643 = arith.constant -3.000000e+38 : f32
        %broadcast_in_dim3A_644 = vector.broadcast %jit3A_643 : f32 to vector<8x128xf32>
        %select_n3A_645 = arith.select %eq3A_642, %broadcast_in_dim3A_644, %get3A_634 : vector<8x128xi1>, vector<8x128xf32>
        %swap3A_646 = arith.index_cast %scan3A_555 : i32 to index
        %swap3A_647 = arith.constant 0 : index
        %swap3A_648 = arith.constant 384 : index
        %swap3A_649 = vector.load %arg4[%swap3A_646, %swap3A_647, %swap3A_648] : memref<8x8x1024xf32, #tpu.memory_space<vmem>>, vector<1x8x128xf32>
        %swap3A_650 = vector.shape_cast %swap3A_649 : vector<1x8x128xf32> to vector<8x128xf32>
        %swap3A_651 = vector.shape_cast %select_n3A_645 : vector<8x128xf32> to vector<1x8x128xf32>
        tpu.vector_store %arg4[%swap3A_646, %swap3A_647, %swap3A_648], %swap3A_651 {strides = array<i32>} : memref<8x8x1024xf32, #tpu.memory_space<vmem>>, vector<1x8x128xf32>,
        %gt3A_652 = arith.cmpf ogt, %select_n3A_645, %select_n3A_628 : vector<8x128xf32>
        %select_n3A_653 = arith.select %gt3A_652, %select_n3A_645, %select_n3A_628 : vector<8x128xi1>, vector<8x128xf32>
        %select_n3A_654 = arith.select %gt3A_652, %add3A_640, %select_n3A_629 : vector<8x128xi1>, vector<8x128xi32>
        %get3A_655 = arith.index_cast %scan3A_555 : i32 to index
        %get3A_656 = arith.constant 0 : index
        %get3A_657 = arith.constant 512 : index
        %get3A_658 = vector.load %arg4[%get3A_655, %get3A_656, %get3A_657] : memref<8x8x1024xf32, #tpu.memory_space<vmem>>, vector<1x8x128xf32>
        %get3A_659 = vector.shape_cast %get3A_658 : vector<1x8x128xf32> to vector<8x128xf32>
        %mul3A_660 = arith.constant 1024 : i32
        %mul3A_661 = arith.muli %scan3A_555, %mul3A_660 : i32
        %add3A_662 = arith.constant 512 : i32
        %add3A_663 = arith.addi %mul3A_661, %add3A_662 : i32
        %add3A_664 = vector.broadcast %add3A_663 : i32 to vector<8x128xi32>
        %add3A_665 = arith.addi %add3A_664, %iota3A : vector<8x128xi32>
        %eq3A_666 = vector.broadcast %broadcast_in_dim3A_410 : vector<8x1xi32> to vector<8x128xi32>
        %eq3A_667 = arith.cmpi eq, %add3A_665, %eq3A_666 : vector<8x128xi32>
        %jit3A_668 = arith.constant -3.000000e+38 : f32
        %broadcast_in_dim3A_669 = vector.broadcast %jit3A_668 : f32 to vector<8x128xf32>
        %select_n3A_670 = arith.select %eq3A_667, %broadcast_in_dim3A_669, %get3A_659 : vector<8x128xi1>, vector<8x128xf32>
        %swap3A_671 = arith.index_cast %scan3A_555 : i32 to index
        %swap3A_672 = arith.constant 0 : index
        %swap3A_673 = arith.constant 512 : index
        %swap3A_674 = vector.load %arg4[%swap3A_671, %swap3A_672, %swap3A_673] : memref<8x8x1024xf32, #tpu.memory_space<vmem>>, vector<1x8x128xf32>
        %swap3A_675 = vector.shape_cast %swap3A_674 : vector<1x8x128xf32> to vector<8x128xf32>
        %swap3A_676 = vector.shape_cast %select_n3A_670 : vector<8x128xf32> to vector<1x8x128xf32>
        tpu.vector_store %arg4[%swap3A_671, %swap3A_672, %swap3A_673], %swap3A_676 {strides = array<i32>} : memref<8x8x1024xf32, #tpu.memory_space<vmem>>, vector<1x8x128xf32>,
        %gt3A_677 = arith.cmpf ogt, %select_n3A_670, %select_n3A_653 : vector<8x128xf32>
        %select_n3A_678 = arith.select %gt3A_677, %select_n3A_670, %select_n3A_653 : vector<8x128xi1>, vector<8x128xf32>
        %select_n3A_679 = arith.select %gt3A_677, %add3A_665, %select_n3A_654 : vector<8x128xi1>, vector<8x128xi32>
        %get3A_680 = arith.index_cast %scan3A_555 : i32 to index
        %get3A_681 = arith.constant 0 : index
        %get3A_682 = arith.constant 640 : index
        %get3A_683 = vector.load %arg4[%get3A_680, %get3A_681, %get3A_682] : memref<8x8x1024xf32, #tpu.memory_space<vmem>>, vector<1x8x128xf32>
        %get3A_684 = vector.shape_cast %get3A_683 : vector<1x8x128xf32> to vector<8x128xf32>
        %mul3A_685 = arith.constant 1024 : i32
        %mul3A_686 = arith.muli %scan3A_555, %mul3A_685 : i32
        %add3A_687 = arith.constant 640 : i32
        %add3A_688 = arith.addi %mul3A_686, %add3A_687 : i32
        %add3A_689 = vector.broadcast %add3A_688 : i32 to vector<8x128xi32>
        %add3A_690 = arith.addi %add3A_689, %iota3A : vector<8x128xi32>
        %eq3A_691 = vector.broadcast %broadcast_in_dim3A_410 : vector<8x1xi32> to vector<8x128xi32>
        %eq3A_692 = arith.cmpi eq, %add3A_690, %eq3A_691 : vector<8x128xi32>
        %jit3A_693 = arith.constant -3.000000e+38 : f32
        %broadcast_in_dim3A_694 = vector.broadcast %jit3A_693 : f32 to vector<8x128xf32>
        %select_n3A_695 = arith.select %eq3A_692, %broadcast_in_dim3A_694, %get3A_684 : vector<8x128xi1>, vector<8x128xf32>
        %swap3A_696 = arith.index_cast %scan3A_555 : i32 to index
        %swap3A_697 = arith.constant 0 : index
        %swap3A_698 = arith.constant 640 : index
        %swap3A_699 = vector.load %arg4[%swap3A_696, %swap3A_697, %swap3A_698] : memref<8x8x1024xf32, #tpu.memory_space<vmem>>, vector<1x8x128xf32>
        %swap3A_700 = vector.shape_cast %swap3A_699 : vector<1x8x128xf32> to vector<8x128xf32>
        %swap3A_701 = vector.shape_cast %select_n3A_695 : vector<8x128xf32> to vector<1x8x128xf32>
        tpu.vector_store %arg4[%swap3A_696, %swap3A_697, %swap3A_698], %swap3A_701 {strides = array<i32>} : memref<8x8x1024xf32, #tpu.memory_space<vmem>>, vector<1x8x128xf32>,
        %gt3A_702 = arith.cmpf ogt, %select_n3A_695, %select_n3A_678 : vector<8x128xf32>
        %select_n3A_703 = arith.select %gt3A_702, %select_n3A_695, %select_n3A_678 : vector<8x128xi1>, vector<8x128xf32>
        %select_n3A_704 = arith.select %gt3A_702, %add3A_690, %select_n3A_679 : vector<8x128xi1>, vector<8x128xi32>
        %get3A_705 = arith.index_cast %scan3A_555 : i32 to index
        %get3A_706 = arith.constant 0 : index
        %get3A_707 = arith.constant 768 : index
        %get3A_708 = vector.load %arg4[%get3A_705, %get3A_706, %get3A_707] : memref<8x8x1024xf32, #tpu.memory_space<vmem>>, vector<1x8x128xf32>
        %get3A_709 = vector.shape_cast %get3A_708 : vector<1x8x128xf32> to vector<8x128xf32>
        %mul3A_710 = arith.constant 1024 : i32
        %mul3A_711 = arith.muli %scan3A_555, %mul3A_710 : i32
        %add3A_712 = arith.constant 768 : i32
        %add3A_713 = arith.addi %mul3A_711, %add3A_712 : i32
        %add3A_714 = vector.broadcast %add3A_713 : i32 to vector<8x128xi32>
        %add3A_715 = arith.addi %add3A_714, %iota3A : vector<8x128xi32>
        %eq3A_716 = vector.broadcast %broadcast_in_dim3A_410 : vector<8x1xi32> to vector<8x128xi32>
        %eq3A_717 = arith.cmpi eq, %add3A_715, %eq3A_716 : vector<8x128xi32>
        %jit3A_718 = arith.constant -3.000000e+38 : f32
        %broadcast_in_dim3A_719 = vector.broadcast %jit3A_718 : f32 to vector<8x128xf32>
        %select_n3A_720 = arith.select %eq3A_717, %broadcast_in_dim3A_719, %get3A_709 : vector<8x128xi1>, vector<8x128xf32>
        %swap3A_721 = arith.index_cast %scan3A_555 : i32 to index
        %swap3A_722 = arith.constant 0 : index
        %swap3A_723 = arith.constant 768 : index
        %swap3A_724 = vector.load %arg4[%swap3A_721, %swap3A_722, %swap3A_723] : memref<8x8x1024xf32, #tpu.memory_space<vmem>>, vector<1x8x128xf32>
        %swap3A_725 = vector.shape_cast %swap3A_724 : vector<1x8x128xf32> to vector<8x128xf32>
        %swap3A_726 = vector.shape_cast %select_n3A_720 : vector<8x128xf32> to vector<1x8x128xf32>
        tpu.vector_store %arg4[%swap3A_721, %swap3A_722, %swap3A_723], %swap3A_726 {strides = array<i32>} : memref<8x8x1024xf32, #tpu.memory_space<vmem>>, vector<1x8x128xf32>,
        %gt3A_727 = arith.cmpf ogt, %select_n3A_720, %select_n3A_703 : vector<8x128xf32>
        %select_n3A_728 = arith.select %gt3A_727, %select_n3A_720, %select_n3A_703 : vector<8x128xi1>, vector<8x128xf32>
        %select_n3A_729 = arith.select %gt3A_727, %add3A_715, %select_n3A_704 : vector<8x128xi1>, vector<8x128xi32>
        %get3A_730 = arith.index_cast %scan3A_555 : i32 to index
        %get3A_731 = arith.constant 0 : index
        %get3A_732 = arith.constant 896 : index
        %get3A_733 = vector.load %arg4[%get3A_730, %get3A_731, %get3A_732] : memref<8x8x1024xf32, #tpu.memory_space<vmem>>, vector<1x8x128xf32>
        %get3A_734 = vector.shape_cast %get3A_733 : vector<1x8x128xf32> to vector<8x128xf32>
        %mul3A_735 = arith.constant 1024 : i32
        %mul3A_736 = arith.muli %scan3A_555, %mul3A_735 : i32
        %add3A_737 = arith.constant 896 : i32
        %add3A_738 = arith.addi %mul3A_736, %add3A_737 : i32
        %add3A_739 = vector.broadcast %add3A_738 : i32 to vector<8x128xi32>
        %add3A_740 = arith.addi %add3A_739, %iota3A : vector<8x128xi32>
        %eq3A_741 = vector.broadcast %broadcast_in_dim3A_410 : vector<8x1xi32> to vector<8x128xi32>
        %eq3A_742 = arith.cmpi eq, %add3A_740, %eq3A_741 : vector<8x128xi32>
        %jit3A_743 = arith.constant -3.000000e+38 : f32
        %broadcast_in_dim3A_744 = vector.broadcast %jit3A_743 : f32 to vector<8x128xf32>
        %select_n3A_745 = arith.select %eq3A_742, %broadcast_in_dim3A_744, %get3A_734 : vector<8x128xi1>, vector<8x128xf32>
        %swap3A_746 = arith.index_cast %scan3A_555 : i32 to index
        %swap3A_747 = arith.constant 0 : index
        %swap3A_748 = arith.constant 896 : index
        %swap3A_749 = vector.load %arg4[%swap3A_746, %swap3A_747, %swap3A_748] : memref<8x8x1024xf32, #tpu.memory_space<vmem>>, vector<1x8x128xf32>
        %swap3A_750 = vector.shape_cast %swap3A_749 : vector<1x8x128xf32> to vector<8x128xf32>
        %swap3A_751 = vector.shape_cast %select_n3A_745 : vector<8x128xf32> to vector<1x8x128xf32>
        tpu.vector_store %arg4[%swap3A_746, %swap3A_747, %swap3A_748], %swap3A_751 {strides = array<i32>} : memref<8x8x1024xf32, #tpu.memory_space<vmem>>, vector<1x8x128xf32>,
        %gt3A_752 = arith.cmpf ogt, %select_n3A_745, %select_n3A_728 : vector<8x128xf32>
        %select_n3A_753 = arith.select %gt3A_752, %select_n3A_745, %select_n3A_728 : vector<8x128xi1>, vector<8x128xf32>
        %select_n3A_754 = arith.select %gt3A_752, %add3A_740, %select_n3A_729 : vector<8x128xi1>, vector<8x128xi32>
        scf.yield %select_n3A_753, %select_n3A_754 : vector<8x128xf32>, vector<8x128xi32>
      }
      %scan3A_426 = arith.constant 8 : i32
      %reduce_max3A_427 = arith.constant dense<0xFF800000> : vector<8xf32>
      %reduce_max3A_428 = vector.multi_reduction <maximumf>, %scan3A_425#0, %reduce_max3A_427 [1] : vector<8x128xf32> to vector<8xf32>
      %broadcast_in_dim3A_429 = vector.shape_cast %reduce_max3A_428 : vector<8xf32> to vector<8x1xf32>
      %eq3A_430 = vector.broadcast %broadcast_in_dim3A_429 : vector<8x1xf32> to vector<8x128xf32>
      %eq3A_431 = arith.cmpf oeq, %scan3A_425#0, %eq3A_430 : vector<8x128xf32>
      %jit3A_432 = arith.constant 8192 : i32
      %broadcast_in_dim3A_433 = vector.broadcast %jit3A_432 : i32 to vector<8x128xi32>
      %select_n3A_434 = arith.select %eq3A_431, %scan3A_425#1, %broadcast_in_dim3A_433 : vector<8x128xi1>, vector<8x128xi32>
      %reduce_min3A_435 = arith.constant dense<2147483647> : vector<8xi32>
      %reduce_min3A_436 = vector.multi_reduction <minsi>, %select_n3A_434, %reduce_min3A_435 [1] : vector<8x128xi32> to vector<8xi32>
      %broadcast_in_dim3A_437 = vector.shape_cast %reduce_min3A_436 : vector<8xi32> to vector<8x1xi32>
      %eq3A_438 = arith.constant 15 : i32
      %eq3A_439 = vector.broadcast %eq3A_438 : i32 to vector<8x32xi32>
      %eq3A_440 = arith.cmpi eq, %iota3A_13, %eq3A_439 : vector<8x32xi32>
      %broadcast_in_dim3A_441 = vector.shape_cast %broadcast_in_dim3A_437 : vector<8x1xi32> to vector<8x1xi32>
      %broadcast_in_dim3A_442 = vector.broadcast %broadcast_in_dim3A_441 : vector<8x1xi32> to vector<8x32xi32>
      %select_n3A_443 = arith.select %eq3A_440, %broadcast_in_dim3A_442, %select_n3A_416 : vector<8x32xi1>, vector<8x32xi32>
      %broadcast_in_dim3A_444 = arith.constant -3.000000e+38 : f32
      %broadcast_in_dim3A_445 = vector.broadcast %broadcast_in_dim3A_444 : f32 to vector<8x128xf32>
      %broadcast_in_dim3A_446 = arith.constant 0 : i32
      %broadcast_in_dim3A_447 = vector.broadcast %broadcast_in_dim3A_446 : i32 to vector<8x128xi32>
      %scan3A_448 = arith.constant 0 : i32
      %scan3A_449 = arith.constant 8 : i32
      %scan3A_450 = arith.addi %scan3A_448, %scan3A_449 : i32
      %scan3A_451 = arith.constant 1 : i32
      %scan3A_452:2 = scf.for %scan3A_555 = %scan3A_448 to %scan3A_450 step %scan3A_451 iter_args(%scan3A_556 = %broadcast_in_dim3A_445, %scan3A_557 = %broadcast_in_dim3A_447) -> (vector<8x128xf32>, vector<8x128xi32>)  : i32 {
        %get3A_558 = arith.index_cast %scan3A_555 : i32 to index
        %get3A_559 = arith.constant 0 : index
        %get3A_560 = arith.constant 0 : index
        %get3A_561 = vector.load %arg4[%get3A_558, %get3A_559, %get3A_560] : memref<8x8x1024xf32, #tpu.memory_space<vmem>>, vector<1x8x128xf32>
        %get3A_562 = vector.shape_cast %get3A_561 : vector<1x8x128xf32> to vector<8x128xf32>
        %mul3A = arith.constant 1024 : i32
        %mul3A_563 = arith.muli %scan3A_555, %mul3A : i32
        %add3A = arith.constant 0 : i32
        %add3A_564 = arith.addi %mul3A_563, %add3A : i32
        %add3A_565 = vector.broadcast %add3A_564 : i32 to vector<8x128xi32>
        %add3A_566 = arith.addi %add3A_565, %iota3A : vector<8x128xi32>
        %eq3A_567 = vector.broadcast %broadcast_in_dim3A_437 : vector<8x1xi32> to vector<8x128xi32>
        %eq3A_568 = arith.cmpi eq, %add3A_566, %eq3A_567 : vector<8x128xi32>
        %jit3A_569 = arith.constant -3.000000e+38 : f32
        %broadcast_in_dim3A_570 = vector.broadcast %jit3A_569 : f32 to vector<8x128xf32>
        %select_n3A_571 = arith.select %eq3A_568, %broadcast_in_dim3A_570, %get3A_562 : vector<8x128xi1>, vector<8x128xf32>
        %swap3A_572 = arith.index_cast %scan3A_555 : i32 to index
        %swap3A_573 = arith.constant 0 : index
        %swap3A_574 = arith.constant 0 : index
        %swap3A_575 = vector.load %arg4[%swap3A_572, %swap3A_573, %swap3A_574] : memref<8x8x1024xf32, #tpu.memory_space<vmem>>, vector<1x8x128xf32>
        %swap3A_576 = vector.shape_cast %swap3A_575 : vector<1x8x128xf32> to vector<8x128xf32>
        %swap3A_577 = vector.shape_cast %select_n3A_571 : vector<8x128xf32> to vector<1x8x128xf32>
        tpu.vector_store %arg4[%swap3A_572, %swap3A_573, %swap3A_574], %swap3A_577 {strides = array<i32>} : memref<8x8x1024xf32, #tpu.memory_space<vmem>>, vector<1x8x128xf32>,
        %gt3A = arith.cmpf ogt, %select_n3A_571, %scan3A_556 : vector<8x128xf32>
        %select_n3A_578 = arith.select %gt3A, %select_n3A_571, %scan3A_556 : vector<8x128xi1>, vector<8x128xf32>
        %select_n3A_579 = arith.select %gt3A, %add3A_566, %scan3A_557 : vector<8x128xi1>, vector<8x128xi32>
        %get3A_580 = arith.index_cast %scan3A_555 : i32 to index
        %get3A_581 = arith.constant 0 : index
        %get3A_582 = arith.constant 128 : index
        %get3A_583 = vector.load %arg4[%get3A_580, %get3A_581, %get3A_582] : memref<8x8x1024xf32, #tpu.memory_space<vmem>>, vector<1x8x128xf32>
        %get3A_584 = vector.shape_cast %get3A_583 : vector<1x8x128xf32> to vector<8x128xf32>
        %mul3A_585 = arith.constant 1024 : i32
        %mul3A_586 = arith.muli %scan3A_555, %mul3A_585 : i32
        %add3A_587 = arith.constant 128 : i32
        %add3A_588 = arith.addi %mul3A_586, %add3A_587 : i32
        %add3A_589 = vector.broadcast %add3A_588 : i32 to vector<8x128xi32>
        %add3A_590 = arith.addi %add3A_589, %iota3A : vector<8x128xi32>
        %eq3A_591 = vector.broadcast %broadcast_in_dim3A_437 : vector<8x1xi32> to vector<8x128xi32>
        %eq3A_592 = arith.cmpi eq, %add3A_590, %eq3A_591 : vector<8x128xi32>
        %jit3A_593 = arith.constant -3.000000e+38 : f32
        %broadcast_in_dim3A_594 = vector.broadcast %jit3A_593 : f32 to vector<8x128xf32>
        %select_n3A_595 = arith.select %eq3A_592, %broadcast_in_dim3A_594, %get3A_584 : vector<8x128xi1>, vector<8x128xf32>
        %swap3A_596 = arith.index_cast %scan3A_555 : i32 to index
        %swap3A_597 = arith.constant 0 : index
        %swap3A_598 = arith.constant 128 : index
        %swap3A_599 = vector.load %arg4[%swap3A_596, %swap3A_597, %swap3A_598] : memref<8x8x1024xf32, #tpu.memory_space<vmem>>, vector<1x8x128xf32>
        %swap3A_600 = vector.shape_cast %swap3A_599 : vector<1x8x128xf32> to vector<8x128xf32>
        %swap3A_601 = vector.shape_cast %select_n3A_595 : vector<8x128xf32> to vector<1x8x128xf32>
        tpu.vector_store %arg4[%swap3A_596, %swap3A_597, %swap3A_598], %swap3A_601 {strides = array<i32>} : memref<8x8x1024xf32, #tpu.memory_space<vmem>>, vector<1x8x128xf32>,
        %gt3A_602 = arith.cmpf ogt, %select_n3A_595, %select_n3A_578 : vector<8x128xf32>
        %select_n3A_603 = arith.select %gt3A_602, %select_n3A_595, %select_n3A_578 : vector<8x128xi1>, vector<8x128xf32>
        %select_n3A_604 = arith.select %gt3A_602, %add3A_590, %select_n3A_579 : vector<8x128xi1>, vector<8x128xi32>
        %get3A_605 = arith.index_cast %scan3A_555 : i32 to index
        %get3A_606 = arith.constant 0 : index
        %get3A_607 = arith.constant 256 : index
        %get3A_608 = vector.load %arg4[%get3A_605, %get3A_606, %get3A_607] : memref<8x8x1024xf32, #tpu.memory_space<vmem>>, vector<1x8x128xf32>
        %get3A_609 = vector.shape_cast %get3A_608 : vector<1x8x128xf32> to vector<8x128xf32>
        %mul3A_610 = arith.constant 1024 : i32
        %mul3A_611 = arith.muli %scan3A_555, %mul3A_610 : i32
        %add3A_612 = arith.constant 256 : i32
        %add3A_613 = arith.addi %mul3A_611, %add3A_612 : i32
        %add3A_614 = vector.broadcast %add3A_613 : i32 to vector<8x128xi32>
        %add3A_615 = arith.addi %add3A_614, %iota3A : vector<8x128xi32>
        %eq3A_616 = vector.broadcast %broadcast_in_dim3A_437 : vector<8x1xi32> to vector<8x128xi32>
        %eq3A_617 = arith.cmpi eq, %add3A_615, %eq3A_616 : vector<8x128xi32>
        %jit3A_618 = arith.constant -3.000000e+38 : f32
        %broadcast_in_dim3A_619 = vector.broadcast %jit3A_618 : f32 to vector<8x128xf32>
        %select_n3A_620 = arith.select %eq3A_617, %broadcast_in_dim3A_619, %get3A_609 : vector<8x128xi1>, vector<8x128xf32>
        %swap3A_621 = arith.index_cast %scan3A_555 : i32 to index
        %swap3A_622 = arith.constant 0 : index
        %swap3A_623 = arith.constant 256 : index
        %swap3A_624 = vector.load %arg4[%swap3A_621, %swap3A_622, %swap3A_623] : memref<8x8x1024xf32, #tpu.memory_space<vmem>>, vector<1x8x128xf32>
        %swap3A_625 = vector.shape_cast %swap3A_624 : vector<1x8x128xf32> to vector<8x128xf32>
        %swap3A_626 = vector.shape_cast %select_n3A_620 : vector<8x128xf32> to vector<1x8x128xf32>
        tpu.vector_store %arg4[%swap3A_621, %swap3A_622, %swap3A_623], %swap3A_626 {strides = array<i32>} : memref<8x8x1024xf32, #tpu.memory_space<vmem>>, vector<1x8x128xf32>,
        %gt3A_627 = arith.cmpf ogt, %select_n3A_620, %select_n3A_603 : vector<8x128xf32>
        %select_n3A_628 = arith.select %gt3A_627, %select_n3A_620, %select_n3A_603 : vector<8x128xi1>, vector<8x128xf32>
        %select_n3A_629 = arith.select %gt3A_627, %add3A_615, %select_n3A_604 : vector<8x128xi1>, vector<8x128xi32>
        %get3A_630 = arith.index_cast %scan3A_555 : i32 to index
        %get3A_631 = arith.constant 0 : index
        %get3A_632 = arith.constant 384 : index
        %get3A_633 = vector.load %arg4[%get3A_630, %get3A_631, %get3A_632] : memref<8x8x1024xf32, #tpu.memory_space<vmem>>, vector<1x8x128xf32>
        %get3A_634 = vector.shape_cast %get3A_633 : vector<1x8x128xf32> to vector<8x128xf32>
        %mul3A_635 = arith.constant 1024 : i32
        %mul3A_636 = arith.muli %scan3A_555, %mul3A_635 : i32
        %add3A_637 = arith.constant 384 : i32
        %add3A_638 = arith.addi %mul3A_636, %add3A_637 : i32
        %add3A_639 = vector.broadcast %add3A_638 : i32 to vector<8x128xi32>
        %add3A_640 = arith.addi %add3A_639, %iota3A : vector<8x128xi32>
        %eq3A_641 = vector.broadcast %broadcast_in_dim3A_437 : vector<8x1xi32> to vector<8x128xi32>
        %eq3A_642 = arith.cmpi eq, %add3A_640, %eq3A_641 : vector<8x128xi32>
        %jit3A_643 = arith.constant -3.000000e+38 : f32
        %broadcast_in_dim3A_644 = vector.broadcast %jit3A_643 : f32 to vector<8x128xf32>
        %select_n3A_645 = arith.select %eq3A_642, %broadcast_in_dim3A_644, %get3A_634 : vector<8x128xi1>, vector<8x128xf32>
        %swap3A_646 = arith.index_cast %scan3A_555 : i32 to index
        %swap3A_647 = arith.constant 0 : index
        %swap3A_648 = arith.constant 384 : index
        %swap3A_649 = vector.load %arg4[%swap3A_646, %swap3A_647, %swap3A_648] : memref<8x8x1024xf32, #tpu.memory_space<vmem>>, vector<1x8x128xf32>
        %swap3A_650 = vector.shape_cast %swap3A_649 : vector<1x8x128xf32> to vector<8x128xf32>
        %swap3A_651 = vector.shape_cast %select_n3A_645 : vector<8x128xf32> to vector<1x8x128xf32>
        tpu.vector_store %arg4[%swap3A_646, %swap3A_647, %swap3A_648], %swap3A_651 {strides = array<i32>} : memref<8x8x1024xf32, #tpu.memory_space<vmem>>, vector<1x8x128xf32>,
        %gt3A_652 = arith.cmpf ogt, %select_n3A_645, %select_n3A_628 : vector<8x128xf32>
        %select_n3A_653 = arith.select %gt3A_652, %select_n3A_645, %select_n3A_628 : vector<8x128xi1>, vector<8x128xf32>
        %select_n3A_654 = arith.select %gt3A_652, %add3A_640, %select_n3A_629 : vector<8x128xi1>, vector<8x128xi32>
        %get3A_655 = arith.index_cast %scan3A_555 : i32 to index
        %get3A_656 = arith.constant 0 : index
        %get3A_657 = arith.constant 512 : index
        %get3A_658 = vector.load %arg4[%get3A_655, %get3A_656, %get3A_657] : memref<8x8x1024xf32, #tpu.memory_space<vmem>>, vector<1x8x128xf32>
        %get3A_659 = vector.shape_cast %get3A_658 : vector<1x8x128xf32> to vector<8x128xf32>
        %mul3A_660 = arith.constant 1024 : i32
        %mul3A_661 = arith.muli %scan3A_555, %mul3A_660 : i32
        %add3A_662 = arith.constant 512 : i32
        %add3A_663 = arith.addi %mul3A_661, %add3A_662 : i32
        %add3A_664 = vector.broadcast %add3A_663 : i32 to vector<8x128xi32>
        %add3A_665 = arith.addi %add3A_664, %iota3A : vector<8x128xi32>
        %eq3A_666 = vector.broadcast %broadcast_in_dim3A_437 : vector<8x1xi32> to vector<8x128xi32>
        %eq3A_667 = arith.cmpi eq, %add3A_665, %eq3A_666 : vector<8x128xi32>
        %jit3A_668 = arith.constant -3.000000e+38 : f32
        %broadcast_in_dim3A_669 = vector.broadcast %jit3A_668 : f32 to vector<8x128xf32>
        %select_n3A_670 = arith.select %eq3A_667, %broadcast_in_dim3A_669, %get3A_659 : vector<8x128xi1>, vector<8x128xf32>
        %swap3A_671 = arith.index_cast %scan3A_555 : i32 to index
        %swap3A_672 = arith.constant 0 : index
        %swap3A_673 = arith.constant 512 : index
        %swap3A_674 = vector.load %arg4[%swap3A_671, %swap3A_672, %swap3A_673] : memref<8x8x1024xf32, #tpu.memory_space<vmem>>, vector<1x8x128xf32>
        %swap3A_675 = vector.shape_cast %swap3A_674 : vector<1x8x128xf32> to vector<8x128xf32>
        %swap3A_676 = vector.shape_cast %select_n3A_670 : vector<8x128xf32> to vector<1x8x128xf32>
        tpu.vector_store %arg4[%swap3A_671, %swap3A_672, %swap3A_673], %swap3A_676 {strides = array<i32>} : memref<8x8x1024xf32, #tpu.memory_space<vmem>>, vector<1x8x128xf32>,
        %gt3A_677 = arith.cmpf ogt, %select_n3A_670, %select_n3A_653 : vector<8x128xf32>
        %select_n3A_678 = arith.select %gt3A_677, %select_n3A_670, %select_n3A_653 : vector<8x128xi1>, vector<8x128xf32>
        %select_n3A_679 = arith.select %gt3A_677, %add3A_665, %select_n3A_654 : vector<8x128xi1>, vector<8x128xi32>
        %get3A_680 = arith.index_cast %scan3A_555 : i32 to index
        %get3A_681 = arith.constant 0 : index
        %get3A_682 = arith.constant 640 : index
        %get3A_683 = vector.load %arg4[%get3A_680, %get3A_681, %get3A_682] : memref<8x8x1024xf32, #tpu.memory_space<vmem>>, vector<1x8x128xf32>
        %get3A_684 = vector.shape_cast %get3A_683 : vector<1x8x128xf32> to vector<8x128xf32>
        %mul3A_685 = arith.constant 1024 : i32
        %mul3A_686 = arith.muli %scan3A_555, %mul3A_685 : i32
        %add3A_687 = arith.constant 640 : i32
        %add3A_688 = arith.addi %mul3A_686, %add3A_687 : i32
        %add3A_689 = vector.broadcast %add3A_688 : i32 to vector<8x128xi32>
        %add3A_690 = arith.addi %add3A_689, %iota3A : vector<8x128xi32>
        %eq3A_691 = vector.broadcast %broadcast_in_dim3A_437 : vector<8x1xi32> to vector<8x128xi32>
        %eq3A_692 = arith.cmpi eq, %add3A_690, %eq3A_691 : vector<8x128xi32>
        %jit3A_693 = arith.constant -3.000000e+38 : f32
        %broadcast_in_dim3A_694 = vector.broadcast %jit3A_693 : f32 to vector<8x128xf32>
        %select_n3A_695 = arith.select %eq3A_692, %broadcast_in_dim3A_694, %get3A_684 : vector<8x128xi1>, vector<8x128xf32>
        %swap3A_696 = arith.index_cast %scan3A_555 : i32 to index
        %swap3A_697 = arith.constant 0 : index
        %swap3A_698 = arith.constant 640 : index
        %swap3A_699 = vector.load %arg4[%swap3A_696, %swap3A_697, %swap3A_698] : memref<8x8x1024xf32, #tpu.memory_space<vmem>>, vector<1x8x128xf32>
        %swap3A_700 = vector.shape_cast %swap3A_699 : vector<1x8x128xf32> to vector<8x128xf32>
        %swap3A_701 = vector.shape_cast %select_n3A_695 : vector<8x128xf32> to vector<1x8x128xf32>
        tpu.vector_store %arg4[%swap3A_696, %swap3A_697, %swap3A_698], %swap3A_701 {strides = array<i32>} : memref<8x8x1024xf32, #tpu.memory_space<vmem>>, vector<1x8x128xf32>,
        %gt3A_702 = arith.cmpf ogt, %select_n3A_695, %select_n3A_678 : vector<8x128xf32>
        %select_n3A_703 = arith.select %gt3A_702, %select_n3A_695, %select_n3A_678 : vector<8x128xi1>, vector<8x128xf32>
        %select_n3A_704 = arith.select %gt3A_702, %add3A_690, %select_n3A_679 : vector<8x128xi1>, vector<8x128xi32>
        %get3A_705 = arith.index_cast %scan3A_555 : i32 to index
        %get3A_706 = arith.constant 0 : index
        %get3A_707 = arith.constant 768 : index
        %get3A_708 = vector.load %arg4[%get3A_705, %get3A_706, %get3A_707] : memref<8x8x1024xf32, #tpu.memory_space<vmem>>, vector<1x8x128xf32>
        %get3A_709 = vector.shape_cast %get3A_708 : vector<1x8x128xf32> to vector<8x128xf32>
        %mul3A_710 = arith.constant 1024 : i32
        %mul3A_711 = arith.muli %scan3A_555, %mul3A_710 : i32
        %add3A_712 = arith.constant 768 : i32
        %add3A_713 = arith.addi %mul3A_711, %add3A_712 : i32
        %add3A_714 = vector.broadcast %add3A_713 : i32 to vector<8x128xi32>
        %add3A_715 = arith.addi %add3A_714, %iota3A : vector<8x128xi32>
        %eq3A_716 = vector.broadcast %broadcast_in_dim3A_437 : vector<8x1xi32> to vector<8x128xi32>
        %eq3A_717 = arith.cmpi eq, %add3A_715, %eq3A_716 : vector<8x128xi32>
        %jit3A_718 = arith.constant -3.000000e+38 : f32
        %broadcast_in_dim3A_719 = vector.broadcast %jit3A_718 : f32 to vector<8x128xf32>
        %select_n3A_720 = arith.select %eq3A_717, %broadcast_in_dim3A_719, %get3A_709 : vector<8x128xi1>, vector<8x128xf32>
        %swap3A_721 = arith.index_cast %scan3A_555 : i32 to index
        %swap3A_722 = arith.constant 0 : index
        %swap3A_723 = arith.constant 768 : index
        %swap3A_724 = vector.load %arg4[%swap3A_721, %swap3A_722, %swap3A_723] : memref<8x8x1024xf32, #tpu.memory_space<vmem>>, vector<1x8x128xf32>
        %swap3A_725 = vector.shape_cast %swap3A_724 : vector<1x8x128xf32> to vector<8x128xf32>
        %swap3A_726 = vector.shape_cast %select_n3A_720 : vector<8x128xf32> to vector<1x8x128xf32>
        tpu.vector_store %arg4[%swap3A_721, %swap3A_722, %swap3A_723], %swap3A_726 {strides = array<i32>} : memref<8x8x1024xf32, #tpu.memory_space<vmem>>, vector<1x8x128xf32>,
        %gt3A_727 = arith.cmpf ogt, %select_n3A_720, %select_n3A_703 : vector<8x128xf32>
        %select_n3A_728 = arith.select %gt3A_727, %select_n3A_720, %select_n3A_703 : vector<8x128xi1>, vector<8x128xf32>
        %select_n3A_729 = arith.select %gt3A_727, %add3A_715, %select_n3A_704 : vector<8x128xi1>, vector<8x128xi32>
        %get3A_730 = arith.index_cast %scan3A_555 : i32 to index
        %get3A_731 = arith.constant 0 : index
        %get3A_732 = arith.constant 896 : index
        %get3A_733 = vector.load %arg4[%get3A_730, %get3A_731, %get3A_732] : memref<8x8x1024xf32, #tpu.memory_space<vmem>>, vector<1x8x128xf32>
        %get3A_734 = vector.shape_cast %get3A_733 : vector<1x8x128xf32> to vector<8x128xf32>
        %mul3A_735 = arith.constant 1024 : i32
        %mul3A_736 = arith.muli %scan3A_555, %mul3A_735 : i32
        %add3A_737 = arith.constant 896 : i32
        %add3A_738 = arith.addi %mul3A_736, %add3A_737 : i32
        %add3A_739 = vector.broadcast %add3A_738 : i32 to vector<8x128xi32>
        %add3A_740 = arith.addi %add3A_739, %iota3A : vector<8x128xi32>
        %eq3A_741 = vector.broadcast %broadcast_in_dim3A_437 : vector<8x1xi32> to vector<8x128xi32>
        %eq3A_742 = arith.cmpi eq, %add3A_740, %eq3A_741 : vector<8x128xi32>
        %jit3A_743 = arith.constant -3.000000e+38 : f32
        %broadcast_in_dim3A_744 = vector.broadcast %jit3A_743 : f32 to vector<8x128xf32>
        %select_n3A_745 = arith.select %eq3A_742, %broadcast_in_dim3A_744, %get3A_734 : vector<8x128xi1>, vector<8x128xf32>
        %swap3A_746 = arith.index_cast %scan3A_555 : i32 to index
        %swap3A_747 = arith.constant 0 : index
        %swap3A_748 = arith.constant 896 : index
        %swap3A_749 = vector.load %arg4[%swap3A_746, %swap3A_747, %swap3A_748] : memref<8x8x1024xf32, #tpu.memory_space<vmem>>, vector<1x8x128xf32>
        %swap3A_750 = vector.shape_cast %swap3A_749 : vector<1x8x128xf32> to vector<8x128xf32>
        %swap3A_751 = vector.shape_cast %select_n3A_745 : vector<8x128xf32> to vector<1x8x128xf32>
        tpu.vector_store %arg4[%swap3A_746, %swap3A_747, %swap3A_748], %swap3A_751 {strides = array<i32>} : memref<8x8x1024xf32, #tpu.memory_space<vmem>>, vector<1x8x128xf32>,
        %gt3A_752 = arith.cmpf ogt, %select_n3A_745, %select_n3A_728 : vector<8x128xf32>
        %select_n3A_753 = arith.select %gt3A_752, %select_n3A_745, %select_n3A_728 : vector<8x128xi1>, vector<8x128xf32>
        %select_n3A_754 = arith.select %gt3A_752, %add3A_740, %select_n3A_729 : vector<8x128xi1>, vector<8x128xi32>
        scf.yield %select_n3A_753, %select_n3A_754 : vector<8x128xf32>, vector<8x128xi32>
      }
      %scan3A_453 = arith.constant 8 : i32
      %reduce_max3A_454 = arith.constant dense<0xFF800000> : vector<8xf32>
      %reduce_max3A_455 = vector.multi_reduction <maximumf>, %scan3A_452#0, %reduce_max3A_454 [1] : vector<8x128xf32> to vector<8xf32>
      %broadcast_in_dim3A_456 = vector.shape_cast %reduce_max3A_455 : vector<8xf32> to vector<8x1xf32>
      %eq3A_457 = vector.broadcast %broadcast_in_dim3A_456 : vector<8x1xf32> to vector<8x128xf32>
      %eq3A_458 = arith.cmpf oeq, %scan3A_452#0, %eq3A_457 : vector<8x128xf32>
      %jit3A_459 = arith.constant 8192 : i32
      %broadcast_in_dim3A_460 = vector.broadcast %jit3A_459 : i32 to vector<8x128xi32>
      %select_n3A_461 = arith.select %eq3A_458, %scan3A_452#1, %broadcast_in_dim3A_460 : vector<8x128xi1>, vector<8x128xi32>
      %reduce_min3A_462 = arith.constant dense<2147483647> : vector<8xi32>
      %reduce_min3A_463 = vector.multi_reduction <minsi>, %select_n3A_461, %reduce_min3A_462 [1] : vector<8x128xi32> to vector<8xi32>
      %broadcast_in_dim3A_464 = vector.shape_cast %reduce_min3A_463 : vector<8xi32> to vector<8x1xi32>
      %eq3A_465 = arith.constant 16 : i32
      %eq3A_466 = vector.broadcast %eq3A_465 : i32 to vector<8x32xi32>
      %eq3A_467 = arith.cmpi eq, %iota3A_13, %eq3A_466 : vector<8x32xi32>
      %broadcast_in_dim3A_468 = vector.shape_cast %broadcast_in_dim3A_464 : vector<8x1xi32> to vector<8x1xi32>
      %broadcast_in_dim3A_469 = vector.broadcast %broadcast_in_dim3A_468 : vector<8x1xi32> to vector<8x32xi32>
      %select_n3A_470 = arith.select %eq3A_467, %broadcast_in_dim3A_469, %select_n3A_443 : vector<8x32xi1>, vector<8x32xi32>
      %broadcast_in_dim3A_471 = arith.constant -3.000000e+38 : f32
      %broadcast_in_dim3A_472 = vector.broadcast %broadcast_in_dim3A_471 : f32 to vector<8x128xf32>
      %broadcast_in_dim3A_473 = arith.constant 0 : i32
      %broadcast_in_dim3A_474 = vector.broadcast %broadcast_in_dim3A_473 : i32 to vector<8x128xi32>
      %scan3A_475 = arith.constant 0 : i32
      %scan3A_476 = arith.constant 8 : i32
      %scan3A_477 = arith.addi %scan3A_475, %scan3A_476 : i32
      %scan3A_478 = arith.constant 1 : i32
      %scan3A_479:2 = scf.for %scan3A_555 = %scan3A_475 to %scan3A_477 step %scan3A_478 iter_args(%scan3A_556 = %broadcast_in_dim3A_472, %scan3A_557 = %broadcast_in_dim3A_474) -> (vector<8x128xf32>, vector<8x128xi32>)  : i32 {
        %get3A_558 = arith.index_cast %scan3A_555 : i32 to index
        %get3A_559 = arith.constant 0 : index
        %get3A_560 = arith.constant 0 : index
        %get3A_561 = vector.load %arg4[%get3A_558, %get3A_559, %get3A_560] : memref<8x8x1024xf32, #tpu.memory_space<vmem>>, vector<1x8x128xf32>
        %get3A_562 = vector.shape_cast %get3A_561 : vector<1x8x128xf32> to vector<8x128xf32>
        %mul3A = arith.constant 1024 : i32
        %mul3A_563 = arith.muli %scan3A_555, %mul3A : i32
        %add3A = arith.constant 0 : i32
        %add3A_564 = arith.addi %mul3A_563, %add3A : i32
        %add3A_565 = vector.broadcast %add3A_564 : i32 to vector<8x128xi32>
        %add3A_566 = arith.addi %add3A_565, %iota3A : vector<8x128xi32>
        %eq3A_567 = vector.broadcast %broadcast_in_dim3A_464 : vector<8x1xi32> to vector<8x128xi32>
        %eq3A_568 = arith.cmpi eq, %add3A_566, %eq3A_567 : vector<8x128xi32>
        %jit3A_569 = arith.constant -3.000000e+38 : f32
        %broadcast_in_dim3A_570 = vector.broadcast %jit3A_569 : f32 to vector<8x128xf32>
        %select_n3A_571 = arith.select %eq3A_568, %broadcast_in_dim3A_570, %get3A_562 : vector<8x128xi1>, vector<8x128xf32>
        %swap3A_572 = arith.index_cast %scan3A_555 : i32 to index
        %swap3A_573 = arith.constant 0 : index
        %swap3A_574 = arith.constant 0 : index
        %swap3A_575 = vector.load %arg4[%swap3A_572, %swap3A_573, %swap3A_574] : memref<8x8x1024xf32, #tpu.memory_space<vmem>>, vector<1x8x128xf32>
        %swap3A_576 = vector.shape_cast %swap3A_575 : vector<1x8x128xf32> to vector<8x128xf32>
        %swap3A_577 = vector.shape_cast %select_n3A_571 : vector<8x128xf32> to vector<1x8x128xf32>
        tpu.vector_store %arg4[%swap3A_572, %swap3A_573, %swap3A_574], %swap3A_577 {strides = array<i32>} : memref<8x8x1024xf32, #tpu.memory_space<vmem>>, vector<1x8x128xf32>,
        %gt3A = arith.cmpf ogt, %select_n3A_571, %scan3A_556 : vector<8x128xf32>
        %select_n3A_578 = arith.select %gt3A, %select_n3A_571, %scan3A_556 : vector<8x128xi1>, vector<8x128xf32>
        %select_n3A_579 = arith.select %gt3A, %add3A_566, %scan3A_557 : vector<8x128xi1>, vector<8x128xi32>
        %get3A_580 = arith.index_cast %scan3A_555 : i32 to index
        %get3A_581 = arith.constant 0 : index
        %get3A_582 = arith.constant 128 : index
        %get3A_583 = vector.load %arg4[%get3A_580, %get3A_581, %get3A_582] : memref<8x8x1024xf32, #tpu.memory_space<vmem>>, vector<1x8x128xf32>
        %get3A_584 = vector.shape_cast %get3A_583 : vector<1x8x128xf32> to vector<8x128xf32>
        %mul3A_585 = arith.constant 1024 : i32
        %mul3A_586 = arith.muli %scan3A_555, %mul3A_585 : i32
        %add3A_587 = arith.constant 128 : i32
        %add3A_588 = arith.addi %mul3A_586, %add3A_587 : i32
        %add3A_589 = vector.broadcast %add3A_588 : i32 to vector<8x128xi32>
        %add3A_590 = arith.addi %add3A_589, %iota3A : vector<8x128xi32>
        %eq3A_591 = vector.broadcast %broadcast_in_dim3A_464 : vector<8x1xi32> to vector<8x128xi32>
        %eq3A_592 = arith.cmpi eq, %add3A_590, %eq3A_591 : vector<8x128xi32>
        %jit3A_593 = arith.constant -3.000000e+38 : f32
        %broadcast_in_dim3A_594 = vector.broadcast %jit3A_593 : f32 to vector<8x128xf32>
        %select_n3A_595 = arith.select %eq3A_592, %broadcast_in_dim3A_594, %get3A_584 : vector<8x128xi1>, vector<8x128xf32>
        %swap3A_596 = arith.index_cast %scan3A_555 : i32 to index
        %swap3A_597 = arith.constant 0 : index
        %swap3A_598 = arith.constant 128 : index
        %swap3A_599 = vector.load %arg4[%swap3A_596, %swap3A_597, %swap3A_598] : memref<8x8x1024xf32, #tpu.memory_space<vmem>>, vector<1x8x128xf32>
        %swap3A_600 = vector.shape_cast %swap3A_599 : vector<1x8x128xf32> to vector<8x128xf32>
        %swap3A_601 = vector.shape_cast %select_n3A_595 : vector<8x128xf32> to vector<1x8x128xf32>
        tpu.vector_store %arg4[%swap3A_596, %swap3A_597, %swap3A_598], %swap3A_601 {strides = array<i32>} : memref<8x8x1024xf32, #tpu.memory_space<vmem>>, vector<1x8x128xf32>,
        %gt3A_602 = arith.cmpf ogt, %select_n3A_595, %select_n3A_578 : vector<8x128xf32>
        %select_n3A_603 = arith.select %gt3A_602, %select_n3A_595, %select_n3A_578 : vector<8x128xi1>, vector<8x128xf32>
        %select_n3A_604 = arith.select %gt3A_602, %add3A_590, %select_n3A_579 : vector<8x128xi1>, vector<8x128xi32>
        %get3A_605 = arith.index_cast %scan3A_555 : i32 to index
        %get3A_606 = arith.constant 0 : index
        %get3A_607 = arith.constant 256 : index
        %get3A_608 = vector.load %arg4[%get3A_605, %get3A_606, %get3A_607] : memref<8x8x1024xf32, #tpu.memory_space<vmem>>, vector<1x8x128xf32>
        %get3A_609 = vector.shape_cast %get3A_608 : vector<1x8x128xf32> to vector<8x128xf32>
        %mul3A_610 = arith.constant 1024 : i32
        %mul3A_611 = arith.muli %scan3A_555, %mul3A_610 : i32
        %add3A_612 = arith.constant 256 : i32
        %add3A_613 = arith.addi %mul3A_611, %add3A_612 : i32
        %add3A_614 = vector.broadcast %add3A_613 : i32 to vector<8x128xi32>
        %add3A_615 = arith.addi %add3A_614, %iota3A : vector<8x128xi32>
        %eq3A_616 = vector.broadcast %broadcast_in_dim3A_464 : vector<8x1xi32> to vector<8x128xi32>
        %eq3A_617 = arith.cmpi eq, %add3A_615, %eq3A_616 : vector<8x128xi32>
        %jit3A_618 = arith.constant -3.000000e+38 : f32
        %broadcast_in_dim3A_619 = vector.broadcast %jit3A_618 : f32 to vector<8x128xf32>
        %select_n3A_620 = arith.select %eq3A_617, %broadcast_in_dim3A_619, %get3A_609 : vector<8x128xi1>, vector<8x128xf32>
        %swap3A_621 = arith.index_cast %scan3A_555 : i32 to index
        %swap3A_622 = arith.constant 0 : index
        %swap3A_623 = arith.constant 256 : index
        %swap3A_624 = vector.load %arg4[%swap3A_621, %swap3A_622, %swap3A_623] : memref<8x8x1024xf32, #tpu.memory_space<vmem>>, vector<1x8x128xf32>
        %swap3A_625 = vector.shape_cast %swap3A_624 : vector<1x8x128xf32> to vector<8x128xf32>
        %swap3A_626 = vector.shape_cast %select_n3A_620 : vector<8x128xf32> to vector<1x8x128xf32>
        tpu.vector_store %arg4[%swap3A_621, %swap3A_622, %swap3A_623], %swap3A_626 {strides = array<i32>} : memref<8x8x1024xf32, #tpu.memory_space<vmem>>, vector<1x8x128xf32>,
        %gt3A_627 = arith.cmpf ogt, %select_n3A_620, %select_n3A_603 : vector<8x128xf32>
        %select_n3A_628 = arith.select %gt3A_627, %select_n3A_620, %select_n3A_603 : vector<8x128xi1>, vector<8x128xf32>
        %select_n3A_629 = arith.select %gt3A_627, %add3A_615, %select_n3A_604 : vector<8x128xi1>, vector<8x128xi32>
        %get3A_630 = arith.index_cast %scan3A_555 : i32 to index
        %get3A_631 = arith.constant 0 : index
        %get3A_632 = arith.constant 384 : index
        %get3A_633 = vector.load %arg4[%get3A_630, %get3A_631, %get3A_632] : memref<8x8x1024xf32, #tpu.memory_space<vmem>>, vector<1x8x128xf32>
        %get3A_634 = vector.shape_cast %get3A_633 : vector<1x8x128xf32> to vector<8x128xf32>
        %mul3A_635 = arith.constant 1024 : i32
        %mul3A_636 = arith.muli %scan3A_555, %mul3A_635 : i32
        %add3A_637 = arith.constant 384 : i32
        %add3A_638 = arith.addi %mul3A_636, %add3A_637 : i32
        %add3A_639 = vector.broadcast %add3A_638 : i32 to vector<8x128xi32>
        %add3A_640 = arith.addi %add3A_639, %iota3A : vector<8x128xi32>
        %eq3A_641 = vector.broadcast %broadcast_in_dim3A_464 : vector<8x1xi32> to vector<8x128xi32>
        %eq3A_642 = arith.cmpi eq, %add3A_640, %eq3A_641 : vector<8x128xi32>
        %jit3A_643 = arith.constant -3.000000e+38 : f32
        %broadcast_in_dim3A_644 = vector.broadcast %jit3A_643 : f32 to vector<8x128xf32>
        %select_n3A_645 = arith.select %eq3A_642, %broadcast_in_dim3A_644, %get3A_634 : vector<8x128xi1>, vector<8x128xf32>
        %swap3A_646 = arith.index_cast %scan3A_555 : i32 to index
        %swap3A_647 = arith.constant 0 : index
        %swap3A_648 = arith.constant 384 : index
        %swap3A_649 = vector.load %arg4[%swap3A_646, %swap3A_647, %swap3A_648] : memref<8x8x1024xf32, #tpu.memory_space<vmem>>, vector<1x8x128xf32>
        %swap3A_650 = vector.shape_cast %swap3A_649 : vector<1x8x128xf32> to vector<8x128xf32>
        %swap3A_651 = vector.shape_cast %select_n3A_645 : vector<8x128xf32> to vector<1x8x128xf32>
        tpu.vector_store %arg4[%swap3A_646, %swap3A_647, %swap3A_648], %swap3A_651 {strides = array<i32>} : memref<8x8x1024xf32, #tpu.memory_space<vmem>>, vector<1x8x128xf32>,
        %gt3A_652 = arith.cmpf ogt, %select_n3A_645, %select_n3A_628 : vector<8x128xf32>
        %select_n3A_653 = arith.select %gt3A_652, %select_n3A_645, %select_n3A_628 : vector<8x128xi1>, vector<8x128xf32>
        %select_n3A_654 = arith.select %gt3A_652, %add3A_640, %select_n3A_629 : vector<8x128xi1>, vector<8x128xi32>
        %get3A_655 = arith.index_cast %scan3A_555 : i32 to index
        %get3A_656 = arith.constant 0 : index
        %get3A_657 = arith.constant 512 : index
        %get3A_658 = vector.load %arg4[%get3A_655, %get3A_656, %get3A_657] : memref<8x8x1024xf32, #tpu.memory_space<vmem>>, vector<1x8x128xf32>
        %get3A_659 = vector.shape_cast %get3A_658 : vector<1x8x128xf32> to vector<8x128xf32>
        %mul3A_660 = arith.constant 1024 : i32
        %mul3A_661 = arith.muli %scan3A_555, %mul3A_660 : i32
        %add3A_662 = arith.constant 512 : i32
        %add3A_663 = arith.addi %mul3A_661, %add3A_662 : i32
        %add3A_664 = vector.broadcast %add3A_663 : i32 to vector<8x128xi32>
        %add3A_665 = arith.addi %add3A_664, %iota3A : vector<8x128xi32>
        %eq3A_666 = vector.broadcast %broadcast_in_dim3A_464 : vector<8x1xi32> to vector<8x128xi32>
        %eq3A_667 = arith.cmpi eq, %add3A_665, %eq3A_666 : vector<8x128xi32>
        %jit3A_668 = arith.constant -3.000000e+38 : f32
        %broadcast_in_dim3A_669 = vector.broadcast %jit3A_668 : f32 to vector<8x128xf32>
        %select_n3A_670 = arith.select %eq3A_667, %broadcast_in_dim3A_669, %get3A_659 : vector<8x128xi1>, vector<8x128xf32>
        %swap3A_671 = arith.index_cast %scan3A_555 : i32 to index
        %swap3A_672 = arith.constant 0 : index
        %swap3A_673 = arith.constant 512 : index
        %swap3A_674 = vector.load %arg4[%swap3A_671, %swap3A_672, %swap3A_673] : memref<8x8x1024xf32, #tpu.memory_space<vmem>>, vector<1x8x128xf32>
        %swap3A_675 = vector.shape_cast %swap3A_674 : vector<1x8x128xf32> to vector<8x128xf32>
        %swap3A_676 = vector.shape_cast %select_n3A_670 : vector<8x128xf32> to vector<1x8x128xf32>
        tpu.vector_store %arg4[%swap3A_671, %swap3A_672, %swap3A_673], %swap3A_676 {strides = array<i32>} : memref<8x8x1024xf32, #tpu.memory_space<vmem>>, vector<1x8x128xf32>,
        %gt3A_677 = arith.cmpf ogt, %select_n3A_670, %select_n3A_653 : vector<8x128xf32>
        %select_n3A_678 = arith.select %gt3A_677, %select_n3A_670, %select_n3A_653 : vector<8x128xi1>, vector<8x128xf32>
        %select_n3A_679 = arith.select %gt3A_677, %add3A_665, %select_n3A_654 : vector<8x128xi1>, vector<8x128xi32>
        %get3A_680 = arith.index_cast %scan3A_555 : i32 to index
        %get3A_681 = arith.constant 0 : index
        %get3A_682 = arith.constant 640 : index
        %get3A_683 = vector.load %arg4[%get3A_680, %get3A_681, %get3A_682] : memref<8x8x1024xf32, #tpu.memory_space<vmem>>, vector<1x8x128xf32>
        %get3A_684 = vector.shape_cast %get3A_683 : vector<1x8x128xf32> to vector<8x128xf32>
        %mul3A_685 = arith.constant 1024 : i32
        %mul3A_686 = arith.muli %scan3A_555, %mul3A_685 : i32
        %add3A_687 = arith.constant 640 : i32
        %add3A_688 = arith.addi %mul3A_686, %add3A_687 : i32
        %add3A_689 = vector.broadcast %add3A_688 : i32 to vector<8x128xi32>
        %add3A_690 = arith.addi %add3A_689, %iota3A : vector<8x128xi32>
        %eq3A_691 = vector.broadcast %broadcast_in_dim3A_464 : vector<8x1xi32> to vector<8x128xi32>
        %eq3A_692 = arith.cmpi eq, %add3A_690, %eq3A_691 : vector<8x128xi32>
        %jit3A_693 = arith.constant -3.000000e+38 : f32
        %broadcast_in_dim3A_694 = vector.broadcast %jit3A_693 : f32 to vector<8x128xf32>
        %select_n3A_695 = arith.select %eq3A_692, %broadcast_in_dim3A_694, %get3A_684 : vector<8x128xi1>, vector<8x128xf32>
        %swap3A_696 = arith.index_cast %scan3A_555 : i32 to index
        %swap3A_697 = arith.constant 0 : index
        %swap3A_698 = arith.constant 640 : index
        %swap3A_699 = vector.load %arg4[%swap3A_696, %swap3A_697, %swap3A_698] : memref<8x8x1024xf32, #tpu.memory_space<vmem>>, vector<1x8x128xf32>
        %swap3A_700 = vector.shape_cast %swap3A_699 : vector<1x8x128xf32> to vector<8x128xf32>
        %swap3A_701 = vector.shape_cast %select_n3A_695 : vector<8x128xf32> to vector<1x8x128xf32>
        tpu.vector_store %arg4[%swap3A_696, %swap3A_697, %swap3A_698], %swap3A_701 {strides = array<i32>} : memref<8x8x1024xf32, #tpu.memory_space<vmem>>, vector<1x8x128xf32>,
        %gt3A_702 = arith.cmpf ogt, %select_n3A_695, %select_n3A_678 : vector<8x128xf32>
        %select_n3A_703 = arith.select %gt3A_702, %select_n3A_695, %select_n3A_678 : vector<8x128xi1>, vector<8x128xf32>
        %select_n3A_704 = arith.select %gt3A_702, %add3A_690, %select_n3A_679 : vector<8x128xi1>, vector<8x128xi32>
        %get3A_705 = arith.index_cast %scan3A_555 : i32 to index
        %get3A_706 = arith.constant 0 : index
        %get3A_707 = arith.constant 768 : index
        %get3A_708 = vector.load %arg4[%get3A_705, %get3A_706, %get3A_707] : memref<8x8x1024xf32, #tpu.memory_space<vmem>>, vector<1x8x128xf32>
        %get3A_709 = vector.shape_cast %get3A_708 : vector<1x8x128xf32> to vector<8x128xf32>
        %mul3A_710 = arith.constant 1024 : i32
        %mul3A_711 = arith.muli %scan3A_555, %mul3A_710 : i32
        %add3A_712 = arith.constant 768 : i32
        %add3A_713 = arith.addi %mul3A_711, %add3A_712 : i32
        %add3A_714 = vector.broadcast %add3A_713 : i32 to vector<8x128xi32>
        %add3A_715 = arith.addi %add3A_714, %iota3A : vector<8x128xi32>
        %eq3A_716 = vector.broadcast %broadcast_in_dim3A_464 : vector<8x1xi32> to vector<8x128xi32>
        %eq3A_717 = arith.cmpi eq, %add3A_715, %eq3A_716 : vector<8x128xi32>
        %jit3A_718 = arith.constant -3.000000e+38 : f32
        %broadcast_in_dim3A_719 = vector.broadcast %jit3A_718 : f32 to vector<8x128xf32>
        %select_n3A_720 = arith.select %eq3A_717, %broadcast_in_dim3A_719, %get3A_709 : vector<8x128xi1>, vector<8x128xf32>
        %swap3A_721 = arith.index_cast %scan3A_555 : i32 to index
        %swap3A_722 = arith.constant 0 : index
        %swap3A_723 = arith.constant 768 : index
        %swap3A_724 = vector.load %arg4[%swap3A_721, %swap3A_722, %swap3A_723] : memref<8x8x1024xf32, #tpu.memory_space<vmem>>, vector<1x8x128xf32>
        %swap3A_725 = vector.shape_cast %swap3A_724 : vector<1x8x128xf32> to vector<8x128xf32>
        %swap3A_726 = vector.shape_cast %select_n3A_720 : vector<8x128xf32> to vector<1x8x128xf32>
        tpu.vector_store %arg4[%swap3A_721, %swap3A_722, %swap3A_723], %swap3A_726 {strides = array<i32>} : memref<8x8x1024xf32, #tpu.memory_space<vmem>>, vector<1x8x128xf32>,
        %gt3A_727 = arith.cmpf ogt, %select_n3A_720, %select_n3A_703 : vector<8x128xf32>
        %select_n3A_728 = arith.select %gt3A_727, %select_n3A_720, %select_n3A_703 : vector<8x128xi1>, vector<8x128xf32>
        %select_n3A_729 = arith.select %gt3A_727, %add3A_715, %select_n3A_704 : vector<8x128xi1>, vector<8x128xi32>
        %get3A_730 = arith.index_cast %scan3A_555 : i32 to index
        %get3A_731 = arith.constant 0 : index
        %get3A_732 = arith.constant 896 : index
        %get3A_733 = vector.load %arg4[%get3A_730, %get3A_731, %get3A_732] : memref<8x8x1024xf32, #tpu.memory_space<vmem>>, vector<1x8x128xf32>
        %get3A_734 = vector.shape_cast %get3A_733 : vector<1x8x128xf32> to vector<8x128xf32>
        %mul3A_735 = arith.constant 1024 : i32
        %mul3A_736 = arith.muli %scan3A_555, %mul3A_735 : i32
        %add3A_737 = arith.constant 896 : i32
        %add3A_738 = arith.addi %mul3A_736, %add3A_737 : i32
        %add3A_739 = vector.broadcast %add3A_738 : i32 to vector<8x128xi32>
        %add3A_740 = arith.addi %add3A_739, %iota3A : vector<8x128xi32>
        %eq3A_741 = vector.broadcast %broadcast_in_dim3A_464 : vector<8x1xi32> to vector<8x128xi32>
        %eq3A_742 = arith.cmpi eq, %add3A_740, %eq3A_741 : vector<8x128xi32>
        %jit3A_743 = arith.constant -3.000000e+38 : f32
        %broadcast_in_dim3A_744 = vector.broadcast %jit3A_743 : f32 to vector<8x128xf32>
        %select_n3A_745 = arith.select %eq3A_742, %broadcast_in_dim3A_744, %get3A_734 : vector<8x128xi1>, vector<8x128xf32>
        %swap3A_746 = arith.index_cast %scan3A_555 : i32 to index
        %swap3A_747 = arith.constant 0 : index
        %swap3A_748 = arith.constant 896 : index
        %swap3A_749 = vector.load %arg4[%swap3A_746, %swap3A_747, %swap3A_748] : memref<8x8x1024xf32, #tpu.memory_space<vmem>>, vector<1x8x128xf32>
        %swap3A_750 = vector.shape_cast %swap3A_749 : vector<1x8x128xf32> to vector<8x128xf32>
        %swap3A_751 = vector.shape_cast %select_n3A_745 : vector<8x128xf32> to vector<1x8x128xf32>
        tpu.vector_store %arg4[%swap3A_746, %swap3A_747, %swap3A_748], %swap3A_751 {strides = array<i32>} : memref<8x8x1024xf32, #tpu.memory_space<vmem>>, vector<1x8x128xf32>,
        %gt3A_752 = arith.cmpf ogt, %select_n3A_745, %select_n3A_728 : vector<8x128xf32>
        %select_n3A_753 = arith.select %gt3A_752, %select_n3A_745, %select_n3A_728 : vector<8x128xi1>, vector<8x128xf32>
        %select_n3A_754 = arith.select %gt3A_752, %add3A_740, %select_n3A_729 : vector<8x128xi1>, vector<8x128xi32>
        scf.yield %select_n3A_753, %select_n3A_754 : vector<8x128xf32>, vector<8x128xi32>
      }
      %scan3A_480 = arith.constant 8 : i32
      %reduce_max3A_481 = arith.constant dense<0xFF800000> : vector<8xf32>
      %reduce_max3A_482 = vector.multi_reduction <maximumf>, %scan3A_479#0, %reduce_max3A_481 [1] : vector<8x128xf32> to vector<8xf32>
      %broadcast_in_dim3A_483 = vector.shape_cast %reduce_max3A_482 : vector<8xf32> to vector<8x1xf32>
      %eq3A_484 = vector.broadcast %broadcast_in_dim3A_483 : vector<8x1xf32> to vector<8x128xf32>
      %eq3A_485 = arith.cmpf oeq, %scan3A_479#0, %eq3A_484 : vector<8x128xf32>
      %jit3A_486 = arith.constant 8192 : i32
      %broadcast_in_dim3A_487 = vector.broadcast %jit3A_486 : i32 to vector<8x128xi32>
      %select_n3A_488 = arith.select %eq3A_485, %scan3A_479#1, %broadcast_in_dim3A_487 : vector<8x128xi1>, vector<8x128xi32>
      %reduce_min3A_489 = arith.constant dense<2147483647> : vector<8xi32>
      %reduce_min3A_490 = vector.multi_reduction <minsi>, %select_n3A_488, %reduce_min3A_489 [1] : vector<8x128xi32> to vector<8xi32>
      %broadcast_in_dim3A_491 = vector.shape_cast %reduce_min3A_490 : vector<8xi32> to vector<8x1xi32>
      %eq3A_492 = arith.constant 17 : i32
      %eq3A_493 = vector.broadcast %eq3A_492 : i32 to vector<8x32xi32>
      %eq3A_494 = arith.cmpi eq, %iota3A_13, %eq3A_493 : vector<8x32xi32>
      %broadcast_in_dim3A_495 = vector.shape_cast %broadcast_in_dim3A_491 : vector<8x1xi32> to vector<8x1xi32>
      %broadcast_in_dim3A_496 = vector.broadcast %broadcast_in_dim3A_495 : vector<8x1xi32> to vector<8x32xi32>
      %select_n3A_497 = arith.select %eq3A_494, %broadcast_in_dim3A_496, %select_n3A_470 : vector<8x32xi1>, vector<8x32xi32>
      %broadcast_in_dim3A_498 = arith.constant -3.000000e+38 : f32
      %broadcast_in_dim3A_499 = vector.broadcast %broadcast_in_dim3A_498 : f32 to vector<8x128xf32>
      %broadcast_in_dim3A_500 = arith.constant 0 : i32
      %broadcast_in_dim3A_501 = vector.broadcast %broadcast_in_dim3A_500 : i32 to vector<8x128xi32>
      %scan3A_502 = arith.constant 0 : i32
      %scan3A_503 = arith.constant 8 : i32
      %scan3A_504 = arith.addi %scan3A_502, %scan3A_503 : i32
      %scan3A_505 = arith.constant 1 : i32
      %scan3A_506:2 = scf.for %scan3A_555 = %scan3A_502 to %scan3A_504 step %scan3A_505 iter_args(%scan3A_556 = %broadcast_in_dim3A_499, %scan3A_557 = %broadcast_in_dim3A_501) -> (vector<8x128xf32>, vector<8x128xi32>)  : i32 {
        %get3A_558 = arith.index_cast %scan3A_555 : i32 to index
        %get3A_559 = arith.constant 0 : index
        %get3A_560 = arith.constant 0 : index
        %get3A_561 = vector.load %arg4[%get3A_558, %get3A_559, %get3A_560] : memref<8x8x1024xf32, #tpu.memory_space<vmem>>, vector<1x8x128xf32>
        %get3A_562 = vector.shape_cast %get3A_561 : vector<1x8x128xf32> to vector<8x128xf32>
        %mul3A = arith.constant 1024 : i32
        %mul3A_563 = arith.muli %scan3A_555, %mul3A : i32
        %add3A = arith.constant 0 : i32
        %add3A_564 = arith.addi %mul3A_563, %add3A : i32
        %add3A_565 = vector.broadcast %add3A_564 : i32 to vector<8x128xi32>
        %add3A_566 = arith.addi %add3A_565, %iota3A : vector<8x128xi32>
        %eq3A_567 = vector.broadcast %broadcast_in_dim3A_491 : vector<8x1xi32> to vector<8x128xi32>
        %eq3A_568 = arith.cmpi eq, %add3A_566, %eq3A_567 : vector<8x128xi32>
        %jit3A_569 = arith.constant -3.000000e+38 : f32
        %broadcast_in_dim3A_570 = vector.broadcast %jit3A_569 : f32 to vector<8x128xf32>
        %select_n3A_571 = arith.select %eq3A_568, %broadcast_in_dim3A_570, %get3A_562 : vector<8x128xi1>, vector<8x128xf32>
        %swap3A_572 = arith.index_cast %scan3A_555 : i32 to index
        %swap3A_573 = arith.constant 0 : index
        %swap3A_574 = arith.constant 0 : index
        %swap3A_575 = vector.load %arg4[%swap3A_572, %swap3A_573, %swap3A_574] : memref<8x8x1024xf32, #tpu.memory_space<vmem>>, vector<1x8x128xf32>
        %swap3A_576 = vector.shape_cast %swap3A_575 : vector<1x8x128xf32> to vector<8x128xf32>
        %swap3A_577 = vector.shape_cast %select_n3A_571 : vector<8x128xf32> to vector<1x8x128xf32>
        tpu.vector_store %arg4[%swap3A_572, %swap3A_573, %swap3A_574], %swap3A_577 {strides = array<i32>} : memref<8x8x1024xf32, #tpu.memory_space<vmem>>, vector<1x8x128xf32>,
        %gt3A = arith.cmpf ogt, %select_n3A_571, %scan3A_556 : vector<8x128xf32>
        %select_n3A_578 = arith.select %gt3A, %select_n3A_571, %scan3A_556 : vector<8x128xi1>, vector<8x128xf32>
        %select_n3A_579 = arith.select %gt3A, %add3A_566, %scan3A_557 : vector<8x128xi1>, vector<8x128xi32>
        %get3A_580 = arith.index_cast %scan3A_555 : i32 to index
        %get3A_581 = arith.constant 0 : index
        %get3A_582 = arith.constant 128 : index
        %get3A_583 = vector.load %arg4[%get3A_580, %get3A_581, %get3A_582] : memref<8x8x1024xf32, #tpu.memory_space<vmem>>, vector<1x8x128xf32>
        %get3A_584 = vector.shape_cast %get3A_583 : vector<1x8x128xf32> to vector<8x128xf32>
        %mul3A_585 = arith.constant 1024 : i32
        %mul3A_586 = arith.muli %scan3A_555, %mul3A_585 : i32
        %add3A_587 = arith.constant 128 : i32
        %add3A_588 = arith.addi %mul3A_586, %add3A_587 : i32
        %add3A_589 = vector.broadcast %add3A_588 : i32 to vector<8x128xi32>
        %add3A_590 = arith.addi %add3A_589, %iota3A : vector<8x128xi32>
        %eq3A_591 = vector.broadcast %broadcast_in_dim3A_491 : vector<8x1xi32> to vector<8x128xi32>
        %eq3A_592 = arith.cmpi eq, %add3A_590, %eq3A_591 : vector<8x128xi32>
        %jit3A_593 = arith.constant -3.000000e+38 : f32
        %broadcast_in_dim3A_594 = vector.broadcast %jit3A_593 : f32 to vector<8x128xf32>
        %select_n3A_595 = arith.select %eq3A_592, %broadcast_in_dim3A_594, %get3A_584 : vector<8x128xi1>, vector<8x128xf32>
        %swap3A_596 = arith.index_cast %scan3A_555 : i32 to index
        %swap3A_597 = arith.constant 0 : index
        %swap3A_598 = arith.constant 128 : index
        %swap3A_599 = vector.load %arg4[%swap3A_596, %swap3A_597, %swap3A_598] : memref<8x8x1024xf32, #tpu.memory_space<vmem>>, vector<1x8x128xf32>
        %swap3A_600 = vector.shape_cast %swap3A_599 : vector<1x8x128xf32> to vector<8x128xf32>
        %swap3A_601 = vector.shape_cast %select_n3A_595 : vector<8x128xf32> to vector<1x8x128xf32>
        tpu.vector_store %arg4[%swap3A_596, %swap3A_597, %swap3A_598], %swap3A_601 {strides = array<i32>} : memref<8x8x1024xf32, #tpu.memory_space<vmem>>, vector<1x8x128xf32>,
        %gt3A_602 = arith.cmpf ogt, %select_n3A_595, %select_n3A_578 : vector<8x128xf32>
        %select_n3A_603 = arith.select %gt3A_602, %select_n3A_595, %select_n3A_578 : vector<8x128xi1>, vector<8x128xf32>
        %select_n3A_604 = arith.select %gt3A_602, %add3A_590, %select_n3A_579 : vector<8x128xi1>, vector<8x128xi32>
        %get3A_605 = arith.index_cast %scan3A_555 : i32 to index
        %get3A_606 = arith.constant 0 : index
        %get3A_607 = arith.constant 256 : index
        %get3A_608 = vector.load %arg4[%get3A_605, %get3A_606, %get3A_607] : memref<8x8x1024xf32, #tpu.memory_space<vmem>>, vector<1x8x128xf32>
        %get3A_609 = vector.shape_cast %get3A_608 : vector<1x8x128xf32> to vector<8x128xf32>
        %mul3A_610 = arith.constant 1024 : i32
        %mul3A_611 = arith.muli %scan3A_555, %mul3A_610 : i32
        %add3A_612 = arith.constant 256 : i32
        %add3A_613 = arith.addi %mul3A_611, %add3A_612 : i32
        %add3A_614 = vector.broadcast %add3A_613 : i32 to vector<8x128xi32>
        %add3A_615 = arith.addi %add3A_614, %iota3A : vector<8x128xi32>
        %eq3A_616 = vector.broadcast %broadcast_in_dim3A_491 : vector<8x1xi32> to vector<8x128xi32>
        %eq3A_617 = arith.cmpi eq, %add3A_615, %eq3A_616 : vector<8x128xi32>
        %jit3A_618 = arith.constant -3.000000e+38 : f32
        %broadcast_in_dim3A_619 = vector.broadcast %jit3A_618 : f32 to vector<8x128xf32>
        %select_n3A_620 = arith.select %eq3A_617, %broadcast_in_dim3A_619, %get3A_609 : vector<8x128xi1>, vector<8x128xf32>
        %swap3A_621 = arith.index_cast %scan3A_555 : i32 to index
        %swap3A_622 = arith.constant 0 : index
        %swap3A_623 = arith.constant 256 : index
        %swap3A_624 = vector.load %arg4[%swap3A_621, %swap3A_622, %swap3A_623] : memref<8x8x1024xf32, #tpu.memory_space<vmem>>, vector<1x8x128xf32>
        %swap3A_625 = vector.shape_cast %swap3A_624 : vector<1x8x128xf32> to vector<8x128xf32>
        %swap3A_626 = vector.shape_cast %select_n3A_620 : vector<8x128xf32> to vector<1x8x128xf32>
        tpu.vector_store %arg4[%swap3A_621, %swap3A_622, %swap3A_623], %swap3A_626 {strides = array<i32>} : memref<8x8x1024xf32, #tpu.memory_space<vmem>>, vector<1x8x128xf32>,
        %gt3A_627 = arith.cmpf ogt, %select_n3A_620, %select_n3A_603 : vector<8x128xf32>
        %select_n3A_628 = arith.select %gt3A_627, %select_n3A_620, %select_n3A_603 : vector<8x128xi1>, vector<8x128xf32>
        %select_n3A_629 = arith.select %gt3A_627, %add3A_615, %select_n3A_604 : vector<8x128xi1>, vector<8x128xi32>
        %get3A_630 = arith.index_cast %scan3A_555 : i32 to index
        %get3A_631 = arith.constant 0 : index
        %get3A_632 = arith.constant 384 : index
        %get3A_633 = vector.load %arg4[%get3A_630, %get3A_631, %get3A_632] : memref<8x8x1024xf32, #tpu.memory_space<vmem>>, vector<1x8x128xf32>
        %get3A_634 = vector.shape_cast %get3A_633 : vector<1x8x128xf32> to vector<8x128xf32>
        %mul3A_635 = arith.constant 1024 : i32
        %mul3A_636 = arith.muli %scan3A_555, %mul3A_635 : i32
        %add3A_637 = arith.constant 384 : i32
        %add3A_638 = arith.addi %mul3A_636, %add3A_637 : i32
        %add3A_639 = vector.broadcast %add3A_638 : i32 to vector<8x128xi32>
        %add3A_640 = arith.addi %add3A_639, %iota3A : vector<8x128xi32>
        %eq3A_641 = vector.broadcast %broadcast_in_dim3A_491 : vector<8x1xi32> to vector<8x128xi32>
        %eq3A_642 = arith.cmpi eq, %add3A_640, %eq3A_641 : vector<8x128xi32>
        %jit3A_643 = arith.constant -3.000000e+38 : f32
        %broadcast_in_dim3A_644 = vector.broadcast %jit3A_643 : f32 to vector<8x128xf32>
        %select_n3A_645 = arith.select %eq3A_642, %broadcast_in_dim3A_644, %get3A_634 : vector<8x128xi1>, vector<8x128xf32>
        %swap3A_646 = arith.index_cast %scan3A_555 : i32 to index
        %swap3A_647 = arith.constant 0 : index
        %swap3A_648 = arith.constant 384 : index
        %swap3A_649 = vector.load %arg4[%swap3A_646, %swap3A_647, %swap3A_648] : memref<8x8x1024xf32, #tpu.memory_space<vmem>>, vector<1x8x128xf32>
        %swap3A_650 = vector.shape_cast %swap3A_649 : vector<1x8x128xf32> to vector<8x128xf32>
        %swap3A_651 = vector.shape_cast %select_n3A_645 : vector<8x128xf32> to vector<1x8x128xf32>
        tpu.vector_store %arg4[%swap3A_646, %swap3A_647, %swap3A_648], %swap3A_651 {strides = array<i32>} : memref<8x8x1024xf32, #tpu.memory_space<vmem>>, vector<1x8x128xf32>,
        %gt3A_652 = arith.cmpf ogt, %select_n3A_645, %select_n3A_628 : vector<8x128xf32>
        %select_n3A_653 = arith.select %gt3A_652, %select_n3A_645, %select_n3A_628 : vector<8x128xi1>, vector<8x128xf32>
        %select_n3A_654 = arith.select %gt3A_652, %add3A_640, %select_n3A_629 : vector<8x128xi1>, vector<8x128xi32>
        %get3A_655 = arith.index_cast %scan3A_555 : i32 to index
        %get3A_656 = arith.constant 0 : index
        %get3A_657 = arith.constant 512 : index
        %get3A_658 = vector.load %arg4[%get3A_655, %get3A_656, %get3A_657] : memref<8x8x1024xf32, #tpu.memory_space<vmem>>, vector<1x8x128xf32>
        %get3A_659 = vector.shape_cast %get3A_658 : vector<1x8x128xf32> to vector<8x128xf32>
        %mul3A_660 = arith.constant 1024 : i32
        %mul3A_661 = arith.muli %scan3A_555, %mul3A_660 : i32
        %add3A_662 = arith.constant 512 : i32
        %add3A_663 = arith.addi %mul3A_661, %add3A_662 : i32
        %add3A_664 = vector.broadcast %add3A_663 : i32 to vector<8x128xi32>
        %add3A_665 = arith.addi %add3A_664, %iota3A : vector<8x128xi32>
        %eq3A_666 = vector.broadcast %broadcast_in_dim3A_491 : vector<8x1xi32> to vector<8x128xi32>
        %eq3A_667 = arith.cmpi eq, %add3A_665, %eq3A_666 : vector<8x128xi32>
        %jit3A_668 = arith.constant -3.000000e+38 : f32
        %broadcast_in_dim3A_669 = vector.broadcast %jit3A_668 : f32 to vector<8x128xf32>
        %select_n3A_670 = arith.select %eq3A_667, %broadcast_in_dim3A_669, %get3A_659 : vector<8x128xi1>, vector<8x128xf32>
        %swap3A_671 = arith.index_cast %scan3A_555 : i32 to index
        %swap3A_672 = arith.constant 0 : index
        %swap3A_673 = arith.constant 512 : index
        %swap3A_674 = vector.load %arg4[%swap3A_671, %swap3A_672, %swap3A_673] : memref<8x8x1024xf32, #tpu.memory_space<vmem>>, vector<1x8x128xf32>
        %swap3A_675 = vector.shape_cast %swap3A_674 : vector<1x8x128xf32> to vector<8x128xf32>
        %swap3A_676 = vector.shape_cast %select_n3A_670 : vector<8x128xf32> to vector<1x8x128xf32>
        tpu.vector_store %arg4[%swap3A_671, %swap3A_672, %swap3A_673], %swap3A_676 {strides = array<i32>} : memref<8x8x1024xf32, #tpu.memory_space<vmem>>, vector<1x8x128xf32>,
        %gt3A_677 = arith.cmpf ogt, %select_n3A_670, %select_n3A_653 : vector<8x128xf32>
        %select_n3A_678 = arith.select %gt3A_677, %select_n3A_670, %select_n3A_653 : vector<8x128xi1>, vector<8x128xf32>
        %select_n3A_679 = arith.select %gt3A_677, %add3A_665, %select_n3A_654 : vector<8x128xi1>, vector<8x128xi32>
        %get3A_680 = arith.index_cast %scan3A_555 : i32 to index
        %get3A_681 = arith.constant 0 : index
        %get3A_682 = arith.constant 640 : index
        %get3A_683 = vector.load %arg4[%get3A_680, %get3A_681, %get3A_682] : memref<8x8x1024xf32, #tpu.memory_space<vmem>>, vector<1x8x128xf32>
        %get3A_684 = vector.shape_cast %get3A_683 : vector<1x8x128xf32> to vector<8x128xf32>
        %mul3A_685 = arith.constant 1024 : i32
        %mul3A_686 = arith.muli %scan3A_555, %mul3A_685 : i32
        %add3A_687 = arith.constant 640 : i32
        %add3A_688 = arith.addi %mul3A_686, %add3A_687 : i32
        %add3A_689 = vector.broadcast %add3A_688 : i32 to vector<8x128xi32>
        %add3A_690 = arith.addi %add3A_689, %iota3A : vector<8x128xi32>
        %eq3A_691 = vector.broadcast %broadcast_in_dim3A_491 : vector<8x1xi32> to vector<8x128xi32>
        %eq3A_692 = arith.cmpi eq, %add3A_690, %eq3A_691 : vector<8x128xi32>
        %jit3A_693 = arith.constant -3.000000e+38 : f32
        %broadcast_in_dim3A_694 = vector.broadcast %jit3A_693 : f32 to vector<8x128xf32>
        %select_n3A_695 = arith.select %eq3A_692, %broadcast_in_dim3A_694, %get3A_684 : vector<8x128xi1>, vector<8x128xf32>
        %swap3A_696 = arith.index_cast %scan3A_555 : i32 to index
        %swap3A_697 = arith.constant 0 : index
        %swap3A_698 = arith.constant 640 : index
        %swap3A_699 = vector.load %arg4[%swap3A_696, %swap3A_697, %swap3A_698] : memref<8x8x1024xf32, #tpu.memory_space<vmem>>, vector<1x8x128xf32>
        %swap3A_700 = vector.shape_cast %swap3A_699 : vector<1x8x128xf32> to vector<8x128xf32>
        %swap3A_701 = vector.shape_cast %select_n3A_695 : vector<8x128xf32> to vector<1x8x128xf32>
        tpu.vector_store %arg4[%swap3A_696, %swap3A_697, %swap3A_698], %swap3A_701 {strides = array<i32>} : memref<8x8x1024xf32, #tpu.memory_space<vmem>>, vector<1x8x128xf32>,
        %gt3A_702 = arith.cmpf ogt, %select_n3A_695, %select_n3A_678 : vector<8x128xf32>
        %select_n3A_703 = arith.select %gt3A_702, %select_n3A_695, %select_n3A_678 : vector<8x128xi1>, vector<8x128xf32>
        %select_n3A_704 = arith.select %gt3A_702, %add3A_690, %select_n3A_679 : vector<8x128xi1>, vector<8x128xi32>
        %get3A_705 = arith.index_cast %scan3A_555 : i32 to index
        %get3A_706 = arith.constant 0 : index
        %get3A_707 = arith.constant 768 : index
        %get3A_708 = vector.load %arg4[%get3A_705, %get3A_706, %get3A_707] : memref<8x8x1024xf32, #tpu.memory_space<vmem>>, vector<1x8x128xf32>
        %get3A_709 = vector.shape_cast %get3A_708 : vector<1x8x128xf32> to vector<8x128xf32>
        %mul3A_710 = arith.constant 1024 : i32
        %mul3A_711 = arith.muli %scan3A_555, %mul3A_710 : i32
        %add3A_712 = arith.constant 768 : i32
        %add3A_713 = arith.addi %mul3A_711, %add3A_712 : i32
        %add3A_714 = vector.broadcast %add3A_713 : i32 to vector<8x128xi32>
        %add3A_715 = arith.addi %add3A_714, %iota3A : vector<8x128xi32>
        %eq3A_716 = vector.broadcast %broadcast_in_dim3A_491 : vector<8x1xi32> to vector<8x128xi32>
        %eq3A_717 = arith.cmpi eq, %add3A_715, %eq3A_716 : vector<8x128xi32>
        %jit3A_718 = arith.constant -3.000000e+38 : f32
        %broadcast_in_dim3A_719 = vector.broadcast %jit3A_718 : f32 to vector<8x128xf32>
        %select_n3A_720 = arith.select %eq3A_717, %broadcast_in_dim3A_719, %get3A_709 : vector<8x128xi1>, vector<8x128xf32>
        %swap3A_721 = arith.index_cast %scan3A_555 : i32 to index
        %swap3A_722 = arith.constant 0 : index
        %swap3A_723 = arith.constant 768 : index
        %swap3A_724 = vector.load %arg4[%swap3A_721, %swap3A_722, %swap3A_723] : memref<8x8x1024xf32, #tpu.memory_space<vmem>>, vector<1x8x128xf32>
        %swap3A_725 = vector.shape_cast %swap3A_724 : vector<1x8x128xf32> to vector<8x128xf32>
        %swap3A_726 = vector.shape_cast %select_n3A_720 : vector<8x128xf32> to vector<1x8x128xf32>
        tpu.vector_store %arg4[%swap3A_721, %swap3A_722, %swap3A_723], %swap3A_726 {strides = array<i32>} : memref<8x8x1024xf32, #tpu.memory_space<vmem>>, vector<1x8x128xf32>,
        %gt3A_727 = arith.cmpf ogt, %select_n3A_720, %select_n3A_703 : vector<8x128xf32>
        %select_n3A_728 = arith.select %gt3A_727, %select_n3A_720, %select_n3A_703 : vector<8x128xi1>, vector<8x128xf32>
        %select_n3A_729 = arith.select %gt3A_727, %add3A_715, %select_n3A_704 : vector<8x128xi1>, vector<8x128xi32>
        %get3A_730 = arith.index_cast %scan3A_555 : i32 to index
        %get3A_731 = arith.constant 0 : index
        %get3A_732 = arith.constant 896 : index
        %get3A_733 = vector.load %arg4[%get3A_730, %get3A_731, %get3A_732] : memref<8x8x1024xf32, #tpu.memory_space<vmem>>, vector<1x8x128xf32>
        %get3A_734 = vector.shape_cast %get3A_733 : vector<1x8x128xf32> to vector<8x128xf32>
        %mul3A_735 = arith.constant 1024 : i32
        %mul3A_736 = arith.muli %scan3A_555, %mul3A_735 : i32
        %add3A_737 = arith.constant 896 : i32
        %add3A_738 = arith.addi %mul3A_736, %add3A_737 : i32
        %add3A_739 = vector.broadcast %add3A_738 : i32 to vector<8x128xi32>
        %add3A_740 = arith.addi %add3A_739, %iota3A : vector<8x128xi32>
        %eq3A_741 = vector.broadcast %broadcast_in_dim3A_491 : vector<8x1xi32> to vector<8x128xi32>
        %eq3A_742 = arith.cmpi eq, %add3A_740, %eq3A_741 : vector<8x128xi32>
        %jit3A_743 = arith.constant -3.000000e+38 : f32
        %broadcast_in_dim3A_744 = vector.broadcast %jit3A_743 : f32 to vector<8x128xf32>
        %select_n3A_745 = arith.select %eq3A_742, %broadcast_in_dim3A_744, %get3A_734 : vector<8x128xi1>, vector<8x128xf32>
        %swap3A_746 = arith.index_cast %scan3A_555 : i32 to index
        %swap3A_747 = arith.constant 0 : index
        %swap3A_748 = arith.constant 896 : index
        %swap3A_749 = vector.load %arg4[%swap3A_746, %swap3A_747, %swap3A_748] : memref<8x8x1024xf32, #tpu.memory_space<vmem>>, vector<1x8x128xf32>
        %swap3A_750 = vector.shape_cast %swap3A_749 : vector<1x8x128xf32> to vector<8x128xf32>
        %swap3A_751 = vector.shape_cast %select_n3A_745 : vector<8x128xf32> to vector<1x8x128xf32>
        tpu.vector_store %arg4[%swap3A_746, %swap3A_747, %swap3A_748], %swap3A_751 {strides = array<i32>} : memref<8x8x1024xf32, #tpu.memory_space<vmem>>, vector<1x8x128xf32>,
        %gt3A_752 = arith.cmpf ogt, %select_n3A_745, %select_n3A_728 : vector<8x128xf32>
        %select_n3A_753 = arith.select %gt3A_752, %select_n3A_745, %select_n3A_728 : vector<8x128xi1>, vector<8x128xf32>
        %select_n3A_754 = arith.select %gt3A_752, %add3A_740, %select_n3A_729 : vector<8x128xi1>, vector<8x128xi32>
        scf.yield %select_n3A_753, %select_n3A_754 : vector<8x128xf32>, vector<8x128xi32>
      }
      %scan3A_507 = arith.constant 8 : i32
      %reduce_max3A_508 = arith.constant dense<0xFF800000> : vector<8xf32>
      %reduce_max3A_509 = vector.multi_reduction <maximumf>, %scan3A_506#0, %reduce_max3A_508 [1] : vector<8x128xf32> to vector<8xf32>
      %broadcast_in_dim3A_510 = vector.shape_cast %reduce_max3A_509 : vector<8xf32> to vector<8x1xf32>
      %eq3A_511 = vector.broadcast %broadcast_in_dim3A_510 : vector<8x1xf32> to vector<8x128xf32>
      %eq3A_512 = arith.cmpf oeq, %scan3A_506#0, %eq3A_511 : vector<8x128xf32>
      %jit3A_513 = arith.constant 8192 : i32
      %broadcast_in_dim3A_514 = vector.broadcast %jit3A_513 : i32 to vector<8x128xi32>
      %select_n3A_515 = arith.select %eq3A_512, %scan3A_506#1, %broadcast_in_dim3A_514 : vector<8x128xi1>, vector<8x128xi32>
      %reduce_min3A_516 = arith.constant dense<2147483647> : vector<8xi32>
      %reduce_min3A_517 = vector.multi_reduction <minsi>, %select_n3A_515, %reduce_min3A_516 [1] : vector<8x128xi32> to vector<8xi32>
      %broadcast_in_dim3A_518 = vector.shape_cast %reduce_min3A_517 : vector<8xi32> to vector<8x1xi32>
      %eq3A_519 = arith.constant 18 : i32
      %eq3A_520 = vector.broadcast %eq3A_519 : i32 to vector<8x32xi32>
      %eq3A_521 = arith.cmpi eq, %iota3A_13, %eq3A_520 : vector<8x32xi32>
      %broadcast_in_dim3A_522 = vector.shape_cast %broadcast_in_dim3A_518 : vector<8x1xi32> to vector<8x1xi32>
      %broadcast_in_dim3A_523 = vector.broadcast %broadcast_in_dim3A_522 : vector<8x1xi32> to vector<8x32xi32>
      %select_n3A_524 = arith.select %eq3A_521, %broadcast_in_dim3A_523, %select_n3A_497 : vector<8x32xi1>, vector<8x32xi32>
      %broadcast_in_dim3A_525 = arith.constant -3.000000e+38 : f32
      %broadcast_in_dim3A_526 = vector.broadcast %broadcast_in_dim3A_525 : f32 to vector<8x128xf32>
      %broadcast_in_dim3A_527 = arith.constant 0 : i32
      %broadcast_in_dim3A_528 = vector.broadcast %broadcast_in_dim3A_527 : i32 to vector<8x128xi32>
      %scan3A_529 = arith.constant 0 : i32
      %scan3A_530 = arith.constant 8 : i32
      %scan3A_531 = arith.addi %scan3A_529, %scan3A_530 : i32
      %scan3A_532 = arith.constant 1 : i32
      %scan3A_533:2 = scf.for %scan3A_555 = %scan3A_529 to %scan3A_531 step %scan3A_532 iter_args(%scan3A_556 = %broadcast_in_dim3A_526, %scan3A_557 = %broadcast_in_dim3A_528) -> (vector<8x128xf32>, vector<8x128xi32>)  : i32 {
        %get3A_558 = arith.index_cast %scan3A_555 : i32 to index
        %get3A_559 = arith.constant 0 : index
        %get3A_560 = arith.constant 0 : index
        %get3A_561 = vector.load %arg4[%get3A_558, %get3A_559, %get3A_560] : memref<8x8x1024xf32, #tpu.memory_space<vmem>>, vector<1x8x128xf32>
        %get3A_562 = vector.shape_cast %get3A_561 : vector<1x8x128xf32> to vector<8x128xf32>
        %mul3A = arith.constant 1024 : i32
        %mul3A_563 = arith.muli %scan3A_555, %mul3A : i32
        %add3A = arith.constant 0 : i32
        %add3A_564 = arith.addi %mul3A_563, %add3A : i32
        %add3A_565 = vector.broadcast %add3A_564 : i32 to vector<8x128xi32>
        %add3A_566 = arith.addi %add3A_565, %iota3A : vector<8x128xi32>
        %eq3A_567 = vector.broadcast %broadcast_in_dim3A_518 : vector<8x1xi32> to vector<8x128xi32>
        %eq3A_568 = arith.cmpi eq, %add3A_566, %eq3A_567 : vector<8x128xi32>
        %jit3A_569 = arith.constant -3.000000e+38 : f32
        %broadcast_in_dim3A_570 = vector.broadcast %jit3A_569 : f32 to vector<8x128xf32>
        %select_n3A_571 = arith.select %eq3A_568, %broadcast_in_dim3A_570, %get3A_562 : vector<8x128xi1>, vector<8x128xf32>
        %swap3A_572 = arith.index_cast %scan3A_555 : i32 to index
        %swap3A_573 = arith.constant 0 : index
        %swap3A_574 = arith.constant 0 : index
        %swap3A_575 = vector.load %arg4[%swap3A_572, %swap3A_573, %swap3A_574] : memref<8x8x1024xf32, #tpu.memory_space<vmem>>, vector<1x8x128xf32>
        %swap3A_576 = vector.shape_cast %swap3A_575 : vector<1x8x128xf32> to vector<8x128xf32>
        %swap3A_577 = vector.shape_cast %select_n3A_571 : vector<8x128xf32> to vector<1x8x128xf32>
        tpu.vector_store %arg4[%swap3A_572, %swap3A_573, %swap3A_574], %swap3A_577 {strides = array<i32>} : memref<8x8x1024xf32, #tpu.memory_space<vmem>>, vector<1x8x128xf32>,
        %gt3A = arith.cmpf ogt, %select_n3A_571, %scan3A_556 : vector<8x128xf32>
        %select_n3A_578 = arith.select %gt3A, %select_n3A_571, %scan3A_556 : vector<8x128xi1>, vector<8x128xf32>
        %select_n3A_579 = arith.select %gt3A, %add3A_566, %scan3A_557 : vector<8x128xi1>, vector<8x128xi32>
        %get3A_580 = arith.index_cast %scan3A_555 : i32 to index
        %get3A_581 = arith.constant 0 : index
        %get3A_582 = arith.constant 128 : index
        %get3A_583 = vector.load %arg4[%get3A_580, %get3A_581, %get3A_582] : memref<8x8x1024xf32, #tpu.memory_space<vmem>>, vector<1x8x128xf32>
        %get3A_584 = vector.shape_cast %get3A_583 : vector<1x8x128xf32> to vector<8x128xf32>
        %mul3A_585 = arith.constant 1024 : i32
        %mul3A_586 = arith.muli %scan3A_555, %mul3A_585 : i32
        %add3A_587 = arith.constant 128 : i32
        %add3A_588 = arith.addi %mul3A_586, %add3A_587 : i32
        %add3A_589 = vector.broadcast %add3A_588 : i32 to vector<8x128xi32>
        %add3A_590 = arith.addi %add3A_589, %iota3A : vector<8x128xi32>
        %eq3A_591 = vector.broadcast %broadcast_in_dim3A_518 : vector<8x1xi32> to vector<8x128xi32>
        %eq3A_592 = arith.cmpi eq, %add3A_590, %eq3A_591 : vector<8x128xi32>
        %jit3A_593 = arith.constant -3.000000e+38 : f32
        %broadcast_in_dim3A_594 = vector.broadcast %jit3A_593 : f32 to vector<8x128xf32>
        %select_n3A_595 = arith.select %eq3A_592, %broadcast_in_dim3A_594, %get3A_584 : vector<8x128xi1>, vector<8x128xf32>
        %swap3A_596 = arith.index_cast %scan3A_555 : i32 to index
        %swap3A_597 = arith.constant 0 : index
        %swap3A_598 = arith.constant 128 : index
        %swap3A_599 = vector.load %arg4[%swap3A_596, %swap3A_597, %swap3A_598] : memref<8x8x1024xf32, #tpu.memory_space<vmem>>, vector<1x8x128xf32>
        %swap3A_600 = vector.shape_cast %swap3A_599 : vector<1x8x128xf32> to vector<8x128xf32>
        %swap3A_601 = vector.shape_cast %select_n3A_595 : vector<8x128xf32> to vector<1x8x128xf32>
        tpu.vector_store %arg4[%swap3A_596, %swap3A_597, %swap3A_598], %swap3A_601 {strides = array<i32>} : memref<8x8x1024xf32, #tpu.memory_space<vmem>>, vector<1x8x128xf32>,
        %gt3A_602 = arith.cmpf ogt, %select_n3A_595, %select_n3A_578 : vector<8x128xf32>
        %select_n3A_603 = arith.select %gt3A_602, %select_n3A_595, %select_n3A_578 : vector<8x128xi1>, vector<8x128xf32>
        %select_n3A_604 = arith.select %gt3A_602, %add3A_590, %select_n3A_579 : vector<8x128xi1>, vector<8x128xi32>
        %get3A_605 = arith.index_cast %scan3A_555 : i32 to index
        %get3A_606 = arith.constant 0 : index
        %get3A_607 = arith.constant 256 : index
        %get3A_608 = vector.load %arg4[%get3A_605, %get3A_606, %get3A_607] : memref<8x8x1024xf32, #tpu.memory_space<vmem>>, vector<1x8x128xf32>
        %get3A_609 = vector.shape_cast %get3A_608 : vector<1x8x128xf32> to vector<8x128xf32>
        %mul3A_610 = arith.constant 1024 : i32
        %mul3A_611 = arith.muli %scan3A_555, %mul3A_610 : i32
        %add3A_612 = arith.constant 256 : i32
        %add3A_613 = arith.addi %mul3A_611, %add3A_612 : i32
        %add3A_614 = vector.broadcast %add3A_613 : i32 to vector<8x128xi32>
        %add3A_615 = arith.addi %add3A_614, %iota3A : vector<8x128xi32>
        %eq3A_616 = vector.broadcast %broadcast_in_dim3A_518 : vector<8x1xi32> to vector<8x128xi32>
        %eq3A_617 = arith.cmpi eq, %add3A_615, %eq3A_616 : vector<8x128xi32>
        %jit3A_618 = arith.constant -3.000000e+38 : f32
        %broadcast_in_dim3A_619 = vector.broadcast %jit3A_618 : f32 to vector<8x128xf32>
        %select_n3A_620 = arith.select %eq3A_617, %broadcast_in_dim3A_619, %get3A_609 : vector<8x128xi1>, vector<8x128xf32>
        %swap3A_621 = arith.index_cast %scan3A_555 : i32 to index
        %swap3A_622 = arith.constant 0 : index
        %swap3A_623 = arith.constant 256 : index
        %swap3A_624 = vector.load %arg4[%swap3A_621, %swap3A_622, %swap3A_623] : memref<8x8x1024xf32, #tpu.memory_space<vmem>>, vector<1x8x128xf32>
        %swap3A_625 = vector.shape_cast %swap3A_624 : vector<1x8x128xf32> to vector<8x128xf32>
        %swap3A_626 = vector.shape_cast %select_n3A_620 : vector<8x128xf32> to vector<1x8x128xf32>
        tpu.vector_store %arg4[%swap3A_621, %swap3A_622, %swap3A_623], %swap3A_626 {strides = array<i32>} : memref<8x8x1024xf32, #tpu.memory_space<vmem>>, vector<1x8x128xf32>,
        %gt3A_627 = arith.cmpf ogt, %select_n3A_620, %select_n3A_603 : vector<8x128xf32>
        %select_n3A_628 = arith.select %gt3A_627, %select_n3A_620, %select_n3A_603 : vector<8x128xi1>, vector<8x128xf32>
        %select_n3A_629 = arith.select %gt3A_627, %add3A_615, %select_n3A_604 : vector<8x128xi1>, vector<8x128xi32>
        %get3A_630 = arith.index_cast %scan3A_555 : i32 to index
        %get3A_631 = arith.constant 0 : index
        %get3A_632 = arith.constant 384 : index
        %get3A_633 = vector.load %arg4[%get3A_630, %get3A_631, %get3A_632] : memref<8x8x1024xf32, #tpu.memory_space<vmem>>, vector<1x8x128xf32>
        %get3A_634 = vector.shape_cast %get3A_633 : vector<1x8x128xf32> to vector<8x128xf32>
        %mul3A_635 = arith.constant 1024 : i32
        %mul3A_636 = arith.muli %scan3A_555, %mul3A_635 : i32
        %add3A_637 = arith.constant 384 : i32
        %add3A_638 = arith.addi %mul3A_636, %add3A_637 : i32
        %add3A_639 = vector.broadcast %add3A_638 : i32 to vector<8x128xi32>
        %add3A_640 = arith.addi %add3A_639, %iota3A : vector<8x128xi32>
        %eq3A_641 = vector.broadcast %broadcast_in_dim3A_518 : vector<8x1xi32> to vector<8x128xi32>
        %eq3A_642 = arith.cmpi eq, %add3A_640, %eq3A_641 : vector<8x128xi32>
        %jit3A_643 = arith.constant -3.000000e+38 : f32
        %broadcast_in_dim3A_644 = vector.broadcast %jit3A_643 : f32 to vector<8x128xf32>
        %select_n3A_645 = arith.select %eq3A_642, %broadcast_in_dim3A_644, %get3A_634 : vector<8x128xi1>, vector<8x128xf32>
        %swap3A_646 = arith.index_cast %scan3A_555 : i32 to index
        %swap3A_647 = arith.constant 0 : index
        %swap3A_648 = arith.constant 384 : index
        %swap3A_649 = vector.load %arg4[%swap3A_646, %swap3A_647, %swap3A_648] : memref<8x8x1024xf32, #tpu.memory_space<vmem>>, vector<1x8x128xf32>
        %swap3A_650 = vector.shape_cast %swap3A_649 : vector<1x8x128xf32> to vector<8x128xf32>
        %swap3A_651 = vector.shape_cast %select_n3A_645 : vector<8x128xf32> to vector<1x8x128xf32>
        tpu.vector_store %arg4[%swap3A_646, %swap3A_647, %swap3A_648], %swap3A_651 {strides = array<i32>} : memref<8x8x1024xf32, #tpu.memory_space<vmem>>, vector<1x8x128xf32>,
        %gt3A_652 = arith.cmpf ogt, %select_n3A_645, %select_n3A_628 : vector<8x128xf32>
        %select_n3A_653 = arith.select %gt3A_652, %select_n3A_645, %select_n3A_628 : vector<8x128xi1>, vector<8x128xf32>
        %select_n3A_654 = arith.select %gt3A_652, %add3A_640, %select_n3A_629 : vector<8x128xi1>, vector<8x128xi32>
        %get3A_655 = arith.index_cast %scan3A_555 : i32 to index
        %get3A_656 = arith.constant 0 : index
        %get3A_657 = arith.constant 512 : index
        %get3A_658 = vector.load %arg4[%get3A_655, %get3A_656, %get3A_657] : memref<8x8x1024xf32, #tpu.memory_space<vmem>>, vector<1x8x128xf32>
        %get3A_659 = vector.shape_cast %get3A_658 : vector<1x8x128xf32> to vector<8x128xf32>
        %mul3A_660 = arith.constant 1024 : i32
        %mul3A_661 = arith.muli %scan3A_555, %mul3A_660 : i32
        %add3A_662 = arith.constant 512 : i32
        %add3A_663 = arith.addi %mul3A_661, %add3A_662 : i32
        %add3A_664 = vector.broadcast %add3A_663 : i32 to vector<8x128xi32>
        %add3A_665 = arith.addi %add3A_664, %iota3A : vector<8x128xi32>
        %eq3A_666 = vector.broadcast %broadcast_in_dim3A_518 : vector<8x1xi32> to vector<8x128xi32>
        %eq3A_667 = arith.cmpi eq, %add3A_665, %eq3A_666 : vector<8x128xi32>
        %jit3A_668 = arith.constant -3.000000e+38 : f32
        %broadcast_in_dim3A_669 = vector.broadcast %jit3A_668 : f32 to vector<8x128xf32>
        %select_n3A_670 = arith.select %eq3A_667, %broadcast_in_dim3A_669, %get3A_659 : vector<8x128xi1>, vector<8x128xf32>
        %swap3A_671 = arith.index_cast %scan3A_555 : i32 to index
        %swap3A_672 = arith.constant 0 : index
        %swap3A_673 = arith.constant 512 : index
        %swap3A_674 = vector.load %arg4[%swap3A_671, %swap3A_672, %swap3A_673] : memref<8x8x1024xf32, #tpu.memory_space<vmem>>, vector<1x8x128xf32>
        %swap3A_675 = vector.shape_cast %swap3A_674 : vector<1x8x128xf32> to vector<8x128xf32>
        %swap3A_676 = vector.shape_cast %select_n3A_670 : vector<8x128xf32> to vector<1x8x128xf32>
        tpu.vector_store %arg4[%swap3A_671, %swap3A_672, %swap3A_673], %swap3A_676 {strides = array<i32>} : memref<8x8x1024xf32, #tpu.memory_space<vmem>>, vector<1x8x128xf32>,
        %gt3A_677 = arith.cmpf ogt, %select_n3A_670, %select_n3A_653 : vector<8x128xf32>
        %select_n3A_678 = arith.select %gt3A_677, %select_n3A_670, %select_n3A_653 : vector<8x128xi1>, vector<8x128xf32>
        %select_n3A_679 = arith.select %gt3A_677, %add3A_665, %select_n3A_654 : vector<8x128xi1>, vector<8x128xi32>
        %get3A_680 = arith.index_cast %scan3A_555 : i32 to index
        %get3A_681 = arith.constant 0 : index
        %get3A_682 = arith.constant 640 : index
        %get3A_683 = vector.load %arg4[%get3A_680, %get3A_681, %get3A_682] : memref<8x8x1024xf32, #tpu.memory_space<vmem>>, vector<1x8x128xf32>
        %get3A_684 = vector.shape_cast %get3A_683 : vector<1x8x128xf32> to vector<8x128xf32>
        %mul3A_685 = arith.constant 1024 : i32
        %mul3A_686 = arith.muli %scan3A_555, %mul3A_685 : i32
        %add3A_687 = arith.constant 640 : i32
        %add3A_688 = arith.addi %mul3A_686, %add3A_687 : i32
        %add3A_689 = vector.broadcast %add3A_688 : i32 to vector<8x128xi32>
        %add3A_690 = arith.addi %add3A_689, %iota3A : vector<8x128xi32>
        %eq3A_691 = vector.broadcast %broadcast_in_dim3A_518 : vector<8x1xi32> to vector<8x128xi32>
        %eq3A_692 = arith.cmpi eq, %add3A_690, %eq3A_691 : vector<8x128xi32>
        %jit3A_693 = arith.constant -3.000000e+38 : f32
        %broadcast_in_dim3A_694 = vector.broadcast %jit3A_693 : f32 to vector<8x128xf32>
        %select_n3A_695 = arith.select %eq3A_692, %broadcast_in_dim3A_694, %get3A_684 : vector<8x128xi1>, vector<8x128xf32>
        %swap3A_696 = arith.index_cast %scan3A_555 : i32 to index
        %swap3A_697 = arith.constant 0 : index
        %swap3A_698 = arith.constant 640 : index
        %swap3A_699 = vector.load %arg4[%swap3A_696, %swap3A_697, %swap3A_698] : memref<8x8x1024xf32, #tpu.memory_space<vmem>>, vector<1x8x128xf32>
        %swap3A_700 = vector.shape_cast %swap3A_699 : vector<1x8x128xf32> to vector<8x128xf32>
        %swap3A_701 = vector.shape_cast %select_n3A_695 : vector<8x128xf32> to vector<1x8x128xf32>
        tpu.vector_store %arg4[%swap3A_696, %swap3A_697, %swap3A_698], %swap3A_701 {strides = array<i32>} : memref<8x8x1024xf32, #tpu.memory_space<vmem>>, vector<1x8x128xf32>,
        %gt3A_702 = arith.cmpf ogt, %select_n3A_695, %select_n3A_678 : vector<8x128xf32>
        %select_n3A_703 = arith.select %gt3A_702, %select_n3A_695, %select_n3A_678 : vector<8x128xi1>, vector<8x128xf32>
        %select_n3A_704 = arith.select %gt3A_702, %add3A_690, %select_n3A_679 : vector<8x128xi1>, vector<8x128xi32>
        %get3A_705 = arith.index_cast %scan3A_555 : i32 to index
        %get3A_706 = arith.constant 0 : index
        %get3A_707 = arith.constant 768 : index
        %get3A_708 = vector.load %arg4[%get3A_705, %get3A_706, %get3A_707] : memref<8x8x1024xf32, #tpu.memory_space<vmem>>, vector<1x8x128xf32>
        %get3A_709 = vector.shape_cast %get3A_708 : vector<1x8x128xf32> to vector<8x128xf32>
        %mul3A_710 = arith.constant 1024 : i32
        %mul3A_711 = arith.muli %scan3A_555, %mul3A_710 : i32
        %add3A_712 = arith.constant 768 : i32
        %add3A_713 = arith.addi %mul3A_711, %add3A_712 : i32
        %add3A_714 = vector.broadcast %add3A_713 : i32 to vector<8x128xi32>
        %add3A_715 = arith.addi %add3A_714, %iota3A : vector<8x128xi32>
        %eq3A_716 = vector.broadcast %broadcast_in_dim3A_518 : vector<8x1xi32> to vector<8x128xi32>
        %eq3A_717 = arith.cmpi eq, %add3A_715, %eq3A_716 : vector<8x128xi32>
        %jit3A_718 = arith.constant -3.000000e+38 : f32
        %broadcast_in_dim3A_719 = vector.broadcast %jit3A_718 : f32 to vector<8x128xf32>
        %select_n3A_720 = arith.select %eq3A_717, %broadcast_in_dim3A_719, %get3A_709 : vector<8x128xi1>, vector<8x128xf32>
        %swap3A_721 = arith.index_cast %scan3A_555 : i32 to index
        %swap3A_722 = arith.constant 0 : index
        %swap3A_723 = arith.constant 768 : index
        %swap3A_724 = vector.load %arg4[%swap3A_721, %swap3A_722, %swap3A_723] : memref<8x8x1024xf32, #tpu.memory_space<vmem>>, vector<1x8x128xf32>
        %swap3A_725 = vector.shape_cast %swap3A_724 : vector<1x8x128xf32> to vector<8x128xf32>
        %swap3A_726 = vector.shape_cast %select_n3A_720 : vector<8x128xf32> to vector<1x8x128xf32>
        tpu.vector_store %arg4[%swap3A_721, %swap3A_722, %swap3A_723], %swap3A_726 {strides = array<i32>} : memref<8x8x1024xf32, #tpu.memory_space<vmem>>, vector<1x8x128xf32>,
        %gt3A_727 = arith.cmpf ogt, %select_n3A_720, %select_n3A_703 : vector<8x128xf32>
        %select_n3A_728 = arith.select %gt3A_727, %select_n3A_720, %select_n3A_703 : vector<8x128xi1>, vector<8x128xf32>
        %select_n3A_729 = arith.select %gt3A_727, %add3A_715, %select_n3A_704 : vector<8x128xi1>, vector<8x128xi32>
        %get3A_730 = arith.index_cast %scan3A_555 : i32 to index
        %get3A_731 = arith.constant 0 : index
        %get3A_732 = arith.constant 896 : index
        %get3A_733 = vector.load %arg4[%get3A_730, %get3A_731, %get3A_732] : memref<8x8x1024xf32, #tpu.memory_space<vmem>>, vector<1x8x128xf32>
        %get3A_734 = vector.shape_cast %get3A_733 : vector<1x8x128xf32> to vector<8x128xf32>
        %mul3A_735 = arith.constant 1024 : i32
        %mul3A_736 = arith.muli %scan3A_555, %mul3A_735 : i32
        %add3A_737 = arith.constant 896 : i32
        %add3A_738 = arith.addi %mul3A_736, %add3A_737 : i32
        %add3A_739 = vector.broadcast %add3A_738 : i32 to vector<8x128xi32>
        %add3A_740 = arith.addi %add3A_739, %iota3A : vector<8x128xi32>
        %eq3A_741 = vector.broadcast %broadcast_in_dim3A_518 : vector<8x1xi32> to vector<8x128xi32>
        %eq3A_742 = arith.cmpi eq, %add3A_740, %eq3A_741 : vector<8x128xi32>
        %jit3A_743 = arith.constant -3.000000e+38 : f32
        %broadcast_in_dim3A_744 = vector.broadcast %jit3A_743 : f32 to vector<8x128xf32>
        %select_n3A_745 = arith.select %eq3A_742, %broadcast_in_dim3A_744, %get3A_734 : vector<8x128xi1>, vector<8x128xf32>
        %swap3A_746 = arith.index_cast %scan3A_555 : i32 to index
        %swap3A_747 = arith.constant 0 : index
        %swap3A_748 = arith.constant 896 : index
        %swap3A_749 = vector.load %arg4[%swap3A_746, %swap3A_747, %swap3A_748] : memref<8x8x1024xf32, #tpu.memory_space<vmem>>, vector<1x8x128xf32>
        %swap3A_750 = vector.shape_cast %swap3A_749 : vector<1x8x128xf32> to vector<8x128xf32>
        %swap3A_751 = vector.shape_cast %select_n3A_745 : vector<8x128xf32> to vector<1x8x128xf32>
        tpu.vector_store %arg4[%swap3A_746, %swap3A_747, %swap3A_748], %swap3A_751 {strides = array<i32>} : memref<8x8x1024xf32, #tpu.memory_space<vmem>>, vector<1x8x128xf32>,
        %gt3A_752 = arith.cmpf ogt, %select_n3A_745, %select_n3A_728 : vector<8x128xf32>
        %select_n3A_753 = arith.select %gt3A_752, %select_n3A_745, %select_n3A_728 : vector<8x128xi1>, vector<8x128xf32>
        %select_n3A_754 = arith.select %gt3A_752, %add3A_740, %select_n3A_729 : vector<8x128xi1>, vector<8x128xi32>
        scf.yield %select_n3A_753, %select_n3A_754 : vector<8x128xf32>, vector<8x128xi32>
      }
      %scan3A_534 = arith.constant 8 : i32
      %reduce_max3A_535 = arith.constant dense<0xFF800000> : vector<8xf32>
      %reduce_max3A_536 = vector.multi_reduction <maximumf>, %scan3A_533#0, %reduce_max3A_535 [1] : vector<8x128xf32> to vector<8xf32>
      %broadcast_in_dim3A_537 = vector.shape_cast %reduce_max3A_536 : vector<8xf32> to vector<8x1xf32>
      %eq3A_538 = vector.broadcast %broadcast_in_dim3A_537 : vector<8x1xf32> to vector<8x128xf32>
      %eq3A_539 = arith.cmpf oeq, %scan3A_533#0, %eq3A_538 : vector<8x128xf32>
      %jit3A_540 = arith.constant 8192 : i32
      %broadcast_in_dim3A_541 = vector.broadcast %jit3A_540 : i32 to vector<8x128xi32>
      %select_n3A_542 = arith.select %eq3A_539, %scan3A_533#1, %broadcast_in_dim3A_541 : vector<8x128xi1>, vector<8x128xi32>
      %reduce_min3A_543 = arith.constant dense<2147483647> : vector<8xi32>
      %reduce_min3A_544 = vector.multi_reduction <minsi>, %select_n3A_542, %reduce_min3A_543 [1] : vector<8x128xi32> to vector<8xi32>
      %broadcast_in_dim3A_545 = vector.shape_cast %reduce_min3A_544 : vector<8xi32> to vector<8x1xi32>
      %eq3A_546 = arith.constant 19 : i32
      %eq3A_547 = vector.broadcast %eq3A_546 : i32 to vector<8x32xi32>
      %eq3A_548 = arith.cmpi eq, %iota3A_13, %eq3A_547 : vector<8x32xi32>
      %broadcast_in_dim3A_549 = vector.shape_cast %broadcast_in_dim3A_545 : vector<8x1xi32> to vector<8x1xi32>
      %broadcast_in_dim3A_550 = vector.broadcast %broadcast_in_dim3A_549 : vector<8x1xi32> to vector<8x32xi32>
      %select_n3A_551 = arith.select %eq3A_548, %broadcast_in_dim3A_550, %select_n3A_524 : vector<8x32xi1>, vector<8x32xi32>
      %swap3A_552 = arith.constant 0 : index
      %swap3A_553 = arith.constant 0 : index
      %swap3A_554 = vector.load %arg3[%swap3A_552, %swap3A_553] : memref<8x32xi32, #tpu.memory_space<vmem>>, vector<8x32xi32>
      tpu.vector_store %arg3[%swap3A_552, %swap3A_553], %select_n3A_551 {strides = array<i32>} : memref<8x32xi32, #tpu.memory_space<vmem>>, vector<8x32xi32>,
    } else {
    }
    return
  }
  func.func @transform_0(%arg0: i32) -> (i32, i32) {
    %c0_i32 = arith.constant 0 : i32
    %c0_i32_0 = arith.constant 0 : i32
    %c0_i32_1 = arith.constant 0 : i32
    return %c0_i32, %c0_i32_0 : i32, i32
  }
  func.func @transform_1(%arg0: i32) -> (i32, i32) {
    %c0_i32 = arith.constant 0 : i32
    %c0_i32_0 = arith.constant 0 : i32
    return %arg0, %c0_i32 : i32, i32
  }
  func.func @transform_2(%arg0: i32) -> (i32, i32) {
    %c0_i32 = arith.constant 0 : i32
    %c0_i32_0 = arith.constant 0 : i32
    %c0_i32_1 = arith.constant 0 : i32
    return %c0_i32, %c0_i32_0 : i32, i32
  }
}

</mosaic_0001>

<sc_bundles>
// kernel: kernel.5.cloned.1.call-start
scs
__scs_entry_jumppad:
0x0: {  	(pc) =	sbr.rel $0x88, $3  }
0x1: {  	(tag) =	ssettag $0x0;
	lr =	simm.s32 $0x1  }
0x2: {  	[smem:$0x3F9E] =	sst lr;
	_ =	strace $0xD0000000  }
0x3: {  	_ = 	snop  }
0x4: {  	_ = 	snop  }
0x5: {  	_ = 	snop  }
0x6: {  	_ = 	snop  }
0x7: {  	_ = 	snop  }
__scs_overlays_trampoline_lowered:
0x8: {  	[smem:$0x3FAD] =	sst s0  }
0x9: {  	[smem:$0x3FAE] =	sst s1  }
0xa: {  	[smem:$0x3FAF] =	sst s2  }
0xb: {  	[smem:$0x3FB0] =	sst s3  }
0xc: {  	[smem:$0x3FB1] =	sst s4  }
0xd: {  	[smem:$0x3FB2] =	sst s5  }
0xe: {  	[smem:$0x3FB3] =	sst s6  }
0xf: {  	[smem:$0x3FB4] =	sst s7  }
0x10: {  	[smem:$0x3FB5] =	sst s8  }
0x11: {  	[smem:$0x3FB6] =	sst s9;
	s0 =	simm.s32 @!p0 $0x0  }
0x12: {  	s1 =	sld [smem:$0x3F9C];
	s0 =	simm.s32 @p0 $0x1  }
0x13: {  	[smem:$0x3FB7] =	sst s0;
	s0 =	simm.s32 @!p1 $0x0  }
0x14: {  	s2 =	sld [smem:$0x3F9B];
	s0 =	simm.s32 @p1 $0x1  }
0x15: {  	[smem:$0x3FB8] =	sst s0;
	s0 =	simm.s32 @!p2 $0x0  }
0x16: {  	s3 =	sld [smem:$0x3FDB];
	s0 =	simm.s32 @p2 $0x1  }
0x17: {  	s4 =	simm.s32 $0x1BF5;
	[smem:$0x3FBA] =	sst s0  }
0x18: {  	s0 =	sld [smem:$0x3F9D];
	_ =	swait.ge [sflag:s4], $0x0  }
0x19: {  	s7 =	sld [smem:$0x3F9E]  }
0x1a: {  	s8 =	sadd.s32 $0xFFFFE003, lr  }
0x1b: {  	s9 =	sadd.s32 $0xFFFFFEF7, lr;
	s5 =	simm.s32 $0xFFFFFFFF;
	p2 =	slt.u32 s8, $0xFFFFF086  }
0x1c: {  	p1 =	slt.u32 s9, $0xF7A;
	s5 =	simm.s32 @!p2 $0x0  }
0x1d: {  	s5 =	simm.s32 @p1 $0x1;
	p0 =	seq.s32 s7, s2  }
0x1e: {  	s7 =	smul.u32 @!p0 $0xF7A, s2;
	p2 =	seq.s32 @!p0 s5, $0x0  }
0x1f: {  	s9 =	smul.u32 $0xF7A, s1;
	s8 =	simm.s32 @!p0 $0x1BF5;
	p2 =	por !p2, p0  }
0x20: {  	[sflag:s8] =	ssyncset.s32 @!p0 $0xFFFFF086;
	s6 =	sadd.s32 @!p0 s3, s7;
	s7 =	simm.s32 @!p0 $0x108  }
0x21: {  	s3 =	sadd.s32 s3, s9;
	s6 =	sadd.s32 @!p0 $0x88, s6;
	s7 =	simm.s32 @p2 $0x1082  }
0x22: {  	[simem:s7], [sflag:s8] =	dma.local @!p0 [hbm:s6], $0xF7A  }
0x23: {  	s9 =	sor.u32 $0xD0000000, s2;
	s6 =	simm.s32 $0x108;
	_ =	swait.ge @!p0 [sflag:s8], $0x0  }
0x24: {  	s3 =	sadd.s32 $0x88, s3;
	s6 =	simm.s32 @!p1 $0x1082;
	[sflag:s4] =	ssyncset.s32 $0xFFFFF086  }
0x25: {  	[simem:s6], [sflag:s4] =	dma.local [hbm:s3], $0xF7A  }
0x26: {  	[smem:$0x3F9E] =	sst s1;
	(tag) =	ssettag s2;
	_ =	strace s9  }
0x27: {  	s1 =	sld [smem:$0x3FAE]  }
0x28: {  	s2 =	sld [smem:$0x3FAF]  }
0x29: {  	s4 =	sld [smem:$0x3FB1]  }
0x2a: {  	p0 =	seq.s32 s5, $0x0;
	s5 =	sld [smem:$0x3FB2]  }
0x2b: {  	s6 =	sld [smem:$0x3FB3]  }
0x2c: {  	s7 =	sld [smem:$0x3FB4]  }
0x2d: {  	s3 =	simm.s32 $0x108;
	s8 =	sld [smem:$0x3FB5]  }
0x2e: {  	s3 =	simm.s32 @!p0 $0x1082;
	s9 =	sld [smem:$0x3FB6]  }
0x2f: {  	lr =	sadd.s32 s0, s3;
	s0 =	sld [smem:$0x3FAD]  }
0x30: {  	s3 =	sld [smem:$0x3FB0]  }
0x31: {  	[smem:$0x3FB9] =	sst s10  }
0x32: {  	s10 =	sld [smem:$0x3FB7];
	_ =	sdelay $0x3  }
0x33: {  	p0 =	seq.s32 s10, $0x1;
	s10 =	sld [smem:$0x3FB9];
	_ =	sdelay $0x3  }
0x34: {  	[smem:$0x3FB9] =	sst s10  }
0x35: {  	s10 =	sld [smem:$0x3FB8];
	_ =	sdelay $0x3  }
0x36: {  	p1 =	seq.s32 s10, $0x1;
	s10 =	sld [smem:$0x3FB9];
	_ =	sdelay $0x3  }
0x37: {  	[smem:$0x3FB9] =	sst s10  }
0x38: {  	s10 =	sld [smem:$0x3FBA]  }
0x39: {  	_ = 	snop;
	(pc) =	sbr.ind lr, $3  }
0x3a: {  	_ = 	snop  }
0x3b: {  	_ = 	snop  }
0x3c: {  	p2 =	seq.s32 s10, $0x1;
	s10 =	sld [smem:$0x3FB9]  }
0x3d: {  	_ =	shalt  }
0x3e: {  	_ =	shalt  }
0x3f: {  	_ =	shalt  }
0x40: {  	_ =	shalt  }
0x41: {  	_ =	shalt  }
0x42: {  	_ =	shalt  }
0x43: {  	_ =	shalt  }
0x44: {  	_ =	shalt  }
0x45: {  	_ =	shalt  }
0x46: {  	_ =	shalt  }
0x47: {  	_ =	shalt  }
0x48: {  	_ =	shalt  }
0x49: {  	_ =	shalt  }
0x4a: {  	_ =	shalt  }
0x4b: {  	_ =	shalt  }
0x4c: {  	_ =	shalt  }
0x4d: {  	_ =	shalt  }
0x4e: {  	_ =	shalt  }
0x4f: {  	_ =	shalt  }
0x50: {  	_ =	shalt  }
0x51: {  	_ =	shalt  }
0x52: {  	_ =	shalt  }
0x53: {  	_ =	shalt  }
0x54: {  	_ =	shalt  }
0x55: {  	_ =	shalt  }
0x56: {  	_ =	shalt  }
0x57: {  	_ =	shalt  }
0x58: {  	_ =	shalt  }
0x59: {  	_ =	shalt  }
0x5a: {  	_ =	shalt  }
0x5b: {  	_ =	shalt  }
0x5c: {  	_ =	shalt  }
0x5d: {  	_ =	shalt  }
0x5e: {  	_ =	shalt  }
0x5f: {  	_ =	shalt  }
0x60: {  	_ =	shalt  }
0x61: {  	_ =	shalt  }
0x62: {  	_ =	shalt  }
0x63: {  	_ =	shalt  }
0x64: {  	_ =	shalt  }
0x65: {  	_ =	shalt  }
0x66: {  	_ =	shalt  }
0x67: {  	_ =	shalt  }
0x68: {  	_ =	shalt  }
0x69: {  	_ =	shalt  }
0x6a: {  	_ =	shalt  }
0x6b: {  	_ =	shalt  }
0x6c: {  	_ =	shalt  }
0x6d: {  	_ =	shalt  }
0x6e: {  	_ =	shalt  }
0x6f: {  	_ =	shalt  }
0x70: {  	_ =	shalt  }
0x71: {  	_ =	shalt  }
0x72: {  	_ =	shalt  }
0x73: {  	_ =	shalt  }
0x74: {  	_ =	shalt  }
0x75: {  	_ =	shalt  }
0x76: {  	_ =	shalt  }
0x77: {  	_ =	shalt  }
0x78: {  	_ =	shalt  }
0x79: {  	_ =	shalt  }
0x7a: {  	_ =	shalt  }
0x7b: {  	_ =	shalt  }
0x7c: {  	_ =	shalt  }
0x7d: {  	_ =	shalt  }
0x7e: {  	_ =	shalt  }
0x7f: {  	_ =	shalt  }
0x80: {  	_ =	shalt  }
0x81: {  	_ =	shalt  }
0x82: {  	_ =	shalt  }
0x83: {  	_ =	shalt  }
0x84: {  	_ =	shalt  }
0x85: {  	_ =	shalt  }
0x86: {  	_ =	shalt  }
0x87: {  	_ =	shalt  }
.Lfunc_end0:
.L_simem_size_0:
called_computation_lowered:
.L_overlay_start_0:
0x88: {  	s2 =	sld [smem:$0x3FD9]  }
0x89: {  	s3 =	sld [smem:$0x3FFE];
	_ =	sdelay $0x1  }
0x8a: {  	s1 =	srdreg.scid  }
0x8b: {  	s0 =	sand.u32 $0x1, s1  }
0x8c: {  	s17 =	sshll.u32 s0, $0xA;
	s2 =	sadd.s32 s3, s2  }
0x8d: {  	s2 =	sadd.s32 s2, s17  }
0x8e: {  	[smem:$0x3FC5] =	sst s2  }
0x8f: {  	_ = 	snop  }
0x90: {  	s2 =	sld [smem:$0x3FC7]  }
0x91: {  	s18 =	sld [smem:$0x3FD0];
	(tm) =	ssettm $0x1  }
0x92: {  	s4 =	sld [smem:$0x3FFB];
	_ =	sdelay $0x3  }
0x93: {  	_ =	strace s4  }
0x94: {  	s4 =	sld [smem:$0x3FFC];
	_ =	sdelay $0x3  }
0x95: {  	_ =	strace s4  }
0x96: {  	s4 =	sld [smem:$0x3FFD];
	_ =	sdelay $0x3  }
0x97: {  	_ =	strace s4  }
0x98: {  	_ =	strace $0x8FFFFFFF  }
0x99: {  	s19 =	sld [smem:$0x3FDB];
	_ =	sdelay $0x1  }
0x9a: {  	s5 =	simm.s32 $_scs_section_size  }
0x9b: {  	s6 =	simm.s32 $_size__tile_overlayer_lowered;
	s7 =	simm.s32 $_tile_overlayer_lowered  }
0x9c: {  	s22 =	simm.s32 $0x1BFF;
	s21 =	sshll.u32 s7, $0x1;
	s4 =	sadd.s32 s5, s19  }
0x9d: {  	s8 =	simm.s32 $0x0;
	s20 =	sshll.u32 s6, $0x1;
	s6 =	sadd.s32 s21, s4  }
0x9e: {  	[timem:s8], [sflag:s22] =	dma.local [hbm:s6], s20  }
0x9f: {  	_ =	swait.ge [sflag:s22], s20  }
0xa0: {  	s5 =	ssub.s32 $0x0, s20;
	[sflag:s22] =	ssyncset.done $0x0  }
0xa1: {  	[sflag:s22] =	ssyncadd.s32 s5;
	_ =	sdelay $0x1  }
0xa2: {  	s23 =	simm.s32 $0x1B8B  }
0xa3: {  	_ =	swait.ge [sflag:s23], $0x1  }
0xa4: {  	[sflag:s23] =	ssyncset.done $0x0  }
0xa5: {  	s25 =	simm.s32 $0x1B8E;
	s24 =	sld [smem:$0x3FFE];
	[sflag:s23] =	ssyncadd.s32 $0xFFFFFFFF  }
0xa6: {  	s26 =	simm.s32 $execute0_lowered;
	[smem:$0x3FD2] =	sst s25  }
0xa7: {  	s6 =	sshll.u32 s26, $0x1;
	_ =	strace $0x80000046;
	[dreg:$0x1] =	wrdreg $0xFFFFFFFF  }
0xa8: {  	s28 =	simm.s32 $_size_execute0_lowered;
	s4 =	sadd.s32 s4, s6;
	[dreg:$0x0] =	wrdreg $0x0  }
0xa9: {  	s6 =	sshll.u32 s28, $0x1;
	[dreg:$0x2] =	wrdreg s4  }
0xaa: {  	[dreg:$0x3] =	wrdreg s6  }
0xab: {  	[dreg:$0x4] =	wrdreg $0xC0  }
0xac: {  	_ =	task [dreg:s8], $0x5FFFF  }
0xad: {  	[dreg:$0x1] =	wrdreg $0xFFFFFFFF  }
0xae: {  	[dreg:$0x0] =	wrdreg $0x60  }
0xaf: {  	[dreg:$0x2] =	wrdreg s2  }
0xb0: {  	[dreg:$0x3] =	wrdreg s24  }
0xb1: {  	[dreg:$0x4] =	wrdreg s18  }
0xb2: {  	[dreg:$0x5] =	wrdreg $0x9  }
0xb3: {  	_ =	task.clear_ibuf [dreg:s8], $0x6FFFF;
	_ =	strace $0x90000046  }
0xb4: {  	s29 =	simm.s32 $0x9;
	_ =	strace $0x80000048  }
0xb5: {  	_ =	swait.ge [sflag:s29], $0x1  }
0xb6: {  	[sflag:s29] =	ssyncadd.s32 $0xFFFFFFFF  }
0xb7: {  	_ =	strace $0x90000048  }
0xb8: {  	_ =	sfence  }
0xb9: {  	s30 =	sld [smem:$0x0];
	_ =	sdelay $0x2  }
0xba: {  	s31 =	sshll.u32 s1, $0xD;
	s1 =	sshrl.u32 s1, $0x2  }
0xbb: {  	s3 =	sand.u32 $0x4000, s31;
	s1 =	sadd.s32 s1, s30  }
0xbc: {  	s0 =	sor.u32 s3, s0;
	s1 =	sshll.u32 s1, $0x11  }
0xbd: {  	s0 =	sor.u32 s1, s0  }
0xbe: {  	s0 =	sadd.s32 $0x8F2B, s0  }
0xbf: {  	[sflag:s0] =	ssyncadd.remote.s32 $0x1  }
0xc0: {  	_ =	sfence.sel $0xFFFF  }
0xc1: {  	[dreg:$0x0] =	wrdreg $0xFFFFFFFF;
	(pc) =	sbr.abs _section_cstart, $3  }
0xc2: {  	[dreg:$0x1] =	wrdreg $0xFFFFFFFF  }
0xc3: {  	_ =	task.clear_ibuf [dreg:s8], $0x2FFFF;
	_ =	strace $0x9FFFFFFF  }
0xc4: {  	(tm) =	ssettm $0x7FFFFFFF  }
0xc5: {  	_ =	shalt  }
tec
execute0_lowered:
.L_overlay_start_1:
0x0: {  	(tag) =	ssettag $0x1  }
0x1: {  	s2 =	srdreg.scid  }
0x2: {  	s1 =	rddreg [dreg:$0x0];
	s0 =	stileid.u32;
	s6 =	sand.u32 $0x1, s2  }
0x3: {  	s4 =	rddreg [dreg:$0x1];
	s30 =	sshll.u32 s0, $0x4;
	s3 =	sshll.u32 s6, $0x3  }
0x4: {  	s10 =	rddreg [dreg:$0x2];
	s11 =	sor.u32 s3, s30  }
0x5: {  	s2 =	rddreg [dreg:$0x3];
	s3 =	simm.s32 $0x0;
	s5 =	sshrl.u32 s11, $0x3  }
0x6: {  	[smem:$0x7FF] =	sst s3;
	s4 =	sadd.s32 s5, s4  }
0x7: {  	_ =	strace $0x80000047;
	s5 =	sadd.s32 $0x1800, s4;
	s4 =	simm.s32 $0x2  }
0x8: {  	[tilespmem:s3], [sflag:$0x2] =	stream.linear.gather [hbm4b:s5+s3], $0x8, $0x38;
	[tilespmem:$0x1080] =	vst v63  }
0x9: {  	_ =	swait.ge [sflag:s4], $0x8  }
0xa: {  	[sflag:s4] =	ssyncset.done $0x0  }
0xb: {  	[sflag:s4] =	ssyncadd.s32 $0xFFFFFFF8  }
0xc: {  	v0 =	vld.msk [tilespmem:$0x0], $0xff;
	_ =	sdelay $0x4  }
0xd: {  	v1 =	vshll.u32 v0, $0x2  }
0xe: {  	v2 =	vlaneseq.u32;
	v3 =	vand.u32 $0x7, v0;
	v1 =	vand.u32 $0xFFFFFFE0, v1  }
0xf: {  	v0 =	vand.u32 $0x7, v2;
	v2 =	vshrl.u32 v2, $0x3;
	v3 =	vor.u32 v3, v1  }
0x10: {  	v1 =	vmul.u32 $0x8, v2;
	v2 =	vperm.xlane v3, v0;
	_ =	sdelay $0x1  }
0x11: {  	v2 =	vadd.s32 v1, v2;
	_ =	sdelay $0x1  }
0x12: {  	s12 =	ssub.s32 $0x2, s6  }
0x13: {  	s13 =	sshrl.u32 s12, $0x1  }
0x14: {  	vm0 =	vmmov $0xffff;
	s8 =	simm.s32 $0x880;
	s6 =	simm.s32 $0x80;
	s12 =	ssub.s32 s12, s13  }
0x15: {  	[tilespmem:s6], [sflag:$0x1] =	stream.indirect_vreg.gather [hbm4b:s1+s3], $0x80, v2, vm0, $0xb8;
	[tilespmem:$0x1080] =	vst v63  }
0x16: {  	s9 =	simm.s32 $0x1;
	s7 =	sadd.s32 $0x100, s1;
	s31 =	smax.u32 s12, $0x1  }
0x17: {  	[tilespmem:s8], [sflag:$0x1] =	stream.indirect_vreg.gather [hbm4b:s7+s3], $0x80, v2, vm0, $0xb8;
	[tilespmem:$0x1080] =	vst v63  }
0x18: {  	p0 =	sne.s32 s31, $0x1;
	_ =	swait.ge [sflag:s9], $0x1000  }
.Ltmp0:
0x19: {  	s11 =	sshll.u32 s11, $0x6;
	[sflag:s9] =	ssyncset.done $0x0;
	(pc) =	sbr.rel @!p0 .LBB2_2-.Ltmp0, $4  }
0x1a: {  	s10 =	sadd.s32 s10, s11;
	[sflag:s9] =	ssyncadd.s32 $0xFFFFF000  }
0x1b: {  	[hbm4b:s10+s3] =	stream.linear.scatter [tilespmem:s6], [sflag:$0x2], $0x1000, $0x38;
	[tilespmem:$0x1080] =	vst v63  }
0x1c: {  	_ =	swait.ge [sflag:s4], $0x1000  }
0x1d: {  	s11 =	sadd.s32 $0xFFFFFFFF, s31;
	[sflag:s4] =	ssyncset.done $0x0  }
.LBB2_1:
0x1e: {  	p0 =	sne.s32 s11, $0x1;
	s11 =	sadd.s32 $0xFFFFFFFF, s11;
	[sflag:s4] =	ssyncadd.s32 $0xFFFFF000  }
0x1f: {  	[tilespmem:s3], [sflag:$0x2] =	stream.linear.gather [hbm4b:s5+s3], $0x8, $0x38;
	[tilespmem:$0x1080] =	vst v63  }
0x20: {  	_ =	swait.ge [sflag:s4], $0x8  }
0x21: {  	[sflag:s4] =	ssyncset.done $0x0  }
0x22: {  	[sflag:s4] =	ssyncadd.s32 $0xFFFFFFF8  }
0x23: {  	v2 =	vld.msk [tilespmem:$0x0], $0xff;
	_ =	sdelay $0x4  }
0x24: {  	v3 =	vshll.u32 v2, $0x2  }
0x25: {  	v2 =	vand.u32 $0x7, v2;
	v3 =	vand.u32 $0xFFFFFFE0, v3  }
0x26: {  	v2 =	vor.u32 v2, v3  }
0x27: {  	v2 =	vperm.xlane v2, v0;
	_ =	sdelay $0x1  }
0x28: {  	v2 =	vadd.s32 v1, v2;
	_ =	sdelay $0x4  }
0x29: {  	[tilespmem:s6], [sflag:$0x1] =	stream.indirect_vreg.gather [hbm4b:s1+s3], $0x80, v2, vm0, $0xb8;
	[tilespmem:$0x1080] =	vst v63  }
0x2a: {  	_ = 	snop  }
0x2b: {  	[tilespmem:s8], [sflag:$0x1] =	stream.indirect_vreg.gather [hbm4b:s7+s3], $0x80, v2, vm0, $0xb8;
	[tilespmem:$0x1080] =	vst v63  }
0x2c: {  	_ =	swait.ge [sflag:s9], $0x1000  }
.Ltmp1:
0x2d: {  	[sflag:s9] =	ssyncset.done $0x0;
	(pc) =	sbr.rel @p0 .LBB2_1-.Ltmp1, $4  }
0x2e: {  	[sflag:s9] =	ssyncadd.s32 $0xFFFFF000  }
0x2f: {  	[hbm4b:s10+s3] =	stream.linear.scatter [tilespmem:s6], [sflag:$0x2], $0x1000, $0x38;
	[tilespmem:$0x1080] =	vst v63  }
0x30: {  	_ =	swait.ge [sflag:s4], $0x1000  }
0x31: {  	[sflag:s4] =	ssyncset.done $0x0  }
.LBB2_2:
0x32: {  	[sflag:s4] =	ssyncadd.s32 $0xFFFFF000  }
0x33: {  	_ =	sfence.sel $0x180000  }
0x34: {  	[bflag:$0x0] =	sbarrier.arrive $0xFFFF  }
0x35: {  	p0 =	sne.s32 s0, $0x0;
	_ =	strace $0x90000047  }
0x36: {  	s0 =	sadd.s32 @!p0 $0x100000, s2;
	[bflag:$0x2] =	sbarrier.arrive $0xFFFF  }
0x37: {  	[sflag:s0] =	ssyncadd.tile.s32 @!p0 $0x1;
	_ =	shalt  }
.Lfunc_end2:
_tile_overlayer_lowered:
.L_overlay_start_2:
0x38: {  	(tag) =	ssettag $0x2  }
0x39: {  	s0 =	rddreg [dreg:$0x0];
	s2 =	stileid.u32  }
0x3a: {  	s1 =	rddreg [dreg:$0x1];
	p0 =	sne.s32 s2, $0x0  }
0x3b: {  	s3 =	rddreg [dreg:$0x2];
	[bflag:$0x3] =	sbarrier.arrive $0xFFFF;
	s2 =	simm.s32 @!p0 $0x1C02  }
0x3c: {  	[timem:s3], [sflag:s2] =	dma.local @!p0 [hbm:s0], s1  }
0x3d: {  	s0 =	simm.s32 @!p0 $0x2  }
0x3e: {  	_ =	swait.ge @!p0 [sflag:s0], s1  }
0x3f: {  	s1 =	ssub.s32 @!p0 $0x0, s1;
	[sflag:s0] =	ssyncset.done @!p0 $0x0  }
0x40: {  	[sflag:s0] =	ssyncadd.s32 @!p0 s1  }
0x41: {  	[bflag:$0x3] =	sbarrier.arrive $0xFFFF  }
0x42: {  	_ =	shalt  }

</sc_bundles>
